<compile_context>
chip_gen: v7x
topology: tpu7x:2x2x1
jax: 0.10.2.dev20260603
libtpu: 0.0.44.dev20260713+nightly
codegen_flags: <defaults>
</compile_context>

<pallas_src>
import functools
import jax
import jax.numpy as jnp
from jax import lax
from jax.experimental import pallas as pl
from jax.experimental.pallas import tpu as pltpu
from jax.experimental.pallas import tpu_sc as plsc

_N = 10000
_E = 320000
_G = 16
_DIMS = [128, 64, 32, 16, 8, 128]

_NC = 2
_NS = 16
_NW = _NC * _NS

_CHUNK = 128
_EPW = 10240
_E_PAD = _NW * _EPW
_NCHUNK = _EPW // _CHUNK
_N_PAD = 10240
_RPW = _N_PAD // _NS
_BLK = 512
_NBLK = _N_PAD // _BLK

_mesh = plsc.VectorSubcoreMesh(core_axis_name="c", subcore_axis_name="s")


def _deg_body(dst_hbm, ones_hbm, zr_hbm, out_hbm, accsh, didx3, onesv, sem):
    c = lax.axis_index("c")
    s = lax.axis_index("s")
    w = s * _NC + c
    pltpu.sync_copy(zr_hbm, accsh.at[pl.ds(s * _RPW, _RPW)])
    pltpu.sync_copy(ones_hbm, onesv)
    pltpu.sync_copy(dst_hbm.at[w], didx3)
    plsc.subcore_barrier()

    def body(i, _):
        pltpu.sync_copy(onesv, accsh.at[didx3.at[i, 0]], add=True)
        return _

    lax.fori_loop(0, _NCHUNK, body, None)
    plsc.subcore_barrier()
    off2 = pl.multiple_of(c * _N_PAD + s * _RPW, _RPW)
    pltpu.sync_copy(accsh.at[pl.ds(s * _RPW, _RPW)], out_hbm.at[pl.ds(off2, _RPW)])


_sc_params = pltpu.CompilerParams(use_tc_tiling_on_sc=False)

_deg_kernel = functools.partial(
    pl.kernel,
    out_type=jax.ShapeDtypeStruct((_NC * _N_PAD, 8), jnp.float32),
    mesh=_mesh,
    compiler_params=_sc_params,
    scratch_types=[
        pltpu.VMEM_SHARED((_N_PAD, 8), jnp.float32),
        pltpu.VMEM((_NCHUNK, 1, _CHUNK), jnp.int32),
        pltpu.VMEM((_CHUNK, 8), jnp.float32),
        pltpu.SemaphoreType.DMA,
    ],
)(_deg_body)


def _make_agg(dout, chunk):
    nchunk = _EPW // chunk
    stage = dout <= 64

    def _ix(r, j):
        return r.at[j, 0]

    def _agg_body(gh_hbm, src_hbm, dst_hbm, zr_hbm, out_hbm, accsh, sidx3,
                  didx3, rows2, gsems, ssems, *maybe_ghs):
        c = lax.axis_index("c")
        s = lax.axis_index("s")
        w = s * _NC + c
        d0 = pltpu.async_copy(zr_hbm, accsh.at[pl.ds(s * _RPW, _RPW)],
                              gsems.at[0])
        d1 = pltpu.async_copy(src_hbm.at[w], sidx3, gsems.at[1])
        d2 = pltpu.async_copy(dst_hbm.at[w], didx3, gsems.at[2])
        if stage:
            ghs = maybe_ghs[0]
            d3 = pltpu.async_copy(gh_hbm.at[pl.ds(s * _RPW, _RPW)],
                                  ghs.at[pl.ds(s * _RPW, _RPW)], ssems.at[0])
            d3.wait()
            gh_src = ghs
        else:
            gh_src = gh_hbm
        d0.wait()
        d1.wait()
        d2.wait()
        plsc.subcore_barrier()

        pltpu.async_copy(gh_src.at[_ix(sidx3, 0)], rows2.at[0], gsems.at[0])
        pltpu.async_copy(gh_src.at[_ix(sidx3, 1)], rows2.at[1], gsems.at[1])

        def body(j, _):
            p = lax.rem(j, 3)

            @pl.when(j >= 1)
            def _():
                q = lax.rem(j - 1, 3)
                pltpu.make_async_copy(rows2.at[q],
                                      accsh.at[_ix(didx3, j - 1)],
                                      ssems.at[q]).wait()

            @pl.when(j + 2 < nchunk)
            def _():
                q = lax.rem(j + 2, 3)
                pltpu.async_copy(gh_src.at[_ix(sidx3, j + 2)], rows2.at[q],
                                 gsems.at[q])

            pltpu.make_async_copy(gh_src.at[_ix(sidx3, j)], rows2.at[p],
                                  gsems.at[p]).wait()
            pltpu.async_copy(rows2.at[p], accsh.at[_ix(didx3, j)],
                             ssems.at[p], add=True)
            return _

        lax.fori_loop(0, nchunk, body, None)
        q = (nchunk - 1) % 3
        pltpu.make_async_copy(rows2.at[q], accsh.at[_ix(didx3, nchunk - 1)],
                              ssems.at[q]).wait()
        plsc.subcore_barrier()
        off2 = pl.multiple_of(c * _N_PAD + s * _RPW, _RPW)
        pltpu.sync_copy(accsh.at[pl.ds(s * _RPW, _RPW)],
                        out_hbm.at[pl.ds(off2, _RPW)])

    return functools.partial(
        pl.kernel,
        out_type=jax.ShapeDtypeStruct((_NC * _N_PAD, dout), jnp.float32),
        mesh=_mesh,
        compiler_params=_sc_params,
        scratch_types=[
            pltpu.VMEM_SHARED((_N_PAD, dout), jnp.float32),
            pltpu.VMEM((nchunk, 1, chunk), jnp.int32),
            pltpu.VMEM((nchunk, 1, chunk), jnp.int32),
            pltpu.VMEM((3, chunk, dout), jnp.float32),
            pltpu.SemaphoreType.DMA((3,)),
            pltpu.SemaphoreType.DMA((3,)),
        ] + ([pltpu.VMEM_SHARED((_N_PAD, dout), jnp.float32)] if stage else []),
    )(_agg_body)


_agg_chunk = {64: 128, 32: 256, 16: 256, 8: 256}
_agg_kernels = {d: _make_agg(d, _agg_chunk[d]) for d in _agg_chunk}





def _tc0_body(degp_ref, x_ref, w_ref, gh_ref, dinv_ref):
    deg = degp_ref[0, :, 0:1] + degp_ref[1, :, 0:1] + 1.0
    dinv = lax.rsqrt(deg)
    dinv_ref[...] = dinv
    gh_ref[...] = dinv * jnp.dot(x_ref[...], w_ref[...],
                                 preferred_element_type=jnp.float32)


def _tc0(degp, x_pad, w1):
    d1 = _DIMS[1]
    return pl.pallas_call(
        _tc0_body,
        grid=(_NBLK,),
        in_specs=[
            pl.BlockSpec((2, _BLK, 8), lambda i: (0, i, 0)),
            pl.BlockSpec((_BLK, _DIMS[0]), lambda i: (i, 0)),
            pl.BlockSpec((_DIMS[0], d1), lambda i: (0, 0)),
        ],
        out_specs=[
            pl.BlockSpec((_BLK, d1), lambda i: (i, 0)),
            pl.BlockSpec((_BLK, 1), lambda i: (i, 0)),
        ],
        out_shape=[
            jax.ShapeDtypeStruct((_N_PAD, d1), jnp.float32),
            jax.ShapeDtypeStruct((_N_PAD, 1), jnp.float32),
        ],
    )(degp.reshape(2, _N_PAD, 8), x_pad, w1)


def _tcmid_body(a0_ref, a1_ref, gh_ref, dinv_ref, b_ref, w_ref, out_ref):
    i = pl.program_id(0)
    dinv = dinv_ref[...]
    h = jnp.maximum(dinv * (a0_ref[...] + a1_ref[...] + gh_ref[...]) + b_ref[...], 0.0)
    rowid = i * _BLK + lax.broadcasted_iota(jnp.int32, (_BLK, 1), 0)
    h = jnp.where(rowid < _N, h, 0.0)
    out_ref[...] = dinv * jnp.dot(h, w_ref[...], preferred_element_type=jnp.float32)


def _tcmid(accflat, gh, dinv, b2d, wnext, din, dnext):
    return pl.pallas_call(
        _tcmid_body,
        grid=(_NBLK,),
        in_specs=[
            pl.BlockSpec((_BLK, din), lambda i: (i, 0)),
            pl.BlockSpec((_BLK, din), lambda i: (i + _NBLK, 0)),
            pl.BlockSpec((_BLK, din), lambda i: (i, 0)),
            pl.BlockSpec((_BLK, 1), lambda i: (i, 0)),
            pl.BlockSpec((1, din), lambda i: (0, 0)),
            pl.BlockSpec((din, dnext), lambda i: (0, 0)),
        ],
        out_specs=pl.BlockSpec((_BLK, dnext), lambda i: (i, 0)),
        out_shape=jax.ShapeDtypeStruct((_N_PAD, dnext), jnp.float32),
    )(accflat, accflat, gh, dinv, b2d, wnext)


def _tcmid_nomm_body(a0_ref, a1_ref, gh_ref, dinv_ref, b_ref, out_ref):
    i = pl.program_id(0)
    dinv = dinv_ref[...]
    h = jnp.maximum(dinv * (a0_ref[...] + a1_ref[...] + gh_ref[...]) + b_ref[...], 0.0)
    rowid = i * _BLK + lax.broadcasted_iota(jnp.int32, (_BLK, 1), 0)
    h = jnp.where(rowid < _N, h, 0.0)
    out_ref[...] = dinv * h


def _tcmid_nomm(accflat, gh, dinv, b2d, din):
    return pl.pallas_call(
        _tcmid_nomm_body,
        grid=(_NBLK,),
        in_specs=[
            pl.BlockSpec((_BLK, din), lambda i: (i, 0)),
            pl.BlockSpec((_BLK, din), lambda i: (i + _NBLK, 0)),
            pl.BlockSpec((_BLK, din), lambda i: (i, 0)),
            pl.BlockSpec((_BLK, 1), lambda i: (i, 0)),
            pl.BlockSpec((1, din), lambda i: (0, 0)),
        ],
        out_specs=pl.BlockSpec((_BLK, din), lambda i: (i, 0)),
        out_shape=jax.ShapeDtypeStruct((_N_PAD, din), jnp.float32),
    )(accflat, accflat, gh, dinv, b2d)


def _tc5_body(a0_ref, a1_ref, ghp_ref, dinv_ref, w_ref, b_ref, batch_ref,
              out_ref, sums_scr, cnt_scr):
    i = pl.program_id(0)

    @pl.when(i == 0)
    def _():
        sums_scr[...] = jnp.zeros_like(sums_scr)
        cnt_scr[...] = jnp.zeros_like(cnt_scr)

    dinv = dinv_ref[...]
    t = dinv * (a0_ref[...] + a1_ref[...] + ghp_ref[...])
    h = jnp.maximum(jnp.dot(t, w_ref[...], preferred_element_type=jnp.float32)
                    + b_ref[...], 0.0)
    rowid = i * _BLK + lax.broadcasted_iota(jnp.int32, (_BLK, 1), 0)
    h = jnp.where(rowid < _N, h, 0.0)
    gids = lax.broadcasted_iota(jnp.int32, (_BLK, _G), 1)
    mask = (batch_ref[...] == gids).astype(jnp.float32)
    dn = (((0,), (0,)), ((), ()))
    sums_scr[...] += lax.dot_general(mask, h, dn, preferred_element_type=jnp.float32)
    ones = jnp.ones((_BLK, 1), jnp.float32)
    cnt_scr[...] += lax.dot_general(mask, ones, dn, preferred_element_type=jnp.float32)

    @pl.when(i == _NBLK - 1)
    def _():
        out_ref[...] = sums_scr[...] / jnp.maximum(cnt_scr[...], 1.0)


def _tc5(accflat, ghp, dinv, w5, b2d, batch2d):
    din, d5 = _DIMS[4], _DIMS[5]
    return pl.pallas_call(
        _tc5_body,
        grid=(_NBLK,),
        in_specs=[
            pl.BlockSpec((_BLK, din), lambda i: (i, 0)),
            pl.BlockSpec((_BLK, din), lambda i: (i + _NBLK, 0)),
            pl.BlockSpec((_BLK, din), lambda i: (i, 0)),
            pl.BlockSpec((_BLK, 1), lambda i: (i, 0)),
            pl.BlockSpec((din, d5), lambda i: (0, 0)),
            pl.BlockSpec((1, d5), lambda i: (0, 0)),
            pl.BlockSpec((_BLK, 1), lambda i: (i, 0)),
        ],
        out_specs=pl.BlockSpec((_G, d5), lambda i: (0, 0)),
        out_shape=jax.ShapeDtypeStruct((_G, d5), jnp.float32),
        scratch_shapes=[
            pltpu.VMEM((_G, d5), jnp.float32),
            pltpu.VMEM((_G, 1), jnp.float32),
        ],
    )(accflat, accflat, ghp, dinv, w5, b2d, batch2d)


def kernel(x, edge_index, batch, W1, b1, W2, b2, W3, b3, W4, b4, W5, b5):
    src = edge_index[0].astype(jnp.int32)
    dst = edge_index[1].astype(jnp.int32)
    pad_e = jnp.full((_E_PAD - _E,), _N, jnp.int32)
    src_f = jnp.concatenate([src, pad_e])
    dst_f = jnp.concatenate([dst, pad_e])
    dst_p = dst_f.reshape(_NW, _NCHUNK, 1, _CHUNK)

    def _eidx(flat, chunk):
        return flat.reshape(_NW, _EPW // chunk, 1, chunk)

    x_pad = jnp.zeros((_N_PAD, _DIMS[0]), jnp.float32).at[:_N].set(x)
    batch2d = jnp.full((_N_PAD, 1), _G, jnp.int32).at[:_N, 0].set(batch.astype(jnp.int32))

    ones8 = jnp.ones((_CHUNK, 8), jnp.float32)
    zr8 = jnp.zeros((_RPW, 8), jnp.float32)

    degp = _deg_kernel(dst_p, ones8, zr8)
    gh, dinv = _tc0(degp, x_pad, W1)

    params = [(W2, b1), (W3, b2), (W4, b3)]
    for l in range(1, 4):
        din, dnext = _DIMS[l], _DIMS[l + 1]
        ch = _agg_chunk[din]
        zr = jnp.zeros((_RPW, din), jnp.float32)
        accflat = _agg_kernels[din](gh, _eidx(src_f, ch), _eidx(dst_f, ch), zr)
        wnext, b = params[l - 1]
        gh = _tcmid(accflat, gh, dinv, b.reshape(1, din), wnext, din, dnext)

    din = _DIMS[4]
    ch = _agg_chunk[din]
    zr = jnp.zeros((_RPW, din), jnp.float32)
    accflat = _agg_kernels[din](gh, _eidx(src_f, ch), _eidx(dst_f, ch), zr)
    ghp = _tcmid_nomm(accflat, gh, dinv, b4.reshape(1, din), din)

    accflat = _agg_kernels[din](ghp, _eidx(src_f, ch), _eidx(dst_f, ch), zr)
    return _tc5(accflat, ghp, dinv, W5, b5.reshape(1, _DIMS[5]), batch2d)

# --- scband reference (transcript-rebuilt; emitter-appended) ---
"""Pipeline reference for scband-gcnfeature-extractor-10995116278494 (READ-ONLY COPY).

The authoritative reference and input builder live on the scoring server;
editing this copy changes nothing except your own understanding.
"""

import jax, jax.numpy as jnp
import numpy as np

N = 10000
E = 320000
NUM_GRAPHS = 16
# layer dims from GCNFeatureExtractor: num_layers=5 -> max_exp=6
# in(128) -> 2^6=64 -> 2^5=32 -> 2^4=16 -> 2^3=8 -> out(128)
DIMS = [128, 64, 32, 16, 8, 128]


def _glorot(key, shape):
    lim = (6.0 / (shape[0] + shape[1])) ** 0.5
    return jax.random.uniform(key, shape, jnp.float32, -lim, lim)


def setup_inputs(seed: int = 0) -> dict:
    key = jax.random.key(seed)
    ks = jax.random.split(key, 16)
    x = jax.random.normal(ks[0], (N, DIMS[0]), jnp.float32)
    edge_index = jax.random.randint(ks[1], (2, E), 0, N)
    batch = jnp.sort(jax.random.randint(ks[2], (N,), 0, NUM_GRAPHS))
    inp = {"x": x, "edge_index": edge_index, "batch": batch}
    for i in range(5):
        inp[f"W{i+1}"] = _glorot(ks[3 + i], (DIMS[i], DIMS[i + 1]))
        inp[f"b{i+1}"] = jnp.zeros((DIMS[i + 1],), jnp.float32)
    return inp


def _gcn_conv(x, W, b, src, dst):
    # PyG GCNConv: add self-loops, symmetric normalization D^-1/2 A D^-1/2,
    # linear transform, scatter-add aggregation to dst, plus bias.
    n = x.shape[0]
    loop = jnp.arange(n, dtype=src.dtype)
    s = jnp.concatenate([src, loop])
    d = jnp.concatenate([dst, loop])
    deg = jnp.zeros((n,), x.dtype).at[d].add(1.0)
    dinv = jnp.where(deg > 0, jax.lax.rsqrt(jnp.maximum(deg, 1e-12)), 0.0)
    norm = dinv[s] * dinv[d]
    h = x @ W
    msg = h[s] * norm[:, None]
    out = jnp.zeros((n, W.shape[1]), x.dtype).at[d].add(msg)
    return out + b


def reference(x, edge_index, batch, W1, b1, W2, b2, W3, b3, W4, b4, W5, b5):
    src = edge_index[0]
    dst = edge_index[1]
    params = [(W1, b1), (W2, b2), (W3, b3), (W4, b4), (W5, b5)]
    h = x
    for W, b in params:
        h = _gcn_conv(h, W, b, src, dst)
        h = jax.nn.relu(h)
    # global_mean_pool over graph ids
    sums = jax.ops.segment_sum(h, batch, num_segments=NUM_GRAPHS)
    cnt = jax.ops.segment_sum(jnp.ones((h.shape[0], 1), h.dtype), batch, num_segments=NUM_GRAPHS)
    return sums / jnp.maximum(cnt, 1.0)

if __name__ == "__main__":
    import jax
    _d = setup_inputs()
    print(jax.jit(kernel)(*tuple(_d.values())))

</pallas_src>

<mosaic_0001>
#map = affine_map<(d0, d1) -> (0, 0)>
#map1 = affine_map<(d0, d1) -> (0, 0, 0, 0)>
module attributes {stable_mosaic.version = 14 : i64} {
  func.func @_agg_body(%arg0: i32, %arg1: i32, %arg2: memref<10240x16xf32, #tpu.memory_space<hbm>>, %arg3: memref<32x40x1x256xi32, #tpu.memory_space<hbm>>, %arg4: memref<32x40x1x256xi32, #tpu.memory_space<hbm>>, %arg5: memref<640x16xf32, #tpu.memory_space<hbm>>, %arg6: memref<20480x16xf32, #tpu.memory_space<hbm>>, %arg7: memref<10240x16xf32, #tpu.memory_space<vmem_shared>>, %arg8: memref<40x1x256xi32, #tpu.memory_space<vmem>>, %arg9: memref<40x1x256xi32, #tpu.memory_space<vmem>>, %arg10: memref<3x256x16xf32, #tpu.memory_space<vmem>>, %arg11: memref<3x!tpu.dma_semaphore, #tpu.memory_space<semaphore_mem>>, %arg12: memref<3x!tpu.dma_semaphore, #tpu.memory_space<semaphore_mem>>, %arg13: memref<10240x16xf32, #tpu.memory_space<vmem_shared>>) attributes {dimension_semantics = [#tpu.dimension_semantics<core_parallel>, #tpu.dimension_semantics<subcore_parallel>], iteration_bounds = array<i64: 2, 16>, scalar_prefetch = 0 : i64, scratch_operands = 7 : i64, tpu.core_type = #tpu.core_type<sc_vector_subcore>, window_params = [{transform_indices = #map}, {transform_indices = #map1}, {transform_indices = #map1}, {transform_indices = #map}, {transform_indices = #map}]} {
    %mul3A = arith.constant 2 : i32
    %mul3A_0 = arith.muli %arg1, %mul3A : i32
    %add3A = arith.addi %mul3A_0, %arg0 : i32
    %mul3A_1 = arith.constant 640 : i32
    %mul3A_2 = arith.muli %arg1, %mul3A_1 : i32
    %dma_start3A = arith.constant 0 : i32
    %dma_start3A_3 = tpu.memref_slice %arg11[%dma_start3A] : memref<3x!tpu.dma_semaphore, #tpu.memory_space<semaphore_mem>> -> memref<1x!tpu.dma_semaphore, #tpu.memory_space<semaphore_mem>>
    %dma_start3A_4 = tpu.memref_squeeze %dma_start3A_3 : memref<1x!tpu.dma_semaphore, #tpu.memory_space<semaphore_mem>> -> memref<!tpu.dma_semaphore, #tpu.memory_space<semaphore_mem>>
    %dma_start3A_5 = arith.constant 0 : i32
    %dma_start3A_6 = tpu.memref_slice %arg7[%mul3A_2, %dma_start3A_5] : memref<10240x16xf32, #tpu.memory_space<vmem_shared>> -> memref<640x16xf32, #tpu.memory_space<vmem_shared>>
    tpu.enqueue_dma source(%arg5 : memref<640x16xf32, #tpu.memory_space<hbm>>) target(%dma_start3A_6 : memref<640x16xf32, #tpu.memory_space<vmem_shared>>) target_semaphore(%dma_start3A_4 : memref<!tpu.dma_semaphore, #tpu.memory_space<semaphore_mem>>)
    %dma_start3A_7 = arith.constant 1 : i32
    %dma_start3A_8 = arith.constant 0 : i32
    %dma_start3A_9 = arith.constant 0 : i32
    %dma_start3A_10 = arith.constant 0 : i32
    %dma_start3A_11 = tpu.memref_slice %arg3[%add3A, %dma_start3A_8, %dma_start3A_9, %dma_start3A_10] : memref<32x40x1x256xi32, #tpu.memory_space<hbm>> -> memref<1x40x1x256xi32, #tpu.memory_space<hbm>>
    %dma_start3A_12 = tpu.memref_squeeze %dma_start3A_11 : memref<1x40x1x256xi32, #tpu.memory_space<hbm>> -> memref<40x1x256xi32, #tpu.memory_space<hbm>>
    %dma_start3A_13 = tpu.memref_slice %arg11[%dma_start3A_7] : memref<3x!tpu.dma_semaphore, #tpu.memory_space<semaphore_mem>> -> memref<1x!tpu.dma_semaphore, #tpu.memory_space<semaphore_mem>>
    %dma_start3A_14 = tpu.memref_squeeze %dma_start3A_13 : memref<1x!tpu.dma_semaphore, #tpu.memory_space<semaphore_mem>> -> memref<!tpu.dma_semaphore, #tpu.memory_space<semaphore_mem>>
    %dma_start3A_15 = arith.constant 0 : i32
    %dma_start3A_16 = arith.constant 0 : i32
    %dma_start3A_17 = arith.constant 0 : i32
    %dma_start3A_18 = tpu.memref_slice %arg3[%add3A, %dma_start3A_15, %dma_start3A_16, %dma_start3A_17] : memref<32x40x1x256xi32, #tpu.memory_space<hbm>> -> memref<1x40x1x256xi32, #tpu.memory_space<hbm>>
    %dma_start3A_19 = tpu.memref_squeeze %dma_start3A_18 : memref<1x40x1x256xi32, #tpu.memory_space<hbm>> -> memref<40x1x256xi32, #tpu.memory_space<hbm>>
    tpu.enqueue_dma source(%dma_start3A_19 : memref<40x1x256xi32, #tpu.memory_space<hbm>>) target(%arg8 : memref<40x1x256xi32, #tpu.memory_space<vmem>>) target_semaphore(%dma_start3A_14 : memref<!tpu.dma_semaphore, #tpu.memory_space<semaphore_mem>>)
    %dma_start3A_20 = arith.constant 2 : i32
    %dma_start3A_21 = arith.constant 0 : i32
    %dma_start3A_22 = arith.constant 0 : i32
    %dma_start3A_23 = arith.constant 0 : i32
    %dma_start3A_24 = tpu.memref_slice %arg4[%add3A, %dma_start3A_21, %dma_start3A_22, %dma_start3A_23] : memref<32x40x1x256xi32, #tpu.memory_space<hbm>> -> memref<1x40x1x256xi32, #tpu.memory_space<hbm>>
    %dma_start3A_25 = tpu.memref_squeeze %dma_start3A_24 : memref<1x40x1x256xi32, #tpu.memory_space<hbm>> -> memref<40x1x256xi32, #tpu.memory_space<hbm>>
    %dma_start3A_26 = tpu.memref_slice %arg11[%dma_start3A_20] : memref<3x!tpu.dma_semaphore, #tpu.memory_space<semaphore_mem>> -> memref<1x!tpu.dma_semaphore, #tpu.memory_space<semaphore_mem>>
    %dma_start3A_27 = tpu.memref_squeeze %dma_start3A_26 : memref<1x!tpu.dma_semaphore, #tpu.memory_space<semaphore_mem>> -> memref<!tpu.dma_semaphore, #tpu.memory_space<semaphore_mem>>
    %dma_start3A_28 = arith.constant 0 : i32
    %dma_start3A_29 = arith.constant 0 : i32
    %dma_start3A_30 = arith.constant 0 : i32
    %dma_start3A_31 = tpu.memref_slice %arg4[%add3A, %dma_start3A_28, %dma_start3A_29, %dma_start3A_30] : memref<32x40x1x256xi32, #tpu.memory_space<hbm>> -> memref<1x40x1x256xi32, #tpu.memory_space<hbm>>
    %dma_start3A_32 = tpu.memref_squeeze %dma_start3A_31 : memref<1x40x1x256xi32, #tpu.memory_space<hbm>> -> memref<40x1x256xi32, #tpu.memory_space<hbm>>
    tpu.enqueue_dma source(%dma_start3A_32 : memref<40x1x256xi32, #tpu.memory_space<hbm>>) target(%arg9 : memref<40x1x256xi32, #tpu.memory_space<vmem>>) target_semaphore(%dma_start3A_27 : memref<!tpu.dma_semaphore, #tpu.memory_space<semaphore_mem>>)
    %mul3A_33 = arith.constant 640 : i32
    %mul3A_34 = arith.muli %arg1, %mul3A_33 : i32
    %mul3A_35 = arith.constant 640 : i32
    %mul3A_36 = arith.muli %arg1, %mul3A_35 : i32
    %dma_start3A_37 = arith.constant 0 : i32
    %dma_start3A_38 = tpu.memref_slice %arg12[%dma_start3A_37] : memref<3x!tpu.dma_semaphore, #tpu.memory_space<semaphore_mem>> -> memref<1x!tpu.dma_semaphore, #tpu.memory_space<semaphore_mem>>
    %dma_start3A_39 = tpu.memref_squeeze %dma_start3A_38 : memref<1x!tpu.dma_semaphore, #tpu.memory_space<semaphore_mem>> -> memref<!tpu.dma_semaphore, #tpu.memory_space<semaphore_mem>>
    %dma_start3A_40 = arith.constant 0 : i32
    %dma_start3A_41 = tpu.memref_slice %arg13[%mul3A_36, %dma_start3A_40] : memref<10240x16xf32, #tpu.memory_space<vmem_shared>> -> memref<640x16xf32, #tpu.memory_space<vmem_shared>>
    %dma_start3A_42 = arith.constant 0 : i32
    %dma_start3A_43 = tpu.memref_slice %arg2[%mul3A_34, %dma_start3A_42] : memref<10240x16xf32, #tpu.memory_space<hbm>> -> memref<640x16xf32, #tpu.memory_space<hbm>>
    tpu.enqueue_dma source(%dma_start3A_43 : memref<640x16xf32, #tpu.memory_space<hbm>>) target(%dma_start3A_41 : memref<640x16xf32, #tpu.memory_space<vmem_shared>>) target_semaphore(%dma_start3A_39 : memref<!tpu.dma_semaphore, #tpu.memory_space<semaphore_mem>>)
    %dma_wait3A = arith.constant 0 : i32
    %dma_wait3A_44 = tpu.memref_slice %arg12[%dma_wait3A] : memref<3x!tpu.dma_semaphore, #tpu.memory_space<semaphore_mem>> -> memref<1x!tpu.dma_semaphore, #tpu.memory_space<semaphore_mem>>
    %dma_wait3A_45 = tpu.memref_squeeze %dma_wait3A_44 : memref<1x!tpu.dma_semaphore, #tpu.memory_space<semaphore_mem>> -> memref<!tpu.dma_semaphore, #tpu.memory_space<semaphore_mem>>
    %dma_wait3A_46 = arith.constant 0 : i32
    %dma_wait3A_47 = tpu.memref_slice %arg13[%mul3A_36, %dma_wait3A_46] : memref<10240x16xf32, #tpu.memory_space<vmem_shared>> -> memref<640x16xf32, #tpu.memory_space<vmem_shared>>
    %dma_wait3A_48 = arith.constant 0 : i32
    %dma_wait3A_49 = tpu.memref_slice %arg2[%mul3A_34, %dma_wait3A_48] : memref<10240x16xf32, #tpu.memory_space<hbm>> -> memref<640x16xf32, #tpu.memory_space<hbm>>
    tpu.wait_dma2 semaphore(%dma_wait3A_45 : memref<!tpu.dma_semaphore, #tpu.memory_space<semaphore_mem>>) src(%dma_wait3A_49 : memref<640x16xf32, #tpu.memory_space<hbm>>) dst(%dma_wait3A_47 : memref<640x16xf32, #tpu.memory_space<vmem_shared>>)
    %dma_wait3A_50 = arith.constant 0 : i32
    %dma_wait3A_51 = tpu.memref_slice %arg11[%dma_wait3A_50] : memref<3x!tpu.dma_semaphore, #tpu.memory_space<semaphore_mem>> -> memref<1x!tpu.dma_semaphore, #tpu.memory_space<semaphore_mem>>
    %dma_wait3A_52 = tpu.memref_squeeze %dma_wait3A_51 : memref<1x!tpu.dma_semaphore, #tpu.memory_space<semaphore_mem>> -> memref<!tpu.dma_semaphore, #tpu.memory_space<semaphore_mem>>
    %dma_wait3A_53 = arith.constant 0 : i32
    %dma_wait3A_54 = tpu.memref_slice %arg7[%mul3A_2, %dma_wait3A_53] : memref<10240x16xf32, #tpu.memory_space<vmem_shared>> -> memref<640x16xf32, #tpu.memory_space<vmem_shared>>
    tpu.wait_dma2 semaphore(%dma_wait3A_52 : memref<!tpu.dma_semaphore, #tpu.memory_space<semaphore_mem>>) src(%arg5 : memref<640x16xf32, #tpu.memory_space<hbm>>) dst(%dma_wait3A_54 : memref<640x16xf32, #tpu.memory_space<vmem_shared>>)
    %dma_wait3A_55 = arith.constant 1 : i32
    %dma_wait3A_56 = arith.constant 0 : i32
    %dma_wait3A_57 = arith.constant 0 : i32
    %dma_wait3A_58 = arith.constant 0 : i32
    %dma_wait3A_59 = tpu.memref_slice %arg3[%add3A, %dma_wait3A_56, %dma_wait3A_57, %dma_wait3A_58] : memref<32x40x1x256xi32, #tpu.memory_space<hbm>> -> memref<1x40x1x256xi32, #tpu.memory_space<hbm>>
    %dma_wait3A_60 = tpu.memref_squeeze %dma_wait3A_59 : memref<1x40x1x256xi32, #tpu.memory_space<hbm>> -> memref<40x1x256xi32, #tpu.memory_space<hbm>>
    %dma_wait3A_61 = tpu.memref_slice %arg11[%dma_wait3A_55] : memref<3x!tpu.dma_semaphore, #tpu.memory_space<semaphore_mem>> -> memref<1x!tpu.dma_semaphore, #tpu.memory_space<semaphore_mem>>
    %dma_wait3A_62 = tpu.memref_squeeze %dma_wait3A_61 : memref<1x!tpu.dma_semaphore, #tpu.memory_space<semaphore_mem>> -> memref<!tpu.dma_semaphore, #tpu.memory_space<semaphore_mem>>
    %dma_wait3A_63 = arith.constant 0 : i32
    %dma_wait3A_64 = arith.constant 0 : i32
    %dma_wait3A_65 = arith.constant 0 : i32
    %dma_wait3A_66 = tpu.memref_slice %arg3[%add3A, %dma_wait3A_63, %dma_wait3A_64, %dma_wait3A_65] : memref<32x40x1x256xi32, #tpu.memory_space<hbm>> -> memref<1x40x1x256xi32, #tpu.memory_space<hbm>>
    %dma_wait3A_67 = tpu.memref_squeeze %dma_wait3A_66 : memref<1x40x1x256xi32, #tpu.memory_space<hbm>> -> memref<40x1x256xi32, #tpu.memory_space<hbm>>
    tpu.wait_dma2 semaphore(%dma_wait3A_62 : memref<!tpu.dma_semaphore, #tpu.memory_space<semaphore_mem>>) src(%dma_wait3A_67 : memref<40x1x256xi32, #tpu.memory_space<hbm>>) dst(%arg8 : memref<40x1x256xi32, #tpu.memory_space<vmem>>)
    %dma_wait3A_68 = arith.constant 2 : i32
    %dma_wait3A_69 = arith.constant 0 : i32
    %dma_wait3A_70 = arith.constant 0 : i32
    %dma_wait3A_71 = arith.constant 0 : i32
    %dma_wait3A_72 = tpu.memref_slice %arg4[%add3A, %dma_wait3A_69, %dma_wait3A_70, %dma_wait3A_71] : memref<32x40x1x256xi32, #tpu.memory_space<hbm>> -> memref<1x40x1x256xi32, #tpu.memory_space<hbm>>
    %dma_wait3A_73 = tpu.memref_squeeze %dma_wait3A_72 : memref<1x40x1x256xi32, #tpu.memory_space<hbm>> -> memref<40x1x256xi32, #tpu.memory_space<hbm>>
    %dma_wait3A_74 = tpu.memref_slice %arg11[%dma_wait3A_68] : memref<3x!tpu.dma_semaphore, #tpu.memory_space<semaphore_mem>> -> memref<1x!tpu.dma_semaphore, #tpu.memory_space<semaphore_mem>>
    %dma_wait3A_75 = tpu.memref_squeeze %dma_wait3A_74 : memref<1x!tpu.dma_semaphore, #tpu.memory_space<semaphore_mem>> -> memref<!tpu.dma_semaphore, #tpu.memory_space<semaphore_mem>>
    %dma_wait3A_76 = arith.constant 0 : i32
    %dma_wait3A_77 = arith.constant 0 : i32
    %dma_wait3A_78 = arith.constant 0 : i32
    %dma_wait3A_79 = tpu.memref_slice %arg4[%add3A, %dma_wait3A_76, %dma_wait3A_77, %dma_wait3A_78] : memref<32x40x1x256xi32, #tpu.memory_space<hbm>> -> memref<1x40x1x256xi32, #tpu.memory_space<hbm>>
    %dma_wait3A_80 = tpu.memref_squeeze %dma_wait3A_79 : memref<1x40x1x256xi32, #tpu.memory_space<hbm>> -> memref<40x1x256xi32, #tpu.memory_space<hbm>>
    tpu.wait_dma2 semaphore(%dma_wait3A_75 : memref<!tpu.dma_semaphore, #tpu.memory_space<semaphore_mem>>) src(%dma_wait3A_80 : memref<40x1x256xi32, #tpu.memory_space<hbm>>) dst(%arg9 : memref<40x1x256xi32, #tpu.memory_space<vmem>>)
    %barrier3A = arith.constant 0 : index
    tpu.barrier barrier_id(%barrier3A)
    %dma_start3A_81 = arith.constant 0 : i32
    %dma_start3A_82 = arith.constant 0 : i32
    %dma_start3A_83 = arith.constant 0 : i32
    %dma_start3A_84 = arith.constant 0 : i32
    %dma_start3A_85 = arith.constant 0 : i32
    %dma_start3A_86 = arith.constant 0 : i32
    %dma_start3A_87 = tpu.memref_slice %arg10[%dma_start3A_83, %dma_start3A_85, %dma_start3A_86] : memref<3x256x16xf32, #tpu.memory_space<vmem>> -> memref<1x256x16xf32, #tpu.memory_space<vmem>>
    %dma_start3A_88 = tpu.memref_squeeze %dma_start3A_87 : memref<1x256x16xf32, #tpu.memory_space<vmem>> -> memref<256x16xf32, #tpu.memory_space<vmem>>
    %dma_start3A_89 = arith.constant 0 : i32
    %dma_start3A_90 = tpu.memref_slice %arg8[%dma_start3A_81, %dma_start3A_82, %dma_start3A_89] : memref<40x1x256xi32, #tpu.memory_space<vmem>> -> memref<1x1x256xi32, #tpu.memory_space<vmem>>
    %dma_start3A_91 = tpu.memref_squeeze %dma_start3A_90 : memref<1x1x256xi32, #tpu.memory_space<vmem>> -> memref<256xi32, #tpu.memory_space<vmem>>
    %dma_start3A_92 = arith.constant 0 : i32
    %dma_start3A_93 = arith.constant 0 : i32
    %dma_start3A_94 = tpu.memref_slice %arg13[%dma_start3A_92, %dma_start3A_93] : memref<10240x16xf32, #tpu.memory_space<vmem_shared>> -> memref<10240x16xf32, #tpu.memory_space<vmem_shared>>
    %dma_start3A_95 = tpu.memref_slice %arg11[%dma_start3A_84] : memref<3x!tpu.dma_semaphore, #tpu.memory_space<semaphore_mem>> -> memref<1x!tpu.dma_semaphore, #tpu.memory_space<semaphore_mem>>
    %dma_start3A_96 = tpu.memref_squeeze %dma_start3A_95 : memref<1x!tpu.dma_semaphore, #tpu.memory_space<semaphore_mem>> -> memref<!tpu.dma_semaphore, #tpu.memory_space<semaphore_mem>>
    tpu.enqueue_indirect_dma source(%dma_start3A_94 : memref<10240x16xf32, #tpu.memory_space<vmem_shared>>) target(%dma_start3A_88 : memref<256x16xf32, #tpu.memory_space<vmem>>) offsets(%dma_start3A_91 : memref<256xi32, #tpu.memory_space<vmem>>) semaphore(%dma_start3A_96 : memref<!tpu.dma_semaphore, #tpu.memory_space<semaphore_mem>>)
    %dma_start3A_97 = arith.constant 1 : i32
    %dma_start3A_98 = arith.constant 0 : i32
    %dma_start3A_99 = arith.constant 1 : i32
    %dma_start3A_100 = arith.constant 1 : i32
    %dma_start3A_101 = arith.constant 0 : i32
    %dma_start3A_102 = arith.constant 0 : i32
    %dma_start3A_103 = tpu.memref_slice %arg10[%dma_start3A_99, %dma_start3A_101, %dma_start3A_102] : memref<3x256x16xf32, #tpu.memory_space<vmem>> -> memref<1x256x16xf32, #tpu.memory_space<vmem>>
    %dma_start3A_104 = tpu.memref_squeeze %dma_start3A_103 : memref<1x256x16xf32, #tpu.memory_space<vmem>> -> memref<256x16xf32, #tpu.memory_space<vmem>>
    %dma_start3A_105 = arith.constant 0 : i32
    %dma_start3A_106 = tpu.memref_slice %arg8[%dma_start3A_97, %dma_start3A_98, %dma_start3A_105] : memref<40x1x256xi32, #tpu.memory_space<vmem>> -> memref<1x1x256xi32, #tpu.memory_space<vmem>>
    %dma_start3A_107 = tpu.memref_squeeze %dma_start3A_106 : memref<1x1x256xi32, #tpu.memory_space<vmem>> -> memref<256xi32, #tpu.memory_space<vmem>>
    %dma_start3A_108 = arith.constant 0 : i32
    %dma_start3A_109 = arith.constant 0 : i32
    %dma_start3A_110 = tpu.memref_slice %arg13[%dma_start3A_108, %dma_start3A_109] : memref<10240x16xf32, #tpu.memory_space<vmem_shared>> -> memref<10240x16xf32, #tpu.memory_space<vmem_shared>>
    %dma_start3A_111 = tpu.memref_slice %arg11[%dma_start3A_100] : memref<3x!tpu.dma_semaphore, #tpu.memory_space<semaphore_mem>> -> memref<1x!tpu.dma_semaphore, #tpu.memory_space<semaphore_mem>>
    %dma_start3A_112 = tpu.memref_squeeze %dma_start3A_111 : memref<1x!tpu.dma_semaphore, #tpu.memory_space<semaphore_mem>> -> memref<!tpu.dma_semaphore, #tpu.memory_space<semaphore_mem>>
    tpu.enqueue_indirect_dma source(%dma_start3A_110 : memref<10240x16xf32, #tpu.memory_space<vmem_shared>>) target(%dma_start3A_104 : memref<256x16xf32, #tpu.memory_space<vmem>>) offsets(%dma_start3A_107 : memref<256xi32, #tpu.memory_space<vmem>>) semaphore(%dma_start3A_112 : memref<!tpu.dma_semaphore, #tpu.memory_space<semaphore_mem>>)
    %scan3A = arith.constant 0 : i32
    %scan3A_113 = arith.constant 40 : i32
    %scan3A_114 = arith.addi %scan3A, %scan3A_113 : i32
    %scan3A_115 = arith.constant 1 : i32
    scf.for %scan3A_141 = %scan3A to %scan3A_114 step %scan3A_115  : i32 {
      %rem3A = arith.constant 3 : i32
      %rem3A_142 = arith.remsi %scan3A_141, %rem3A : i32
      %ge3A = arith.constant 1 : i32
      %ge3A_143 = arith.cmpi sge, %scan3A_141, %ge3A : i32
      %convert_element_type3A = arith.extui %ge3A_143 : i1 to i32
      %cond3A = arith.constant 0 : i32
      %cond3A_144 = arith.cmpi ne, %convert_element_type3A, %cond3A : i32
      scf.if %cond3A_144 {
        %sub3A = arith.constant 1 : i32
        %sub3A_177 = arith.subi %scan3A_141, %sub3A : i32
        %rem3A_178 = arith.constant 3 : i32
        %rem3A_179 = arith.remsi %sub3A_177, %rem3A_178 : i32
        %sub3A_180 = arith.constant 1 : i32
        %sub3A_181 = arith.subi %scan3A_141, %sub3A_180 : i32
        %dma_wait3A_182 = arith.constant 0 : i32
        %dma_wait3A_183 = arith.constant 0 : i32
        %dma_wait3A_184 = arith.constant 0 : i32
        %dma_wait3A_185 = tpu.memref_slice %arg10[%rem3A_179, %dma_wait3A_183, %dma_wait3A_184] : memref<3x256x16xf32, #tpu.memory_space<vmem>> -> memref<1x256x16xf32, #tpu.memory_space<vmem>>
        %dma_wait3A_186 = tpu.memref_squeeze %dma_wait3A_185 : memref<1x256x16xf32, #tpu.memory_space<vmem>> -> memref<256x16xf32, #tpu.memory_space<vmem>>
        %dma_wait3A_187 = arith.constant 0 : i32
        %dma_wait3A_188 = tpu.memref_slice %arg9[%sub3A_181, %dma_wait3A_182, %dma_wait3A_187] : memref<40x1x256xi32, #tpu.memory_space<vmem>> -> memref<1x1x256xi32, #tpu.memory_space<vmem>>
        %dma_wait3A_189 = tpu.memref_squeeze %dma_wait3A_188 : memref<1x1x256xi32, #tpu.memory_space<vmem>> -> memref<256xi32, #tpu.memory_space<vmem>>
        %dma_wait3A_190 = arith.constant 0 : i32
        %dma_wait3A_191 = arith.constant 0 : i32
        %dma_wait3A_192 = tpu.memref_slice %arg7[%dma_wait3A_190, %dma_wait3A_191] : memref<10240x16xf32, #tpu.memory_space<vmem_shared>> -> memref<10240x16xf32, #tpu.memory_space<vmem_shared>>
        %dma_wait3A_193 = tpu.memref_slice %arg12[%rem3A_179] : memref<3x!tpu.dma_semaphore, #tpu.memory_space<semaphore_mem>> -> memref<1x!tpu.dma_semaphore, #tpu.memory_space<semaphore_mem>>
        %dma_wait3A_194 = tpu.memref_squeeze %dma_wait3A_193 : memref<1x!tpu.dma_semaphore, #tpu.memory_space<semaphore_mem>> -> memref<!tpu.dma_semaphore, #tpu.memory_space<semaphore_mem>>
        tpu.wait_indirect_dma semaphore(%dma_wait3A_194 : memref<!tpu.dma_semaphore, #tpu.memory_space<semaphore_mem>>) src(%dma_wait3A_186 : memref<256x16xf32, #tpu.memory_space<vmem>>) dst(%dma_wait3A_192 : memref<10240x16xf32, #tpu.memory_space<vmem_shared>>)
      } else {
      }
      %add3A_145 = arith.constant 2 : i32
      %add3A_146 = arith.addi %scan3A_141, %add3A_145 : i32
      %lt3A = arith.constant 40 : i32
      %lt3A_147 = arith.cmpi slt, %add3A_146, %lt3A : i32
      %convert_element_type3A_148 = arith.extui %lt3A_147 : i1 to i32
      %cond3A_149 = arith.constant 0 : i32
      %cond3A_150 = arith.cmpi ne, %convert_element_type3A_148, %cond3A_149 : i32
      scf.if %cond3A_150 {
        %add3A_177 = arith.constant 2 : i32
        %add3A_178 = arith.addi %scan3A_141, %add3A_177 : i32
        %rem3A_179 = arith.constant 3 : i32
        %rem3A_180 = arith.remsi %add3A_178, %rem3A_179 : i32
        %add3A_181 = arith.constant 2 : i32
        %add3A_182 = arith.addi %scan3A_141, %add3A_181 : i32
        %dma_start3A_183 = arith.constant 0 : i32
        %dma_start3A_184 = arith.constant 0 : i32
        %dma_start3A_185 = arith.constant 0 : i32
        %dma_start3A_186 = tpu.memref_slice %arg10[%rem3A_180, %dma_start3A_184, %dma_start3A_185] : memref<3x256x16xf32, #tpu.memory_space<vmem>> -> memref<1x256x16xf32, #tpu.memory_space<vmem>>
        %dma_start3A_187 = tpu.memref_squeeze %dma_start3A_186 : memref<1x256x16xf32, #tpu.memory_space<vmem>> -> memref<256x16xf32, #tpu.memory_space<vmem>>
        %dma_start3A_188 = arith.constant 0 : i32
        %dma_start3A_189 = tpu.memref_slice %arg8[%add3A_182, %dma_start3A_183, %dma_start3A_188] : memref<40x1x256xi32, #tpu.memory_space<vmem>> -> memref<1x1x256xi32, #tpu.memory_space<vmem>>
        %dma_start3A_190 = tpu.memref_squeeze %dma_start3A_189 : memref<1x1x256xi32, #tpu.memory_space<vmem>> -> memref<256xi32, #tpu.memory_space<vmem>>
        %dma_start3A_191 = arith.constant 0 : i32
        %dma_start3A_192 = arith.constant 0 : i32
        %dma_start3A_193 = tpu.memref_slice %arg13[%dma_start3A_191, %dma_start3A_192] : memref<10240x16xf32, #tpu.memory_space<vmem_shared>> -> memref<10240x16xf32, #tpu.memory_space<vmem_shared>>
        %dma_start3A_194 = tpu.memref_slice %arg11[%rem3A_180] : memref<3x!tpu.dma_semaphore, #tpu.memory_space<semaphore_mem>> -> memref<1x!tpu.dma_semaphore, #tpu.memory_space<semaphore_mem>>
        %dma_start3A_195 = tpu.memref_squeeze %dma_start3A_194 : memref<1x!tpu.dma_semaphore, #tpu.memory_space<semaphore_mem>> -> memref<!tpu.dma_semaphore, #tpu.memory_space<semaphore_mem>>
        tpu.enqueue_indirect_dma source(%dma_start3A_193 : memref<10240x16xf32, #tpu.memory_space<vmem_shared>>) target(%dma_start3A_187 : memref<256x16xf32, #tpu.memory_space<vmem>>) offsets(%dma_start3A_190 : memref<256xi32, #tpu.memory_space<vmem>>) semaphore(%dma_start3A_195 : memref<!tpu.dma_semaphore, #tpu.memory_space<semaphore_mem>>)
      } else {
      }
      %dma_wait3A_151 = arith.constant 0 : i32
      %dma_wait3A_152 = arith.constant 0 : i32
      %dma_wait3A_153 = arith.constant 0 : i32
      %dma_wait3A_154 = tpu.memref_slice %arg10[%rem3A_142, %dma_wait3A_152, %dma_wait3A_153] : memref<3x256x16xf32, #tpu.memory_space<vmem>> -> memref<1x256x16xf32, #tpu.memory_space<vmem>>
      %dma_wait3A_155 = tpu.memref_squeeze %dma_wait3A_154 : memref<1x256x16xf32, #tpu.memory_space<vmem>> -> memref<256x16xf32, #tpu.memory_space<vmem>>
      %dma_wait3A_156 = arith.constant 0 : i32
      %dma_wait3A_157 = tpu.memref_slice %arg8[%scan3A_141, %dma_wait3A_151, %dma_wait3A_156] : memref<40x1x256xi32, #tpu.memory_space<vmem>> -> memref<1x1x256xi32, #tpu.memory_space<vmem>>
      %dma_wait3A_158 = tpu.memref_squeeze %dma_wait3A_157 : memref<1x1x256xi32, #tpu.memory_space<vmem>> -> memref<256xi32, #tpu.memory_space<vmem>>
      %dma_wait3A_159 = arith.constant 0 : i32
      %dma_wait3A_160 = arith.constant 0 : i32
      %dma_wait3A_161 = tpu.memref_slice %arg13[%dma_wait3A_159, %dma_wait3A_160] : memref<10240x16xf32, #tpu.memory_space<vmem_shared>> -> memref<10240x16xf32, #tpu.memory_space<vmem_shared>>
      %dma_wait3A_162 = tpu.memref_slice %arg11[%rem3A_142] : memref<3x!tpu.dma_semaphore, #tpu.memory_space<semaphore_mem>> -> memref<1x!tpu.dma_semaphore, #tpu.memory_space<semaphore_mem>>
      %dma_wait3A_163 = tpu.memref_squeeze %dma_wait3A_162 : memref<1x!tpu.dma_semaphore, #tpu.memory_space<semaphore_mem>> -> memref<!tpu.dma_semaphore, #tpu.memory_space<semaphore_mem>>
      tpu.wait_indirect_dma semaphore(%dma_wait3A_163 : memref<!tpu.dma_semaphore, #tpu.memory_space<semaphore_mem>>) src(%dma_wait3A_161 : memref<10240x16xf32, #tpu.memory_space<vmem_shared>>) dst(%dma_wait3A_155 : memref<256x16xf32, #tpu.memory_space<vmem>>)
      %dma_start3A_164 = arith.constant 0 : i32
      %dma_start3A_165 = arith.constant 0 : i32
      %dma_start3A_166 = arith.constant 0 : i32
      %dma_start3A_167 = tpu.memref_slice %arg10[%rem3A_142, %dma_start3A_165, %dma_start3A_166] : memref<3x256x16xf32, #tpu.memory_space<vmem>> -> memref<1x256x16xf32, #tpu.memory_space<vmem>>
      %dma_start3A_168 = tpu.memref_squeeze %dma_start3A_167 : memref<1x256x16xf32, #tpu.memory_space<vmem>> -> memref<256x16xf32, #tpu.memory_space<vmem>>
      %dma_start3A_169 = arith.constant 0 : i32
      %dma_start3A_170 = tpu.memref_slice %arg9[%scan3A_141, %dma_start3A_164, %dma_start3A_169] : memref<40x1x256xi32, #tpu.memory_space<vmem>> -> memref<1x1x256xi32, #tpu.memory_space<vmem>>
      %dma_start3A_171 = tpu.memref_squeeze %dma_start3A_170 : memref<1x1x256xi32, #tpu.memory_space<vmem>> -> memref<256xi32, #tpu.memory_space<vmem>>
      %dma_start3A_172 = arith.constant 0 : i32
      %dma_start3A_173 = arith.constant 0 : i32
      %dma_start3A_174 = tpu.memref_slice %arg7[%dma_start3A_172, %dma_start3A_173] : memref<10240x16xf32, #tpu.memory_space<vmem_shared>> -> memref<10240x16xf32, #tpu.memory_space<vmem_shared>>
      %dma_start3A_175 = tpu.memref_slice %arg12[%rem3A_142] : memref<3x!tpu.dma_semaphore, #tpu.memory_space<semaphore_mem>> -> memref<1x!tpu.dma_semaphore, #tpu.memory_space<semaphore_mem>>
      %dma_start3A_176 = tpu.memref_squeeze %dma_start3A_175 : memref<1x!tpu.dma_semaphore, #tpu.memory_space<semaphore_mem>> -> memref<!tpu.dma_semaphore, #tpu.memory_space<semaphore_mem>>
      tpu.enqueue_indirect_dma source(%dma_start3A_168 : memref<256x16xf32, #tpu.memory_space<vmem>>) target(%dma_start3A_174 : memref<10240x16xf32, #tpu.memory_space<vmem_shared>>) offsets(%dma_start3A_171 : memref<256xi32, #tpu.memory_space<vmem>>) semaphore(%dma_start3A_176 : memref<!tpu.dma_semaphore, #tpu.memory_space<semaphore_mem>>) {add = true}
    }
    %scan3A_116 = arith.constant 40 : i32
    %dma_wait3A_117 = arith.constant 0 : i32
    %dma_wait3A_118 = arith.constant 39 : i32
    %dma_wait3A_119 = arith.constant 0 : i32
    %dma_wait3A_120 = arith.constant 0 : i32
    %dma_wait3A_121 = arith.constant 0 : i32
    %dma_wait3A_122 = arith.constant 0 : i32
    %dma_wait3A_123 = tpu.memref_slice %arg10[%dma_wait3A_117, %dma_wait3A_121, %dma_wait3A_122] : memref<3x256x16xf32, #tpu.memory_space<vmem>> -> memref<1x256x16xf32, #tpu.memory_space<vmem>>
    %dma_wait3A_124 = tpu.memref_squeeze %dma_wait3A_123 : memref<1x256x16xf32, #tpu.memory_space<vmem>> -> memref<256x16xf32, #tpu.memory_space<vmem>>
    %dma_wait3A_125 = arith.constant 0 : i32
    %dma_wait3A_126 = tpu.memref_slice %arg9[%dma_wait3A_118, %dma_wait3A_119, %dma_wait3A_125] : memref<40x1x256xi32, #tpu.memory_space<vmem>> -> memref<1x1x256xi32, #tpu.memory_space<vmem>>
    %dma_wait3A_127 = tpu.memref_squeeze %dma_wait3A_126 : memref<1x1x256xi32, #tpu.memory_space<vmem>> -> memref<256xi32, #tpu.memory_space<vmem>>
    %dma_wait3A_128 = arith.constant 0 : i32
    %dma_wait3A_129 = arith.constant 0 : i32
    %dma_wait3A_130 = tpu.memref_slice %arg7[%dma_wait3A_128, %dma_wait3A_129] : memref<10240x16xf32, #tpu.memory_space<vmem_shared>> -> memref<10240x16xf32, #tpu.memory_space<vmem_shared>>
    %dma_wait3A_131 = tpu.memref_slice %arg12[%dma_wait3A_120] : memref<3x!tpu.dma_semaphore, #tpu.memory_space<semaphore_mem>> -> memref<1x!tpu.dma_semaphore, #tpu.memory_space<semaphore_mem>>
    %dma_wait3A_132 = tpu.memref_squeeze %dma_wait3A_131 : memref<1x!tpu.dma_semaphore, #tpu.memory_space<semaphore_mem>> -> memref<!tpu.dma_semaphore, #tpu.memory_space<semaphore_mem>>
    tpu.wait_indirect_dma semaphore(%dma_wait3A_132 : memref<!tpu.dma_semaphore, #tpu.memory_space<semaphore_mem>>) src(%dma_wait3A_124 : memref<256x16xf32, #tpu.memory_space<vmem>>) dst(%dma_wait3A_130 : memref<10240x16xf32, #tpu.memory_space<vmem_shared>>)
    %barrier3A_133 = arith.constant 0 : index
    tpu.barrier barrier_id(%barrier3A_133)
    %mul3A_134 = arith.constant 10240 : i32
    %mul3A_135 = arith.muli %arg0, %mul3A_134 : i32
    %mul3A_136 = arith.constant 640 : i32
    %mul3A_137 = arith.muli %arg1, %mul3A_136 : i32
    %add3A_138 = arith.addi %mul3A_135, %mul3A_137 : i32
    %multiple_of3A = tpu.assume_multiple %add3A_138, 640 : i32
    %mul3A_139 = arith.constant 640 : i32
    %mul3A_140 = arith.muli %arg1, %mul3A_139 : i32
    "tpu.region"() ({
      %run_scoped3A = tpu.sem_alloc : memref<!tpu.dma_semaphore, #tpu.memory_space<semaphore_mem>>
      %dma_start3A_141 = arith.constant 0 : i32
      %dma_start3A_142 = tpu.memref_slice %arg6[%multiple_of3A, %dma_start3A_141] : memref<20480x16xf32, #tpu.memory_space<hbm>> -> memref<640x16xf32, #tpu.memory_space<hbm>>
      %dma_start3A_143 = arith.constant 0 : i32
      %dma_start3A_144 = tpu.memref_slice %arg7[%mul3A_140, %dma_start3A_143] : memref<10240x16xf32, #tpu.memory_space<vmem_shared>> -> memref<640x16xf32, #tpu.memory_space<vmem_shared>>
      tpu.enqueue_dma source(%dma_start3A_144 : memref<640x16xf32, #tpu.memory_space<vmem_shared>>) target(%dma_start3A_142 : memref<640x16xf32, #tpu.memory_space<hbm>>) target_semaphore(%run_scoped3A : memref<!tpu.dma_semaphore, #tpu.memory_space<semaphore_mem>>)
      %dma_wait3A_145 = arith.constant 0 : i32
      %dma_wait3A_146 = tpu.memref_slice %arg6[%multiple_of3A, %dma_wait3A_145] : memref<20480x16xf32, #tpu.memory_space<hbm>> -> memref<640x16xf32, #tpu.memory_space<hbm>>
      %dma_wait3A_147 = arith.constant 0 : i32
      %dma_wait3A_148 = tpu.memref_slice %arg7[%mul3A_140, %dma_wait3A_147] : memref<10240x16xf32, #tpu.memory_space<vmem_shared>> -> memref<640x16xf32, #tpu.memory_space<vmem_shared>>
      tpu.wait_dma2 semaphore(%run_scoped3A : memref<!tpu.dma_semaphore, #tpu.memory_space<semaphore_mem>>) src(%dma_wait3A_148 : memref<640x16xf32, #tpu.memory_space<vmem_shared>>) dst(%dma_wait3A_146 : memref<640x16xf32, #tpu.memory_space<hbm>>)
      tpu.yield
    }) : () -> ()
    return
  }
}

#map = affine_map<(d0, d1) -> (0, 0, 0, 0)>
#map1 = affine_map<(d0, d1) -> (0, 0)>
module attributes {stable_mosaic.version = 14 : i64} {
  func.func @_deg_body(%arg0: i32, %arg1: i32, %arg2: memref<32x80x1x128xi32, #tpu.memory_space<hbm>>, %arg3: memref<128x8xf32, #tpu.memory_space<hbm>>, %arg4: memref<640x8xf32, #tpu.memory_space<hbm>>, %arg5: memref<20480x8xf32, #tpu.memory_space<hbm>>, %arg6: memref<10240x8xf32, #tpu.memory_space<vmem_shared>>, %arg7: memref<80x1x128xi32, #tpu.memory_space<vmem>>, %arg8: memref<128x8xf32, #tpu.memory_space<vmem>>, %arg9: memref<!tpu.dma_semaphore, #tpu.memory_space<semaphore_mem>>) attributes {dimension_semantics = [#tpu.dimension_semantics<core_parallel>, #tpu.dimension_semantics<subcore_parallel>], iteration_bounds = array<i64: 2, 16>, scalar_prefetch = 0 : i64, scratch_operands = 4 : i64, tpu.core_type = #tpu.core_type<sc_vector_subcore>, window_params = [{transform_indices = #map}, {transform_indices = #map1}, {transform_indices = #map1}, {transform_indices = #map1}]} {
    %mul3A = arith.constant 2 : i32
    %mul3A_0 = arith.muli %arg1, %mul3A : i32
    %add3A = arith.addi %mul3A_0, %arg0 : i32
    %mul3A_1 = arith.constant 640 : i32
    %mul3A_2 = arith.muli %arg1, %mul3A_1 : i32
    "tpu.region"() ({
      %run_scoped3A = tpu.sem_alloc : memref<!tpu.dma_semaphore, #tpu.memory_space<semaphore_mem>>
      %dma_start3A = arith.constant 0 : i32
      %dma_start3A_15 = tpu.memref_slice %arg6[%mul3A_2, %dma_start3A] : memref<10240x8xf32, #tpu.memory_space<vmem_shared>> -> memref<640x8xf32, #tpu.memory_space<vmem_shared>>
      tpu.enqueue_dma source(%arg4 : memref<640x8xf32, #tpu.memory_space<hbm>>) target(%dma_start3A_15 : memref<640x8xf32, #tpu.memory_space<vmem_shared>>) target_semaphore(%run_scoped3A : memref<!tpu.dma_semaphore, #tpu.memory_space<semaphore_mem>>)
      %dma_wait3A = arith.constant 0 : i32
      %dma_wait3A_16 = tpu.memref_slice %arg6[%mul3A_2, %dma_wait3A] : memref<10240x8xf32, #tpu.memory_space<vmem_shared>> -> memref<640x8xf32, #tpu.memory_space<vmem_shared>>
      tpu.wait_dma2 semaphore(%run_scoped3A : memref<!tpu.dma_semaphore, #tpu.memory_space<semaphore_mem>>) src(%arg4 : memref<640x8xf32, #tpu.memory_space<hbm>>) dst(%dma_wait3A_16 : memref<640x8xf32, #tpu.memory_space<vmem_shared>>)
      tpu.yield
    }) : () -> ()
    "tpu.region"() ({
      %run_scoped3A = tpu.sem_alloc : memref<!tpu.dma_semaphore, #tpu.memory_space<semaphore_mem>>
      tpu.enqueue_dma source(%arg3 : memref<128x8xf32, #tpu.memory_space<hbm>>) target(%arg8 : memref<128x8xf32, #tpu.memory_space<vmem>>) target_semaphore(%run_scoped3A : memref<!tpu.dma_semaphore, #tpu.memory_space<semaphore_mem>>)
      tpu.wait_dma2 semaphore(%run_scoped3A : memref<!tpu.dma_semaphore, #tpu.memory_space<semaphore_mem>>) src(%arg3 : memref<128x8xf32, #tpu.memory_space<hbm>>) dst(%arg8 : memref<128x8xf32, #tpu.memory_space<vmem>>)
      tpu.yield
    }) : () -> ()
    "tpu.region"() ({
      %run_scoped3A = tpu.sem_alloc : memref<!tpu.dma_semaphore, #tpu.memory_space<semaphore_mem>>
      %dma_start3A = arith.constant 0 : i32
      %dma_start3A_15 = arith.constant 0 : i32
      %dma_start3A_16 = arith.constant 0 : i32
      %dma_start3A_17 = tpu.memref_slice %arg2[%add3A, %dma_start3A, %dma_start3A_15, %dma_start3A_16] : memref<32x80x1x128xi32, #tpu.memory_space<hbm>> -> memref<1x80x1x128xi32, #tpu.memory_space<hbm>>
      %dma_start3A_18 = tpu.memref_squeeze %dma_start3A_17 : memref<1x80x1x128xi32, #tpu.memory_space<hbm>> -> memref<80x1x128xi32, #tpu.memory_space<hbm>>
      %dma_start3A_19 = arith.constant 0 : i32
      %dma_start3A_20 = arith.constant 0 : i32
      %dma_start3A_21 = arith.constant 0 : i32
      %dma_start3A_22 = tpu.memref_slice %arg2[%add3A, %dma_start3A_19, %dma_start3A_20, %dma_start3A_21] : memref<32x80x1x128xi32, #tpu.memory_space<hbm>> -> memref<1x80x1x128xi32, #tpu.memory_space<hbm>>
      %dma_start3A_23 = tpu.memref_squeeze %dma_start3A_22 : memref<1x80x1x128xi32, #tpu.memory_space<hbm>> -> memref<80x1x128xi32, #tpu.memory_space<hbm>>
      tpu.enqueue_dma source(%dma_start3A_23 : memref<80x1x128xi32, #tpu.memory_space<hbm>>) target(%arg7 : memref<80x1x128xi32, #tpu.memory_space<vmem>>) target_semaphore(%run_scoped3A : memref<!tpu.dma_semaphore, #tpu.memory_space<semaphore_mem>>)
      %dma_wait3A = arith.constant 0 : i32
      %dma_wait3A_24 = arith.constant 0 : i32
      %dma_wait3A_25 = arith.constant 0 : i32
      %dma_wait3A_26 = tpu.memref_slice %arg2[%add3A, %dma_wait3A, %dma_wait3A_24, %dma_wait3A_25] : memref<32x80x1x128xi32, #tpu.memory_space<hbm>> -> memref<1x80x1x128xi32, #tpu.memory_space<hbm>>
      %dma_wait3A_27 = tpu.memref_squeeze %dma_wait3A_26 : memref<1x80x1x128xi32, #tpu.memory_space<hbm>> -> memref<80x1x128xi32, #tpu.memory_space<hbm>>
      %dma_wait3A_28 = arith.constant 0 : i32
      %dma_wait3A_29 = arith.constant 0 : i32
      %dma_wait3A_30 = arith.constant 0 : i32
      %dma_wait3A_31 = tpu.memref_slice %arg2[%add3A, %dma_wait3A_28, %dma_wait3A_29, %dma_wait3A_30] : memref<32x80x1x128xi32, #tpu.memory_space<hbm>> -> memref<1x80x1x128xi32, #tpu.memory_space<hbm>>
      %dma_wait3A_32 = tpu.memref_squeeze %dma_wait3A_31 : memref<1x80x1x128xi32, #tpu.memory_space<hbm>> -> memref<80x1x128xi32, #tpu.memory_space<hbm>>
      tpu.wait_dma2 semaphore(%run_scoped3A : memref<!tpu.dma_semaphore, #tpu.memory_space<semaphore_mem>>) src(%dma_wait3A_32 : memref<80x1x128xi32, #tpu.memory_space<hbm>>) dst(%arg7 : memref<80x1x128xi32, #tpu.memory_space<vmem>>)
      tpu.yield
    }) : () -> ()
    %barrier3A = arith.constant 0 : index
    tpu.barrier barrier_id(%barrier3A)
    %scan3A = arith.constant 0 : i32
    %scan3A_3 = arith.constant 80 : i32
    %scan3A_4 = arith.addi %scan3A, %scan3A_3 : i32
    %scan3A_5 = arith.constant 1 : i32
    scf.for %scan3A_15 = %scan3A to %scan3A_4 step %scan3A_5  : i32 {
      %run_scoped3A = arith.constant 0 : i32
      "tpu.region"() ({
        %run_scoped3A_16 = tpu.sem_alloc : memref<!tpu.dma_semaphore, #tpu.memory_space<semaphore_mem>>
        %dma_start3A = arith.constant 0 : i32
        %dma_start3A_17 = tpu.memref_slice %arg7[%scan3A_15, %run_scoped3A, %dma_start3A] : memref<80x1x128xi32, #tpu.memory_space<vmem>> -> memref<1x1x128xi32, #tpu.memory_space<vmem>>
        %dma_start3A_18 = tpu.memref_squeeze %dma_start3A_17 : memref<1x1x128xi32, #tpu.memory_space<vmem>> -> memref<128xi32, #tpu.memory_space<vmem>>
        %dma_start3A_19 = arith.constant 0 : i32
        %dma_start3A_20 = arith.constant 0 : i32
        %dma_start3A_21 = tpu.memref_slice %arg6[%dma_start3A_19, %dma_start3A_20] : memref<10240x8xf32, #tpu.memory_space<vmem_shared>> -> memref<10240x8xf32, #tpu.memory_space<vmem_shared>>
        tpu.enqueue_indirect_dma source(%arg8 : memref<128x8xf32, #tpu.memory_space<vmem>>) target(%dma_start3A_21 : memref<10240x8xf32, #tpu.memory_space<vmem_shared>>) offsets(%dma_start3A_18 : memref<128xi32, #tpu.memory_space<vmem>>) semaphore(%run_scoped3A_16 : memref<!tpu.dma_semaphore, #tpu.memory_space<semaphore_mem>>) {add = true}
        %dma_wait3A = arith.constant 0 : i32
        %dma_wait3A_22 = tpu.memref_slice %arg7[%scan3A_15, %run_scoped3A, %dma_wait3A] : memref<80x1x128xi32, #tpu.memory_space<vmem>> -> memref<1x1x128xi32, #tpu.memory_space<vmem>>
        %dma_wait3A_23 = tpu.memref_squeeze %dma_wait3A_22 : memref<1x1x128xi32, #tpu.memory_space<vmem>> -> memref<128xi32, #tpu.memory_space<vmem>>
        %dma_wait3A_24 = arith.constant 0 : i32
        %dma_wait3A_25 = arith.constant 0 : i32
        %dma_wait3A_26 = tpu.memref_slice %arg6[%dma_wait3A_24, %dma_wait3A_25] : memref<10240x8xf32, #tpu.memory_space<vmem_shared>> -> memref<10240x8xf32, #tpu.memory_space<vmem_shared>>
        tpu.wait_indirect_dma semaphore(%run_scoped3A_16 : memref<!tpu.dma_semaphore, #tpu.memory_space<semaphore_mem>>) src(%arg8 : memref<128x8xf32, #tpu.memory_space<vmem>>) dst(%dma_wait3A_26 : memref<10240x8xf32, #tpu.memory_space<vmem_shared>>)
        tpu.yield
      }) : () -> ()
    }
    %scan3A_6 = arith.constant 80 : i32
    %barrier3A_7 = arith.constant 0 : index
    tpu.barrier barrier_id(%barrier3A_7)
    %mul3A_8 = arith.constant 10240 : i32
    %mul3A_9 = arith.muli %arg0, %mul3A_8 : i32
    %mul3A_10 = arith.constant 640 : i32
    %mul3A_11 = arith.muli %arg1, %mul3A_10 : i32
    %add3A_12 = arith.addi %mul3A_9, %mul3A_11 : i32
    %multiple_of3A = tpu.assume_multiple %add3A_12, 640 : i32
    %mul3A_13 = arith.constant 640 : i32
    %mul3A_14 = arith.muli %arg1, %mul3A_13 : i32
    "tpu.region"() ({
      %run_scoped3A = tpu.sem_alloc : memref<!tpu.dma_semaphore, #tpu.memory_space<semaphore_mem>>
      %dma_start3A = arith.constant 0 : i32
      %dma_start3A_15 = tpu.memref_slice %arg5[%multiple_of3A, %dma_start3A] : memref<20480x8xf32, #tpu.memory_space<hbm>> -> memref<640x8xf32, #tpu.memory_space<hbm>>
      %dma_start3A_16 = arith.constant 0 : i32
      %dma_start3A_17 = tpu.memref_slice %arg6[%mul3A_14, %dma_start3A_16] : memref<10240x8xf32, #tpu.memory_space<vmem_shared>> -> memref<640x8xf32, #tpu.memory_space<vmem_shared>>
      tpu.enqueue_dma source(%dma_start3A_17 : memref<640x8xf32, #tpu.memory_space<vmem_shared>>) target(%dma_start3A_15 : memref<640x8xf32, #tpu.memory_space<hbm>>) target_semaphore(%run_scoped3A : memref<!tpu.dma_semaphore, #tpu.memory_space<semaphore_mem>>)
      %dma_wait3A = arith.constant 0 : i32
      %dma_wait3A_18 = tpu.memref_slice %arg5[%multiple_of3A, %dma_wait3A] : memref<20480x8xf32, #tpu.memory_space<hbm>> -> memref<640x8xf32, #tpu.memory_space<hbm>>
      %dma_wait3A_19 = arith.constant 0 : i32
      %dma_wait3A_20 = tpu.memref_slice %arg6[%mul3A_14, %dma_wait3A_19] : memref<10240x8xf32, #tpu.memory_space<vmem_shared>> -> memref<640x8xf32, #tpu.memory_space<vmem_shared>>
      tpu.wait_dma2 semaphore(%run_scoped3A : memref<!tpu.dma_semaphore, #tpu.memory_space<semaphore_mem>>) src(%dma_wait3A_20 : memref<640x8xf32, #tpu.memory_space<vmem_shared>>) dst(%dma_wait3A_18 : memref<640x8xf32, #tpu.memory_space<hbm>>)
      tpu.yield
    }) : () -> ()
    return
  }
}

#map = affine_map<(d0, d1) -> (0, 0)>
#map1 = affine_map<(d0, d1) -> (0, 0, 0, 0)>
module attributes {stable_mosaic.version = 14 : i64} {
  func.func @_agg_body(%arg0: i32, %arg1: i32, %arg2: memref<10240x64xf32, #tpu.memory_space<hbm>>, %arg3: memref<32x80x1x128xi32, #tpu.memory_space<hbm>>, %arg4: memref<32x80x1x128xi32, #tpu.memory_space<hbm>>, %arg5: memref<640x64xf32, #tpu.memory_space<hbm>>, %arg6: memref<20480x64xf32, #tpu.memory_space<hbm>>, %arg7: memref<10240x64xf32, #tpu.memory_space<vmem_shared>>, %arg8: memref<80x1x128xi32, #tpu.memory_space<vmem>>, %arg9: memref<80x1x128xi32, #tpu.memory_space<vmem>>, %arg10: memref<3x128x64xf32, #tpu.memory_space<vmem>>, %arg11: memref<3x!tpu.dma_semaphore, #tpu.memory_space<semaphore_mem>>, %arg12: memref<3x!tpu.dma_semaphore, #tpu.memory_space<semaphore_mem>>, %arg13: memref<10240x64xf32, #tpu.memory_space<vmem_shared>>) attributes {dimension_semantics = [#tpu.dimension_semantics<core_parallel>, #tpu.dimension_semantics<subcore_parallel>], iteration_bounds = array<i64: 2, 16>, scalar_prefetch = 0 : i64, scratch_operands = 7 : i64, tpu.core_type = #tpu.core_type<sc_vector_subcore>, window_params = [{transform_indices = #map}, {transform_indices = #map1}, {transform_indices = #map1}, {transform_indices = #map}, {transform_indices = #map}]} {
    %mul3A = arith.constant 2 : i32
    %mul3A_0 = arith.muli %arg1, %mul3A : i32
    %add3A = arith.addi %mul3A_0, %arg0 : i32
    %mul3A_1 = arith.constant 640 : i32
    %mul3A_2 = arith.muli %arg1, %mul3A_1 : i32
    %dma_start3A = arith.constant 0 : i32
    %dma_start3A_3 = tpu.memref_slice %arg11[%dma_start3A] : memref<3x!tpu.dma_semaphore, #tpu.memory_space<semaphore_mem>> -> memref<1x!tpu.dma_semaphore, #tpu.memory_space<semaphore_mem>>
    %dma_start3A_4 = tpu.memref_squeeze %dma_start3A_3 : memref<1x!tpu.dma_semaphore, #tpu.memory_space<semaphore_mem>> -> memref<!tpu.dma_semaphore, #tpu.memory_space<semaphore_mem>>
    %dma_start3A_5 = arith.constant 0 : i32
    %dma_start3A_6 = tpu.memref_slice %arg7[%mul3A_2, %dma_start3A_5] : memref<10240x64xf32, #tpu.memory_space<vmem_shared>> -> memref<640x64xf32, #tpu.memory_space<vmem_shared>>
    tpu.enqueue_dma source(%arg5 : memref<640x64xf32, #tpu.memory_space<hbm>>) target(%dma_start3A_6 : memref<640x64xf32, #tpu.memory_space<vmem_shared>>) target_semaphore(%dma_start3A_4 : memref<!tpu.dma_semaphore, #tpu.memory_space<semaphore_mem>>)
    %dma_start3A_7 = arith.constant 1 : i32
    %dma_start3A_8 = arith.constant 0 : i32
    %dma_start3A_9 = arith.constant 0 : i32
    %dma_start3A_10 = arith.constant 0 : i32
    %dma_start3A_11 = tpu.memref_slice %arg3[%add3A, %dma_start3A_8, %dma_start3A_9, %dma_start3A_10] : memref<32x80x1x128xi32, #tpu.memory_space<hbm>> -> memref<1x80x1x128xi32, #tpu.memory_space<hbm>>
    %dma_start3A_12 = tpu.memref_squeeze %dma_start3A_11 : memref<1x80x1x128xi32, #tpu.memory_space<hbm>> -> memref<80x1x128xi32, #tpu.memory_space<hbm>>
    %dma_start3A_13 = tpu.memref_slice %arg11[%dma_start3A_7] : memref<3x!tpu.dma_semaphore, #tpu.memory_space<semaphore_mem>> -> memref<1x!tpu.dma_semaphore, #tpu.memory_space<semaphore_mem>>
    %dma_start3A_14 = tpu.memref_squeeze %dma_start3A_13 : memref<1x!tpu.dma_semaphore, #tpu.memory_space<semaphore_mem>> -> memref<!tpu.dma_semaphore, #tpu.memory_space<semaphore_mem>>
    %dma_start3A_15 = arith.constant 0 : i32
    %dma_start3A_16 = arith.constant 0 : i32
    %dma_start3A_17 = arith.constant 0 : i32
    %dma_start3A_18 = tpu.memref_slice %arg3[%add3A, %dma_start3A_15, %dma_start3A_16, %dma_start3A_17] : memref<32x80x1x128xi32, #tpu.memory_space<hbm>> -> memref<1x80x1x128xi32, #tpu.memory_space<hbm>>
    %dma_start3A_19 = tpu.memref_squeeze %dma_start3A_18 : memref<1x80x1x128xi32, #tpu.memory_space<hbm>> -> memref<80x1x128xi32, #tpu.memory_space<hbm>>
    tpu.enqueue_dma source(%dma_start3A_19 : memref<80x1x128xi32, #tpu.memory_space<hbm>>) target(%arg8 : memref<80x1x128xi32, #tpu.memory_space<vmem>>) target_semaphore(%dma_start3A_14 : memref<!tpu.dma_semaphore, #tpu.memory_space<semaphore_mem>>)
    %dma_start3A_20 = arith.constant 2 : i32
    %dma_start3A_21 = arith.constant 0 : i32
    %dma_start3A_22 = arith.constant 0 : i32
    %dma_start3A_23 = arith.constant 0 : i32
    %dma_start3A_24 = tpu.memref_slice %arg4[%add3A, %dma_start3A_21, %dma_start3A_22, %dma_start3A_23] : memref<32x80x1x128xi32, #tpu.memory_space<hbm>> -> memref<1x80x1x128xi32, #tpu.memory_space<hbm>>
    %dma_start3A_25 = tpu.memref_squeeze %dma_start3A_24 : memref<1x80x1x128xi32, #tpu.memory_space<hbm>> -> memref<80x1x128xi32, #tpu.memory_space<hbm>>
    %dma_start3A_26 = tpu.memref_slice %arg11[%dma_start3A_20] : memref<3x!tpu.dma_semaphore, #tpu.memory_space<semaphore_mem>> -> memref<1x!tpu.dma_semaphore, #tpu.memory_space<semaphore_mem>>
    %dma_start3A_27 = tpu.memref_squeeze %dma_start3A_26 : memref<1x!tpu.dma_semaphore, #tpu.memory_space<semaphore_mem>> -> memref<!tpu.dma_semaphore, #tpu.memory_space<semaphore_mem>>
    %dma_start3A_28 = arith.constant 0 : i32
    %dma_start3A_29 = arith.constant 0 : i32
    %dma_start3A_30 = arith.constant 0 : i32
    %dma_start3A_31 = tpu.memref_slice %arg4[%add3A, %dma_start3A_28, %dma_start3A_29, %dma_start3A_30] : memref<32x80x1x128xi32, #tpu.memory_space<hbm>> -> memref<1x80x1x128xi32, #tpu.memory_space<hbm>>
    %dma_start3A_32 = tpu.memref_squeeze %dma_start3A_31 : memref<1x80x1x128xi32, #tpu.memory_space<hbm>> -> memref<80x1x128xi32, #tpu.memory_space<hbm>>
    tpu.enqueue_dma source(%dma_start3A_32 : memref<80x1x128xi32, #tpu.memory_space<hbm>>) target(%arg9 : memref<80x1x128xi32, #tpu.memory_space<vmem>>) target_semaphore(%dma_start3A_27 : memref<!tpu.dma_semaphore, #tpu.memory_space<semaphore_mem>>)
    %mul3A_33 = arith.constant 640 : i32
    %mul3A_34 = arith.muli %arg1, %mul3A_33 : i32
    %mul3A_35 = arith.constant 640 : i32
    %mul3A_36 = arith.muli %arg1, %mul3A_35 : i32
    %dma_start3A_37 = arith.constant 0 : i32
    %dma_start3A_38 = tpu.memref_slice %arg12[%dma_start3A_37] : memref<3x!tpu.dma_semaphore, #tpu.memory_space<semaphore_mem>> -> memref<1x!tpu.dma_semaphore, #tpu.memory_space<semaphore_mem>>
    %dma_start3A_39 = tpu.memref_squeeze %dma_start3A_38 : memref<1x!tpu.dma_semaphore, #tpu.memory_space<semaphore_mem>> -> memref<!tpu.dma_semaphore, #tpu.memory_space<semaphore_mem>>
    %dma_start3A_40 = arith.constant 0 : i32
    %dma_start3A_41 = tpu.memref_slice %arg13[%mul3A_36, %dma_start3A_40] : memref<10240x64xf32, #tpu.memory_space<vmem_shared>> -> memref<640x64xf32, #tpu.memory_space<vmem_shared>>
    %dma_start3A_42 = arith.constant 0 : i32
    %dma_start3A_43 = tpu.memref_slice %arg2[%mul3A_34, %dma_start3A_42] : memref<10240x64xf32, #tpu.memory_space<hbm>> -> memref<640x64xf32, #tpu.memory_space<hbm>>
    tpu.enqueue_dma source(%dma_start3A_43 : memref<640x64xf32, #tpu.memory_space<hbm>>) target(%dma_start3A_41 : memref<640x64xf32, #tpu.memory_space<vmem_shared>>) target_semaphore(%dma_start3A_39 : memref<!tpu.dma_semaphore, #tpu.memory_space<semaphore_mem>>)
    %dma_wait3A = arith.constant 0 : i32
    %dma_wait3A_44 = tpu.memref_slice %arg12[%dma_wait3A] : memref<3x!tpu.dma_semaphore, #tpu.memory_space<semaphore_mem>> -> memref<1x!tpu.dma_semaphore, #tpu.memory_space<semaphore_mem>>
    %dma_wait3A_45 = tpu.memref_squeeze %dma_wait3A_44 : memref<1x!tpu.dma_semaphore, #tpu.memory_space<semaphore_mem>> -> memref<!tpu.dma_semaphore, #tpu.memory_space<semaphore_mem>>
    %dma_wait3A_46 = arith.constant 0 : i32
    %dma_wait3A_47 = tpu.memref_slice %arg13[%mul3A_36, %dma_wait3A_46] : memref<10240x64xf32, #tpu.memory_space<vmem_shared>> -> memref<640x64xf32, #tpu.memory_space<vmem_shared>>
    %dma_wait3A_48 = arith.constant 0 : i32
    %dma_wait3A_49 = tpu.memref_slice %arg2[%mul3A_34, %dma_wait3A_48] : memref<10240x64xf32, #tpu.memory_space<hbm>> -> memref<640x64xf32, #tpu.memory_space<hbm>>
    tpu.wait_dma2 semaphore(%dma_wait3A_45 : memref<!tpu.dma_semaphore, #tpu.memory_space<semaphore_mem>>) src(%dma_wait3A_49 : memref<640x64xf32, #tpu.memory_space<hbm>>) dst(%dma_wait3A_47 : memref<640x64xf32, #tpu.memory_space<vmem_shared>>)
    %dma_wait3A_50 = arith.constant 0 : i32
    %dma_wait3A_51 = tpu.memref_slice %arg11[%dma_wait3A_50] : memref<3x!tpu.dma_semaphore, #tpu.memory_space<semaphore_mem>> -> memref<1x!tpu.dma_semaphore, #tpu.memory_space<semaphore_mem>>
    %dma_wait3A_52 = tpu.memref_squeeze %dma_wait3A_51 : memref<1x!tpu.dma_semaphore, #tpu.memory_space<semaphore_mem>> -> memref<!tpu.dma_semaphore, #tpu.memory_space<semaphore_mem>>
    %dma_wait3A_53 = arith.constant 0 : i32
    %dma_wait3A_54 = tpu.memref_slice %arg7[%mul3A_2, %dma_wait3A_53] : memref<10240x64xf32, #tpu.memory_space<vmem_shared>> -> memref<640x64xf32, #tpu.memory_space<vmem_shared>>
    tpu.wait_dma2 semaphore(%dma_wait3A_52 : memref<!tpu.dma_semaphore, #tpu.memory_space<semaphore_mem>>) src(%arg5 : memref<640x64xf32, #tpu.memory_space<hbm>>) dst(%dma_wait3A_54 : memref<640x64xf32, #tpu.memory_space<vmem_shared>>)
    %dma_wait3A_55 = arith.constant 1 : i32
    %dma_wait3A_56 = arith.constant 0 : i32
    %dma_wait3A_57 = arith.constant 0 : i32
    %dma_wait3A_58 = arith.constant 0 : i32
    %dma_wait3A_59 = tpu.memref_slice %arg3[%add3A, %dma_wait3A_56, %dma_wait3A_57, %dma_wait3A_58] : memref<32x80x1x128xi32, #tpu.memory_space<hbm>> -> memref<1x80x1x128xi32, #tpu.memory_space<hbm>>
    %dma_wait3A_60 = tpu.memref_squeeze %dma_wait3A_59 : memref<1x80x1x128xi32, #tpu.memory_space<hbm>> -> memref<80x1x128xi32, #tpu.memory_space<hbm>>
    %dma_wait3A_61 = tpu.memref_slice %arg11[%dma_wait3A_55] : memref<3x!tpu.dma_semaphore, #tpu.memory_space<semaphore_mem>> -> memref<1x!tpu.dma_semaphore, #tpu.memory_space<semaphore_mem>>
    %dma_wait3A_62 = tpu.memref_squeeze %dma_wait3A_61 : memref<1x!tpu.dma_semaphore, #tpu.memory_space<semaphore_mem>> -> memref<!tpu.dma_semaphore, #tpu.memory_space<semaphore_mem>>
    %dma_wait3A_63 = arith.constant 0 : i32
    %dma_wait3A_64 = arith.constant 0 : i32
    %dma_wait3A_65 = arith.constant 0 : i32
    %dma_wait3A_66 = tpu.memref_slice %arg3[%add3A, %dma_wait3A_63, %dma_wait3A_64, %dma_wait3A_65] : memref<32x80x1x128xi32, #tpu.memory_space<hbm>> -> memref<1x80x1x128xi32, #tpu.memory_space<hbm>>
    %dma_wait3A_67 = tpu.memref_squeeze %dma_wait3A_66 : memref<1x80x1x128xi32, #tpu.memory_space<hbm>> -> memref<80x1x128xi32, #tpu.memory_space<hbm>>
    tpu.wait_dma2 semaphore(%dma_wait3A_62 : memref<!tpu.dma_semaphore, #tpu.memory_space<semaphore_mem>>) src(%dma_wait3A_67 : memref<80x1x128xi32, #tpu.memory_space<hbm>>) dst(%arg8 : memref<80x1x128xi32, #tpu.memory_space<vmem>>)
    %dma_wait3A_68 = arith.constant 2 : i32
    %dma_wait3A_69 = arith.constant 0 : i32
    %dma_wait3A_70 = arith.constant 0 : i32
    %dma_wait3A_71 = arith.constant 0 : i32
    %dma_wait3A_72 = tpu.memref_slice %arg4[%add3A, %dma_wait3A_69, %dma_wait3A_70, %dma_wait3A_71] : memref<32x80x1x128xi32, #tpu.memory_space<hbm>> -> memref<1x80x1x128xi32, #tpu.memory_space<hbm>>
    %dma_wait3A_73 = tpu.memref_squeeze %dma_wait3A_72 : memref<1x80x1x128xi32, #tpu.memory_space<hbm>> -> memref<80x1x128xi32, #tpu.memory_space<hbm>>
    %dma_wait3A_74 = tpu.memref_slice %arg11[%dma_wait3A_68] : memref<3x!tpu.dma_semaphore, #tpu.memory_space<semaphore_mem>> -> memref<1x!tpu.dma_semaphore, #tpu.memory_space<semaphore_mem>>
    %dma_wait3A_75 = tpu.memref_squeeze %dma_wait3A_74 : memref<1x!tpu.dma_semaphore, #tpu.memory_space<semaphore_mem>> -> memref<!tpu.dma_semaphore, #tpu.memory_space<semaphore_mem>>
    %dma_wait3A_76 = arith.constant 0 : i32
    %dma_wait3A_77 = arith.constant 0 : i32
    %dma_wait3A_78 = arith.constant 0 : i32
    %dma_wait3A_79 = tpu.memref_slice %arg4[%add3A, %dma_wait3A_76, %dma_wait3A_77, %dma_wait3A_78] : memref<32x80x1x128xi32, #tpu.memory_space<hbm>> -> memref<1x80x1x128xi32, #tpu.memory_space<hbm>>
    %dma_wait3A_80 = tpu.memref_squeeze %dma_wait3A_79 : memref<1x80x1x128xi32, #tpu.memory_space<hbm>> -> memref<80x1x128xi32, #tpu.memory_space<hbm>>
    tpu.wait_dma2 semaphore(%dma_wait3A_75 : memref<!tpu.dma_semaphore, #tpu.memory_space<semaphore_mem>>) src(%dma_wait3A_80 : memref<80x1x128xi32, #tpu.memory_space<hbm>>) dst(%arg9 : memref<80x1x128xi32, #tpu.memory_space<vmem>>)
    %barrier3A = arith.constant 0 : index
    tpu.barrier barrier_id(%barrier3A)
    %dma_start3A_81 = arith.constant 0 : i32
    %dma_start3A_82 = arith.constant 0 : i32
    %dma_start3A_83 = arith.constant 0 : i32
    %dma_start3A_84 = arith.constant 0 : i32
    %dma_start3A_85 = arith.constant 0 : i32
    %dma_start3A_86 = arith.constant 0 : i32
    %dma_start3A_87 = tpu.memref_slice %arg10[%dma_start3A_83, %dma_start3A_85, %dma_start3A_86] : memref<3x128x64xf32, #tpu.memory_space<vmem>> -> memref<1x128x64xf32, #tpu.memory_space<vmem>>
    %dma_start3A_88 = tpu.memref_squeeze %dma_start3A_87 : memref<1x128x64xf32, #tpu.memory_space<vmem>> -> memref<128x64xf32, #tpu.memory_space<vmem>>
    %dma_start3A_89 = arith.constant 0 : i32
    %dma_start3A_90 = tpu.memref_slice %arg8[%dma_start3A_81, %dma_start3A_82, %dma_start3A_89] : memref<80x1x128xi32, #tpu.memory_space<vmem>> -> memref<1x1x128xi32, #tpu.memory_space<vmem>>
    %dma_start3A_91 = tpu.memref_squeeze %dma_start3A_90 : memref<1x1x128xi32, #tpu.memory_space<vmem>> -> memref<128xi32, #tpu.memory_space<vmem>>
    %dma_start3A_92 = arith.constant 0 : i32
    %dma_start3A_93 = arith.constant 0 : i32
    %dma_start3A_94 = tpu.memref_slice %arg13[%dma_start3A_92, %dma_start3A_93] : memref<10240x64xf32, #tpu.memory_space<vmem_shared>> -> memref<10240x64xf32, #tpu.memory_space<vmem_shared>>
    %dma_start3A_95 = tpu.memref_slice %arg11[%dma_start3A_84] : memref<3x!tpu.dma_semaphore, #tpu.memory_space<semaphore_mem>> -> memref<1x!tpu.dma_semaphore, #tpu.memory_space<semaphore_mem>>
    %dma_start3A_96 = tpu.memref_squeeze %dma_start3A_95 : memref<1x!tpu.dma_semaphore, #tpu.memory_space<semaphore_mem>> -> memref<!tpu.dma_semaphore, #tpu.memory_space<semaphore_mem>>
    tpu.enqueue_indirect_dma source(%dma_start3A_94 : memref<10240x64xf32, #tpu.memory_space<vmem_shared>>) target(%dma_start3A_88 : memref<128x64xf32, #tpu.memory_space<vmem>>) offsets(%dma_start3A_91 : memref<128xi32, #tpu.memory_space<vmem>>) semaphore(%dma_start3A_96 : memref<!tpu.dma_semaphore, #tpu.memory_space<semaphore_mem>>)
    %dma_start3A_97 = arith.constant 1 : i32
    %dma_start3A_98 = arith.constant 0 : i32
    %dma_start3A_99 = arith.constant 1 : i32
    %dma_start3A_100 = arith.constant 1 : i32
    %dma_start3A_101 = arith.constant 0 : i32
    %dma_start3A_102 = arith.constant 0 : i32
    %dma_start3A_103 = tpu.memref_slice %arg10[%dma_start3A_99, %dma_start3A_101, %dma_start3A_102] : memref<3x128x64xf32, #tpu.memory_space<vmem>> -> memref<1x128x64xf32, #tpu.memory_space<vmem>>
    %dma_start3A_104 = tpu.memref_squeeze %dma_start3A_103 : memref<1x128x64xf32, #tpu.memory_space<vmem>> -> memref<128x64xf32, #tpu.memory_space<vmem>>
    %dma_start3A_105 = arith.constant 0 : i32
    %dma_start3A_106 = tpu.memref_slice %arg8[%dma_start3A_97, %dma_start3A_98, %dma_start3A_105] : memref<80x1x128xi32, #tpu.memory_space<vmem>> -> memref<1x1x128xi32, #tpu.memory_space<vmem>>
    %dma_start3A_107 = tpu.memref_squeeze %dma_start3A_106 : memref<1x1x128xi32, #tpu.memory_space<vmem>> -> memref<128xi32, #tpu.memory_space<vmem>>
    %dma_start3A_108 = arith.constant 0 : i32
    %dma_start3A_109 = arith.constant 0 : i32
    %dma_start3A_110 = tpu.memref_slice %arg13[%dma_start3A_108, %dma_start3A_109] : memref<10240x64xf32, #tpu.memory_space<vmem_shared>> -> memref<10240x64xf32, #tpu.memory_space<vmem_shared>>
    %dma_start3A_111 = tpu.memref_slice %arg11[%dma_start3A_100] : memref<3x!tpu.dma_semaphore, #tpu.memory_space<semaphore_mem>> -> memref<1x!tpu.dma_semaphore, #tpu.memory_space<semaphore_mem>>
    %dma_start3A_112 = tpu.memref_squeeze %dma_start3A_111 : memref<1x!tpu.dma_semaphore, #tpu.memory_space<semaphore_mem>> -> memref<!tpu.dma_semaphore, #tpu.memory_space<semaphore_mem>>
    tpu.enqueue_indirect_dma source(%dma_start3A_110 : memref<10240x64xf32, #tpu.memory_space<vmem_shared>>) target(%dma_start3A_104 : memref<128x64xf32, #tpu.memory_space<vmem>>) offsets(%dma_start3A_107 : memref<128xi32, #tpu.memory_space<vmem>>) semaphore(%dma_start3A_112 : memref<!tpu.dma_semaphore, #tpu.memory_space<semaphore_mem>>)
    %scan3A = arith.constant 0 : i32
    %scan3A_113 = arith.constant 80 : i32
    %scan3A_114 = arith.addi %scan3A, %scan3A_113 : i32
    %scan3A_115 = arith.constant 1 : i32
    scf.for %scan3A_141 = %scan3A to %scan3A_114 step %scan3A_115  : i32 {
      %rem3A = arith.constant 3 : i32
      %rem3A_142 = arith.remsi %scan3A_141, %rem3A : i32
      %ge3A = arith.constant 1 : i32
      %ge3A_143 = arith.cmpi sge, %scan3A_141, %ge3A : i32
      %convert_element_type3A = arith.extui %ge3A_143 : i1 to i32
      %cond3A = arith.constant 0 : i32
      %cond3A_144 = arith.cmpi ne, %convert_element_type3A, %cond3A : i32
      scf.if %cond3A_144 {
        %sub3A = arith.constant 1 : i32
        %sub3A_177 = arith.subi %scan3A_141, %sub3A : i32
        %rem3A_178 = arith.constant 3 : i32
        %rem3A_179 = arith.remsi %sub3A_177, %rem3A_178 : i32
        %sub3A_180 = arith.constant 1 : i32
        %sub3A_181 = arith.subi %scan3A_141, %sub3A_180 : i32
        %dma_wait3A_182 = arith.constant 0 : i32
        %dma_wait3A_183 = arith.constant 0 : i32
        %dma_wait3A_184 = arith.constant 0 : i32
        %dma_wait3A_185 = tpu.memref_slice %arg10[%rem3A_179, %dma_wait3A_183, %dma_wait3A_184] : memref<3x128x64xf32, #tpu.memory_space<vmem>> -> memref<1x128x64xf32, #tpu.memory_space<vmem>>
        %dma_wait3A_186 = tpu.memref_squeeze %dma_wait3A_185 : memref<1x128x64xf32, #tpu.memory_space<vmem>> -> memref<128x64xf32, #tpu.memory_space<vmem>>
        %dma_wait3A_187 = arith.constant 0 : i32
        %dma_wait3A_188 = tpu.memref_slice %arg9[%sub3A_181, %dma_wait3A_182, %dma_wait3A_187] : memref<80x1x128xi32, #tpu.memory_space<vmem>> -> memref<1x1x128xi32, #tpu.memory_space<vmem>>
        %dma_wait3A_189 = tpu.memref_squeeze %dma_wait3A_188 : memref<1x1x128xi32, #tpu.memory_space<vmem>> -> memref<128xi32, #tpu.memory_space<vmem>>
        %dma_wait3A_190 = arith.constant 0 : i32
        %dma_wait3A_191 = arith.constant 0 : i32
        %dma_wait3A_192 = tpu.memref_slice %arg7[%dma_wait3A_190, %dma_wait3A_191] : memref<10240x64xf32, #tpu.memory_space<vmem_shared>> -> memref<10240x64xf32, #tpu.memory_space<vmem_shared>>
        %dma_wait3A_193 = tpu.memref_slice %arg12[%rem3A_179] : memref<3x!tpu.dma_semaphore, #tpu.memory_space<semaphore_mem>> -> memref<1x!tpu.dma_semaphore, #tpu.memory_space<semaphore_mem>>
        %dma_wait3A_194 = tpu.memref_squeeze %dma_wait3A_193 : memref<1x!tpu.dma_semaphore, #tpu.memory_space<semaphore_mem>> -> memref<!tpu.dma_semaphore, #tpu.memory_space<semaphore_mem>>
        tpu.wait_indirect_dma semaphore(%dma_wait3A_194 : memref<!tpu.dma_semaphore, #tpu.memory_space<semaphore_mem>>) src(%dma_wait3A_186 : memref<128x64xf32, #tpu.memory_space<vmem>>) dst(%dma_wait3A_192 : memref<10240x64xf32, #tpu.memory_space<vmem_shared>>)
      } else {
      }
      %add3A_145 = arith.constant 2 : i32
      %add3A_146 = arith.addi %scan3A_141, %add3A_145 : i32
      %lt3A = arith.constant 80 : i32
      %lt3A_147 = arith.cmpi slt, %add3A_146, %lt3A : i32
      %convert_element_type3A_148 = arith.extui %lt3A_147 : i1 to i32
      %cond3A_149 = arith.constant 0 : i32
      %cond3A_150 = arith.cmpi ne, %convert_element_type3A_148, %cond3A_149 : i32
      scf.if %cond3A_150 {
        %add3A_177 = arith.constant 2 : i32
        %add3A_178 = arith.addi %scan3A_141, %add3A_177 : i32
        %rem3A_179 = arith.constant 3 : i32
        %rem3A_180 = arith.remsi %add3A_178, %rem3A_179 : i32
        %add3A_181 = arith.constant 2 : i32
        %add3A_182 = arith.addi %scan3A_141, %add3A_181 : i32
        %dma_start3A_183 = arith.constant 0 : i32
        %dma_start3A_184 = arith.constant 0 : i32
        %dma_start3A_185 = arith.constant 0 : i32
        %dma_start3A_186 = tpu.memref_slice %arg10[%rem3A_180, %dma_start3A_184, %dma_start3A_185] : memref<3x128x64xf32, #tpu.memory_space<vmem>> -> memref<1x128x64xf32, #tpu.memory_space<vmem>>
        %dma_start3A_187 = tpu.memref_squeeze %dma_start3A_186 : memref<1x128x64xf32, #tpu.memory_space<vmem>> -> memref<128x64xf32, #tpu.memory_space<vmem>>
        %dma_start3A_188 = arith.constant 0 : i32
        %dma_start3A_189 = tpu.memref_slice %arg8[%add3A_182, %dma_start3A_183, %dma_start3A_188] : memref<80x1x128xi32, #tpu.memory_space<vmem>> -> memref<1x1x128xi32, #tpu.memory_space<vmem>>
        %dma_start3A_190 = tpu.memref_squeeze %dma_start3A_189 : memref<1x1x128xi32, #tpu.memory_space<vmem>> -> memref<128xi32, #tpu.memory_space<vmem>>
        %dma_start3A_191 = arith.constant 0 : i32
        %dma_start3A_192 = arith.constant 0 : i32
        %dma_start3A_193 = tpu.memref_slice %arg13[%dma_start3A_191, %dma_start3A_192] : memref<10240x64xf32, #tpu.memory_space<vmem_shared>> -> memref<10240x64xf32, #tpu.memory_space<vmem_shared>>
        %dma_start3A_194 = tpu.memref_slice %arg11[%rem3A_180] : memref<3x!tpu.dma_semaphore, #tpu.memory_space<semaphore_mem>> -> memref<1x!tpu.dma_semaphore, #tpu.memory_space<semaphore_mem>>
        %dma_start3A_195 = tpu.memref_squeeze %dma_start3A_194 : memref<1x!tpu.dma_semaphore, #tpu.memory_space<semaphore_mem>> -> memref<!tpu.dma_semaphore, #tpu.memory_space<semaphore_mem>>
        tpu.enqueue_indirect_dma source(%dma_start3A_193 : memref<10240x64xf32, #tpu.memory_space<vmem_shared>>) target(%dma_start3A_187 : memref<128x64xf32, #tpu.memory_space<vmem>>) offsets(%dma_start3A_190 : memref<128xi32, #tpu.memory_space<vmem>>) semaphore(%dma_start3A_195 : memref<!tpu.dma_semaphore, #tpu.memory_space<semaphore_mem>>)
      } else {
      }
      %dma_wait3A_151 = arith.constant 0 : i32
      %dma_wait3A_152 = arith.constant 0 : i32
      %dma_wait3A_153 = arith.constant 0 : i32
      %dma_wait3A_154 = tpu.memref_slice %arg10[%rem3A_142, %dma_wait3A_152, %dma_wait3A_153] : memref<3x128x64xf32, #tpu.memory_space<vmem>> -> memref<1x128x64xf32, #tpu.memory_space<vmem>>
      %dma_wait3A_155 = tpu.memref_squeeze %dma_wait3A_154 : memref<1x128x64xf32, #tpu.memory_space<vmem>> -> memref<128x64xf32, #tpu.memory_space<vmem>>
      %dma_wait3A_156 = arith.constant 0 : i32
      %dma_wait3A_157 = tpu.memref_slice %arg8[%scan3A_141, %dma_wait3A_151, %dma_wait3A_156] : memref<80x1x128xi32, #tpu.memory_space<vmem>> -> memref<1x1x128xi32, #tpu.memory_space<vmem>>
      %dma_wait3A_158 = tpu.memref_squeeze %dma_wait3A_157 : memref<1x1x128xi32, #tpu.memory_space<vmem>> -> memref<128xi32, #tpu.memory_space<vmem>>
      %dma_wait3A_159 = arith.constant 0 : i32
      %dma_wait3A_160 = arith.constant 0 : i32
      %dma_wait3A_161 = tpu.memref_slice %arg13[%dma_wait3A_159, %dma_wait3A_160] : memref<10240x64xf32, #tpu.memory_space<vmem_shared>> -> memref<10240x64xf32, #tpu.memory_space<vmem_shared>>
      %dma_wait3A_162 = tpu.memref_slice %arg11[%rem3A_142] : memref<3x!tpu.dma_semaphore, #tpu.memory_space<semaphore_mem>> -> memref<1x!tpu.dma_semaphore, #tpu.memory_space<semaphore_mem>>
      %dma_wait3A_163 = tpu.memref_squeeze %dma_wait3A_162 : memref<1x!tpu.dma_semaphore, #tpu.memory_space<semaphore_mem>> -> memref<!tpu.dma_semaphore, #tpu.memory_space<semaphore_mem>>
      tpu.wait_indirect_dma semaphore(%dma_wait3A_163 : memref<!tpu.dma_semaphore, #tpu.memory_space<semaphore_mem>>) src(%dma_wait3A_161 : memref<10240x64xf32, #tpu.memory_space<vmem_shared>>) dst(%dma_wait3A_155 : memref<128x64xf32, #tpu.memory_space<vmem>>)
      %dma_start3A_164 = arith.constant 0 : i32
      %dma_start3A_165 = arith.constant 0 : i32
      %dma_start3A_166 = arith.constant 0 : i32
      %dma_start3A_167 = tpu.memref_slice %arg10[%rem3A_142, %dma_start3A_165, %dma_start3A_166] : memref<3x128x64xf32, #tpu.memory_space<vmem>> -> memref<1x128x64xf32, #tpu.memory_space<vmem>>
      %dma_start3A_168 = tpu.memref_squeeze %dma_start3A_167 : memref<1x128x64xf32, #tpu.memory_space<vmem>> -> memref<128x64xf32, #tpu.memory_space<vmem>>
      %dma_start3A_169 = arith.constant 0 : i32
      %dma_start3A_170 = tpu.memref_slice %arg9[%scan3A_141, %dma_start3A_164, %dma_start3A_169] : memref<80x1x128xi32, #tpu.memory_space<vmem>> -> memref<1x1x128xi32, #tpu.memory_space<vmem>>
      %dma_start3A_171 = tpu.memref_squeeze %dma_start3A_170 : memref<1x1x128xi32, #tpu.memory_space<vmem>> -> memref<128xi32, #tpu.memory_space<vmem>>
      %dma_start3A_172 = arith.constant 0 : i32
      %dma_start3A_173 = arith.constant 0 : i32
      %dma_start3A_174 = tpu.memref_slice %arg7[%dma_start3A_172, %dma_start3A_173] : memref<10240x64xf32, #tpu.memory_space<vmem_shared>> -> memref<10240x64xf32, #tpu.memory_space<vmem_shared>>
      %dma_start3A_175 = tpu.memref_slice %arg12[%rem3A_142] : memref<3x!tpu.dma_semaphore, #tpu.memory_space<semaphore_mem>> -> memref<1x!tpu.dma_semaphore, #tpu.memory_space<semaphore_mem>>
      %dma_start3A_176 = tpu.memref_squeeze %dma_start3A_175 : memref<1x!tpu.dma_semaphore, #tpu.memory_space<semaphore_mem>> -> memref<!tpu.dma_semaphore, #tpu.memory_space<semaphore_mem>>
      tpu.enqueue_indirect_dma source(%dma_start3A_168 : memref<128x64xf32, #tpu.memory_space<vmem>>) target(%dma_start3A_174 : memref<10240x64xf32, #tpu.memory_space<vmem_shared>>) offsets(%dma_start3A_171 : memref<128xi32, #tpu.memory_space<vmem>>) semaphore(%dma_start3A_176 : memref<!tpu.dma_semaphore, #tpu.memory_space<semaphore_mem>>) {add = true}
    }
    %scan3A_116 = arith.constant 80 : i32
    %dma_wait3A_117 = arith.constant 1 : i32
    %dma_wait3A_118 = arith.constant 79 : i32
    %dma_wait3A_119 = arith.constant 0 : i32
    %dma_wait3A_120 = arith.constant 1 : i32
    %dma_wait3A_121 = arith.constant 0 : i32
    %dma_wait3A_122 = arith.constant 0 : i32
    %dma_wait3A_123 = tpu.memref_slice %arg10[%dma_wait3A_117, %dma_wait3A_121, %dma_wait3A_122] : memref<3x128x64xf32, #tpu.memory_space<vmem>> -> memref<1x128x64xf32, #tpu.memory_space<vmem>>
    %dma_wait3A_124 = tpu.memref_squeeze %dma_wait3A_123 : memref<1x128x64xf32, #tpu.memory_space<vmem>> -> memref<128x64xf32, #tpu.memory_space<vmem>>
    %dma_wait3A_125 = arith.constant 0 : i32
    %dma_wait3A_126 = tpu.memref_slice %arg9[%dma_wait3A_118, %dma_wait3A_119, %dma_wait3A_125] : memref<80x1x128xi32, #tpu.memory_space<vmem>> -> memref<1x1x128xi32, #tpu.memory_space<vmem>>
    %dma_wait3A_127 = tpu.memref_squeeze %dma_wait3A_126 : memref<1x1x128xi32, #tpu.memory_space<vmem>> -> memref<128xi32, #tpu.memory_space<vmem>>
    %dma_wait3A_128 = arith.constant 0 : i32
    %dma_wait3A_129 = arith.constant 0 : i32
    %dma_wait3A_130 = tpu.memref_slice %arg7[%dma_wait3A_128, %dma_wait3A_129] : memref<10240x64xf32, #tpu.memory_space<vmem_shared>> -> memref<10240x64xf32, #tpu.memory_space<vmem_shared>>
    %dma_wait3A_131 = tpu.memref_slice %arg12[%dma_wait3A_120] : memref<3x!tpu.dma_semaphore, #tpu.memory_space<semaphore_mem>> -> memref<1x!tpu.dma_semaphore, #tpu.memory_space<semaphore_mem>>
    %dma_wait3A_132 = tpu.memref_squeeze %dma_wait3A_131 : memref<1x!tpu.dma_semaphore, #tpu.memory_space<semaphore_mem>> -> memref<!tpu.dma_semaphore, #tpu.memory_space<semaphore_mem>>
    tpu.wait_indirect_dma semaphore(%dma_wait3A_132 : memref<!tpu.dma_semaphore, #tpu.memory_space<semaphore_mem>>) src(%dma_wait3A_124 : memref<128x64xf32, #tpu.memory_space<vmem>>) dst(%dma_wait3A_130 : memref<10240x64xf32, #tpu.memory_space<vmem_shared>>)
    %barrier3A_133 = arith.constant 0 : index
    tpu.barrier barrier_id(%barrier3A_133)
    %mul3A_134 = arith.constant 10240 : i32
    %mul3A_135 = arith.muli %arg0, %mul3A_134 : i32
    %mul3A_136 = arith.constant 640 : i32
    %mul3A_137 = arith.muli %arg1, %mul3A_136 : i32
    %add3A_138 = arith.addi %mul3A_135, %mul3A_137 : i32
    %multiple_of3A = tpu.assume_multiple %add3A_138, 640 : i32
    %mul3A_139 = arith.constant 640 : i32
    %mul3A_140 = arith.muli %arg1, %mul3A_139 : i32
    "tpu.region"() ({
      %run_scoped3A = tpu.sem_alloc : memref<!tpu.dma_semaphore, #tpu.memory_space<semaphore_mem>>
      %dma_start3A_141 = arith.constant 0 : i32
      %dma_start3A_142 = tpu.memref_slice %arg6[%multiple_of3A, %dma_start3A_141] : memref<20480x64xf32, #tpu.memory_space<hbm>> -> memref<640x64xf32, #tpu.memory_space<hbm>>
      %dma_start3A_143 = arith.constant 0 : i32
      %dma_start3A_144 = tpu.memref_slice %arg7[%mul3A_140, %dma_start3A_143] : memref<10240x64xf32, #tpu.memory_space<vmem_shared>> -> memref<640x64xf32, #tpu.memory_space<vmem_shared>>
      tpu.enqueue_dma source(%dma_start3A_144 : memref<640x64xf32, #tpu.memory_space<vmem_shared>>) target(%dma_start3A_142 : memref<640x64xf32, #tpu.memory_space<hbm>>) target_semaphore(%run_scoped3A : memref<!tpu.dma_semaphore, #tpu.memory_space<semaphore_mem>>)
      %dma_wait3A_145 = arith.constant 0 : i32
      %dma_wait3A_146 = tpu.memref_slice %arg6[%multiple_of3A, %dma_wait3A_145] : memref<20480x64xf32, #tpu.memory_space<hbm>> -> memref<640x64xf32, #tpu.memory_space<hbm>>
      %dma_wait3A_147 = arith.constant 0 : i32
      %dma_wait3A_148 = tpu.memref_slice %arg7[%mul3A_140, %dma_wait3A_147] : memref<10240x64xf32, #tpu.memory_space<vmem_shared>> -> memref<640x64xf32, #tpu.memory_space<vmem_shared>>
      tpu.wait_dma2 semaphore(%run_scoped3A : memref<!tpu.dma_semaphore, #tpu.memory_space<semaphore_mem>>) src(%dma_wait3A_148 : memref<640x64xf32, #tpu.memory_space<vmem_shared>>) dst(%dma_wait3A_146 : memref<640x64xf32, #tpu.memory_space<hbm>>)
      tpu.yield
    }) : () -> ()
    return
  }
}

#map = affine_map<(d0, d1) -> (0, 0)>
#map1 = affine_map<(d0, d1) -> (0, 0, 0, 0)>
module attributes {stable_mosaic.version = 14 : i64} {
  func.func @_agg_body(%arg0: i32, %arg1: i32, %arg2: memref<10240x32xf32, #tpu.memory_space<hbm>>, %arg3: memref<32x40x1x256xi32, #tpu.memory_space<hbm>>, %arg4: memref<32x40x1x256xi32, #tpu.memory_space<hbm>>, %arg5: memref<640x32xf32, #tpu.memory_space<hbm>>, %arg6: memref<20480x32xf32, #tpu.memory_space<hbm>>, %arg7: memref<10240x32xf32, #tpu.memory_space<vmem_shared>>, %arg8: memref<40x1x256xi32, #tpu.memory_space<vmem>>, %arg9: memref<40x1x256xi32, #tpu.memory_space<vmem>>, %arg10: memref<3x256x32xf32, #tpu.memory_space<vmem>>, %arg11: memref<3x!tpu.dma_semaphore, #tpu.memory_space<semaphore_mem>>, %arg12: memref<3x!tpu.dma_semaphore, #tpu.memory_space<semaphore_mem>>, %arg13: memref<10240x32xf32, #tpu.memory_space<vmem_shared>>) attributes {dimension_semantics = [#tpu.dimension_semantics<core_parallel>, #tpu.dimension_semantics<subcore_parallel>], iteration_bounds = array<i64: 2, 16>, scalar_prefetch = 0 : i64, scratch_operands = 7 : i64, tpu.core_type = #tpu.core_type<sc_vector_subcore>, window_params = [{transform_indices = #map}, {transform_indices = #map1}, {transform_indices = #map1}, {transform_indices = #map}, {transform_indices = #map}]} {
    %mul3A = arith.constant 2 : i32
    %mul3A_0 = arith.muli %arg1, %mul3A : i32
    %add3A = arith.addi %mul3A_0, %arg0 : i32
    %mul3A_1 = arith.constant 640 : i32
    %mul3A_2 = arith.muli %arg1, %mul3A_1 : i32
    %dma_start3A = arith.constant 0 : i32
    %dma_start3A_3 = tpu.memref_slice %arg11[%dma_start3A] : memref<3x!tpu.dma_semaphore, #tpu.memory_space<semaphore_mem>> -> memref<1x!tpu.dma_semaphore, #tpu.memory_space<semaphore_mem>>
    %dma_start3A_4 = tpu.memref_squeeze %dma_start3A_3 : memref<1x!tpu.dma_semaphore, #tpu.memory_space<semaphore_mem>> -> memref<!tpu.dma_semaphore, #tpu.memory_space<semaphore_mem>>
    %dma_start3A_5 = arith.constant 0 : i32
    %dma_start3A_6 = tpu.memref_slice %arg7[%mul3A_2, %dma_start3A_5] : memref<10240x32xf32, #tpu.memory_space<vmem_shared>> -> memref<640x32xf32, #tpu.memory_space<vmem_shared>>
    tpu.enqueue_dma source(%arg5 : memref<640x32xf32, #tpu.memory_space<hbm>>) target(%dma_start3A_6 : memref<640x32xf32, #tpu.memory_space<vmem_shared>>) target_semaphore(%dma_start3A_4 : memref<!tpu.dma_semaphore, #tpu.memory_space<semaphore_mem>>)
    %dma_start3A_7 = arith.constant 1 : i32
    %dma_start3A_8 = arith.constant 0 : i32
    %dma_start3A_9 = arith.constant 0 : i32
    %dma_start3A_10 = arith.constant 0 : i32
    %dma_start3A_11 = tpu.memref_slice %arg3[%add3A, %dma_start3A_8, %dma_start3A_9, %dma_start3A_10] : memref<32x40x1x256xi32, #tpu.memory_space<hbm>> -> memref<1x40x1x256xi32, #tpu.memory_space<hbm>>
    %dma_start3A_12 = tpu.memref_squeeze %dma_start3A_11 : memref<1x40x1x256xi32, #tpu.memory_space<hbm>> -> memref<40x1x256xi32, #tpu.memory_space<hbm>>
    %dma_start3A_13 = tpu.memref_slice %arg11[%dma_start3A_7] : memref<3x!tpu.dma_semaphore, #tpu.memory_space<semaphore_mem>> -> memref<1x!tpu.dma_semaphore, #tpu.memory_space<semaphore_mem>>
    %dma_start3A_14 = tpu.memref_squeeze %dma_start3A_13 : memref<1x!tpu.dma_semaphore, #tpu.memory_space<semaphore_mem>> -> memref<!tpu.dma_semaphore, #tpu.memory_space<semaphore_mem>>
    %dma_start3A_15 = arith.constant 0 : i32
    %dma_start3A_16 = arith.constant 0 : i32
    %dma_start3A_17 = arith.constant 0 : i32
    %dma_start3A_18 = tpu.memref_slice %arg3[%add3A, %dma_start3A_15, %dma_start3A_16, %dma_start3A_17] : memref<32x40x1x256xi32, #tpu.memory_space<hbm>> -> memref<1x40x1x256xi32, #tpu.memory_space<hbm>>
    %dma_start3A_19 = tpu.memref_squeeze %dma_start3A_18 : memref<1x40x1x256xi32, #tpu.memory_space<hbm>> -> memref<40x1x256xi32, #tpu.memory_space<hbm>>
    tpu.enqueue_dma source(%dma_start3A_19 : memref<40x1x256xi32, #tpu.memory_space<hbm>>) target(%arg8 : memref<40x1x256xi32, #tpu.memory_space<vmem>>) target_semaphore(%dma_start3A_14 : memref<!tpu.dma_semaphore, #tpu.memory_space<semaphore_mem>>)
    %dma_start3A_20 = arith.constant 2 : i32
    %dma_start3A_21 = arith.constant 0 : i32
    %dma_start3A_22 = arith.constant 0 : i32
    %dma_start3A_23 = arith.constant 0 : i32
    %dma_start3A_24 = tpu.memref_slice %arg4[%add3A, %dma_start3A_21, %dma_start3A_22, %dma_start3A_23] : memref<32x40x1x256xi32, #tpu.memory_space<hbm>> -> memref<1x40x1x256xi32, #tpu.memory_space<hbm>>
    %dma_start3A_25 = tpu.memref_squeeze %dma_start3A_24 : memref<1x40x1x256xi32, #tpu.memory_space<hbm>> -> memref<40x1x256xi32, #tpu.memory_space<hbm>>
    %dma_start3A_26 = tpu.memref_slice %arg11[%dma_start3A_20] : memref<3x!tpu.dma_semaphore, #tpu.memory_space<semaphore_mem>> -> memref<1x!tpu.dma_semaphore, #tpu.memory_space<semaphore_mem>>
    %dma_start3A_27 = tpu.memref_squeeze %dma_start3A_26 : memref<1x!tpu.dma_semaphore, #tpu.memory_space<semaphore_mem>> -> memref<!tpu.dma_semaphore, #tpu.memory_space<semaphore_mem>>
    %dma_start3A_28 = arith.constant 0 : i32
    %dma_start3A_29 = arith.constant 0 : i32
    %dma_start3A_30 = arith.constant 0 : i32
    %dma_start3A_31 = tpu.memref_slice %arg4[%add3A, %dma_start3A_28, %dma_start3A_29, %dma_start3A_30] : memref<32x40x1x256xi32, #tpu.memory_space<hbm>> -> memref<1x40x1x256xi32, #tpu.memory_space<hbm>>
    %dma_start3A_32 = tpu.memref_squeeze %dma_start3A_31 : memref<1x40x1x256xi32, #tpu.memory_space<hbm>> -> memref<40x1x256xi32, #tpu.memory_space<hbm>>
    tpu.enqueue_dma source(%dma_start3A_32 : memref<40x1x256xi32, #tpu.memory_space<hbm>>) target(%arg9 : memref<40x1x256xi32, #tpu.memory_space<vmem>>) target_semaphore(%dma_start3A_27 : memref<!tpu.dma_semaphore, #tpu.memory_space<semaphore_mem>>)
    %mul3A_33 = arith.constant 640 : i32
    %mul3A_34 = arith.muli %arg1, %mul3A_33 : i32
    %mul3A_35 = arith.constant 640 : i32
    %mul3A_36 = arith.muli %arg1, %mul3A_35 : i32
    %dma_start3A_37 = arith.constant 0 : i32
    %dma_start3A_38 = tpu.memref_slice %arg12[%dma_start3A_37] : memref<3x!tpu.dma_semaphore, #tpu.memory_space<semaphore_mem>> -> memref<1x!tpu.dma_semaphore, #tpu.memory_space<semaphore_mem>>
    %dma_start3A_39 = tpu.memref_squeeze %dma_start3A_38 : memref<1x!tpu.dma_semaphore, #tpu.memory_space<semaphore_mem>> -> memref<!tpu.dma_semaphore, #tpu.memory_space<semaphore_mem>>
    %dma_start3A_40 = arith.constant 0 : i32
    %dma_start3A_41 = tpu.memref_slice %arg13[%mul3A_36, %dma_start3A_40] : memref<10240x32xf32, #tpu.memory_space<vmem_shared>> -> memref<640x32xf32, #tpu.memory_space<vmem_shared>>
    %dma_start3A_42 = arith.constant 0 : i32
    %dma_start3A_43 = tpu.memref_slice %arg2[%mul3A_34, %dma_start3A_42] : memref<10240x32xf32, #tpu.memory_space<hbm>> -> memref<640x32xf32, #tpu.memory_space<hbm>>
    tpu.enqueue_dma source(%dma_start3A_43 : memref<640x32xf32, #tpu.memory_space<hbm>>) target(%dma_start3A_41 : memref<640x32xf32, #tpu.memory_space<vmem_shared>>) target_semaphore(%dma_start3A_39 : memref<!tpu.dma_semaphore, #tpu.memory_space<semaphore_mem>>)
    %dma_wait3A = arith.constant 0 : i32
    %dma_wait3A_44 = tpu.memref_slice %arg12[%dma_wait3A] : memref<3x!tpu.dma_semaphore, #tpu.memory_space<semaphore_mem>> -> memref<1x!tpu.dma_semaphore, #tpu.memory_space<semaphore_mem>>
    %dma_wait3A_45 = tpu.memref_squeeze %dma_wait3A_44 : memref<1x!tpu.dma_semaphore, #tpu.memory_space<semaphore_mem>> -> memref<!tpu.dma_semaphore, #tpu.memory_space<semaphore_mem>>
    %dma_wait3A_46 = arith.constant 0 : i32
    %dma_wait3A_47 = tpu.memref_slice %arg13[%mul3A_36, %dma_wait3A_46] : memref<10240x32xf32, #tpu.memory_space<vmem_shared>> -> memref<640x32xf32, #tpu.memory_space<vmem_shared>>
    %dma_wait3A_48 = arith.constant 0 : i32
    %dma_wait3A_49 = tpu.memref_slice %arg2[%mul3A_34, %dma_wait3A_48] : memref<10240x32xf32, #tpu.memory_space<hbm>> -> memref<640x32xf32, #tpu.memory_space<hbm>>
    tpu.wait_dma2 semaphore(%dma_wait3A_45 : memref<!tpu.dma_semaphore, #tpu.memory_space<semaphore_mem>>) src(%dma_wait3A_49 : memref<640x32xf32, #tpu.memory_space<hbm>>) dst(%dma_wait3A_47 : memref<640x32xf32, #tpu.memory_space<vmem_shared>>)
    %dma_wait3A_50 = arith.constant 0 : i32
    %dma_wait3A_51 = tpu.memref_slice %arg11[%dma_wait3A_50] : memref<3x!tpu.dma_semaphore, #tpu.memory_space<semaphore_mem>> -> memref<1x!tpu.dma_semaphore, #tpu.memory_space<semaphore_mem>>
    %dma_wait3A_52 = tpu.memref_squeeze %dma_wait3A_51 : memref<1x!tpu.dma_semaphore, #tpu.memory_space<semaphore_mem>> -> memref<!tpu.dma_semaphore, #tpu.memory_space<semaphore_mem>>
    %dma_wait3A_53 = arith.constant 0 : i32
    %dma_wait3A_54 = tpu.memref_slice %arg7[%mul3A_2, %dma_wait3A_53] : memref<10240x32xf32, #tpu.memory_space<vmem_shared>> -> memref<640x32xf32, #tpu.memory_space<vmem_shared>>
    tpu.wait_dma2 semaphore(%dma_wait3A_52 : memref<!tpu.dma_semaphore, #tpu.memory_space<semaphore_mem>>) src(%arg5 : memref<640x32xf32, #tpu.memory_space<hbm>>) dst(%dma_wait3A_54 : memref<640x32xf32, #tpu.memory_space<vmem_shared>>)
    %dma_wait3A_55 = arith.constant 1 : i32
    %dma_wait3A_56 = arith.constant 0 : i32
    %dma_wait3A_57 = arith.constant 0 : i32
    %dma_wait3A_58 = arith.constant 0 : i32
    %dma_wait3A_59 = tpu.memref_slice %arg3[%add3A, %dma_wait3A_56, %dma_wait3A_57, %dma_wait3A_58] : memref<32x40x1x256xi32, #tpu.memory_space<hbm>> -> memref<1x40x1x256xi32, #tpu.memory_space<hbm>>
    %dma_wait3A_60 = tpu.memref_squeeze %dma_wait3A_59 : memref<1x40x1x256xi32, #tpu.memory_space<hbm>> -> memref<40x1x256xi32, #tpu.memory_space<hbm>>
    %dma_wait3A_61 = tpu.memref_slice %arg11[%dma_wait3A_55] : memref<3x!tpu.dma_semaphore, #tpu.memory_space<semaphore_mem>> -> memref<1x!tpu.dma_semaphore, #tpu.memory_space<semaphore_mem>>
    %dma_wait3A_62 = tpu.memref_squeeze %dma_wait3A_61 : memref<1x!tpu.dma_semaphore, #tpu.memory_space<semaphore_mem>> -> memref<!tpu.dma_semaphore, #tpu.memory_space<semaphore_mem>>
    %dma_wait3A_63 = arith.constant 0 : i32
    %dma_wait3A_64 = arith.constant 0 : i32
    %dma_wait3A_65 = arith.constant 0 : i32
    %dma_wait3A_66 = tpu.memref_slice %arg3[%add3A, %dma_wait3A_63, %dma_wait3A_64, %dma_wait3A_65] : memref<32x40x1x256xi32, #tpu.memory_space<hbm>> -> memref<1x40x1x256xi32, #tpu.memory_space<hbm>>
    %dma_wait3A_67 = tpu.memref_squeeze %dma_wait3A_66 : memref<1x40x1x256xi32, #tpu.memory_space<hbm>> -> memref<40x1x256xi32, #tpu.memory_space<hbm>>
    tpu.wait_dma2 semaphore(%dma_wait3A_62 : memref<!tpu.dma_semaphore, #tpu.memory_space<semaphore_mem>>) src(%dma_wait3A_67 : memref<40x1x256xi32, #tpu.memory_space<hbm>>) dst(%arg8 : memref<40x1x256xi32, #tpu.memory_space<vmem>>)
    %dma_wait3A_68 = arith.constant 2 : i32
    %dma_wait3A_69 = arith.constant 0 : i32
    %dma_wait3A_70 = arith.constant 0 : i32
    %dma_wait3A_71 = arith.constant 0 : i32
    %dma_wait3A_72 = tpu.memref_slice %arg4[%add3A, %dma_wait3A_69, %dma_wait3A_70, %dma_wait3A_71] : memref<32x40x1x256xi32, #tpu.memory_space<hbm>> -> memref<1x40x1x256xi32, #tpu.memory_space<hbm>>
    %dma_wait3A_73 = tpu.memref_squeeze %dma_wait3A_72 : memref<1x40x1x256xi32, #tpu.memory_space<hbm>> -> memref<40x1x256xi32, #tpu.memory_space<hbm>>
    %dma_wait3A_74 = tpu.memref_slice %arg11[%dma_wait3A_68] : memref<3x!tpu.dma_semaphore, #tpu.memory_space<semaphore_mem>> -> memref<1x!tpu.dma_semaphore, #tpu.memory_space<semaphore_mem>>
    %dma_wait3A_75 = tpu.memref_squeeze %dma_wait3A_74 : memref<1x!tpu.dma_semaphore, #tpu.memory_space<semaphore_mem>> -> memref<!tpu.dma_semaphore, #tpu.memory_space<semaphore_mem>>
    %dma_wait3A_76 = arith.constant 0 : i32
    %dma_wait3A_77 = arith.constant 0 : i32
    %dma_wait3A_78 = arith.constant 0 : i32
    %dma_wait3A_79 = tpu.memref_slice %arg4[%add3A, %dma_wait3A_76, %dma_wait3A_77, %dma_wait3A_78] : memref<32x40x1x256xi32, #tpu.memory_space<hbm>> -> memref<1x40x1x256xi32, #tpu.memory_space<hbm>>
    %dma_wait3A_80 = tpu.memref_squeeze %dma_wait3A_79 : memref<1x40x1x256xi32, #tpu.memory_space<hbm>> -> memref<40x1x256xi32, #tpu.memory_space<hbm>>
    tpu.wait_dma2 semaphore(%dma_wait3A_75 : memref<!tpu.dma_semaphore, #tpu.memory_space<semaphore_mem>>) src(%dma_wait3A_80 : memref<40x1x256xi32, #tpu.memory_space<hbm>>) dst(%arg9 : memref<40x1x256xi32, #tpu.memory_space<vmem>>)
    %barrier3A = arith.constant 0 : index
    tpu.barrier barrier_id(%barrier3A)
    %dma_start3A_81 = arith.constant 0 : i32
    %dma_start3A_82 = arith.constant 0 : i32
    %dma_start3A_83 = arith.constant 0 : i32
    %dma_start3A_84 = arith.constant 0 : i32
    %dma_start3A_85 = arith.constant 0 : i32
    %dma_start3A_86 = arith.constant 0 : i32
    %dma_start3A_87 = tpu.memref_slice %arg10[%dma_start3A_83, %dma_start3A_85, %dma_start3A_86] : memref<3x256x32xf32, #tpu.memory_space<vmem>> -> memref<1x256x32xf32, #tpu.memory_space<vmem>>
    %dma_start3A_88 = tpu.memref_squeeze %dma_start3A_87 : memref<1x256x32xf32, #tpu.memory_space<vmem>> -> memref<256x32xf32, #tpu.memory_space<vmem>>
    %dma_start3A_89 = arith.constant 0 : i32
    %dma_start3A_90 = tpu.memref_slice %arg8[%dma_start3A_81, %dma_start3A_82, %dma_start3A_89] : memref<40x1x256xi32, #tpu.memory_space<vmem>> -> memref<1x1x256xi32, #tpu.memory_space<vmem>>
    %dma_start3A_91 = tpu.memref_squeeze %dma_start3A_90 : memref<1x1x256xi32, #tpu.memory_space<vmem>> -> memref<256xi32, #tpu.memory_space<vmem>>
    %dma_start3A_92 = arith.constant 0 : i32
    %dma_start3A_93 = arith.constant 0 : i32
    %dma_start3A_94 = tpu.memref_slice %arg13[%dma_start3A_92, %dma_start3A_93] : memref<10240x32xf32, #tpu.memory_space<vmem_shared>> -> memref<10240x32xf32, #tpu.memory_space<vmem_shared>>
    %dma_start3A_95 = tpu.memref_slice %arg11[%dma_start3A_84] : memref<3x!tpu.dma_semaphore, #tpu.memory_space<semaphore_mem>> -> memref<1x!tpu.dma_semaphore, #tpu.memory_space<semaphore_mem>>
    %dma_start3A_96 = tpu.memref_squeeze %dma_start3A_95 : memref<1x!tpu.dma_semaphore, #tpu.memory_space<semaphore_mem>> -> memref<!tpu.dma_semaphore, #tpu.memory_space<semaphore_mem>>
    tpu.enqueue_indirect_dma source(%dma_start3A_94 : memref<10240x32xf32, #tpu.memory_space<vmem_shared>>) target(%dma_start3A_88 : memref<256x32xf32, #tpu.memory_space<vmem>>) offsets(%dma_start3A_91 : memref<256xi32, #tpu.memory_space<vmem>>) semaphore(%dma_start3A_96 : memref<!tpu.dma_semaphore, #tpu.memory_space<semaphore_mem>>)
    %dma_start3A_97 = arith.constant 1 : i32
    %dma_start3A_98 = arith.constant 0 : i32
    %dma_start3A_99 = arith.constant 1 : i32
    %dma_start3A_100 = arith.constant 1 : i32
    %dma_start3A_101 = arith.constant 0 : i32
    %dma_start3A_102 = arith.constant 0 : i32
    %dma_start3A_103 = tpu.memref_slice %arg10[%dma_start3A_99, %dma_start3A_101, %dma_start3A_102] : memref<3x256x32xf32, #tpu.memory_space<vmem>> -> memref<1x256x32xf32, #tpu.memory_space<vmem>>
    %dma_start3A_104 = tpu.memref_squeeze %dma_start3A_103 : memref<1x256x32xf32, #tpu.memory_space<vmem>> -> memref<256x32xf32, #tpu.memory_space<vmem>>
    %dma_start3A_105 = arith.constant 0 : i32
    %dma_start3A_106 = tpu.memref_slice %arg8[%dma_start3A_97, %dma_start3A_98, %dma_start3A_105] : memref<40x1x256xi32, #tpu.memory_space<vmem>> -> memref<1x1x256xi32, #tpu.memory_space<vmem>>
    %dma_start3A_107 = tpu.memref_squeeze %dma_start3A_106 : memref<1x1x256xi32, #tpu.memory_space<vmem>> -> memref<256xi32, #tpu.memory_space<vmem>>
    %dma_start3A_108 = arith.constant 0 : i32
    %dma_start3A_109 = arith.constant 0 : i32
    %dma_start3A_110 = tpu.memref_slice %arg13[%dma_start3A_108, %dma_start3A_109] : memref<10240x32xf32, #tpu.memory_space<vmem_shared>> -> memref<10240x32xf32, #tpu.memory_space<vmem_shared>>
    %dma_start3A_111 = tpu.memref_slice %arg11[%dma_start3A_100] : memref<3x!tpu.dma_semaphore, #tpu.memory_space<semaphore_mem>> -> memref<1x!tpu.dma_semaphore, #tpu.memory_space<semaphore_mem>>
    %dma_start3A_112 = tpu.memref_squeeze %dma_start3A_111 : memref<1x!tpu.dma_semaphore, #tpu.memory_space<semaphore_mem>> -> memref<!tpu.dma_semaphore, #tpu.memory_space<semaphore_mem>>
    tpu.enqueue_indirect_dma source(%dma_start3A_110 : memref<10240x32xf32, #tpu.memory_space<vmem_shared>>) target(%dma_start3A_104 : memref<256x32xf32, #tpu.memory_space<vmem>>) offsets(%dma_start3A_107 : memref<256xi32, #tpu.memory_space<vmem>>) semaphore(%dma_start3A_112 : memref<!tpu.dma_semaphore, #tpu.memory_space<semaphore_mem>>)
    %scan3A = arith.constant 0 : i32
    %scan3A_113 = arith.constant 40 : i32
    %scan3A_114 = arith.addi %scan3A, %scan3A_113 : i32
    %scan3A_115 = arith.constant 1 : i32
    scf.for %scan3A_141 = %scan3A to %scan3A_114 step %scan3A_115  : i32 {
      %rem3A = arith.constant 3 : i32
      %rem3A_142 = arith.remsi %scan3A_141, %rem3A : i32
      %ge3A = arith.constant 1 : i32
      %ge3A_143 = arith.cmpi sge, %scan3A_141, %ge3A : i32
      %convert_element_type3A = arith.extui %ge3A_143 : i1 to i32
      %cond3A = arith.constant 0 : i32
      %cond3A_144 = arith.cmpi ne, %convert_element_type3A, %cond3A : i32
      scf.if %cond3A_144 {
        %sub3A = arith.constant 1 : i32
        %sub3A_177 = arith.subi %scan3A_141, %sub3A : i32
        %rem3A_178 = arith.constant 3 : i32
        %rem3A_179 = arith.remsi %sub3A_177, %rem3A_178 : i32
        %sub3A_180 = arith.constant 1 : i32
        %sub3A_181 = arith.subi %scan3A_141, %sub3A_180 : i32
        %dma_wait3A_182 = arith.constant 0 : i32
        %dma_wait3A_183 = arith.constant 0 : i32
        %dma_wait3A_184 = arith.constant 0 : i32
        %dma_wait3A_185 = tpu.memref_slice %arg10[%rem3A_179, %dma_wait3A_183, %dma_wait3A_184] : memref<3x256x32xf32, #tpu.memory_space<vmem>> -> memref<1x256x32xf32, #tpu.memory_space<vmem>>
        %dma_wait3A_186 = tpu.memref_squeeze %dma_wait3A_185 : memref<1x256x32xf32, #tpu.memory_space<vmem>> -> memref<256x32xf32, #tpu.memory_space<vmem>>
        %dma_wait3A_187 = arith.constant 0 : i32
        %dma_wait3A_188 = tpu.memref_slice %arg9[%sub3A_181, %dma_wait3A_182, %dma_wait3A_187] : memref<40x1x256xi32, #tpu.memory_space<vmem>> -> memref<1x1x256xi32, #tpu.memory_space<vmem>>
        %dma_wait3A_189 = tpu.memref_squeeze %dma_wait3A_188 : memref<1x1x256xi32, #tpu.memory_space<vmem>> -> memref<256xi32, #tpu.memory_space<vmem>>
        %dma_wait3A_190 = arith.constant 0 : i32
        %dma_wait3A_191 = arith.constant 0 : i32
        %dma_wait3A_192 = tpu.memref_slice %arg7[%dma_wait3A_190, %dma_wait3A_191] : memref<10240x32xf32, #tpu.memory_space<vmem_shared>> -> memref<10240x32xf32, #tpu.memory_space<vmem_shared>>
        %dma_wait3A_193 = tpu.memref_slice %arg12[%rem3A_179] : memref<3x!tpu.dma_semaphore, #tpu.memory_space<semaphore_mem>> -> memref<1x!tpu.dma_semaphore, #tpu.memory_space<semaphore_mem>>
        %dma_wait3A_194 = tpu.memref_squeeze %dma_wait3A_193 : memref<1x!tpu.dma_semaphore, #tpu.memory_space<semaphore_mem>> -> memref<!tpu.dma_semaphore, #tpu.memory_space<semaphore_mem>>
        tpu.wait_indirect_dma semaphore(%dma_wait3A_194 : memref<!tpu.dma_semaphore, #tpu.memory_space<semaphore_mem>>) src(%dma_wait3A_186 : memref<256x32xf32, #tpu.memory_space<vmem>>) dst(%dma_wait3A_192 : memref<10240x32xf32, #tpu.memory_space<vmem_shared>>)
      } else {
      }
      %add3A_145 = arith.constant 2 : i32
      %add3A_146 = arith.addi %scan3A_141, %add3A_145 : i32
      %lt3A = arith.constant 40 : i32
      %lt3A_147 = arith.cmpi slt, %add3A_146, %lt3A : i32
      %convert_element_type3A_148 = arith.extui %lt3A_147 : i1 to i32
      %cond3A_149 = arith.constant 0 : i32
      %cond3A_150 = arith.cmpi ne, %convert_element_type3A_148, %cond3A_149 : i32
      scf.if %cond3A_150 {
        %add3A_177 = arith.constant 2 : i32
        %add3A_178 = arith.addi %scan3A_141, %add3A_177 : i32
        %rem3A_179 = arith.constant 3 : i32
        %rem3A_180 = arith.remsi %add3A_178, %rem3A_179 : i32
        %add3A_181 = arith.constant 2 : i32
        %add3A_182 = arith.addi %scan3A_141, %add3A_181 : i32
        %dma_start3A_183 = arith.constant 0 : i32
        %dma_start3A_184 = arith.constant 0 : i32
        %dma_start3A_185 = arith.constant 0 : i32
        %dma_start3A_186 = tpu.memref_slice %arg10[%rem3A_180, %dma_start3A_184, %dma_start3A_185] : memref<3x256x32xf32, #tpu.memory_space<vmem>> -> memref<1x256x32xf32, #tpu.memory_space<vmem>>
        %dma_start3A_187 = tpu.memref_squeeze %dma_start3A_186 : memref<1x256x32xf32, #tpu.memory_space<vmem>> -> memref<256x32xf32, #tpu.memory_space<vmem>>
        %dma_start3A_188 = arith.constant 0 : i32
        %dma_start3A_189 = tpu.memref_slice %arg8[%add3A_182, %dma_start3A_183, %dma_start3A_188] : memref<40x1x256xi32, #tpu.memory_space<vmem>> -> memref<1x1x256xi32, #tpu.memory_space<vmem>>
        %dma_start3A_190 = tpu.memref_squeeze %dma_start3A_189 : memref<1x1x256xi32, #tpu.memory_space<vmem>> -> memref<256xi32, #tpu.memory_space<vmem>>
        %dma_start3A_191 = arith.constant 0 : i32
        %dma_start3A_192 = arith.constant 0 : i32
        %dma_start3A_193 = tpu.memref_slice %arg13[%dma_start3A_191, %dma_start3A_192] : memref<10240x32xf32, #tpu.memory_space<vmem_shared>> -> memref<10240x32xf32, #tpu.memory_space<vmem_shared>>
        %dma_start3A_194 = tpu.memref_slice %arg11[%rem3A_180] : memref<3x!tpu.dma_semaphore, #tpu.memory_space<semaphore_mem>> -> memref<1x!tpu.dma_semaphore, #tpu.memory_space<semaphore_mem>>
        %dma_start3A_195 = tpu.memref_squeeze %dma_start3A_194 : memref<1x!tpu.dma_semaphore, #tpu.memory_space<semaphore_mem>> -> memref<!tpu.dma_semaphore, #tpu.memory_space<semaphore_mem>>
        tpu.enqueue_indirect_dma source(%dma_start3A_193 : memref<10240x32xf32, #tpu.memory_space<vmem_shared>>) target(%dma_start3A_187 : memref<256x32xf32, #tpu.memory_space<vmem>>) offsets(%dma_start3A_190 : memref<256xi32, #tpu.memory_space<vmem>>) semaphore(%dma_start3A_195 : memref<!tpu.dma_semaphore, #tpu.memory_space<semaphore_mem>>)
      } else {
      }
      %dma_wait3A_151 = arith.constant 0 : i32
      %dma_wait3A_152 = arith.constant 0 : i32
      %dma_wait3A_153 = arith.constant 0 : i32
      %dma_wait3A_154 = tpu.memref_slice %arg10[%rem3A_142, %dma_wait3A_152, %dma_wait3A_153] : memref<3x256x32xf32, #tpu.memory_space<vmem>> -> memref<1x256x32xf32, #tpu.memory_space<vmem>>
      %dma_wait3A_155 = tpu.memref_squeeze %dma_wait3A_154 : memref<1x256x32xf32, #tpu.memory_space<vmem>> -> memref<256x32xf32, #tpu.memory_space<vmem>>
      %dma_wait3A_156 = arith.constant 0 : i32
      %dma_wait3A_157 = tpu.memref_slice %arg8[%scan3A_141, %dma_wait3A_151, %dma_wait3A_156] : memref<40x1x256xi32, #tpu.memory_space<vmem>> -> memref<1x1x256xi32, #tpu.memory_space<vmem>>
      %dma_wait3A_158 = tpu.memref_squeeze %dma_wait3A_157 : memref<1x1x256xi32, #tpu.memory_space<vmem>> -> memref<256xi32, #tpu.memory_space<vmem>>
      %dma_wait3A_159 = arith.constant 0 : i32
      %dma_wait3A_160 = arith.constant 0 : i32
      %dma_wait3A_161 = tpu.memref_slice %arg13[%dma_wait3A_159, %dma_wait3A_160] : memref<10240x32xf32, #tpu.memory_space<vmem_shared>> -> memref<10240x32xf32, #tpu.memory_space<vmem_shared>>
      %dma_wait3A_162 = tpu.memref_slice %arg11[%rem3A_142] : memref<3x!tpu.dma_semaphore, #tpu.memory_space<semaphore_mem>> -> memref<1x!tpu.dma_semaphore, #tpu.memory_space<semaphore_mem>>
      %dma_wait3A_163 = tpu.memref_squeeze %dma_wait3A_162 : memref<1x!tpu.dma_semaphore, #tpu.memory_space<semaphore_mem>> -> memref<!tpu.dma_semaphore, #tpu.memory_space<semaphore_mem>>
      tpu.wait_indirect_dma semaphore(%dma_wait3A_163 : memref<!tpu.dma_semaphore, #tpu.memory_space<semaphore_mem>>) src(%dma_wait3A_161 : memref<10240x32xf32, #tpu.memory_space<vmem_shared>>) dst(%dma_wait3A_155 : memref<256x32xf32, #tpu.memory_space<vmem>>)
      %dma_start3A_164 = arith.constant 0 : i32
      %dma_start3A_165 = arith.constant 0 : i32
      %dma_start3A_166 = arith.constant 0 : i32
      %dma_start3A_167 = tpu.memref_slice %arg10[%rem3A_142, %dma_start3A_165, %dma_start3A_166] : memref<3x256x32xf32, #tpu.memory_space<vmem>> -> memref<1x256x32xf32, #tpu.memory_space<vmem>>
      %dma_start3A_168 = tpu.memref_squeeze %dma_start3A_167 : memref<1x256x32xf32, #tpu.memory_space<vmem>> -> memref<256x32xf32, #tpu.memory_space<vmem>>
      %dma_start3A_169 = arith.constant 0 : i32
      %dma_start3A_170 = tpu.memref_slice %arg9[%scan3A_141, %dma_start3A_164, %dma_start3A_169] : memref<40x1x256xi32, #tpu.memory_space<vmem>> -> memref<1x1x256xi32, #tpu.memory_space<vmem>>
      %dma_start3A_171 = tpu.memref_squeeze %dma_start3A_170 : memref<1x1x256xi32, #tpu.memory_space<vmem>> -> memref<256xi32, #tpu.memory_space<vmem>>
      %dma_start3A_172 = arith.constant 0 : i32
      %dma_start3A_173 = arith.constant 0 : i32
      %dma_start3A_174 = tpu.memref_slice %arg7[%dma_start3A_172, %dma_start3A_173] : memref<10240x32xf32, #tpu.memory_space<vmem_shared>> -> memref<10240x32xf32, #tpu.memory_space<vmem_shared>>
      %dma_start3A_175 = tpu.memref_slice %arg12[%rem3A_142] : memref<3x!tpu.dma_semaphore, #tpu.memory_space<semaphore_mem>> -> memref<1x!tpu.dma_semaphore, #tpu.memory_space<semaphore_mem>>
      %dma_start3A_176 = tpu.memref_squeeze %dma_start3A_175 : memref<1x!tpu.dma_semaphore, #tpu.memory_space<semaphore_mem>> -> memref<!tpu.dma_semaphore, #tpu.memory_space<semaphore_mem>>
      tpu.enqueue_indirect_dma source(%dma_start3A_168 : memref<256x32xf32, #tpu.memory_space<vmem>>) target(%dma_start3A_174 : memref<10240x32xf32, #tpu.memory_space<vmem_shared>>) offsets(%dma_start3A_171 : memref<256xi32, #tpu.memory_space<vmem>>) semaphore(%dma_start3A_176 : memref<!tpu.dma_semaphore, #tpu.memory_space<semaphore_mem>>) {add = true}
    }
    %scan3A_116 = arith.constant 40 : i32
    %dma_wait3A_117 = arith.constant 0 : i32
    %dma_wait3A_118 = arith.constant 39 : i32
    %dma_wait3A_119 = arith.constant 0 : i32
    %dma_wait3A_120 = arith.constant 0 : i32
    %dma_wait3A_121 = arith.constant 0 : i32
    %dma_wait3A_122 = arith.constant 0 : i32
    %dma_wait3A_123 = tpu.memref_slice %arg10[%dma_wait3A_117, %dma_wait3A_121, %dma_wait3A_122] : memref<3x256x32xf32, #tpu.memory_space<vmem>> -> memref<1x256x32xf32, #tpu.memory_space<vmem>>
    %dma_wait3A_124 = tpu.memref_squeeze %dma_wait3A_123 : memref<1x256x32xf32, #tpu.memory_space<vmem>> -> memref<256x32xf32, #tpu.memory_space<vmem>>
    %dma_wait3A_125 = arith.constant 0 : i32
    %dma_wait3A_126 = tpu.memref_slice %arg9[%dma_wait3A_118, %dma_wait3A_119, %dma_wait3A_125] : memref<40x1x256xi32, #tpu.memory_space<vmem>> -> memref<1x1x256xi32, #tpu.memory_space<vmem>>
    %dma_wait3A_127 = tpu.memref_squeeze %dma_wait3A_126 : memref<1x1x256xi32, #tpu.memory_space<vmem>> -> memref<256xi32, #tpu.memory_space<vmem>>
    %dma_wait3A_128 = arith.constant 0 : i32
    %dma_wait3A_129 = arith.constant 0 : i32
    %dma_wait3A_130 = tpu.memref_slice %arg7[%dma_wait3A_128, %dma_wait3A_129] : memref<10240x32xf32, #tpu.memory_space<vmem_shared>> -> memref<10240x32xf32, #tpu.memory_space<vmem_shared>>
    %dma_wait3A_131 = tpu.memref_slice %arg12[%dma_wait3A_120] : memref<3x!tpu.dma_semaphore, #tpu.memory_space<semaphore_mem>> -> memref<1x!tpu.dma_semaphore, #tpu.memory_space<semaphore_mem>>
    %dma_wait3A_132 = tpu.memref_squeeze %dma_wait3A_131 : memref<1x!tpu.dma_semaphore, #tpu.memory_space<semaphore_mem>> -> memref<!tpu.dma_semaphore, #tpu.memory_space<semaphore_mem>>
    tpu.wait_indirect_dma semaphore(%dma_wait3A_132 : memref<!tpu.dma_semaphore, #tpu.memory_space<semaphore_mem>>) src(%dma_wait3A_124 : memref<256x32xf32, #tpu.memory_space<vmem>>) dst(%dma_wait3A_130 : memref<10240x32xf32, #tpu.memory_space<vmem_shared>>)
    %barrier3A_133 = arith.constant 0 : index
    tpu.barrier barrier_id(%barrier3A_133)
    %mul3A_134 = arith.constant 10240 : i32
    %mul3A_135 = arith.muli %arg0, %mul3A_134 : i32
    %mul3A_136 = arith.constant 640 : i32
    %mul3A_137 = arith.muli %arg1, %mul3A_136 : i32
    %add3A_138 = arith.addi %mul3A_135, %mul3A_137 : i32
    %multiple_of3A = tpu.assume_multiple %add3A_138, 640 : i32
    %mul3A_139 = arith.constant 640 : i32
    %mul3A_140 = arith.muli %arg1, %mul3A_139 : i32
    "tpu.region"() ({
      %run_scoped3A = tpu.sem_alloc : memref<!tpu.dma_semaphore, #tpu.memory_space<semaphore_mem>>
      %dma_start3A_141 = arith.constant 0 : i32
      %dma_start3A_142 = tpu.memref_slice %arg6[%multiple_of3A, %dma_start3A_141] : memref<20480x32xf32, #tpu.memory_space<hbm>> -> memref<640x32xf32, #tpu.memory_space<hbm>>
      %dma_start3A_143 = arith.constant 0 : i32
      %dma_start3A_144 = tpu.memref_slice %arg7[%mul3A_140, %dma_start3A_143] : memref<10240x32xf32, #tpu.memory_space<vmem_shared>> -> memref<640x32xf32, #tpu.memory_space<vmem_shared>>
      tpu.enqueue_dma source(%dma_start3A_144 : memref<640x32xf32, #tpu.memory_space<vmem_shared>>) target(%dma_start3A_142 : memref<640x32xf32, #tpu.memory_space<hbm>>) target_semaphore(%run_scoped3A : memref<!tpu.dma_semaphore, #tpu.memory_space<semaphore_mem>>)
      %dma_wait3A_145 = arith.constant 0 : i32
      %dma_wait3A_146 = tpu.memref_slice %arg6[%multiple_of3A, %dma_wait3A_145] : memref<20480x32xf32, #tpu.memory_space<hbm>> -> memref<640x32xf32, #tpu.memory_space<hbm>>
      %dma_wait3A_147 = arith.constant 0 : i32
      %dma_wait3A_148 = tpu.memref_slice %arg7[%mul3A_140, %dma_wait3A_147] : memref<10240x32xf32, #tpu.memory_space<vmem_shared>> -> memref<640x32xf32, #tpu.memory_space<vmem_shared>>
      tpu.wait_dma2 semaphore(%run_scoped3A : memref<!tpu.dma_semaphore, #tpu.memory_space<semaphore_mem>>) src(%dma_wait3A_148 : memref<640x32xf32, #tpu.memory_space<vmem_shared>>) dst(%dma_wait3A_146 : memref<640x32xf32, #tpu.memory_space<hbm>>)
      tpu.yield
    }) : () -> ()
    return
  }
}

#map = affine_map<(d0, d1) -> (0, 0)>
#map1 = affine_map<(d0, d1) -> (0, 0, 0, 0)>
module attributes {stable_mosaic.version = 14 : i64} {
  func.func @_agg_body(%arg0: i32, %arg1: i32, %arg2: memref<10240x8xf32, #tpu.memory_space<hbm>>, %arg3: memref<32x40x1x256xi32, #tpu.memory_space<hbm>>, %arg4: memref<32x40x1x256xi32, #tpu.memory_space<hbm>>, %arg5: memref<640x8xf32, #tpu.memory_space<hbm>>, %arg6: memref<20480x8xf32, #tpu.memory_space<hbm>>, %arg7: memref<10240x8xf32, #tpu.memory_space<vmem_shared>>, %arg8: memref<40x1x256xi32, #tpu.memory_space<vmem>>, %arg9: memref<40x1x256xi32, #tpu.memory_space<vmem>>, %arg10: memref<3x256x8xf32, #tpu.memory_space<vmem>>, %arg11: memref<3x!tpu.dma_semaphore, #tpu.memory_space<semaphore_mem>>, %arg12: memref<3x!tpu.dma_semaphore, #tpu.memory_space<semaphore_mem>>, %arg13: memref<10240x8xf32, #tpu.memory_space<vmem_shared>>) attributes {dimension_semantics = [#tpu.dimension_semantics<core_parallel>, #tpu.dimension_semantics<subcore_parallel>], iteration_bounds = array<i64: 2, 16>, scalar_prefetch = 0 : i64, scratch_operands = 7 : i64, tpu.core_type = #tpu.core_type<sc_vector_subcore>, window_params = [{transform_indices = #map}, {transform_indices = #map1}, {transform_indices = #map1}, {transform_indices = #map}, {transform_indices = #map}]} {
    %mul3A = arith.constant 2 : i32
    %mul3A_0 = arith.muli %arg1, %mul3A : i32
    %add3A = arith.addi %mul3A_0, %arg0 : i32
    %mul3A_1 = arith.constant 640 : i32
    %mul3A_2 = arith.muli %arg1, %mul3A_1 : i32
    %dma_start3A = arith.constant 0 : i32
    %dma_start3A_3 = tpu.memref_slice %arg11[%dma_start3A] : memref<3x!tpu.dma_semaphore, #tpu.memory_space<semaphore_mem>> -> memref<1x!tpu.dma_semaphore, #tpu.memory_space<semaphore_mem>>
    %dma_start3A_4 = tpu.memref_squeeze %dma_start3A_3 : memref<1x!tpu.dma_semaphore, #tpu.memory_space<semaphore_mem>> -> memref<!tpu.dma_semaphore, #tpu.memory_space<semaphore_mem>>
    %dma_start3A_5 = arith.constant 0 : i32
    %dma_start3A_6 = tpu.memref_slice %arg7[%mul3A_2, %dma_start3A_5] : memref<10240x8xf32, #tpu.memory_space<vmem_shared>> -> memref<640x8xf32, #tpu.memory_space<vmem_shared>>
    tpu.enqueue_dma source(%arg5 : memref<640x8xf32, #tpu.memory_space<hbm>>) target(%dma_start3A_6 : memref<640x8xf32, #tpu.memory_space<vmem_shared>>) target_semaphore(%dma_start3A_4 : memref<!tpu.dma_semaphore, #tpu.memory_space<semaphore_mem>>)
    %dma_start3A_7 = arith.constant 1 : i32
    %dma_start3A_8 = arith.constant 0 : i32
    %dma_start3A_9 = arith.constant 0 : i32
    %dma_start3A_10 = arith.constant 0 : i32
    %dma_start3A_11 = tpu.memref_slice %arg3[%add3A, %dma_start3A_8, %dma_start3A_9, %dma_start3A_10] : memref<32x40x1x256xi32, #tpu.memory_space<hbm>> -> memref<1x40x1x256xi32, #tpu.memory_space<hbm>>
    %dma_start3A_12 = tpu.memref_squeeze %dma_start3A_11 : memref<1x40x1x256xi32, #tpu.memory_space<hbm>> -> memref<40x1x256xi32, #tpu.memory_space<hbm>>
    %dma_start3A_13 = tpu.memref_slice %arg11[%dma_start3A_7] : memref<3x!tpu.dma_semaphore, #tpu.memory_space<semaphore_mem>> -> memref<1x!tpu.dma_semaphore, #tpu.memory_space<semaphore_mem>>
    %dma_start3A_14 = tpu.memref_squeeze %dma_start3A_13 : memref<1x!tpu.dma_semaphore, #tpu.memory_space<semaphore_mem>> -> memref<!tpu.dma_semaphore, #tpu.memory_space<semaphore_mem>>
    %dma_start3A_15 = arith.constant 0 : i32
    %dma_start3A_16 = arith.constant 0 : i32
    %dma_start3A_17 = arith.constant 0 : i32
    %dma_start3A_18 = tpu.memref_slice %arg3[%add3A, %dma_start3A_15, %dma_start3A_16, %dma_start3A_17] : memref<32x40x1x256xi32, #tpu.memory_space<hbm>> -> memref<1x40x1x256xi32, #tpu.memory_space<hbm>>
    %dma_start3A_19 = tpu.memref_squeeze %dma_start3A_18 : memref<1x40x1x256xi32, #tpu.memory_space<hbm>> -> memref<40x1x256xi32, #tpu.memory_space<hbm>>
    tpu.enqueue_dma source(%dma_start3A_19 : memref<40x1x256xi32, #tpu.memory_space<hbm>>) target(%arg8 : memref<40x1x256xi32, #tpu.memory_space<vmem>>) target_semaphore(%dma_start3A_14 : memref<!tpu.dma_semaphore, #tpu.memory_space<semaphore_mem>>)
    %dma_start3A_20 = arith.constant 2 : i32
    %dma_start3A_21 = arith.constant 0 : i32
    %dma_start3A_22 = arith.constant 0 : i32
    %dma_start3A_23 = arith.constant 0 : i32
    %dma_start3A_24 = tpu.memref_slice %arg4[%add3A, %dma_start3A_21, %dma_start3A_22, %dma_start3A_23] : memref<32x40x1x256xi32, #tpu.memory_space<hbm>> -> memref<1x40x1x256xi32, #tpu.memory_space<hbm>>
    %dma_start3A_25 = tpu.memref_squeeze %dma_start3A_24 : memref<1x40x1x256xi32, #tpu.memory_space<hbm>> -> memref<40x1x256xi32, #tpu.memory_space<hbm>>
    %dma_start3A_26 = tpu.memref_slice %arg11[%dma_start3A_20] : memref<3x!tpu.dma_semaphore, #tpu.memory_space<semaphore_mem>> -> memref<1x!tpu.dma_semaphore, #tpu.memory_space<semaphore_mem>>
    %dma_start3A_27 = tpu.memref_squeeze %dma_start3A_26 : memref<1x!tpu.dma_semaphore, #tpu.memory_space<semaphore_mem>> -> memref<!tpu.dma_semaphore, #tpu.memory_space<semaphore_mem>>
    %dma_start3A_28 = arith.constant 0 : i32
    %dma_start3A_29 = arith.constant 0 : i32
    %dma_start3A_30 = arith.constant 0 : i32
    %dma_start3A_31 = tpu.memref_slice %arg4[%add3A, %dma_start3A_28, %dma_start3A_29, %dma_start3A_30] : memref<32x40x1x256xi32, #tpu.memory_space<hbm>> -> memref<1x40x1x256xi32, #tpu.memory_space<hbm>>
    %dma_start3A_32 = tpu.memref_squeeze %dma_start3A_31 : memref<1x40x1x256xi32, #tpu.memory_space<hbm>> -> memref<40x1x256xi32, #tpu.memory_space<hbm>>
    tpu.enqueue_dma source(%dma_start3A_32 : memref<40x1x256xi32, #tpu.memory_space<hbm>>) target(%arg9 : memref<40x1x256xi32, #tpu.memory_space<vmem>>) target_semaphore(%dma_start3A_27 : memref<!tpu.dma_semaphore, #tpu.memory_space<semaphore_mem>>)
    %mul3A_33 = arith.constant 640 : i32
    %mul3A_34 = arith.muli %arg1, %mul3A_33 : i32
    %mul3A_35 = arith.constant 640 : i32
    %mul3A_36 = arith.muli %arg1, %mul3A_35 : i32
    %dma_start3A_37 = arith.constant 0 : i32
    %dma_start3A_38 = tpu.memref_slice %arg12[%dma_start3A_37] : memref<3x!tpu.dma_semaphore, #tpu.memory_space<semaphore_mem>> -> memref<1x!tpu.dma_semaphore, #tpu.memory_space<semaphore_mem>>
    %dma_start3A_39 = tpu.memref_squeeze %dma_start3A_38 : memref<1x!tpu.dma_semaphore, #tpu.memory_space<semaphore_mem>> -> memref<!tpu.dma_semaphore, #tpu.memory_space<semaphore_mem>>
    %dma_start3A_40 = arith.constant 0 : i32
    %dma_start3A_41 = tpu.memref_slice %arg13[%mul3A_36, %dma_start3A_40] : memref<10240x8xf32, #tpu.memory_space<vmem_shared>> -> memref<640x8xf32, #tpu.memory_space<vmem_shared>>
    %dma_start3A_42 = arith.constant 0 : i32
    %dma_start3A_43 = tpu.memref_slice %arg2[%mul3A_34, %dma_start3A_42] : memref<10240x8xf32, #tpu.memory_space<hbm>> -> memref<640x8xf32, #tpu.memory_space<hbm>>
    tpu.enqueue_dma source(%dma_start3A_43 : memref<640x8xf32, #tpu.memory_space<hbm>>) target(%dma_start3A_41 : memref<640x8xf32, #tpu.memory_space<vmem_shared>>) target_semaphore(%dma_start3A_39 : memref<!tpu.dma_semaphore, #tpu.memory_space<semaphore_mem>>)
    %dma_wait3A = arith.constant 0 : i32
    %dma_wait3A_44 = tpu.memref_slice %arg12[%dma_wait3A] : memref<3x!tpu.dma_semaphore, #tpu.memory_space<semaphore_mem>> -> memref<1x!tpu.dma_semaphore, #tpu.memory_space<semaphore_mem>>
    %dma_wait3A_45 = tpu.memref_squeeze %dma_wait3A_44 : memref<1x!tpu.dma_semaphore, #tpu.memory_space<semaphore_mem>> -> memref<!tpu.dma_semaphore, #tpu.memory_space<semaphore_mem>>
    %dma_wait3A_46 = arith.constant 0 : i32
    %dma_wait3A_47 = tpu.memref_slice %arg13[%mul3A_36, %dma_wait3A_46] : memref<10240x8xf32, #tpu.memory_space<vmem_shared>> -> memref<640x8xf32, #tpu.memory_space<vmem_shared>>
    %dma_wait3A_48 = arith.constant 0 : i32
    %dma_wait3A_49 = tpu.memref_slice %arg2[%mul3A_34, %dma_wait3A_48] : memref<10240x8xf32, #tpu.memory_space<hbm>> -> memref<640x8xf32, #tpu.memory_space<hbm>>
    tpu.wait_dma2 semaphore(%dma_wait3A_45 : memref<!tpu.dma_semaphore, #tpu.memory_space<semaphore_mem>>) src(%dma_wait3A_49 : memref<640x8xf32, #tpu.memory_space<hbm>>) dst(%dma_wait3A_47 : memref<640x8xf32, #tpu.memory_space<vmem_shared>>)
    %dma_wait3A_50 = arith.constant 0 : i32
    %dma_wait3A_51 = tpu.memref_slice %arg11[%dma_wait3A_50] : memref<3x!tpu.dma_semaphore, #tpu.memory_space<semaphore_mem>> -> memref<1x!tpu.dma_semaphore, #tpu.memory_space<semaphore_mem>>
    %dma_wait3A_52 = tpu.memref_squeeze %dma_wait3A_51 : memref<1x!tpu.dma_semaphore, #tpu.memory_space<semaphore_mem>> -> memref<!tpu.dma_semaphore, #tpu.memory_space<semaphore_mem>>
    %dma_wait3A_53 = arith.constant 0 : i32
    %dma_wait3A_54 = tpu.memref_slice %arg7[%mul3A_2, %dma_wait3A_53] : memref<10240x8xf32, #tpu.memory_space<vmem_shared>> -> memref<640x8xf32, #tpu.memory_space<vmem_shared>>
    tpu.wait_dma2 semaphore(%dma_wait3A_52 : memref<!tpu.dma_semaphore, #tpu.memory_space<semaphore_mem>>) src(%arg5 : memref<640x8xf32, #tpu.memory_space<hbm>>) dst(%dma_wait3A_54 : memref<640x8xf32, #tpu.memory_space<vmem_shared>>)
    %dma_wait3A_55 = arith.constant 1 : i32
    %dma_wait3A_56 = arith.constant 0 : i32
    %dma_wait3A_57 = arith.constant 0 : i32
    %dma_wait3A_58 = arith.constant 0 : i32
    %dma_wait3A_59 = tpu.memref_slice %arg3[%add3A, %dma_wait3A_56, %dma_wait3A_57, %dma_wait3A_58] : memref<32x40x1x256xi32, #tpu.memory_space<hbm>> -> memref<1x40x1x256xi32, #tpu.memory_space<hbm>>
    %dma_wait3A_60 = tpu.memref_squeeze %dma_wait3A_59 : memref<1x40x1x256xi32, #tpu.memory_space<hbm>> -> memref<40x1x256xi32, #tpu.memory_space<hbm>>
    %dma_wait3A_61 = tpu.memref_slice %arg11[%dma_wait3A_55] : memref<3x!tpu.dma_semaphore, #tpu.memory_space<semaphore_mem>> -> memref<1x!tpu.dma_semaphore, #tpu.memory_space<semaphore_mem>>
    %dma_wait3A_62 = tpu.memref_squeeze %dma_wait3A_61 : memref<1x!tpu.dma_semaphore, #tpu.memory_space<semaphore_mem>> -> memref<!tpu.dma_semaphore, #tpu.memory_space<semaphore_mem>>
    %dma_wait3A_63 = arith.constant 0 : i32
    %dma_wait3A_64 = arith.constant 0 : i32
    %dma_wait3A_65 = arith.constant 0 : i32
    %dma_wait3A_66 = tpu.memref_slice %arg3[%add3A, %dma_wait3A_63, %dma_wait3A_64, %dma_wait3A_65] : memref<32x40x1x256xi32, #tpu.memory_space<hbm>> -> memref<1x40x1x256xi32, #tpu.memory_space<hbm>>
    %dma_wait3A_67 = tpu.memref_squeeze %dma_wait3A_66 : memref<1x40x1x256xi32, #tpu.memory_space<hbm>> -> memref<40x1x256xi32, #tpu.memory_space<hbm>>
    tpu.wait_dma2 semaphore(%dma_wait3A_62 : memref<!tpu.dma_semaphore, #tpu.memory_space<semaphore_mem>>) src(%dma_wait3A_67 : memref<40x1x256xi32, #tpu.memory_space<hbm>>) dst(%arg8 : memref<40x1x256xi32, #tpu.memory_space<vmem>>)
    %dma_wait3A_68 = arith.constant 2 : i32
    %dma_wait3A_69 = arith.constant 0 : i32
    %dma_wait3A_70 = arith.constant 0 : i32
    %dma_wait3A_71 = arith.constant 0 : i32
    %dma_wait3A_72 = tpu.memref_slice %arg4[%add3A, %dma_wait3A_69, %dma_wait3A_70, %dma_wait3A_71] : memref<32x40x1x256xi32, #tpu.memory_space<hbm>> -> memref<1x40x1x256xi32, #tpu.memory_space<hbm>>
    %dma_wait3A_73 = tpu.memref_squeeze %dma_wait3A_72 : memref<1x40x1x256xi32, #tpu.memory_space<hbm>> -> memref<40x1x256xi32, #tpu.memory_space<hbm>>
    %dma_wait3A_74 = tpu.memref_slice %arg11[%dma_wait3A_68] : memref<3x!tpu.dma_semaphore, #tpu.memory_space<semaphore_mem>> -> memref<1x!tpu.dma_semaphore, #tpu.memory_space<semaphore_mem>>
    %dma_wait3A_75 = tpu.memref_squeeze %dma_wait3A_74 : memref<1x!tpu.dma_semaphore, #tpu.memory_space<semaphore_mem>> -> memref<!tpu.dma_semaphore, #tpu.memory_space<semaphore_mem>>
    %dma_wait3A_76 = arith.constant 0 : i32
    %dma_wait3A_77 = arith.constant 0 : i32
    %dma_wait3A_78 = arith.constant 0 : i32
    %dma_wait3A_79 = tpu.memref_slice %arg4[%add3A, %dma_wait3A_76, %dma_wait3A_77, %dma_wait3A_78] : memref<32x40x1x256xi32, #tpu.memory_space<hbm>> -> memref<1x40x1x256xi32, #tpu.memory_space<hbm>>
    %dma_wait3A_80 = tpu.memref_squeeze %dma_wait3A_79 : memref<1x40x1x256xi32, #tpu.memory_space<hbm>> -> memref<40x1x256xi32, #tpu.memory_space<hbm>>
    tpu.wait_dma2 semaphore(%dma_wait3A_75 : memref<!tpu.dma_semaphore, #tpu.memory_space<semaphore_mem>>) src(%dma_wait3A_80 : memref<40x1x256xi32, #tpu.memory_space<hbm>>) dst(%arg9 : memref<40x1x256xi32, #tpu.memory_space<vmem>>)
    %barrier3A = arith.constant 0 : index
    tpu.barrier barrier_id(%barrier3A)
    %dma_start3A_81 = arith.constant 0 : i32
    %dma_start3A_82 = arith.constant 0 : i32
    %dma_start3A_83 = arith.constant 0 : i32
    %dma_start3A_84 = arith.constant 0 : i32
    %dma_start3A_85 = arith.constant 0 : i32
    %dma_start3A_86 = arith.constant 0 : i32
    %dma_start3A_87 = tpu.memref_slice %arg10[%dma_start3A_83, %dma_start3A_85, %dma_start3A_86] : memref<3x256x8xf32, #tpu.memory_space<vmem>> -> memref<1x256x8xf32, #tpu.memory_space<vmem>>
    %dma_start3A_88 = tpu.memref_squeeze %dma_start3A_87 : memref<1x256x8xf32, #tpu.memory_space<vmem>> -> memref<256x8xf32, #tpu.memory_space<vmem>>
    %dma_start3A_89 = arith.constant 0 : i32
    %dma_start3A_90 = tpu.memref_slice %arg8[%dma_start3A_81, %dma_start3A_82, %dma_start3A_89] : memref<40x1x256xi32, #tpu.memory_space<vmem>> -> memref<1x1x256xi32, #tpu.memory_space<vmem>>
    %dma_start3A_91 = tpu.memref_squeeze %dma_start3A_90 : memref<1x1x256xi32, #tpu.memory_space<vmem>> -> memref<256xi32, #tpu.memory_space<vmem>>
    %dma_start3A_92 = arith.constant 0 : i32
    %dma_start3A_93 = arith.constant 0 : i32
    %dma_start3A_94 = tpu.memref_slice %arg13[%dma_start3A_92, %dma_start3A_93] : memref<10240x8xf32, #tpu.memory_space<vmem_shared>> -> memref<10240x8xf32, #tpu.memory_space<vmem_shared>>
    %dma_start3A_95 = tpu.memref_slice %arg11[%dma_start3A_84] : memref<3x!tpu.dma_semaphore, #tpu.memory_space<semaphore_mem>> -> memref<1x!tpu.dma_semaphore, #tpu.memory_space<semaphore_mem>>
    %dma_start3A_96 = tpu.memref_squeeze %dma_start3A_95 : memref<1x!tpu.dma_semaphore, #tpu.memory_space<semaphore_mem>> -> memref<!tpu.dma_semaphore, #tpu.memory_space<semaphore_mem>>
    tpu.enqueue_indirect_dma source(%dma_start3A_94 : memref<10240x8xf32, #tpu.memory_space<vmem_shared>>) target(%dma_start3A_88 : memref<256x8xf32, #tpu.memory_space<vmem>>) offsets(%dma_start3A_91 : memref<256xi32, #tpu.memory_space<vmem>>) semaphore(%dma_start3A_96 : memref<!tpu.dma_semaphore, #tpu.memory_space<semaphore_mem>>)
    %dma_start3A_97 = arith.constant 1 : i32
    %dma_start3A_98 = arith.constant 0 : i32
    %dma_start3A_99 = arith.constant 1 : i32
    %dma_start3A_100 = arith.constant 1 : i32
    %dma_start3A_101 = arith.constant 0 : i32
    %dma_start3A_102 = arith.constant 0 : i32
    %dma_start3A_103 = tpu.memref_slice %arg10[%dma_start3A_99, %dma_start3A_101, %dma_start3A_102] : memref<3x256x8xf32, #tpu.memory_space<vmem>> -> memref<1x256x8xf32, #tpu.memory_space<vmem>>
    %dma_start3A_104 = tpu.memref_squeeze %dma_start3A_103 : memref<1x256x8xf32, #tpu.memory_space<vmem>> -> memref<256x8xf32, #tpu.memory_space<vmem>>
    %dma_start3A_105 = arith.constant 0 : i32
    %dma_start3A_106 = tpu.memref_slice %arg8[%dma_start3A_97, %dma_start3A_98, %dma_start3A_105] : memref<40x1x256xi32, #tpu.memory_space<vmem>> -> memref<1x1x256xi32, #tpu.memory_space<vmem>>
    %dma_start3A_107 = tpu.memref_squeeze %dma_start3A_106 : memref<1x1x256xi32, #tpu.memory_space<vmem>> -> memref<256xi32, #tpu.memory_space<vmem>>
    %dma_start3A_108 = arith.constant 0 : i32
    %dma_start3A_109 = arith.constant 0 : i32
    %dma_start3A_110 = tpu.memref_slice %arg13[%dma_start3A_108, %dma_start3A_109] : memref<10240x8xf32, #tpu.memory_space<vmem_shared>> -> memref<10240x8xf32, #tpu.memory_space<vmem_shared>>
    %dma_start3A_111 = tpu.memref_slice %arg11[%dma_start3A_100] : memref<3x!tpu.dma_semaphore, #tpu.memory_space<semaphore_mem>> -> memref<1x!tpu.dma_semaphore, #tpu.memory_space<semaphore_mem>>
    %dma_start3A_112 = tpu.memref_squeeze %dma_start3A_111 : memref<1x!tpu.dma_semaphore, #tpu.memory_space<semaphore_mem>> -> memref<!tpu.dma_semaphore, #tpu.memory_space<semaphore_mem>>
    tpu.enqueue_indirect_dma source(%dma_start3A_110 : memref<10240x8xf32, #tpu.memory_space<vmem_shared>>) target(%dma_start3A_104 : memref<256x8xf32, #tpu.memory_space<vmem>>) offsets(%dma_start3A_107 : memref<256xi32, #tpu.memory_space<vmem>>) semaphore(%dma_start3A_112 : memref<!tpu.dma_semaphore, #tpu.memory_space<semaphore_mem>>)
    %scan3A = arith.constant 0 : i32
    %scan3A_113 = arith.constant 40 : i32
    %scan3A_114 = arith.addi %scan3A, %scan3A_113 : i32
    %scan3A_115 = arith.constant 1 : i32
    scf.for %scan3A_141 = %scan3A to %scan3A_114 step %scan3A_115  : i32 {
      %rem3A = arith.constant 3 : i32
      %rem3A_142 = arith.remsi %scan3A_141, %rem3A : i32
      %ge3A = arith.constant 1 : i32
      %ge3A_143 = arith.cmpi sge, %scan3A_141, %ge3A : i32
      %convert_element_type3A = arith.extui %ge3A_143 : i1 to i32
      %cond3A = arith.constant 0 : i32
      %cond3A_144 = arith.cmpi ne, %convert_element_type3A, %cond3A : i32
      scf.if %cond3A_144 {
        %sub3A = arith.constant 1 : i32
        %sub3A_177 = arith.subi %scan3A_141, %sub3A : i32
        %rem3A_178 = arith.constant 3 : i32
        %rem3A_179 = arith.remsi %sub3A_177, %rem3A_178 : i32
        %sub3A_180 = arith.constant 1 : i32
        %sub3A_181 = arith.subi %scan3A_141, %sub3A_180 : i32
        %dma_wait3A_182 = arith.constant 0 : i32
        %dma_wait3A_183 = arith.constant 0 : i32
        %dma_wait3A_184 = arith.constant 0 : i32
        %dma_wait3A_185 = tpu.memref_slice %arg10[%rem3A_179, %dma_wait3A_183, %dma_wait3A_184] : memref<3x256x8xf32, #tpu.memory_space<vmem>> -> memref<1x256x8xf32, #tpu.memory_space<vmem>>
        %dma_wait3A_186 = tpu.memref_squeeze %dma_wait3A_185 : memref<1x256x8xf32, #tpu.memory_space<vmem>> -> memref<256x8xf32, #tpu.memory_space<vmem>>
        %dma_wait3A_187 = arith.constant 0 : i32
        %dma_wait3A_188 = tpu.memref_slice %arg9[%sub3A_181, %dma_wait3A_182, %dma_wait3A_187] : memref<40x1x256xi32, #tpu.memory_space<vmem>> -> memref<1x1x256xi32, #tpu.memory_space<vmem>>
        %dma_wait3A_189 = tpu.memref_squeeze %dma_wait3A_188 : memref<1x1x256xi32, #tpu.memory_space<vmem>> -> memref<256xi32, #tpu.memory_space<vmem>>
        %dma_wait3A_190 = arith.constant 0 : i32
        %dma_wait3A_191 = arith.constant 0 : i32
        %dma_wait3A_192 = tpu.memref_slice %arg7[%dma_wait3A_190, %dma_wait3A_191] : memref<10240x8xf32, #tpu.memory_space<vmem_shared>> -> memref<10240x8xf32, #tpu.memory_space<vmem_shared>>
        %dma_wait3A_193 = tpu.memref_slice %arg12[%rem3A_179] : memref<3x!tpu.dma_semaphore, #tpu.memory_space<semaphore_mem>> -> memref<1x!tpu.dma_semaphore, #tpu.memory_space<semaphore_mem>>
        %dma_wait3A_194 = tpu.memref_squeeze %dma_wait3A_193 : memref<1x!tpu.dma_semaphore, #tpu.memory_space<semaphore_mem>> -> memref<!tpu.dma_semaphore, #tpu.memory_space<semaphore_mem>>
        tpu.wait_indirect_dma semaphore(%dma_wait3A_194 : memref<!tpu.dma_semaphore, #tpu.memory_space<semaphore_mem>>) src(%dma_wait3A_186 : memref<256x8xf32, #tpu.memory_space<vmem>>) dst(%dma_wait3A_192 : memref<10240x8xf32, #tpu.memory_space<vmem_shared>>)
      } else {
      }
      %add3A_145 = arith.constant 2 : i32
      %add3A_146 = arith.addi %scan3A_141, %add3A_145 : i32
      %lt3A = arith.constant 40 : i32
      %lt3A_147 = arith.cmpi slt, %add3A_146, %lt3A : i32
      %convert_element_type3A_148 = arith.extui %lt3A_147 : i1 to i32
      %cond3A_149 = arith.constant 0 : i32
      %cond3A_150 = arith.cmpi ne, %convert_element_type3A_148, %cond3A_149 : i32
      scf.if %cond3A_150 {
        %add3A_177 = arith.constant 2 : i32
        %add3A_178 = arith.addi %scan3A_141, %add3A_177 : i32
        %rem3A_179 = arith.constant 3 : i32
        %rem3A_180 = arith.remsi %add3A_178, %rem3A_179 : i32
        %add3A_181 = arith.constant 2 : i32
        %add3A_182 = arith.addi %scan3A_141, %add3A_181 : i32
        %dma_start3A_183 = arith.constant 0 : i32
        %dma_start3A_184 = arith.constant 0 : i32
        %dma_start3A_185 = arith.constant 0 : i32
        %dma_start3A_186 = tpu.memref_slice %arg10[%rem3A_180, %dma_start3A_184, %dma_start3A_185] : memref<3x256x8xf32, #tpu.memory_space<vmem>> -> memref<1x256x8xf32, #tpu.memory_space<vmem>>
        %dma_start3A_187 = tpu.memref_squeeze %dma_start3A_186 : memref<1x256x8xf32, #tpu.memory_space<vmem>> -> memref<256x8xf32, #tpu.memory_space<vmem>>
        %dma_start3A_188 = arith.constant 0 : i32
        %dma_start3A_189 = tpu.memref_slice %arg8[%add3A_182, %dma_start3A_183, %dma_start3A_188] : memref<40x1x256xi32, #tpu.memory_space<vmem>> -> memref<1x1x256xi32, #tpu.memory_space<vmem>>
        %dma_start3A_190 = tpu.memref_squeeze %dma_start3A_189 : memref<1x1x256xi32, #tpu.memory_space<vmem>> -> memref<256xi32, #tpu.memory_space<vmem>>
        %dma_start3A_191 = arith.constant 0 : i32
        %dma_start3A_192 = arith.constant 0 : i32
        %dma_start3A_193 = tpu.memref_slice %arg13[%dma_start3A_191, %dma_start3A_192] : memref<10240x8xf32, #tpu.memory_space<vmem_shared>> -> memref<10240x8xf32, #tpu.memory_space<vmem_shared>>
        %dma_start3A_194 = tpu.memref_slice %arg11[%rem3A_180] : memref<3x!tpu.dma_semaphore, #tpu.memory_space<semaphore_mem>> -> memref<1x!tpu.dma_semaphore, #tpu.memory_space<semaphore_mem>>
        %dma_start3A_195 = tpu.memref_squeeze %dma_start3A_194 : memref<1x!tpu.dma_semaphore, #tpu.memory_space<semaphore_mem>> -> memref<!tpu.dma_semaphore, #tpu.memory_space<semaphore_mem>>
        tpu.enqueue_indirect_dma source(%dma_start3A_193 : memref<10240x8xf32, #tpu.memory_space<vmem_shared>>) target(%dma_start3A_187 : memref<256x8xf32, #tpu.memory_space<vmem>>) offsets(%dma_start3A_190 : memref<256xi32, #tpu.memory_space<vmem>>) semaphore(%dma_start3A_195 : memref<!tpu.dma_semaphore, #tpu.memory_space<semaphore_mem>>)
      } else {
      }
      %dma_wait3A_151 = arith.constant 0 : i32
      %dma_wait3A_152 = arith.constant 0 : i32
      %dma_wait3A_153 = arith.constant 0 : i32
      %dma_wait3A_154 = tpu.memref_slice %arg10[%rem3A_142, %dma_wait3A_152, %dma_wait3A_153] : memref<3x256x8xf32, #tpu.memory_space<vmem>> -> memref<1x256x8xf32, #tpu.memory_space<vmem>>
      %dma_wait3A_155 = tpu.memref_squeeze %dma_wait3A_154 : memref<1x256x8xf32, #tpu.memory_space<vmem>> -> memref<256x8xf32, #tpu.memory_space<vmem>>
      %dma_wait3A_156 = arith.constant 0 : i32
      %dma_wait3A_157 = tpu.memref_slice %arg8[%scan3A_141, %dma_wait3A_151, %dma_wait3A_156] : memref<40x1x256xi32, #tpu.memory_space<vmem>> -> memref<1x1x256xi32, #tpu.memory_space<vmem>>
      %dma_wait3A_158 = tpu.memref_squeeze %dma_wait3A_157 : memref<1x1x256xi32, #tpu.memory_space<vmem>> -> memref<256xi32, #tpu.memory_space<vmem>>
      %dma_wait3A_159 = arith.constant 0 : i32
      %dma_wait3A_160 = arith.constant 0 : i32
      %dma_wait3A_161 = tpu.memref_slice %arg13[%dma_wait3A_159, %dma_wait3A_160] : memref<10240x8xf32, #tpu.memory_space<vmem_shared>> -> memref<10240x8xf32, #tpu.memory_space<vmem_shared>>
      %dma_wait3A_162 = tpu.memref_slice %arg11[%rem3A_142] : memref<3x!tpu.dma_semaphore, #tpu.memory_space<semaphore_mem>> -> memref<1x!tpu.dma_semaphore, #tpu.memory_space<semaphore_mem>>
      %dma_wait3A_163 = tpu.memref_squeeze %dma_wait3A_162 : memref<1x!tpu.dma_semaphore, #tpu.memory_space<semaphore_mem>> -> memref<!tpu.dma_semaphore, #tpu.memory_space<semaphore_mem>>
      tpu.wait_indirect_dma semaphore(%dma_wait3A_163 : memref<!tpu.dma_semaphore, #tpu.memory_space<semaphore_mem>>) src(%dma_wait3A_161 : memref<10240x8xf32, #tpu.memory_space<vmem_shared>>) dst(%dma_wait3A_155 : memref<256x8xf32, #tpu.memory_space<vmem>>)
      %dma_start3A_164 = arith.constant 0 : i32
      %dma_start3A_165 = arith.constant 0 : i32
      %dma_start3A_166 = arith.constant 0 : i32
      %dma_start3A_167 = tpu.memref_slice %arg10[%rem3A_142, %dma_start3A_165, %dma_start3A_166] : memref<3x256x8xf32, #tpu.memory_space<vmem>> -> memref<1x256x8xf32, #tpu.memory_space<vmem>>
      %dma_start3A_168 = tpu.memref_squeeze %dma_start3A_167 : memref<1x256x8xf32, #tpu.memory_space<vmem>> -> memref<256x8xf32, #tpu.memory_space<vmem>>
      %dma_start3A_169 = arith.constant 0 : i32
      %dma_start3A_170 = tpu.memref_slice %arg9[%scan3A_141, %dma_start3A_164, %dma_start3A_169] : memref<40x1x256xi32, #tpu.memory_space<vmem>> -> memref<1x1x256xi32, #tpu.memory_space<vmem>>
      %dma_start3A_171 = tpu.memref_squeeze %dma_start3A_170 : memref<1x1x256xi32, #tpu.memory_space<vmem>> -> memref<256xi32, #tpu.memory_space<vmem>>
      %dma_start3A_172 = arith.constant 0 : i32
      %dma_start3A_173 = arith.constant 0 : i32
      %dma_start3A_174 = tpu.memref_slice %arg7[%dma_start3A_172, %dma_start3A_173] : memref<10240x8xf32, #tpu.memory_space<vmem_shared>> -> memref<10240x8xf32, #tpu.memory_space<vmem_shared>>
      %dma_start3A_175 = tpu.memref_slice %arg12[%rem3A_142] : memref<3x!tpu.dma_semaphore, #tpu.memory_space<semaphore_mem>> -> memref<1x!tpu.dma_semaphore, #tpu.memory_space<semaphore_mem>>
      %dma_start3A_176 = tpu.memref_squeeze %dma_start3A_175 : memref<1x!tpu.dma_semaphore, #tpu.memory_space<semaphore_mem>> -> memref<!tpu.dma_semaphore, #tpu.memory_space<semaphore_mem>>
      tpu.enqueue_indirect_dma source(%dma_start3A_168 : memref<256x8xf32, #tpu.memory_space<vmem>>) target(%dma_start3A_174 : memref<10240x8xf32, #tpu.memory_space<vmem_shared>>) offsets(%dma_start3A_171 : memref<256xi32, #tpu.memory_space<vmem>>) semaphore(%dma_start3A_176 : memref<!tpu.dma_semaphore, #tpu.memory_space<semaphore_mem>>) {add = true}
    }
    %scan3A_116 = arith.constant 40 : i32
    %dma_wait3A_117 = arith.constant 0 : i32
    %dma_wait3A_118 = arith.constant 39 : i32
    %dma_wait3A_119 = arith.constant 0 : i32
    %dma_wait3A_120 = arith.constant 0 : i32
    %dma_wait3A_121 = arith.constant 0 : i32
    %dma_wait3A_122 = arith.constant 0 : i32
    %dma_wait3A_123 = tpu.memref_slice %arg10[%dma_wait3A_117, %dma_wait3A_121, %dma_wait3A_122] : memref<3x256x8xf32, #tpu.memory_space<vmem>> -> memref<1x256x8xf32, #tpu.memory_space<vmem>>
    %dma_wait3A_124 = tpu.memref_squeeze %dma_wait3A_123 : memref<1x256x8xf32, #tpu.memory_space<vmem>> -> memref<256x8xf32, #tpu.memory_space<vmem>>
    %dma_wait3A_125 = arith.constant 0 : i32
    %dma_wait3A_126 = tpu.memref_slice %arg9[%dma_wait3A_118, %dma_wait3A_119, %dma_wait3A_125] : memref<40x1x256xi32, #tpu.memory_space<vmem>> -> memref<1x1x256xi32, #tpu.memory_space<vmem>>
    %dma_wait3A_127 = tpu.memref_squeeze %dma_wait3A_126 : memref<1x1x256xi32, #tpu.memory_space<vmem>> -> memref<256xi32, #tpu.memory_space<vmem>>
    %dma_wait3A_128 = arith.constant 0 : i32
    %dma_wait3A_129 = arith.constant 0 : i32
    %dma_wait3A_130 = tpu.memref_slice %arg7[%dma_wait3A_128, %dma_wait3A_129] : memref<10240x8xf32, #tpu.memory_space<vmem_shared>> -> memref<10240x8xf32, #tpu.memory_space<vmem_shared>>
    %dma_wait3A_131 = tpu.memref_slice %arg12[%dma_wait3A_120] : memref<3x!tpu.dma_semaphore, #tpu.memory_space<semaphore_mem>> -> memref<1x!tpu.dma_semaphore, #tpu.memory_space<semaphore_mem>>
    %dma_wait3A_132 = tpu.memref_squeeze %dma_wait3A_131 : memref<1x!tpu.dma_semaphore, #tpu.memory_space<semaphore_mem>> -> memref<!tpu.dma_semaphore, #tpu.memory_space<semaphore_mem>>
    tpu.wait_indirect_dma semaphore(%dma_wait3A_132 : memref<!tpu.dma_semaphore, #tpu.memory_space<semaphore_mem>>) src(%dma_wait3A_124 : memref<256x8xf32, #tpu.memory_space<vmem>>) dst(%dma_wait3A_130 : memref<10240x8xf32, #tpu.memory_space<vmem_shared>>)
    %barrier3A_133 = arith.constant 0 : index
    tpu.barrier barrier_id(%barrier3A_133)
    %mul3A_134 = arith.constant 10240 : i32
    %mul3A_135 = arith.muli %arg0, %mul3A_134 : i32
    %mul3A_136 = arith.constant 640 : i32
    %mul3A_137 = arith.muli %arg1, %mul3A_136 : i32
    %add3A_138 = arith.addi %mul3A_135, %mul3A_137 : i32
    %multiple_of3A = tpu.assume_multiple %add3A_138, 640 : i32
    %mul3A_139 = arith.constant 640 : i32
    %mul3A_140 = arith.muli %arg1, %mul3A_139 : i32
    "tpu.region"() ({
      %run_scoped3A = tpu.sem_alloc : memref<!tpu.dma_semaphore, #tpu.memory_space<semaphore_mem>>
      %dma_start3A_141 = arith.constant 0 : i32
      %dma_start3A_142 = tpu.memref_slice %arg6[%multiple_of3A, %dma_start3A_141] : memref<20480x8xf32, #tpu.memory_space<hbm>> -> memref<640x8xf32, #tpu.memory_space<hbm>>
      %dma_start3A_143 = arith.constant 0 : i32
      %dma_start3A_144 = tpu.memref_slice %arg7[%mul3A_140, %dma_start3A_143] : memref<10240x8xf32, #tpu.memory_space<vmem_shared>> -> memref<640x8xf32, #tpu.memory_space<vmem_shared>>
      tpu.enqueue_dma source(%dma_start3A_144 : memref<640x8xf32, #tpu.memory_space<vmem_shared>>) target(%dma_start3A_142 : memref<640x8xf32, #tpu.memory_space<hbm>>) target_semaphore(%run_scoped3A : memref<!tpu.dma_semaphore, #tpu.memory_space<semaphore_mem>>)
      %dma_wait3A_145 = arith.constant 0 : i32
      %dma_wait3A_146 = tpu.memref_slice %arg6[%multiple_of3A, %dma_wait3A_145] : memref<20480x8xf32, #tpu.memory_space<hbm>> -> memref<640x8xf32, #tpu.memory_space<hbm>>
      %dma_wait3A_147 = arith.constant 0 : i32
      %dma_wait3A_148 = tpu.memref_slice %arg7[%mul3A_140, %dma_wait3A_147] : memref<10240x8xf32, #tpu.memory_space<vmem_shared>> -> memref<640x8xf32, #tpu.memory_space<vmem_shared>>
      tpu.wait_dma2 semaphore(%run_scoped3A : memref<!tpu.dma_semaphore, #tpu.memory_space<semaphore_mem>>) src(%dma_wait3A_148 : memref<640x8xf32, #tpu.memory_space<vmem_shared>>) dst(%dma_wait3A_146 : memref<640x8xf32, #tpu.memory_space<hbm>>)
      tpu.yield
    }) : () -> ()
    return
  }
}

#map = affine_map<(d0, d1) -> (0, 0)>
#map1 = affine_map<(d0, d1) -> (0, 0, 0, 0)>
module attributes {stable_mosaic.version = 14 : i64} {
  func.func @_agg_body(%arg0: i32, %arg1: i32, %arg2: memref<10240x8xf32, #tpu.memory_space<hbm>>, %arg3: memref<32x40x1x256xi32, #tpu.memory_space<hbm>>, %arg4: memref<32x40x1x256xi32, #tpu.memory_space<hbm>>, %arg5: memref<640x8xf32, #tpu.memory_space<hbm>>, %arg6: memref<20480x8xf32, #tpu.memory_space<hbm>>, %arg7: memref<10240x8xf32, #tpu.memory_space<vmem_shared>>, %arg8: memref<40x1x256xi32, #tpu.memory_space<vmem>>, %arg9: memref<40x1x256xi32, #tpu.memory_space<vmem>>, %arg10: memref<3x256x8xf32, #tpu.memory_space<vmem>>, %arg11: memref<3x!tpu.dma_semaphore, #tpu.memory_space<semaphore_mem>>, %arg12: memref<3x!tpu.dma_semaphore, #tpu.memory_space<semaphore_mem>>, %arg13: memref<10240x8xf32, #tpu.memory_space<vmem_shared>>) attributes {dimension_semantics = [#tpu.dimension_semantics<core_parallel>, #tpu.dimension_semantics<subcore_parallel>], iteration_bounds = array<i64: 2, 16>, scalar_prefetch = 0 : i64, scratch_operands = 7 : i64, tpu.core_type = #tpu.core_type<sc_vector_subcore>, window_params = [{transform_indices = #map}, {transform_indices = #map1}, {transform_indices = #map1}, {transform_indices = #map}, {transform_indices = #map}]} {
    %mul3A = arith.constant 2 : i32
    %mul3A_0 = arith.muli %arg1, %mul3A : i32
    %add3A = arith.addi %mul3A_0, %arg0 : i32
    %mul3A_1 = arith.constant 640 : i32
    %mul3A_2 = arith.muli %arg1, %mul3A_1 : i32
    %dma_start3A = arith.constant 0 : i32
    %dma_start3A_3 = tpu.memref_slice %arg11[%dma_start3A] : memref<3x!tpu.dma_semaphore, #tpu.memory_space<semaphore_mem>> -> memref<1x!tpu.dma_semaphore, #tpu.memory_space<semaphore_mem>>
    %dma_start3A_4 = tpu.memref_squeeze %dma_start3A_3 : memref<1x!tpu.dma_semaphore, #tpu.memory_space<semaphore_mem>> -> memref<!tpu.dma_semaphore, #tpu.memory_space<semaphore_mem>>
    %dma_start3A_5 = arith.constant 0 : i32
    %dma_start3A_6 = tpu.memref_slice %arg7[%mul3A_2, %dma_start3A_5] : memref<10240x8xf32, #tpu.memory_space<vmem_shared>> -> memref<640x8xf32, #tpu.memory_space<vmem_shared>>
    tpu.enqueue_dma source(%arg5 : memref<640x8xf32, #tpu.memory_space<hbm>>) target(%dma_start3A_6 : memref<640x8xf32, #tpu.memory_space<vmem_shared>>) target_semaphore(%dma_start3A_4 : memref<!tpu.dma_semaphore, #tpu.memory_space<semaphore_mem>>)
    %dma_start3A_7 = arith.constant 1 : i32
    %dma_start3A_8 = arith.constant 0 : i32
    %dma_start3A_9 = arith.constant 0 : i32
    %dma_start3A_10 = arith.constant 0 : i32
    %dma_start3A_11 = tpu.memref_slice %arg3[%add3A, %dma_start3A_8, %dma_start3A_9, %dma_start3A_10] : memref<32x40x1x256xi32, #tpu.memory_space<hbm>> -> memref<1x40x1x256xi32, #tpu.memory_space<hbm>>
    %dma_start3A_12 = tpu.memref_squeeze %dma_start3A_11 : memref<1x40x1x256xi32, #tpu.memory_space<hbm>> -> memref<40x1x256xi32, #tpu.memory_space<hbm>>
    %dma_start3A_13 = tpu.memref_slice %arg11[%dma_start3A_7] : memref<3x!tpu.dma_semaphore, #tpu.memory_space<semaphore_mem>> -> memref<1x!tpu.dma_semaphore, #tpu.memory_space<semaphore_mem>>
    %dma_start3A_14 = tpu.memref_squeeze %dma_start3A_13 : memref<1x!tpu.dma_semaphore, #tpu.memory_space<semaphore_mem>> -> memref<!tpu.dma_semaphore, #tpu.memory_space<semaphore_mem>>
    %dma_start3A_15 = arith.constant 0 : i32
    %dma_start3A_16 = arith.constant 0 : i32
    %dma_start3A_17 = arith.constant 0 : i32
    %dma_start3A_18 = tpu.memref_slice %arg3[%add3A, %dma_start3A_15, %dma_start3A_16, %dma_start3A_17] : memref<32x40x1x256xi32, #tpu.memory_space<hbm>> -> memref<1x40x1x256xi32, #tpu.memory_space<hbm>>
    %dma_start3A_19 = tpu.memref_squeeze %dma_start3A_18 : memref<1x40x1x256xi32, #tpu.memory_space<hbm>> -> memref<40x1x256xi32, #tpu.memory_space<hbm>>
    tpu.enqueue_dma source(%dma_start3A_19 : memref<40x1x256xi32, #tpu.memory_space<hbm>>) target(%arg8 : memref<40x1x256xi32, #tpu.memory_space<vmem>>) target_semaphore(%dma_start3A_14 : memref<!tpu.dma_semaphore, #tpu.memory_space<semaphore_mem>>)
    %dma_start3A_20 = arith.constant 2 : i32
    %dma_start3A_21 = arith.constant 0 : i32
    %dma_start3A_22 = arith.constant 0 : i32
    %dma_start3A_23 = arith.constant 0 : i32
    %dma_start3A_24 = tpu.memref_slice %arg4[%add3A, %dma_start3A_21, %dma_start3A_22, %dma_start3A_23] : memref<32x40x1x256xi32, #tpu.memory_space<hbm>> -> memref<1x40x1x256xi32, #tpu.memory_space<hbm>>
    %dma_start3A_25 = tpu.memref_squeeze %dma_start3A_24 : memref<1x40x1x256xi32, #tpu.memory_space<hbm>> -> memref<40x1x256xi32, #tpu.memory_space<hbm>>
    %dma_start3A_26 = tpu.memref_slice %arg11[%dma_start3A_20] : memref<3x!tpu.dma_semaphore, #tpu.memory_space<semaphore_mem>> -> memref<1x!tpu.dma_semaphore, #tpu.memory_space<semaphore_mem>>
    %dma_start3A_27 = tpu.memref_squeeze %dma_start3A_26 : memref<1x!tpu.dma_semaphore, #tpu.memory_space<semaphore_mem>> -> memref<!tpu.dma_semaphore, #tpu.memory_space<semaphore_mem>>
    %dma_start3A_28 = arith.constant 0 : i32
    %dma_start3A_29 = arith.constant 0 : i32
    %dma_start3A_30 = arith.constant 0 : i32
    %dma_start3A_31 = tpu.memref_slice %arg4[%add3A, %dma_start3A_28, %dma_start3A_29, %dma_start3A_30] : memref<32x40x1x256xi32, #tpu.memory_space<hbm>> -> memref<1x40x1x256xi32, #tpu.memory_space<hbm>>
    %dma_start3A_32 = tpu.memref_squeeze %dma_start3A_31 : memref<1x40x1x256xi32, #tpu.memory_space<hbm>> -> memref<40x1x256xi32, #tpu.memory_space<hbm>>
    tpu.enqueue_dma source(%dma_start3A_32 : memref<40x1x256xi32, #tpu.memory_space<hbm>>) target(%arg9 : memref<40x1x256xi32, #tpu.memory_space<vmem>>) target_semaphore(%dma_start3A_27 : memref<!tpu.dma_semaphore, #tpu.memory_space<semaphore_mem>>)
    %mul3A_33 = arith.constant 640 : i32
    %mul3A_34 = arith.muli %arg1, %mul3A_33 : i32
    %mul3A_35 = arith.constant 640 : i32
    %mul3A_36 = arith.muli %arg1, %mul3A_35 : i32
    %dma_start3A_37 = arith.constant 0 : i32
    %dma_start3A_38 = tpu.memref_slice %arg12[%dma_start3A_37] : memref<3x!tpu.dma_semaphore, #tpu.memory_space<semaphore_mem>> -> memref<1x!tpu.dma_semaphore, #tpu.memory_space<semaphore_mem>>
    %dma_start3A_39 = tpu.memref_squeeze %dma_start3A_38 : memref<1x!tpu.dma_semaphore, #tpu.memory_space<semaphore_mem>> -> memref<!tpu.dma_semaphore, #tpu.memory_space<semaphore_mem>>
    %dma_start3A_40 = arith.constant 0 : i32
    %dma_start3A_41 = tpu.memref_slice %arg13[%mul3A_36, %dma_start3A_40] : memref<10240x8xf32, #tpu.memory_space<vmem_shared>> -> memref<640x8xf32, #tpu.memory_space<vmem_shared>>
    %dma_start3A_42 = arith.constant 0 : i32
    %dma_start3A_43 = tpu.memref_slice %arg2[%mul3A_34, %dma_start3A_42] : memref<10240x8xf32, #tpu.memory_space<hbm>> -> memref<640x8xf32, #tpu.memory_space<hbm>>
    tpu.enqueue_dma source(%dma_start3A_43 : memref<640x8xf32, #tpu.memory_space<hbm>>) target(%dma_start3A_41 : memref<640x8xf32, #tpu.memory_space<vmem_shared>>) target_semaphore(%dma_start3A_39 : memref<!tpu.dma_semaphore, #tpu.memory_space<semaphore_mem>>)
    %dma_wait3A = arith.constant 0 : i32
    %dma_wait3A_44 = tpu.memref_slice %arg12[%dma_wait3A] : memref<3x!tpu.dma_semaphore, #tpu.memory_space<semaphore_mem>> -> memref<1x!tpu.dma_semaphore, #tpu.memory_space<semaphore_mem>>
    %dma_wait3A_45 = tpu.memref_squeeze %dma_wait3A_44 : memref<1x!tpu.dma_semaphore, #tpu.memory_space<semaphore_mem>> -> memref<!tpu.dma_semaphore, #tpu.memory_space<semaphore_mem>>
    %dma_wait3A_46 = arith.constant 0 : i32
    %dma_wait3A_47 = tpu.memref_slice %arg13[%mul3A_36, %dma_wait3A_46] : memref<10240x8xf32, #tpu.memory_space<vmem_shared>> -> memref<640x8xf32, #tpu.memory_space<vmem_shared>>
    %dma_wait3A_48 = arith.constant 0 : i32
    %dma_wait3A_49 = tpu.memref_slice %arg2[%mul3A_34, %dma_wait3A_48] : memref<10240x8xf32, #tpu.memory_space<hbm>> -> memref<640x8xf32, #tpu.memory_space<hbm>>
    tpu.wait_dma2 semaphore(%dma_wait3A_45 : memref<!tpu.dma_semaphore, #tpu.memory_space<semaphore_mem>>) src(%dma_wait3A_49 : memref<640x8xf32, #tpu.memory_space<hbm>>) dst(%dma_wait3A_47 : memref<640x8xf32, #tpu.memory_space<vmem_shared>>)
    %dma_wait3A_50 = arith.constant 0 : i32
    %dma_wait3A_51 = tpu.memref_slice %arg11[%dma_wait3A_50] : memref<3x!tpu.dma_semaphore, #tpu.memory_space<semaphore_mem>> -> memref<1x!tpu.dma_semaphore, #tpu.memory_space<semaphore_mem>>
    %dma_wait3A_52 = tpu.memref_squeeze %dma_wait3A_51 : memref<1x!tpu.dma_semaphore, #tpu.memory_space<semaphore_mem>> -> memref<!tpu.dma_semaphore, #tpu.memory_space<semaphore_mem>>
    %dma_wait3A_53 = arith.constant 0 : i32
    %dma_wait3A_54 = tpu.memref_slice %arg7[%mul3A_2, %dma_wait3A_53] : memref<10240x8xf32, #tpu.memory_space<vmem_shared>> -> memref<640x8xf32, #tpu.memory_space<vmem_shared>>
    tpu.wait_dma2 semaphore(%dma_wait3A_52 : memref<!tpu.dma_semaphore, #tpu.memory_space<semaphore_mem>>) src(%arg5 : memref<640x8xf32, #tpu.memory_space<hbm>>) dst(%dma_wait3A_54 : memref<640x8xf32, #tpu.memory_space<vmem_shared>>)
    %dma_wait3A_55 = arith.constant 1 : i32
    %dma_wait3A_56 = arith.constant 0 : i32
    %dma_wait3A_57 = arith.constant 0 : i32
    %dma_wait3A_58 = arith.constant 0 : i32
    %dma_wait3A_59 = tpu.memref_slice %arg3[%add3A, %dma_wait3A_56, %dma_wait3A_57, %dma_wait3A_58] : memref<32x40x1x256xi32, #tpu.memory_space<hbm>> -> memref<1x40x1x256xi32, #tpu.memory_space<hbm>>
    %dma_wait3A_60 = tpu.memref_squeeze %dma_wait3A_59 : memref<1x40x1x256xi32, #tpu.memory_space<hbm>> -> memref<40x1x256xi32, #tpu.memory_space<hbm>>
    %dma_wait3A_61 = tpu.memref_slice %arg11[%dma_wait3A_55] : memref<3x!tpu.dma_semaphore, #tpu.memory_space<semaphore_mem>> -> memref<1x!tpu.dma_semaphore, #tpu.memory_space<semaphore_mem>>
    %dma_wait3A_62 = tpu.memref_squeeze %dma_wait3A_61 : memref<1x!tpu.dma_semaphore, #tpu.memory_space<semaphore_mem>> -> memref<!tpu.dma_semaphore, #tpu.memory_space<semaphore_mem>>
    %dma_wait3A_63 = arith.constant 0 : i32
    %dma_wait3A_64 = arith.constant 0 : i32
    %dma_wait3A_65 = arith.constant 0 : i32
    %dma_wait3A_66 = tpu.memref_slice %arg3[%add3A, %dma_wait3A_63, %dma_wait3A_64, %dma_wait3A_65] : memref<32x40x1x256xi32, #tpu.memory_space<hbm>> -> memref<1x40x1x256xi32, #tpu.memory_space<hbm>>
    %dma_wait3A_67 = tpu.memref_squeeze %dma_wait3A_66 : memref<1x40x1x256xi32, #tpu.memory_space<hbm>> -> memref<40x1x256xi32, #tpu.memory_space<hbm>>
    tpu.wait_dma2 semaphore(%dma_wait3A_62 : memref<!tpu.dma_semaphore, #tpu.memory_space<semaphore_mem>>) src(%dma_wait3A_67 : memref<40x1x256xi32, #tpu.memory_space<hbm>>) dst(%arg8 : memref<40x1x256xi32, #tpu.memory_space<vmem>>)
    %dma_wait3A_68 = arith.constant 2 : i32
    %dma_wait3A_69 = arith.constant 0 : i32
    %dma_wait3A_70 = arith.constant 0 : i32
    %dma_wait3A_71 = arith.constant 0 : i32
    %dma_wait3A_72 = tpu.memref_slice %arg4[%add3A, %dma_wait3A_69, %dma_wait3A_70, %dma_wait3A_71] : memref<32x40x1x256xi32, #tpu.memory_space<hbm>> -> memref<1x40x1x256xi32, #tpu.memory_space<hbm>>
    %dma_wait3A_73 = tpu.memref_squeeze %dma_wait3A_72 : memref<1x40x1x256xi32, #tpu.memory_space<hbm>> -> memref<40x1x256xi32, #tpu.memory_space<hbm>>
    %dma_wait3A_74 = tpu.memref_slice %arg11[%dma_wait3A_68] : memref<3x!tpu.dma_semaphore, #tpu.memory_space<semaphore_mem>> -> memref<1x!tpu.dma_semaphore, #tpu.memory_space<semaphore_mem>>
    %dma_wait3A_75 = tpu.memref_squeeze %dma_wait3A_74 : memref<1x!tpu.dma_semaphore, #tpu.memory_space<semaphore_mem>> -> memref<!tpu.dma_semaphore, #tpu.memory_space<semaphore_mem>>
    %dma_wait3A_76 = arith.constant 0 : i32
    %dma_wait3A_77 = arith.constant 0 : i32
    %dma_wait3A_78 = arith.constant 0 : i32
    %dma_wait3A_79 = tpu.memref_slice %arg4[%add3A, %dma_wait3A_76, %dma_wait3A_77, %dma_wait3A_78] : memref<32x40x1x256xi32, #tpu.memory_space<hbm>> -> memref<1x40x1x256xi32, #tpu.memory_space<hbm>>
    %dma_wait3A_80 = tpu.memref_squeeze %dma_wait3A_79 : memref<1x40x1x256xi32, #tpu.memory_space<hbm>> -> memref<40x1x256xi32, #tpu.memory_space<hbm>>
    tpu.wait_dma2 semaphore(%dma_wait3A_75 : memref<!tpu.dma_semaphore, #tpu.memory_space<semaphore_mem>>) src(%dma_wait3A_80 : memref<40x1x256xi32, #tpu.memory_space<hbm>>) dst(%arg9 : memref<40x1x256xi32, #tpu.memory_space<vmem>>)
    %barrier3A = arith.constant 0 : index
    tpu.barrier barrier_id(%barrier3A)
    %dma_start3A_81 = arith.constant 0 : i32
    %dma_start3A_82 = arith.constant 0 : i32
    %dma_start3A_83 = arith.constant 0 : i32
    %dma_start3A_84 = arith.constant 0 : i32
    %dma_start3A_85 = arith.constant 0 : i32
    %dma_start3A_86 = arith.constant 0 : i32
    %dma_start3A_87 = tpu.memref_slice %arg10[%dma_start3A_83, %dma_start3A_85, %dma_start3A_86] : memref<3x256x8xf32, #tpu.memory_space<vmem>> -> memref<1x256x8xf32, #tpu.memory_space<vmem>>
    %dma_start3A_88 = tpu.memref_squeeze %dma_start3A_87 : memref<1x256x8xf32, #tpu.memory_space<vmem>> -> memref<256x8xf32, #tpu.memory_space<vmem>>
    %dma_start3A_89 = arith.constant 0 : i32
    %dma_start3A_90 = tpu.memref_slice %arg8[%dma_start3A_81, %dma_start3A_82, %dma_start3A_89] : memref<40x1x256xi32, #tpu.memory_space<vmem>> -> memref<1x1x256xi32, #tpu.memory_space<vmem>>
    %dma_start3A_91 = tpu.memref_squeeze %dma_start3A_90 : memref<1x1x256xi32, #tpu.memory_space<vmem>> -> memref<256xi32, #tpu.memory_space<vmem>>
    %dma_start3A_92 = arith.constant 0 : i32
    %dma_start3A_93 = arith.constant 0 : i32
    %dma_start3A_94 = tpu.memref_slice %arg13[%dma_start3A_92, %dma_start3A_93] : memref<10240x8xf32, #tpu.memory_space<vmem_shared>> -> memref<10240x8xf32, #tpu.memory_space<vmem_shared>>
    %dma_start3A_95 = tpu.memref_slice %arg11[%dma_start3A_84] : memref<3x!tpu.dma_semaphore, #tpu.memory_space<semaphore_mem>> -> memref<1x!tpu.dma_semaphore, #tpu.memory_space<semaphore_mem>>
    %dma_start3A_96 = tpu.memref_squeeze %dma_start3A_95 : memref<1x!tpu.dma_semaphore, #tpu.memory_space<semaphore_mem>> -> memref<!tpu.dma_semaphore, #tpu.memory_space<semaphore_mem>>
    tpu.enqueue_indirect_dma source(%dma_start3A_94 : memref<10240x8xf32, #tpu.memory_space<vmem_shared>>) target(%dma_start3A_88 : memref<256x8xf32, #tpu.memory_space<vmem>>) offsets(%dma_start3A_91 : memref<256xi32, #tpu.memory_space<vmem>>) semaphore(%dma_start3A_96 : memref<!tpu.dma_semaphore, #tpu.memory_space<semaphore_mem>>)
    %dma_start3A_97 = arith.constant 1 : i32
    %dma_start3A_98 = arith.constant 0 : i32
    %dma_start3A_99 = arith.constant 1 : i32
    %dma_start3A_100 = arith.constant 1 : i32
    %dma_start3A_101 = arith.constant 0 : i32
    %dma_start3A_102 = arith.constant 0 : i32
    %dma_start3A_103 = tpu.memref_slice %arg10[%dma_start3A_99, %dma_start3A_101, %dma_start3A_102] : memref<3x256x8xf32, #tpu.memory_space<vmem>> -> memref<1x256x8xf32, #tpu.memory_space<vmem>>
    %dma_start3A_104 = tpu.memref_squeeze %dma_start3A_103 : memref<1x256x8xf32, #tpu.memory_space<vmem>> -> memref<256x8xf32, #tpu.memory_space<vmem>>
    %dma_start3A_105 = arith.constant 0 : i32
    %dma_start3A_106 = tpu.memref_slice %arg8[%dma_start3A_97, %dma_start3A_98, %dma_start3A_105] : memref<40x1x256xi32, #tpu.memory_space<vmem>> -> memref<1x1x256xi32, #tpu.memory_space<vmem>>
    %dma_start3A_107 = tpu.memref_squeeze %dma_start3A_106 : memref<1x1x256xi32, #tpu.memory_space<vmem>> -> memref<256xi32, #tpu.memory_space<vmem>>
    %dma_start3A_108 = arith.constant 0 : i32
    %dma_start3A_109 = arith.constant 0 : i32
    %dma_start3A_110 = tpu.memref_slice %arg13[%dma_start3A_108, %dma_start3A_109] : memref<10240x8xf32, #tpu.memory_space<vmem_shared>> -> memref<10240x8xf32, #tpu.memory_space<vmem_shared>>
    %dma_start3A_111 = tpu.memref_slice %arg11[%dma_start3A_100] : memref<3x!tpu.dma_semaphore, #tpu.memory_space<semaphore_mem>> -> memref<1x!tpu.dma_semaphore, #tpu.memory_space<semaphore_mem>>
    %dma_start3A_112 = tpu.memref_squeeze %dma_start3A_111 : memref<1x!tpu.dma_semaphore, #tpu.memory_space<semaphore_mem>> -> memref<!tpu.dma_semaphore, #tpu.memory_space<semaphore_mem>>
    tpu.enqueue_indirect_dma source(%dma_start3A_110 : memref<10240x8xf32, #tpu.memory_space<vmem_shared>>) target(%dma_start3A_104 : memref<256x8xf32, #tpu.memory_space<vmem>>) offsets(%dma_start3A_107 : memref<256xi32, #tpu.memory_space<vmem>>) semaphore(%dma_start3A_112 : memref<!tpu.dma_semaphore, #tpu.memory_space<semaphore_mem>>)
    %scan3A = arith.constant 0 : i32
    %scan3A_113 = arith.constant 40 : i32
    %scan3A_114 = arith.addi %scan3A, %scan3A_113 : i32
    %scan3A_115 = arith.constant 1 : i32
    scf.for %scan3A_141 = %scan3A to %scan3A_114 step %scan3A_115  : i32 {
      %rem3A = arith.constant 3 : i32
      %rem3A_142 = arith.remsi %scan3A_141, %rem3A : i32
      %ge3A = arith.constant 1 : i32
      %ge3A_143 = arith.cmpi sge, %scan3A_141, %ge3A : i32
      %convert_element_type3A = arith.extui %ge3A_143 : i1 to i32
      %cond3A = arith.constant 0 : i32
      %cond3A_144 = arith.cmpi ne, %convert_element_type3A, %cond3A : i32
      scf.if %cond3A_144 {
        %sub3A = arith.constant 1 : i32
        %sub3A_177 = arith.subi %scan3A_141, %sub3A : i32
        %rem3A_178 = arith.constant 3 : i32
        %rem3A_179 = arith.remsi %sub3A_177, %rem3A_178 : i32
        %sub3A_180 = arith.constant 1 : i32
        %sub3A_181 = arith.subi %scan3A_141, %sub3A_180 : i32
        %dma_wait3A_182 = arith.constant 0 : i32
        %dma_wait3A_183 = arith.constant 0 : i32
        %dma_wait3A_184 = arith.constant 0 : i32
        %dma_wait3A_185 = tpu.memref_slice %arg10[%rem3A_179, %dma_wait3A_183, %dma_wait3A_184] : memref<3x256x8xf32, #tpu.memory_space<vmem>> -> memref<1x256x8xf32, #tpu.memory_space<vmem>>
        %dma_wait3A_186 = tpu.memref_squeeze %dma_wait3A_185 : memref<1x256x8xf32, #tpu.memory_space<vmem>> -> memref<256x8xf32, #tpu.memory_space<vmem>>
        %dma_wait3A_187 = arith.constant 0 : i32
        %dma_wait3A_188 = tpu.memref_slice %arg9[%sub3A_181, %dma_wait3A_182, %dma_wait3A_187] : memref<40x1x256xi32, #tpu.memory_space<vmem>> -> memref<1x1x256xi32, #tpu.memory_space<vmem>>
        %dma_wait3A_189 = tpu.memref_squeeze %dma_wait3A_188 : memref<1x1x256xi32, #tpu.memory_space<vmem>> -> memref<256xi32, #tpu.memory_space<vmem>>
        %dma_wait3A_190 = arith.constant 0 : i32
        %dma_wait3A_191 = arith.constant 0 : i32
        %dma_wait3A_192 = tpu.memref_slice %arg7[%dma_wait3A_190, %dma_wait3A_191] : memref<10240x8xf32, #tpu.memory_space<vmem_shared>> -> memref<10240x8xf32, #tpu.memory_space<vmem_shared>>
        %dma_wait3A_193 = tpu.memref_slice %arg12[%rem3A_179] : memref<3x!tpu.dma_semaphore, #tpu.memory_space<semaphore_mem>> -> memref<1x!tpu.dma_semaphore, #tpu.memory_space<semaphore_mem>>
        %dma_wait3A_194 = tpu.memref_squeeze %dma_wait3A_193 : memref<1x!tpu.dma_semaphore, #tpu.memory_space<semaphore_mem>> -> memref<!tpu.dma_semaphore, #tpu.memory_space<semaphore_mem>>
        tpu.wait_indirect_dma semaphore(%dma_wait3A_194 : memref<!tpu.dma_semaphore, #tpu.memory_space<semaphore_mem>>) src(%dma_wait3A_186 : memref<256x8xf32, #tpu.memory_space<vmem>>) dst(%dma_wait3A_192 : memref<10240x8xf32, #tpu.memory_space<vmem_shared>>)
      } else {
      }
      %add3A_145 = arith.constant 2 : i32
      %add3A_146 = arith.addi %scan3A_141, %add3A_145 : i32
      %lt3A = arith.constant 40 : i32
      %lt3A_147 = arith.cmpi slt, %add3A_146, %lt3A : i32
      %convert_element_type3A_148 = arith.extui %lt3A_147 : i1 to i32
      %cond3A_149 = arith.constant 0 : i32
      %cond3A_150 = arith.cmpi ne, %convert_element_type3A_148, %cond3A_149 : i32
      scf.if %cond3A_150 {
        %add3A_177 = arith.constant 2 : i32
        %add3A_178 = arith.addi %scan3A_141, %add3A_177 : i32
        %rem3A_179 = arith.constant 3 : i32
        %rem3A_180 = arith.remsi %add3A_178, %rem3A_179 : i32
        %add3A_181 = arith.constant 2 : i32
        %add3A_182 = arith.addi %scan3A_141, %add3A_181 : i32
        %dma_start3A_183 = arith.constant 0 : i32
        %dma_start3A_184 = arith.constant 0 : i32
        %dma_start3A_185 = arith.constant 0 : i32
        %dma_start3A_186 = tpu.memref_slice %arg10[%rem3A_180, %dma_start3A_184, %dma_start3A_185] : memref<3x256x8xf32, #tpu.memory_space<vmem>> -> memref<1x256x8xf32, #tpu.memory_space<vmem>>
        %dma_start3A_187 = tpu.memref_squeeze %dma_start3A_186 : memref<1x256x8xf32, #tpu.memory_space<vmem>> -> memref<256x8xf32, #tpu.memory_space<vmem>>
        %dma_start3A_188 = arith.constant 0 : i32
        %dma_start3A_189 = tpu.memref_slice %arg8[%add3A_182, %dma_start3A_183, %dma_start3A_188] : memref<40x1x256xi32, #tpu.memory_space<vmem>> -> memref<1x1x256xi32, #tpu.memory_space<vmem>>
        %dma_start3A_190 = tpu.memref_squeeze %dma_start3A_189 : memref<1x1x256xi32, #tpu.memory_space<vmem>> -> memref<256xi32, #tpu.memory_space<vmem>>
        %dma_start3A_191 = arith.constant 0 : i32
        %dma_start3A_192 = arith.constant 0 : i32
        %dma_start3A_193 = tpu.memref_slice %arg13[%dma_start3A_191, %dma_start3A_192] : memref<10240x8xf32, #tpu.memory_space<vmem_shared>> -> memref<10240x8xf32, #tpu.memory_space<vmem_shared>>
        %dma_start3A_194 = tpu.memref_slice %arg11[%rem3A_180] : memref<3x!tpu.dma_semaphore, #tpu.memory_space<semaphore_mem>> -> memref<1x!tpu.dma_semaphore, #tpu.memory_space<semaphore_mem>>
        %dma_start3A_195 = tpu.memref_squeeze %dma_start3A_194 : memref<1x!tpu.dma_semaphore, #tpu.memory_space<semaphore_mem>> -> memref<!tpu.dma_semaphore, #tpu.memory_space<semaphore_mem>>
        tpu.enqueue_indirect_dma source(%dma_start3A_193 : memref<10240x8xf32, #tpu.memory_space<vmem_shared>>) target(%dma_start3A_187 : memref<256x8xf32, #tpu.memory_space<vmem>>) offsets(%dma_start3A_190 : memref<256xi32, #tpu.memory_space<vmem>>) semaphore(%dma_start3A_195 : memref<!tpu.dma_semaphore, #tpu.memory_space<semaphore_mem>>)
      } else {
      }
      %dma_wait3A_151 = arith.constant 0 : i32
      %dma_wait3A_152 = arith.constant 0 : i32
      %dma_wait3A_153 = arith.constant 0 : i32
      %dma_wait3A_154 = tpu.memref_slice %arg10[%rem3A_142, %dma_wait3A_152, %dma_wait3A_153] : memref<3x256x8xf32, #tpu.memory_space<vmem>> -> memref<1x256x8xf32, #tpu.memory_space<vmem>>
      %dma_wait3A_155 = tpu.memref_squeeze %dma_wait3A_154 : memref<1x256x8xf32, #tpu.memory_space<vmem>> -> memref<256x8xf32, #tpu.memory_space<vmem>>
      %dma_wait3A_156 = arith.constant 0 : i32
      %dma_wait3A_157 = tpu.memref_slice %arg8[%scan3A_141, %dma_wait3A_151, %dma_wait3A_156] : memref<40x1x256xi32, #tpu.memory_space<vmem>> -> memref<1x1x256xi32, #tpu.memory_space<vmem>>
      %dma_wait3A_158 = tpu.memref_squeeze %dma_wait3A_157 : memref<1x1x256xi32, #tpu.memory_space<vmem>> -> memref<256xi32, #tpu.memory_space<vmem>>
      %dma_wait3A_159 = arith.constant 0 : i32
      %dma_wait3A_160 = arith.constant 0 : i32
      %dma_wait3A_161 = tpu.memref_slice %arg13[%dma_wait3A_159, %dma_wait3A_160] : memref<10240x8xf32, #tpu.memory_space<vmem_shared>> -> memref<10240x8xf32, #tpu.memory_space<vmem_shared>>
      %dma_wait3A_162 = tpu.memref_slice %arg11[%rem3A_142] : memref<3x!tpu.dma_semaphore, #tpu.memory_space<semaphore_mem>> -> memref<1x!tpu.dma_semaphore, #tpu.memory_space<semaphore_mem>>
      %dma_wait3A_163 = tpu.memref_squeeze %dma_wait3A_162 : memref<1x!tpu.dma_semaphore, #tpu.memory_space<semaphore_mem>> -> memref<!tpu.dma_semaphore, #tpu.memory_space<semaphore_mem>>
      tpu.wait_indirect_dma semaphore(%dma_wait3A_163 : memref<!tpu.dma_semaphore, #tpu.memory_space<semaphore_mem>>) src(%dma_wait3A_161 : memref<10240x8xf32, #tpu.memory_space<vmem_shared>>) dst(%dma_wait3A_155 : memref<256x8xf32, #tpu.memory_space<vmem>>)
      %dma_start3A_164 = arith.constant 0 : i32
      %dma_start3A_165 = arith.constant 0 : i32
      %dma_start3A_166 = arith.constant 0 : i32
      %dma_start3A_167 = tpu.memref_slice %arg10[%rem3A_142, %dma_start3A_165, %dma_start3A_166] : memref<3x256x8xf32, #tpu.memory_space<vmem>> -> memref<1x256x8xf32, #tpu.memory_space<vmem>>
      %dma_start3A_168 = tpu.memref_squeeze %dma_start3A_167 : memref<1x256x8xf32, #tpu.memory_space<vmem>> -> memref<256x8xf32, #tpu.memory_space<vmem>>
      %dma_start3A_169 = arith.constant 0 : i32
      %dma_start3A_170 = tpu.memref_slice %arg9[%scan3A_141, %dma_start3A_164, %dma_start3A_169] : memref<40x1x256xi32, #tpu.memory_space<vmem>> -> memref<1x1x256xi32, #tpu.memory_space<vmem>>
      %dma_start3A_171 = tpu.memref_squeeze %dma_start3A_170 : memref<1x1x256xi32, #tpu.memory_space<vmem>> -> memref<256xi32, #tpu.memory_space<vmem>>
      %dma_start3A_172 = arith.constant 0 : i32
      %dma_start3A_173 = arith.constant 0 : i32
      %dma_start3A_174 = tpu.memref_slice %arg7[%dma_start3A_172, %dma_start3A_173] : memref<10240x8xf32, #tpu.memory_space<vmem_shared>> -> memref<10240x8xf32, #tpu.memory_space<vmem_shared>>
      %dma_start3A_175 = tpu.memref_slice %arg12[%rem3A_142] : memref<3x!tpu.dma_semaphore, #tpu.memory_space<semaphore_mem>> -> memref<1x!tpu.dma_semaphore, #tpu.memory_space<semaphore_mem>>
      %dma_start3A_176 = tpu.memref_squeeze %dma_start3A_175 : memref<1x!tpu.dma_semaphore, #tpu.memory_space<semaphore_mem>> -> memref<!tpu.dma_semaphore, #tpu.memory_space<semaphore_mem>>
      tpu.enqueue_indirect_dma source(%dma_start3A_168 : memref<256x8xf32, #tpu.memory_space<vmem>>) target(%dma_start3A_174 : memref<10240x8xf32, #tpu.memory_space<vmem_shared>>) offsets(%dma_start3A_171 : memref<256xi32, #tpu.memory_space<vmem>>) semaphore(%dma_start3A_176 : memref<!tpu.dma_semaphore, #tpu.memory_space<semaphore_mem>>) {add = true}
    }
    %scan3A_116 = arith.constant 40 : i32
    %dma_wait3A_117 = arith.constant 0 : i32
    %dma_wait3A_118 = arith.constant 39 : i32
    %dma_wait3A_119 = arith.constant 0 : i32
    %dma_wait3A_120 = arith.constant 0 : i32
    %dma_wait3A_121 = arith.constant 0 : i32
    %dma_wait3A_122 = arith.constant 0 : i32
    %dma_wait3A_123 = tpu.memref_slice %arg10[%dma_wait3A_117, %dma_wait3A_121, %dma_wait3A_122] : memref<3x256x8xf32, #tpu.memory_space<vmem>> -> memref<1x256x8xf32, #tpu.memory_space<vmem>>
    %dma_wait3A_124 = tpu.memref_squeeze %dma_wait3A_123 : memref<1x256x8xf32, #tpu.memory_space<vmem>> -> memref<256x8xf32, #tpu.memory_space<vmem>>
    %dma_wait3A_125 = arith.constant 0 : i32
    %dma_wait3A_126 = tpu.memref_slice %arg9[%dma_wait3A_118, %dma_wait3A_119, %dma_wait3A_125] : memref<40x1x256xi32, #tpu.memory_space<vmem>> -> memref<1x1x256xi32, #tpu.memory_space<vmem>>
    %dma_wait3A_127 = tpu.memref_squeeze %dma_wait3A_126 : memref<1x1x256xi32, #tpu.memory_space<vmem>> -> memref<256xi32, #tpu.memory_space<vmem>>
    %dma_wait3A_128 = arith.constant 0 : i32
    %dma_wait3A_129 = arith.constant 0 : i32
    %dma_wait3A_130 = tpu.memref_slice %arg7[%dma_wait3A_128, %dma_wait3A_129] : memref<10240x8xf32, #tpu.memory_space<vmem_shared>> -> memref<10240x8xf32, #tpu.memory_space<vmem_shared>>
    %dma_wait3A_131 = tpu.memref_slice %arg12[%dma_wait3A_120] : memref<3x!tpu.dma_semaphore, #tpu.memory_space<semaphore_mem>> -> memref<1x!tpu.dma_semaphore, #tpu.memory_space<semaphore_mem>>
    %dma_wait3A_132 = tpu.memref_squeeze %dma_wait3A_131 : memref<1x!tpu.dma_semaphore, #tpu.memory_space<semaphore_mem>> -> memref<!tpu.dma_semaphore, #tpu.memory_space<semaphore_mem>>
    tpu.wait_indirect_dma semaphore(%dma_wait3A_132 : memref<!tpu.dma_semaphore, #tpu.memory_space<semaphore_mem>>) src(%dma_wait3A_124 : memref<256x8xf32, #tpu.memory_space<vmem>>) dst(%dma_wait3A_130 : memref<10240x8xf32, #tpu.memory_space<vmem_shared>>)
    %barrier3A_133 = arith.constant 0 : index
    tpu.barrier barrier_id(%barrier3A_133)
    %mul3A_134 = arith.constant 10240 : i32
    %mul3A_135 = arith.muli %arg0, %mul3A_134 : i32
    %mul3A_136 = arith.constant 640 : i32
    %mul3A_137 = arith.muli %arg1, %mul3A_136 : i32
    %add3A_138 = arith.addi %mul3A_135, %mul3A_137 : i32
    %multiple_of3A = tpu.assume_multiple %add3A_138, 640 : i32
    %mul3A_139 = arith.constant 640 : i32
    %mul3A_140 = arith.muli %arg1, %mul3A_139 : i32
    "tpu.region"() ({
      %run_scoped3A = tpu.sem_alloc : memref<!tpu.dma_semaphore, #tpu.memory_space<semaphore_mem>>
      %dma_start3A_141 = arith.constant 0 : i32
      %dma_start3A_142 = tpu.memref_slice %arg6[%multiple_of3A, %dma_start3A_141] : memref<20480x8xf32, #tpu.memory_space<hbm>> -> memref<640x8xf32, #tpu.memory_space<hbm>>
      %dma_start3A_143 = arith.constant 0 : i32
      %dma_start3A_144 = tpu.memref_slice %arg7[%mul3A_140, %dma_start3A_143] : memref<10240x8xf32, #tpu.memory_space<vmem_shared>> -> memref<640x8xf32, #tpu.memory_space<vmem_shared>>
      tpu.enqueue_dma source(%dma_start3A_144 : memref<640x8xf32, #tpu.memory_space<vmem_shared>>) target(%dma_start3A_142 : memref<640x8xf32, #tpu.memory_space<hbm>>) target_semaphore(%run_scoped3A : memref<!tpu.dma_semaphore, #tpu.memory_space<semaphore_mem>>)
      %dma_wait3A_145 = arith.constant 0 : i32
      %dma_wait3A_146 = tpu.memref_slice %arg6[%multiple_of3A, %dma_wait3A_145] : memref<20480x8xf32, #tpu.memory_space<hbm>> -> memref<640x8xf32, #tpu.memory_space<hbm>>
      %dma_wait3A_147 = arith.constant 0 : i32
      %dma_wait3A_148 = tpu.memref_slice %arg7[%mul3A_140, %dma_wait3A_147] : memref<10240x8xf32, #tpu.memory_space<vmem_shared>> -> memref<640x8xf32, #tpu.memory_space<vmem_shared>>
      tpu.wait_dma2 semaphore(%run_scoped3A : memref<!tpu.dma_semaphore, #tpu.memory_space<semaphore_mem>>) src(%dma_wait3A_148 : memref<640x8xf32, #tpu.memory_space<vmem_shared>>) dst(%dma_wait3A_146 : memref<640x8xf32, #tpu.memory_space<hbm>>)
      tpu.yield
    }) : () -> ()
    return
  }
}

module attributes {stable_mosaic.version = 14 : i64} {
  func.func @_tc0_body(%arg0: i32, %arg1: memref<2x512x8xf32, #tpu.memory_space<vmem>>, %arg2: memref<512x128xf32, #tpu.memory_space<vmem>>, %arg3: memref<128x64xf32, #tpu.memory_space<vmem>>, %arg4: memref<512x64xf32, #tpu.memory_space<vmem>>, %arg5: memref<512x1xf32, #tpu.memory_space<vmem>>) attributes {dimension_semantics = [#tpu.dimension_semantics<arbitrary>], iteration_bounds = array<i64: 20>, scalar_prefetch = 0 : i64, scratch_operands = 0 : i64, tpu.core_type = #tpu.core_type<tc>, window_params = [{transform_indices = @transform_0, window_bounds = array<i64: 2, 512, 8>}, {transform_indices = @transform_1, window_bounds = array<i64: 512, 128>}, {pipeline_mode = #tpu.pipeline_mode<synchronous>, transform_indices = @transform_2, window_bounds = array<i64: 128, 64>}, {transform_indices = @transform_3, window_bounds = array<i64: 512, 64>}, {transform_indices = @transform_4, window_bounds = array<i64: 512, 1>}]} {
    %get3A = arith.constant 0 : index
    %get3A_0 = arith.constant 0 : index
    %get3A_1 = arith.constant 0 : index
    %get3A_2 = vector.load %arg1[%get3A, %get3A_0, %get3A_1] : memref<2x512x8xf32, #tpu.memory_space<vmem>>, vector<1x512x1xf32>
    %get3A_3 = vector.shape_cast %get3A_2 : vector<1x512x1xf32> to vector<512x1xf32>
    %get3A_4 = arith.constant 1 : index
    %get3A_5 = arith.constant 0 : index
    %get3A_6 = arith.constant 0 : index
    %get3A_7 = vector.load %arg1[%get3A_4, %get3A_5, %get3A_6] : memref<2x512x8xf32, #tpu.memory_space<vmem>>, vector<1x512x1xf32>
    %get3A_8 = vector.shape_cast %get3A_7 : vector<1x512x1xf32> to vector<512x1xf32>
    %add3A = arith.addf %get3A_3, %get3A_8 : vector<512x1xf32>
    %add3A_9 = arith.constant 1.000000e+00 : f32
    %add3A_10 = vector.broadcast %add3A_9 : f32 to vector<512x1xf32>
    %add3A_11 = arith.addf %add3A, %add3A_10 : vector<512x1xf32>
    %rsqrt3A = math.rsqrt %add3A_11 : vector<512x1xf32>
    %swap3A = arith.constant 0 : index
    %swap3A_12 = arith.constant 0 : index
    %swap3A_13 = vector.load %arg5[%swap3A, %swap3A_12] : memref<512x1xf32, #tpu.memory_space<vmem>>, vector<512x1xf32>
    tpu.vector_store %arg5[%swap3A, %swap3A_12], %rsqrt3A {strides = array<i32>} : memref<512x1xf32, #tpu.memory_space<vmem>>, vector<512x1xf32>,
    %get3A_14 = arith.constant 0 : index
    %get3A_15 = arith.constant 0 : index
    %get3A_16 = vector.load %arg2[%get3A_14, %get3A_15] : memref<512x128xf32, #tpu.memory_space<vmem>>, vector<512x128xf32>
    %get3A_17 = arith.constant 0 : index
    %get3A_18 = arith.constant 0 : index
    %get3A_19 = vector.load %arg3[%get3A_17, %get3A_18] : memref<128x64xf32, #tpu.memory_space<vmem>>, vector<128x64xf32>
    %dot_general3A = arith.constant dense<0.000000e+00> : vector<512x64xf32>
    %dot_general3A_20 = tpu.matmul %get3A_16, %get3A_19, %dot_general3A {dimension_numbers = #tpu.dot_dimension_numbers<[1], [0], [0], [1], [0, 0, 1, 1], [], []>, transpose_lhs_hint = false} : vector<512x128xf32>, vector<128x64xf32>, vector<512x64xf32> -> vector<512x64xf32>
    %mul3A = vector.broadcast %rsqrt3A : vector<512x1xf32> to vector<512x64xf32>
    %mul3A_21 = arith.mulf %mul3A, %dot_general3A_20 : vector<512x64xf32>
    %swap3A_22 = arith.constant 0 : index
    %swap3A_23 = arith.constant 0 : index
    %swap3A_24 = vector.load %arg4[%swap3A_22, %swap3A_23] : memref<512x64xf32, #tpu.memory_space<vmem>>, vector<512x64xf32>
    tpu.vector_store %arg4[%swap3A_22, %swap3A_23], %mul3A_21 {strides = array<i32>} : memref<512x64xf32, #tpu.memory_space<vmem>>, vector<512x64xf32>,
    return
  }
  func.func @transform_0(%arg0: i32) -> (i32, i32, i32) {
    %c0_i32 = arith.constant 0 : i32
    %c0_i32_0 = arith.constant 0 : i32
    %c0_i32_1 = arith.constant 0 : i32
    return %c0_i32, %arg0, %c0_i32_0 : i32, i32, i32
  }
  func.func @transform_1(%arg0: i32) -> (i32, i32) {
    %c0_i32 = arith.constant 0 : i32
    %c0_i32_0 = arith.constant 0 : i32
    return %arg0, %c0_i32 : i32, i32
  }
  func.func @transform_2(%arg0: i32) -> (i32, i32) {
    %c0_i32 = arith.constant 0 : i32
    %c0_i32_0 = arith.constant 0 : i32
    %c0_i32_1 = arith.constant 0 : i32
    return %c0_i32, %c0_i32_0 : i32, i32
  }
  func.func @transform_3(%arg0: i32) -> (i32, i32) {
    %c0_i32 = arith.constant 0 : i32
    %c0_i32_0 = arith.constant 0 : i32
    return %arg0, %c0_i32 : i32, i32
  }
  func.func @transform_4(%arg0: i32) -> (i32, i32) {
    %c0_i32 = arith.constant 0 : i32
    %c0_i32_0 = arith.constant 0 : i32
    return %arg0, %c0_i32 : i32, i32
  }
}

module attributes {stable_mosaic.version = 14 : i64} {
  func.func @_tcmid_body(%arg0: i32, %arg1: memref<512x64xf32, #tpu.memory_space<vmem>>, %arg2: memref<512x64xf32, #tpu.memory_space<vmem>>, %arg3: memref<512x64xf32, #tpu.memory_space<vmem>>, %arg4: memref<512x1xf32, #tpu.memory_space<vmem>>, %arg5: memref<1x64xf32, #tpu.memory_space<vmem>>, %arg6: memref<64x32xf32, #tpu.memory_space<vmem>>, %arg7: memref<512x32xf32, #tpu.memory_space<vmem>>) attributes {dimension_semantics = [#tpu.dimension_semantics<arbitrary>], iteration_bounds = array<i64: 20>, scalar_prefetch = 0 : i64, scratch_operands = 0 : i64, tpu.core_type = #tpu.core_type<tc>, window_params = [{transform_indices = @transform_0, window_bounds = array<i64: 512, 64>}, {transform_indices = @transform_1, window_bounds = array<i64: 512, 64>}, {transform_indices = @transform_2, window_bounds = array<i64: 512, 64>}, {transform_indices = @transform_3, window_bounds = array<i64: 512, 1>}, {pipeline_mode = #tpu.pipeline_mode<synchronous>, transform_indices = @transform_4, window_bounds = array<i64: 1, 64>}, {pipeline_mode = #tpu.pipeline_mode<synchronous>, transform_indices = @transform_5, window_bounds = array<i64: 64, 32>}, {transform_indices = @transform_6, window_bounds = array<i64: 512, 32>}]} {
    %get3A = arith.constant 0 : index
    %get3A_0 = arith.constant 0 : index
    %get3A_1 = vector.load %arg4[%get3A, %get3A_0] : memref<512x1xf32, #tpu.memory_space<vmem>>, vector<512x1xf32>
    %get3A_2 = arith.constant 0 : index
    %get3A_3 = arith.constant 0 : index
    %get3A_4 = vector.load %arg1[%get3A_2, %get3A_3] : memref<512x64xf32, #tpu.memory_space<vmem>>, vector<512x64xf32>
    %get3A_5 = arith.constant 0 : index
    %get3A_6 = arith.constant 0 : index
    %get3A_7 = vector.load %arg2[%get3A_5, %get3A_6] : memref<512x64xf32, #tpu.memory_space<vmem>>, vector<512x64xf32>
    %add3A = arith.addf %get3A_4, %get3A_7 : vector<512x64xf32>
    %get3A_8 = arith.constant 0 : index
    %get3A_9 = arith.constant 0 : index
    %get3A_10 = vector.load %arg3[%get3A_8, %get3A_9] : memref<512x64xf32, #tpu.memory_space<vmem>>, vector<512x64xf32>
    %add3A_11 = arith.addf %add3A, %get3A_10 : vector<512x64xf32>
    %mul3A = vector.broadcast %get3A_1 : vector<512x1xf32> to vector<512x64xf32>
    %mul3A_12 = arith.mulf %mul3A, %add3A_11 : vector<512x64xf32>
    %get3A_13 = arith.constant 0 : index
    %get3A_14 = arith.constant 0 : index
    %get3A_15 = vector.load %arg5[%get3A_13, %get3A_14] : memref<1x64xf32, #tpu.memory_space<vmem>>, vector<1x64xf32>
    %add3A_16 = vector.broadcast %get3A_15 : vector<1x64xf32> to vector<512x64xf32>
    %add3A_17 = arith.addf %mul3A_12, %add3A_16 : vector<512x64xf32>
    %max3A = arith.constant 0.000000e+00 : f32
    %max3A_18 = vector.broadcast %max3A : f32 to vector<512x64xf32>
    %max3A_19 = arith.maximumf %add3A_17, %max3A_18 : vector<512x64xf32>
    %mul3A_20 = arith.constant 512 : i32
    %mul3A_21 = arith.muli %arg0, %mul3A_20 : i32
    %iota3A = tpu.iota {dimensions = array<i32: 0>} : vector<512x1xi32>
    %add3A_22 = vector.broadcast %mul3A_21 : i32 to vector<512x1xi32>
    %add3A_23 = arith.addi %add3A_22, %iota3A : vector<512x1xi32>
    %lt3A = arith.constant 10000 : i32
    %lt3A_24 = vector.broadcast %lt3A : i32 to vector<512x1xi32>
    %lt3A_25 = arith.cmpi slt, %add3A_23, %lt3A_24 : vector<512x1xi32>
    %jit3A = arith.constant 0.000000e+00 : f32
    %broadcast_in_dim3A = vector.shape_cast %lt3A_25 : vector<512x1xi1> to vector<512x1xi1>
    %broadcast_in_dim3A_26 = vector.broadcast %broadcast_in_dim3A : vector<512x1xi1> to vector<512x64xi1>
    %broadcast_in_dim3A_27 = vector.broadcast %jit3A : f32 to vector<512x64xf32>
    %select_n3A = arith.select %broadcast_in_dim3A_26, %max3A_19, %broadcast_in_dim3A_27 : vector<512x64xi1>, vector<512x64xf32>
    %get3A_28 = arith.constant 0 : index
    %get3A_29 = arith.constant 0 : index
    %get3A_30 = vector.load %arg6[%get3A_28, %get3A_29] : memref<64x32xf32, #tpu.memory_space<vmem>>, vector<64x32xf32>
    %dot_general3A = arith.constant dense<0.000000e+00> : vector<512x32xf32>
    %dot_general3A_31 = tpu.matmul %select_n3A, %get3A_30, %dot_general3A {dimension_numbers = #tpu.dot_dimension_numbers<[1], [0], [0], [1], [0, 0, 1, 1], [], []>, transpose_lhs_hint = false} : vector<512x64xf32>, vector<64x32xf32>, vector<512x32xf32> -> vector<512x32xf32>
    %mul3A_32 = vector.broadcast %get3A_1 : vector<512x1xf32> to vector<512x32xf32>
    %mul3A_33 = arith.mulf %mul3A_32, %dot_general3A_31 : vector<512x32xf32>
    %swap3A = arith.constant 0 : index
    %swap3A_34 = arith.constant 0 : index
    %swap3A_35 = vector.load %arg7[%swap3A, %swap3A_34] : memref<512x32xf32, #tpu.memory_space<vmem>>, vector<512x32xf32>
    tpu.vector_store %arg7[%swap3A, %swap3A_34], %mul3A_33 {strides = array<i32>} : memref<512x32xf32, #tpu.memory_space<vmem>>, vector<512x32xf32>,
    return
  }
  func.func @transform_0(%arg0: i32) -> (i32, i32) {
    %c0_i32 = arith.constant 0 : i32
    %c0_i32_0 = arith.constant 0 : i32
    return %arg0, %c0_i32 : i32, i32
  }
  func.func @transform_1(%arg0: i32) -> (i32, i32) {
    %add3A = arith.constant 20 : i32
    %add3A_0 = arith.addi %arg0, %add3A : i32
    %c0_i32 = arith.constant 0 : i32
    %c0_i32_1 = arith.constant 0 : i32
    return %add3A_0, %c0_i32 : i32, i32
  }
  func.func @transform_2(%arg0: i32) -> (i32, i32) {
    %c0_i32 = arith.constant 0 : i32
    %c0_i32_0 = arith.constant 0 : i32
    return %arg0, %c0_i32 : i32, i32
  }
  func.func @transform_3(%arg0: i32) -> (i32, i32) {
    %c0_i32 = arith.constant 0 : i32
    %c0_i32_0 = arith.constant 0 : i32
    return %arg0, %c0_i32 : i32, i32
  }
  func.func @transform_4(%arg0: i32) -> (i32, i32) {
    %c0_i32 = arith.constant 0 : i32
    %c0_i32_0 = arith.constant 0 : i32
    %c0_i32_1 = arith.constant 0 : i32
    return %c0_i32, %c0_i32_0 : i32, i32
  }
  func.func @transform_5(%arg0: i32) -> (i32, i32) {
    %c0_i32 = arith.constant 0 : i32
    %c0_i32_0 = arith.constant 0 : i32
    %c0_i32_1 = arith.constant 0 : i32
    return %c0_i32, %c0_i32_0 : i32, i32
  }
  func.func @transform_6(%arg0: i32) -> (i32, i32) {
    %c0_i32 = arith.constant 0 : i32
    %c0_i32_0 = arith.constant 0 : i32
    return %arg0, %c0_i32 : i32, i32
  }
}

module attributes {stable_mosaic.version = 14 : i64} {
  func.func @_tcmid_body(%arg0: i32, %arg1: memref<512x32xf32, #tpu.memory_space<vmem>>, %arg2: memref<512x32xf32, #tpu.memory_space<vmem>>, %arg3: memref<512x32xf32, #tpu.memory_space<vmem>>, %arg4: memref<512x1xf32, #tpu.memory_space<vmem>>, %arg5: memref<1x32xf32, #tpu.memory_space<vmem>>, %arg6: memref<32x16xf32, #tpu.memory_space<vmem>>, %arg7: memref<512x16xf32, #tpu.memory_space<vmem>>) attributes {dimension_semantics = [#tpu.dimension_semantics<arbitrary>], iteration_bounds = array<i64: 20>, scalar_prefetch = 0 : i64, scratch_operands = 0 : i64, tpu.core_type = #tpu.core_type<tc>, window_params = [{transform_indices = @transform_0, window_bounds = array<i64: 512, 32>}, {transform_indices = @transform_1, window_bounds = array<i64: 512, 32>}, {transform_indices = @transform_2, window_bounds = array<i64: 512, 32>}, {transform_indices = @transform_3, window_bounds = array<i64: 512, 1>}, {pipeline_mode = #tpu.pipeline_mode<synchronous>, transform_indices = @transform_4, window_bounds = array<i64: 1, 32>}, {pipeline_mode = #tpu.pipeline_mode<synchronous>, transform_indices = @transform_5, window_bounds = array<i64: 32, 16>}, {transform_indices = @transform_6, window_bounds = array<i64: 512, 16>}]} {
    %get3A = arith.constant 0 : index
    %get3A_0 = arith.constant 0 : index
    %get3A_1 = vector.load %arg4[%get3A, %get3A_0] : memref<512x1xf32, #tpu.memory_space<vmem>>, vector<512x1xf32>
    %get3A_2 = arith.constant 0 : index
    %get3A_3 = arith.constant 0 : index
    %get3A_4 = vector.load %arg1[%get3A_2, %get3A_3] : memref<512x32xf32, #tpu.memory_space<vmem>>, vector<512x32xf32>
    %get3A_5 = arith.constant 0 : index
    %get3A_6 = arith.constant 0 : index
    %get3A_7 = vector.load %arg2[%get3A_5, %get3A_6] : memref<512x32xf32, #tpu.memory_space<vmem>>, vector<512x32xf32>
    %add3A = arith.addf %get3A_4, %get3A_7 : vector<512x32xf32>
    %get3A_8 = arith.constant 0 : index
    %get3A_9 = arith.constant 0 : index
    %get3A_10 = vector.load %arg3[%get3A_8, %get3A_9] : memref<512x32xf32, #tpu.memory_space<vmem>>, vector<512x32xf32>
    %add3A_11 = arith.addf %add3A, %get3A_10 : vector<512x32xf32>
    %mul3A = vector.broadcast %get3A_1 : vector<512x1xf32> to vector<512x32xf32>
    %mul3A_12 = arith.mulf %mul3A, %add3A_11 : vector<512x32xf32>
    %get3A_13 = arith.constant 0 : index
    %get3A_14 = arith.constant 0 : index
    %get3A_15 = vector.load %arg5[%get3A_13, %get3A_14] : memref<1x32xf32, #tpu.memory_space<vmem>>, vector<1x32xf32>
    %add3A_16 = vector.broadcast %get3A_15 : vector<1x32xf32> to vector<512x32xf32>
    %add3A_17 = arith.addf %mul3A_12, %add3A_16 : vector<512x32xf32>
    %max3A = arith.constant 0.000000e+00 : f32
    %max3A_18 = vector.broadcast %max3A : f32 to vector<512x32xf32>
    %max3A_19 = arith.maximumf %add3A_17, %max3A_18 : vector<512x32xf32>
    %mul3A_20 = arith.constant 512 : i32
    %mul3A_21 = arith.muli %arg0, %mul3A_20 : i32
    %iota3A = tpu.iota {dimensions = array<i32: 0>} : vector<512x1xi32>
    %add3A_22 = vector.broadcast %mul3A_21 : i32 to vector<512x1xi32>
    %add3A_23 = arith.addi %add3A_22, %iota3A : vector<512x1xi32>
    %lt3A = arith.constant 10000 : i32
    %lt3A_24 = vector.broadcast %lt3A : i32 to vector<512x1xi32>
    %lt3A_25 = arith.cmpi slt, %add3A_23, %lt3A_24 : vector<512x1xi32>
    %jit3A = arith.constant 0.000000e+00 : f32
    %broadcast_in_dim3A = vector.shape_cast %lt3A_25 : vector<512x1xi1> to vector<512x1xi1>
    %broadcast_in_dim3A_26 = vector.broadcast %broadcast_in_dim3A : vector<512x1xi1> to vector<512x32xi1>
    %broadcast_in_dim3A_27 = vector.broadcast %jit3A : f32 to vector<512x32xf32>
    %select_n3A = arith.select %broadcast_in_dim3A_26, %max3A_19, %broadcast_in_dim3A_27 : vector<512x32xi1>, vector<512x32xf32>
    %get3A_28 = arith.constant 0 : index
    %get3A_29 = arith.constant 0 : index
    %get3A_30 = vector.load %arg6[%get3A_28, %get3A_29] : memref<32x16xf32, #tpu.memory_space<vmem>>, vector<32x16xf32>
    %dot_general3A = arith.constant dense<0.000000e+00> : vector<512x16xf32>
    %dot_general3A_31 = tpu.matmul %select_n3A, %get3A_30, %dot_general3A {dimension_numbers = #tpu.dot_dimension_numbers<[1], [0], [0], [1], [0, 0, 1, 1], [], []>, transpose_lhs_hint = false} : vector<512x32xf32>, vector<32x16xf32>, vector<512x16xf32> -> vector<512x16xf32>
    %mul3A_32 = vector.broadcast %get3A_1 : vector<512x1xf32> to vector<512x16xf32>
    %mul3A_33 = arith.mulf %mul3A_32, %dot_general3A_31 : vector<512x16xf32>
    %swap3A = arith.constant 0 : index
    %swap3A_34 = arith.constant 0 : index
    %swap3A_35 = vector.load %arg7[%swap3A, %swap3A_34] : memref<512x16xf32, #tpu.memory_space<vmem>>, vector<512x16xf32>
    tpu.vector_store %arg7[%swap3A, %swap3A_34], %mul3A_33 {strides = array<i32>} : memref<512x16xf32, #tpu.memory_space<vmem>>, vector<512x16xf32>,
    return
  }
  func.func @transform_0(%arg0: i32) -> (i32, i32) {
    %c0_i32 = arith.constant 0 : i32
    %c0_i32_0 = arith.constant 0 : i32
    return %arg0, %c0_i32 : i32, i32
  }
  func.func @transform_1(%arg0: i32) -> (i32, i32) {
    %add3A = arith.constant 20 : i32
    %add3A_0 = arith.addi %arg0, %add3A : i32
    %c0_i32 = arith.constant 0 : i32
    %c0_i32_1 = arith.constant 0 : i32
    return %add3A_0, %c0_i32 : i32, i32
  }
  func.func @transform_2(%arg0: i32) -> (i32, i32) {
    %c0_i32 = arith.constant 0 : i32
    %c0_i32_0 = arith.constant 0 : i32
    return %arg0, %c0_i32 : i32, i32
  }
  func.func @transform_3(%arg0: i32) -> (i32, i32) {
    %c0_i32 = arith.constant 0 : i32
    %c0_i32_0 = arith.constant 0 : i32
    return %arg0, %c0_i32 : i32, i32
  }
  func.func @transform_4(%arg0: i32) -> (i32, i32) {
    %c0_i32 = arith.constant 0 : i32
    %c0_i32_0 = arith.constant 0 : i32
    %c0_i32_1 = arith.constant 0 : i32
    return %c0_i32, %c0_i32_0 : i32, i32
  }
  func.func @transform_5(%arg0: i32) -> (i32, i32) {
    %c0_i32 = arith.constant 0 : i32
    %c0_i32_0 = arith.constant 0 : i32
    %c0_i32_1 = arith.constant 0 : i32
    return %c0_i32, %c0_i32_0 : i32, i32
  }
  func.func @transform_6(%arg0: i32) -> (i32, i32) {
    %c0_i32 = arith.constant 0 : i32
    %c0_i32_0 = arith.constant 0 : i32
    return %arg0, %c0_i32 : i32, i32
  }
}

module attributes {stable_mosaic.version = 14 : i64} {
  func.func @_tcmid_body(%arg0: i32, %arg1: memref<512x16xf32, #tpu.memory_space<vmem>>, %arg2: memref<512x16xf32, #tpu.memory_space<vmem>>, %arg3: memref<512x16xf32, #tpu.memory_space<vmem>>, %arg4: memref<512x1xf32, #tpu.memory_space<vmem>>, %arg5: memref<1x16xf32, #tpu.memory_space<vmem>>, %arg6: memref<16x8xf32, #tpu.memory_space<vmem>>, %arg7: memref<512x8xf32, #tpu.memory_space<vmem>>) attributes {dimension_semantics = [#tpu.dimension_semantics<arbitrary>], iteration_bounds = array<i64: 20>, scalar_prefetch = 0 : i64, scratch_operands = 0 : i64, tpu.core_type = #tpu.core_type<tc>, window_params = [{transform_indices = @transform_0, window_bounds = array<i64: 512, 16>}, {transform_indices = @transform_1, window_bounds = array<i64: 512, 16>}, {transform_indices = @transform_2, window_bounds = array<i64: 512, 16>}, {transform_indices = @transform_3, window_bounds = array<i64: 512, 1>}, {pipeline_mode = #tpu.pipeline_mode<synchronous>, transform_indices = @transform_4, window_bounds = array<i64: 1, 16>}, {pipeline_mode = #tpu.pipeline_mode<synchronous>, transform_indices = @transform_5, window_bounds = array<i64: 16, 8>}, {transform_indices = @transform_6, window_bounds = array<i64: 512, 8>}]} {
    %get3A = arith.constant 0 : index
    %get3A_0 = arith.constant 0 : index
    %get3A_1 = vector.load %arg4[%get3A, %get3A_0] : memref<512x1xf32, #tpu.memory_space<vmem>>, vector<512x1xf32>
    %get3A_2 = arith.constant 0 : index
    %get3A_3 = arith.constant 0 : index
    %get3A_4 = vector.load %arg1[%get3A_2, %get3A_3] : memref<512x16xf32, #tpu.memory_space<vmem>>, vector<512x16xf32>
    %get3A_5 = arith.constant 0 : index
    %get3A_6 = arith.constant 0 : index
    %get3A_7 = vector.load %arg2[%get3A_5, %get3A_6] : memref<512x16xf32, #tpu.memory_space<vmem>>, vector<512x16xf32>
    %add3A = arith.addf %get3A_4, %get3A_7 : vector<512x16xf32>
    %get3A_8 = arith.constant 0 : index
    %get3A_9 = arith.constant 0 : index
    %get3A_10 = vector.load %arg3[%get3A_8, %get3A_9] : memref<512x16xf32, #tpu.memory_space<vmem>>, vector<512x16xf32>
    %add3A_11 = arith.addf %add3A, %get3A_10 : vector<512x16xf32>
    %mul3A = vector.broadcast %get3A_1 : vector<512x1xf32> to vector<512x16xf32>
    %mul3A_12 = arith.mulf %mul3A, %add3A_11 : vector<512x16xf32>
    %get3A_13 = arith.constant 0 : index
    %get3A_14 = arith.constant 0 : index
    %get3A_15 = vector.load %arg5[%get3A_13, %get3A_14] : memref<1x16xf32, #tpu.memory_space<vmem>>, vector<1x16xf32>
    %add3A_16 = vector.broadcast %get3A_15 : vector<1x16xf32> to vector<512x16xf32>
    %add3A_17 = arith.addf %mul3A_12, %add3A_16 : vector<512x16xf32>
    %max3A = arith.constant 0.000000e+00 : f32
    %max3A_18 = vector.broadcast %max3A : f32 to vector<512x16xf32>
    %max3A_19 = arith.maximumf %add3A_17, %max3A_18 : vector<512x16xf32>
    %mul3A_20 = arith.constant 512 : i32
    %mul3A_21 = arith.muli %arg0, %mul3A_20 : i32
    %iota3A = tpu.iota {dimensions = array<i32: 0>} : vector<512x1xi32>
    %add3A_22 = vector.broadcast %mul3A_21 : i32 to vector<512x1xi32>
    %add3A_23 = arith.addi %add3A_22, %iota3A : vector<512x1xi32>
    %lt3A = arith.constant 10000 : i32
    %lt3A_24 = vector.broadcast %lt3A : i32 to vector<512x1xi32>
    %lt3A_25 = arith.cmpi slt, %add3A_23, %lt3A_24 : vector<512x1xi32>
    %jit3A = arith.constant 0.000000e+00 : f32
    %broadcast_in_dim3A = vector.shape_cast %lt3A_25 : vector<512x1xi1> to vector<512x1xi1>
    %broadcast_in_dim3A_26 = vector.broadcast %broadcast_in_dim3A : vector<512x1xi1> to vector<512x16xi1>
    %broadcast_in_dim3A_27 = vector.broadcast %jit3A : f32 to vector<512x16xf32>
    %select_n3A = arith.select %broadcast_in_dim3A_26, %max3A_19, %broadcast_in_dim3A_27 : vector<512x16xi1>, vector<512x16xf32>
    %get3A_28 = arith.constant 0 : index
    %get3A_29 = arith.constant 0 : index
    %get3A_30 = vector.load %arg6[%get3A_28, %get3A_29] : memref<16x8xf32, #tpu.memory_space<vmem>>, vector<16x8xf32>
    %dot_general3A = arith.constant dense<0.000000e+00> : vector<512x8xf32>
    %dot_general3A_31 = tpu.matmul %select_n3A, %get3A_30, %dot_general3A {dimension_numbers = #tpu.dot_dimension_numbers<[1], [0], [0], [1], [0, 0, 1, 1], [], []>, transpose_lhs_hint = false} : vector<512x16xf32>, vector<16x8xf32>, vector<512x8xf32> -> vector<512x8xf32>
    %mul3A_32 = vector.broadcast %get3A_1 : vector<512x1xf32> to vector<512x8xf32>
    %mul3A_33 = arith.mulf %mul3A_32, %dot_general3A_31 : vector<512x8xf32>
    %swap3A = arith.constant 0 : index
    %swap3A_34 = arith.constant 0 : index
    %swap3A_35 = vector.load %arg7[%swap3A, %swap3A_34] : memref<512x8xf32, #tpu.memory_space<vmem>>, vector<512x8xf32>
    tpu.vector_store %arg7[%swap3A, %swap3A_34], %mul3A_33 {strides = array<i32>} : memref<512x8xf32, #tpu.memory_space<vmem>>, vector<512x8xf32>,
    return
  }
  func.func @transform_0(%arg0: i32) -> (i32, i32) {
    %c0_i32 = arith.constant 0 : i32
    %c0_i32_0 = arith.constant 0 : i32
    return %arg0, %c0_i32 : i32, i32
  }
  func.func @transform_1(%arg0: i32) -> (i32, i32) {
    %add3A = arith.constant 20 : i32
    %add3A_0 = arith.addi %arg0, %add3A : i32
    %c0_i32 = arith.constant 0 : i32
    %c0_i32_1 = arith.constant 0 : i32
    return %add3A_0, %c0_i32 : i32, i32
  }
  func.func @transform_2(%arg0: i32) -> (i32, i32) {
    %c0_i32 = arith.constant 0 : i32
    %c0_i32_0 = arith.constant 0 : i32
    return %arg0, %c0_i32 : i32, i32
  }
  func.func @transform_3(%arg0: i32) -> (i32, i32) {
    %c0_i32 = arith.constant 0 : i32
    %c0_i32_0 = arith.constant 0 : i32
    return %arg0, %c0_i32 : i32, i32
  }
  func.func @transform_4(%arg0: i32) -> (i32, i32) {
    %c0_i32 = arith.constant 0 : i32
    %c0_i32_0 = arith.constant 0 : i32
    %c0_i32_1 = arith.constant 0 : i32
    return %c0_i32, %c0_i32_0 : i32, i32
  }
  func.func @transform_5(%arg0: i32) -> (i32, i32) {
    %c0_i32 = arith.constant 0 : i32
    %c0_i32_0 = arith.constant 0 : i32
    %c0_i32_1 = arith.constant 0 : i32
    return %c0_i32, %c0_i32_0 : i32, i32
  }
  func.func @transform_6(%arg0: i32) -> (i32, i32) {
    %c0_i32 = arith.constant 0 : i32
    %c0_i32_0 = arith.constant 0 : i32
    return %arg0, %c0_i32 : i32, i32
  }
}

module attributes {stable_mosaic.version = 14 : i64} {
  func.func @_tcmid_nomm_body(%arg0: i32, %arg1: memref<512x8xf32, #tpu.memory_space<vmem>>, %arg2: memref<512x8xf32, #tpu.memory_space<vmem>>, %arg3: memref<512x8xf32, #tpu.memory_space<vmem>>, %arg4: memref<512x1xf32, #tpu.memory_space<vmem>>, %arg5: memref<1x8xf32, #tpu.memory_space<vmem>>, %arg6: memref<512x8xf32, #tpu.memory_space<vmem>>) attributes {dimension_semantics = [#tpu.dimension_semantics<arbitrary>], iteration_bounds = array<i64: 20>, scalar_prefetch = 0 : i64, scratch_operands = 0 : i64, tpu.core_type = #tpu.core_type<tc>, window_params = [{transform_indices = @transform_0, window_bounds = array<i64: 512, 8>}, {transform_indices = @transform_1, window_bounds = array<i64: 512, 8>}, {transform_indices = @transform_2, window_bounds = array<i64: 512, 8>}, {transform_indices = @transform_3, window_bounds = array<i64: 512, 1>}, {pipeline_mode = #tpu.pipeline_mode<synchronous>, transform_indices = @transform_4, window_bounds = array<i64: 1, 8>}, {transform_indices = @transform_5, window_bounds = array<i64: 512, 8>}]} {
    %get3A = arith.constant 0 : index
    %get3A_0 = arith.constant 0 : index
    %get3A_1 = vector.load %arg4[%get3A, %get3A_0] : memref<512x1xf32, #tpu.memory_space<vmem>>, vector<512x1xf32>
    %get3A_2 = arith.constant 0 : index
    %get3A_3 = arith.constant 0 : index
    %get3A_4 = vector.load %arg1[%get3A_2, %get3A_3] : memref<512x8xf32, #tpu.memory_space<vmem>>, vector<512x8xf32>
    %get3A_5 = arith.constant 0 : index
    %get3A_6 = arith.constant 0 : index
    %get3A_7 = vector.load %arg2[%get3A_5, %get3A_6] : memref<512x8xf32, #tpu.memory_space<vmem>>, vector<512x8xf32>
    %add3A = arith.addf %get3A_4, %get3A_7 : vector<512x8xf32>
    %get3A_8 = arith.constant 0 : index
    %get3A_9 = arith.constant 0 : index
    %get3A_10 = vector.load %arg3[%get3A_8, %get3A_9] : memref<512x8xf32, #tpu.memory_space<vmem>>, vector<512x8xf32>
    %add3A_11 = arith.addf %add3A, %get3A_10 : vector<512x8xf32>
    %mul3A = vector.broadcast %get3A_1 : vector<512x1xf32> to vector<512x8xf32>
    %mul3A_12 = arith.mulf %mul3A, %add3A_11 : vector<512x8xf32>
    %get3A_13 = arith.constant 0 : index
    %get3A_14 = arith.constant 0 : index
    %get3A_15 = vector.load %arg5[%get3A_13, %get3A_14] : memref<1x8xf32, #tpu.memory_space<vmem>>, vector<1x8xf32>
    %add3A_16 = vector.broadcast %get3A_15 : vector<1x8xf32> to vector<512x8xf32>
    %add3A_17 = arith.addf %mul3A_12, %add3A_16 : vector<512x8xf32>
    %max3A = arith.constant 0.000000e+00 : f32
    %max3A_18 = vector.broadcast %max3A : f32 to vector<512x8xf32>
    %max3A_19 = arith.maximumf %add3A_17, %max3A_18 : vector<512x8xf32>
    %mul3A_20 = arith.constant 512 : i32
    %mul3A_21 = arith.muli %arg0, %mul3A_20 : i32
    %iota3A = tpu.iota {dimensions = array<i32: 0>} : vector<512x1xi32>
    %add3A_22 = vector.broadcast %mul3A_21 : i32 to vector<512x1xi32>
    %add3A_23 = arith.addi %add3A_22, %iota3A : vector<512x1xi32>
    %lt3A = arith.constant 10000 : i32
    %lt3A_24 = vector.broadcast %lt3A : i32 to vector<512x1xi32>
    %lt3A_25 = arith.cmpi slt, %add3A_23, %lt3A_24 : vector<512x1xi32>
    %jit3A = arith.constant 0.000000e+00 : f32
    %broadcast_in_dim3A = vector.shape_cast %lt3A_25 : vector<512x1xi1> to vector<512x1xi1>
    %broadcast_in_dim3A_26 = vector.broadcast %broadcast_in_dim3A : vector<512x1xi1> to vector<512x8xi1>
    %broadcast_in_dim3A_27 = vector.broadcast %jit3A : f32 to vector<512x8xf32>
    %select_n3A = arith.select %broadcast_in_dim3A_26, %max3A_19, %broadcast_in_dim3A_27 : vector<512x8xi1>, vector<512x8xf32>
    %mul3A_28 = vector.broadcast %get3A_1 : vector<512x1xf32> to vector<512x8xf32>
    %mul3A_29 = arith.mulf %mul3A_28, %select_n3A : vector<512x8xf32>
    %swap3A = arith.constant 0 : index
    %swap3A_30 = arith.constant 0 : index
    %swap3A_31 = vector.load %arg6[%swap3A, %swap3A_30] : memref<512x8xf32, #tpu.memory_space<vmem>>, vector<512x8xf32>
    tpu.vector_store %arg6[%swap3A, %swap3A_30], %mul3A_29 {strides = array<i32>} : memref<512x8xf32, #tpu.memory_space<vmem>>, vector<512x8xf32>,
    return
  }
  func.func @transform_0(%arg0: i32) -> (i32, i32) {
    %c0_i32 = arith.constant 0 : i32
    %c0_i32_0 = arith.constant 0 : i32
    return %arg0, %c0_i32 : i32, i32
  }
  func.func @transform_1(%arg0: i32) -> (i32, i32) {
    %add3A = arith.constant 20 : i32
    %add3A_0 = arith.addi %arg0, %add3A : i32
    %c0_i32 = arith.constant 0 : i32
    %c0_i32_1 = arith.constant 0 : i32
    return %add3A_0, %c0_i32 : i32, i32
  }
  func.func @transform_2(%arg0: i32) -> (i32, i32) {
    %c0_i32 = arith.constant 0 : i32
    %c0_i32_0 = arith.constant 0 : i32
    return %arg0, %c0_i32 : i32, i32
  }
  func.func @transform_3(%arg0: i32) -> (i32, i32) {
    %c0_i32 = arith.constant 0 : i32
    %c0_i32_0 = arith.constant 0 : i32
    return %arg0, %c0_i32 : i32, i32
  }
  func.func @transform_4(%arg0: i32) -> (i32, i32) {
    %c0_i32 = arith.constant 0 : i32
    %c0_i32_0 = arith.constant 0 : i32
    %c0_i32_1 = arith.constant 0 : i32
    return %c0_i32, %c0_i32_0 : i32, i32
  }
  func.func @transform_5(%arg0: i32) -> (i32, i32) {
    %c0_i32 = arith.constant 0 : i32
    %c0_i32_0 = arith.constant 0 : i32
    return %arg0, %c0_i32 : i32, i32
  }
}

module attributes {stable_mosaic.version = 14 : i64} {
  func.func @_tc5_body(%arg0: i32, %arg1: memref<512x8xf32, #tpu.memory_space<vmem>>, %arg2: memref<512x8xf32, #tpu.memory_space<vmem>>, %arg3: memref<512x8xf32, #tpu.memory_space<vmem>>, %arg4: memref<512x1xf32, #tpu.memory_space<vmem>>, %arg5: memref<8x128xf32, #tpu.memory_space<vmem>>, %arg6: memref<1x128xf32, #tpu.memory_space<vmem>>, %arg7: memref<512x1xi32, #tpu.memory_space<vmem>>, %arg8: memref<16x128xf32, #tpu.memory_space<vmem>>, %arg9: memref<16x128xf32, #tpu.memory_space<vmem>>, %arg10: memref<16x1xf32, #tpu.memory_space<vmem>>) attributes {dimension_semantics = [#tpu.dimension_semantics<arbitrary>], iteration_bounds = array<i64: 20>, scalar_prefetch = 0 : i64, scratch_operands = 2 : i64, tpu.core_type = #tpu.core_type<tc>, window_params = [{transform_indices = @transform_0, window_bounds = array<i64: 512, 8>}, {transform_indices = @transform_1, window_bounds = array<i64: 512, 8>}, {transform_indices = @transform_2, window_bounds = array<i64: 512, 8>}, {transform_indices = @transform_3, window_bounds = array<i64: 512, 1>}, {pipeline_mode = #tpu.pipeline_mode<synchronous>, transform_indices = @transform_4, window_bounds = array<i64: 8, 128>}, {pipeline_mode = #tpu.pipeline_mode<synchronous>, transform_indices = @transform_5, window_bounds = array<i64: 1, 128>}, {transform_indices = @transform_6, window_bounds = array<i64: 512, 1>}, {pipeline_mode = #tpu.pipeline_mode<synchronous>, transform_indices = @transform_7, window_bounds = array<i64: 16, 128>}]} {
    %eq3A = arith.constant 0 : i32
    %eq3A_0 = arith.cmpi eq, %arg0, %eq3A : i32
    %convert_element_type3A = arith.extui %eq3A_0 : i1 to i32
    %cond3A = arith.constant 0 : i32
    %cond3A_1 = arith.cmpi ne, %convert_element_type3A, %cond3A : i32
    scf.if %cond3A_1 {
      %broadcast_in_dim3A_66 = arith.constant 0.000000e+00 : f32
      %broadcast_in_dim3A_67 = vector.broadcast %broadcast_in_dim3A_66 : f32 to vector<16x128xf32>
      %swap3A_68 = arith.constant 0 : index
      %swap3A_69 = arith.constant 0 : index
      %swap3A_70 = vector.load %arg9[%swap3A_68, %swap3A_69] : memref<16x128xf32, #tpu.memory_space<vmem>>, vector<16x128xf32>
      tpu.vector_store %arg9[%swap3A_68, %swap3A_69], %broadcast_in_dim3A_67 {strides = array<i32>} : memref<16x128xf32, #tpu.memory_space<vmem>>, vector<16x128xf32>,
      %broadcast_in_dim3A_71 = arith.constant 0.000000e+00 : f32
      %broadcast_in_dim3A_72 = vector.broadcast %broadcast_in_dim3A_71 : f32 to vector<16x1xf32>
      %swap3A_73 = arith.constant 0 : index
      %swap3A_74 = arith.constant 0 : index
      %swap3A_75 = vector.load %arg10[%swap3A_73, %swap3A_74] : memref<16x1xf32, #tpu.memory_space<vmem>>, vector<16x1xf32>
      tpu.vector_store %arg10[%swap3A_73, %swap3A_74], %broadcast_in_dim3A_72 {strides = array<i32>} : memref<16x1xf32, #tpu.memory_space<vmem>>, vector<16x1xf32>,
    } else {
    }
    %get3A = arith.constant 0 : index
    %get3A_2 = arith.constant 0 : index
    %get3A_3 = vector.load %arg4[%get3A, %get3A_2] : memref<512x1xf32, #tpu.memory_space<vmem>>, vector<512x1xf32>
    %get3A_4 = arith.constant 0 : index
    %get3A_5 = arith.constant 0 : index
    %get3A_6 = vector.load %arg1[%get3A_4, %get3A_5] : memref<512x8xf32, #tpu.memory_space<vmem>>, vector<512x8xf32>
    %get3A_7 = arith.constant 0 : index
    %get3A_8 = arith.constant 0 : index
    %get3A_9 = vector.load %arg2[%get3A_7, %get3A_8] : memref<512x8xf32, #tpu.memory_space<vmem>>, vector<512x8xf32>
    %add3A = arith.addf %get3A_6, %get3A_9 : vector<512x8xf32>
    %get3A_10 = arith.constant 0 : index
    %get3A_11 = arith.constant 0 : index
    %get3A_12 = vector.load %arg3[%get3A_10, %get3A_11] : memref<512x8xf32, #tpu.memory_space<vmem>>, vector<512x8xf32>
    %add3A_13 = arith.addf %add3A, %get3A_12 : vector<512x8xf32>
    %mul3A = vector.broadcast %get3A_3 : vector<512x1xf32> to vector<512x8xf32>
    %mul3A_14 = arith.mulf %mul3A, %add3A_13 : vector<512x8xf32>
    %get3A_15 = arith.constant 0 : index
    %get3A_16 = arith.constant 0 : index
    %get3A_17 = vector.load %arg5[%get3A_15, %get3A_16] : memref<8x128xf32, #tpu.memory_space<vmem>>, vector<8x128xf32>
    %dot_general3A = arith.constant dense<0.000000e+00> : vector<512x128xf32>
    %dot_general3A_18 = tpu.matmul %mul3A_14, %get3A_17, %dot_general3A {dimension_numbers = #tpu.dot_dimension_numbers<[1], [0], [0], [1], [0, 0, 1, 1], [], []>, transpose_lhs_hint = false} : vector<512x8xf32>, vector<8x128xf32>, vector<512x128xf32> -> vector<512x128xf32>
    %get3A_19 = arith.constant 0 : index
    %get3A_20 = arith.constant 0 : index
    %get3A_21 = vector.load %arg6[%get3A_19, %get3A_20] : memref<1x128xf32, #tpu.memory_space<vmem>>, vector<1x128xf32>
    %add3A_22 = vector.broadcast %get3A_21 : vector<1x128xf32> to vector<512x128xf32>
    %add3A_23 = arith.addf %dot_general3A_18, %add3A_22 : vector<512x128xf32>
    %max3A = arith.constant 0.000000e+00 : f32
    %max3A_24 = vector.broadcast %max3A : f32 to vector<512x128xf32>
    %max3A_25 = arith.maximumf %add3A_23, %max3A_24 : vector<512x128xf32>
    %mul3A_26 = arith.constant 512 : i32
    %mul3A_27 = arith.muli %arg0, %mul3A_26 : i32
    %iota3A = tpu.iota {dimensions = array<i32: 0>} : vector<512x1xi32>
    %add3A_28 = vector.broadcast %mul3A_27 : i32 to vector<512x1xi32>
    %add3A_29 = arith.addi %add3A_28, %iota3A : vector<512x1xi32>
    %lt3A = arith.constant 10000 : i32
    %lt3A_30 = vector.broadcast %lt3A : i32 to vector<512x1xi32>
    %lt3A_31 = arith.cmpi slt, %add3A_29, %lt3A_30 : vector<512x1xi32>
    %jit3A = arith.constant 0.000000e+00 : f32
    %broadcast_in_dim3A = vector.shape_cast %lt3A_31 : vector<512x1xi1> to vector<512x1xi1>
    %broadcast_in_dim3A_32 = vector.broadcast %broadcast_in_dim3A : vector<512x1xi1> to vector<512x128xi1>
    %broadcast_in_dim3A_33 = vector.broadcast %jit3A : f32 to vector<512x128xf32>
    %select_n3A = arith.select %broadcast_in_dim3A_32, %max3A_25, %broadcast_in_dim3A_33 : vector<512x128xi1>, vector<512x128xf32>
    %iota3A_34 = tpu.iota {dimensions = array<i32: 1>} : vector<512x16xi32>
    %get3A_35 = arith.constant 0 : index
    %get3A_36 = arith.constant 0 : index
    %get3A_37 = vector.load %arg7[%get3A_35, %get3A_36] : memref<512x1xi32, #tpu.memory_space<vmem>>, vector<512x1xi32>
    %eq3A_38 = vector.broadcast %get3A_37 : vector<512x1xi32> to vector<512x16xi32>
    %eq3A_39 = arith.cmpi eq, %eq3A_38, %iota3A_34 : vector<512x16xi32>
    %convert_element_type3A_40 = arith.extui %eq3A_39 : vector<512x16xi1> to vector<512x16xi32>
    %convert_element_type3A_41 = arith.sitofp %convert_element_type3A_40 : vector<512x16xi32> to vector<512x16xf32>
    %get3A_42 = arith.constant 0 : index
    %get3A_43 = arith.constant 0 : index
    %get3A_44 = vector.load %arg9[%get3A_42, %get3A_43] : memref<16x128xf32, #tpu.memory_space<vmem>>, vector<16x128xf32>
    %dot_general3A_45 = arith.constant dense<0.000000e+00> : vector<16x128xf32>
    %dot_general3A_46 = tpu.matmul %convert_element_type3A_41, %select_n3A, %dot_general3A_45 {dimension_numbers = #tpu.dot_dimension_numbers<[0], [0], [1], [1], [0, 1, 1, 1], [], []>, transpose_lhs_hint = false} : vector<512x16xf32>, vector<512x128xf32>, vector<16x128xf32> -> vector<16x128xf32>
    %add3A_47 = arith.addf %get3A_44, %dot_general3A_46 : vector<16x128xf32>
    %swap3A = arith.constant 0 : index
    %swap3A_48 = arith.constant 0 : index
    %swap3A_49 = vector.load %arg9[%swap3A, %swap3A_48] : memref<16x128xf32, #tpu.memory_space<vmem>>, vector<16x128xf32>
    tpu.vector_store %arg9[%swap3A, %swap3A_48], %add3A_47 {strides = array<i32>} : memref<16x128xf32, #tpu.memory_space<vmem>>, vector<16x128xf32>,
    %broadcast_in_dim3A_50 = arith.constant 1.000000e+00 : f32
    %broadcast_in_dim3A_51 = vector.broadcast %broadcast_in_dim3A_50 : f32 to vector<512x1xf32>
    %get3A_52 = arith.constant 0 : index
    %get3A_53 = arith.constant 0 : index
    %get3A_54 = vector.load %arg10[%get3A_52, %get3A_53] : memref<16x1xf32, #tpu.memory_space<vmem>>, vector<16x1xf32>
    %dot_general3A_55 = arith.constant dense<0.000000e+00> : vector<16x1xf32>
    %dot_general3A_56 = tpu.matmul %convert_element_type3A_41, %broadcast_in_dim3A_51, %dot_general3A_55 {dimension_numbers = #tpu.dot_dimension_numbers<[0], [0], [1], [1], [0, 1, 1, 1], [], []>, transpose_lhs_hint = false} : vector<512x16xf32>, vector<512x1xf32>, vector<16x1xf32> -> vector<16x1xf32>
    %add3A_57 = arith.addf %get3A_54, %dot_general3A_56 : vector<16x1xf32>
    %swap3A_58 = arith.constant 0 : index
    %swap3A_59 = arith.constant 0 : index
    %swap3A_60 = vector.load %arg10[%swap3A_58, %swap3A_59] : memref<16x1xf32, #tpu.memory_space<vmem>>, vector<16x1xf32>
    tpu.vector_store %arg10[%swap3A_58, %swap3A_59], %add3A_57 {strides = array<i32>} : memref<16x1xf32, #tpu.memory_space<vmem>>, vector<16x1xf32>,
    %eq3A_61 = arith.constant 19 : i32
    %eq3A_62 = arith.cmpi eq, %arg0, %eq3A_61 : i32
    %convert_element_type3A_63 = arith.extui %eq3A_62 : i1 to i32
    %cond3A_64 = arith.constant 0 : i32
    %cond3A_65 = arith.cmpi ne, %convert_element_type3A_63, %cond3A_64 : i32
    scf.if %cond3A_65 {
      %get3A_66 = arith.constant 0 : index
      %get3A_67 = arith.constant 0 : index
      %get3A_68 = vector.load %arg9[%get3A_66, %get3A_67] : memref<16x128xf32, #tpu.memory_space<vmem>>, vector<16x128xf32>
      %get3A_69 = arith.constant 0 : index
      %get3A_70 = arith.constant 0 : index
      %get3A_71 = vector.load %arg10[%get3A_69, %get3A_70] : memref<16x1xf32, #tpu.memory_space<vmem>>, vector<16x1xf32>
      %max3A_72 = arith.constant 1.000000e+00 : f32
      %max3A_73 = vector.broadcast %max3A_72 : f32 to vector<16x1xf32>
      %max3A_74 = arith.maximumf %get3A_71, %max3A_73 : vector<16x1xf32>
      %div3A = vector.broadcast %max3A_74 : vector<16x1xf32> to vector<16x128xf32>
      %div3A_75 = arith.divf %get3A_68, %div3A : vector<16x128xf32>
      %swap3A_76 = arith.constant 0 : index
      %swap3A_77 = arith.constant 0 : index
      %swap3A_78 = vector.load %arg8[%swap3A_76, %swap3A_77] : memref<16x128xf32, #tpu.memory_space<vmem>>, vector<16x128xf32>
      tpu.vector_store %arg8[%swap3A_76, %swap3A_77], %div3A_75 {strides = array<i32>} : memref<16x128xf32, #tpu.memory_space<vmem>>, vector<16x128xf32>,
    } else {
    }
    return
  }
  func.func @transform_0(%arg0: i32) -> (i32, i32) {
    %c0_i32 = arith.constant 0 : i32
    %c0_i32_0 = arith.constant 0 : i32
    return %arg0, %c0_i32 : i32, i32
  }
  func.func @transform_1(%arg0: i32) -> (i32, i32) {
    %add3A = arith.constant 20 : i32
    %add3A_0 = arith.addi %arg0, %add3A : i32
    %c0_i32 = arith.constant 0 : i32
    %c0_i32_1 = arith.constant 0 : i32
    return %add3A_0, %c0_i32 : i32, i32
  }
  func.func @transform_2(%arg0: i32) -> (i32, i32) {
    %c0_i32 = arith.constant 0 : i32
    %c0_i32_0 = arith.constant 0 : i32
    return %arg0, %c0_i32 : i32, i32
  }
  func.func @transform_3(%arg0: i32) -> (i32, i32) {
    %c0_i32 = arith.constant 0 : i32
    %c0_i32_0 = arith.constant 0 : i32
    return %arg0, %c0_i32 : i32, i32
  }
  func.func @transform_4(%arg0: i32) -> (i32, i32) {
    %c0_i32 = arith.constant 0 : i32
    %c0_i32_0 = arith.constant 0 : i32
    %c0_i32_1 = arith.constant 0 : i32
    return %c0_i32, %c0_i32_0 : i32, i32
  }
  func.func @transform_5(%arg0: i32) -> (i32, i32) {
    %c0_i32 = arith.constant 0 : i32
    %c0_i32_0 = arith.constant 0 : i32
    %c0_i32_1 = arith.constant 0 : i32
    return %c0_i32, %c0_i32_0 : i32, i32
  }
  func.func @transform_6(%arg0: i32) -> (i32, i32) {
    %c0_i32 = arith.constant 0 : i32
    %c0_i32_0 = arith.constant 0 : i32
    return %arg0, %c0_i32 : i32, i32
  }
  func.func @transform_7(%arg0: i32) -> (i32, i32) {
    %c0_i32 = arith.constant 0 : i32
    %c0_i32_0 = arith.constant 0 : i32
    %c0_i32_1 = arith.constant 0 : i32
    return %c0_i32, %c0_i32_0 : i32, i32
  }
}

</mosaic_0001>

<sc_bundles>
// kernel: kernel.14.cloned.1.call-start
scs
__scs_entry_jumppad:
0x0: {  	(pc) =	sbr.rel $0x88, $3  }
0x1: {  	(tag) =	ssettag $0x0;
	lr =	simm.s32 $0x1  }
0x2: {  	[smem:$0x3F94] =	sst lr;
	_ =	strace $0xD0000000  }
0x3: {  	_ = 	snop  }
0x4: {  	_ = 	snop  }
0x5: {  	_ = 	snop  }
0x6: {  	_ = 	snop  }
0x7: {  	_ = 	snop  }
__scs_overlays_trampoline_lowered:
0x8: {  	[smem:$0x3FA3] =	sst s0  }
0x9: {  	[smem:$0x3FA4] =	sst s1  }
0xa: {  	[smem:$0x3FA5] =	sst s2  }
0xb: {  	[smem:$0x3FA6] =	sst s3  }
0xc: {  	[smem:$0x3FA7] =	sst s4  }
0xd: {  	[smem:$0x3FA8] =	sst s5  }
0xe: {  	[smem:$0x3FA9] =	sst s6  }
0xf: {  	[smem:$0x3FAA] =	sst s7  }
0x10: {  	[smem:$0x3FAB] =	sst s8  }
0x11: {  	[smem:$0x3FAC] =	sst s9;
	s0 =	simm.s32 @!p0 $0x0  }
0x12: {  	s1 =	sld [smem:$0x3F92];
	s0 =	simm.s32 @p0 $0x1  }
0x13: {  	[smem:$0x3FAD] =	sst s0;
	s0 =	simm.s32 @!p1 $0x0  }
0x14: {  	s2 =	sld [smem:$0x3F91];
	s0 =	simm.s32 @p1 $0x1  }
0x15: {  	[smem:$0x3FAE] =	sst s0;
	s0 =	simm.s32 @!p2 $0x0  }
0x16: {  	s3 =	sld [smem:$0x3FDB];
	s0 =	simm.s32 @p2 $0x1  }
0x17: {  	s4 =	simm.s32 $0x1BF5;
	[smem:$0x3FB0] =	sst s0  }
0x18: {  	s0 =	sld [smem:$0x3F93];
	_ =	swait.ge [sflag:s4], $0x0  }
0x19: {  	s7 =	sld [smem:$0x3F94]  }
0x1a: {  	s8 =	sadd.s32 $0xFFFFE003, lr  }
0x1b: {  	s9 =	sadd.s32 $0xFFFFFEF7, lr;
	s5 =	simm.s32 $0xFFFFFFFF;
	p2 =	slt.u32 s8, $0xFFFFF086  }
0x1c: {  	p1 =	slt.u32 s9, $0xF7A;
	s5 =	simm.s32 @!p2 $0x0  }
0x1d: {  	s5 =	simm.s32 @p1 $0x1;
	p0 =	seq.s32 s7, s2  }
0x1e: {  	s7 =	smul.u32 @!p0 $0xF7A, s2;
	p2 =	seq.s32 @!p0 s5, $0x0  }
0x1f: {  	s9 =	smul.u32 $0xF7A, s1;
	s8 =	simm.s32 @!p0 $0x1BF5;
	p2 =	por !p2, p0  }
0x20: {  	[sflag:s8] =	ssyncset.s32 @!p0 $0xFFFFF086;
	s6 =	sadd.s32 @!p0 s3, s7;
	s7 =	simm.s32 @!p0 $0x108  }
0x21: {  	s3 =	sadd.s32 s3, s9;
	s6 =	sadd.s32 @!p0 $0x88, s6;
	s7 =	simm.s32 @p2 $0x1082  }
0x22: {  	[simem:s7], [sflag:s8] =	dma.local @!p0 [hbm:s6], $0xF7A  }
0x23: {  	s9 =	sor.u32 $0xD0000000, s2;
	s6 =	simm.s32 $0x108;
	_ =	swait.ge @!p0 [sflag:s8], $0x0  }
0x24: {  	s3 =	sadd.s32 $0x88, s3;
	s6 =	simm.s32 @!p1 $0x1082;
	[sflag:s4] =	ssyncset.s32 $0xFFFFF086  }
0x25: {  	[simem:s6], [sflag:s4] =	dma.local [hbm:s3], $0xF7A  }
0x26: {  	[smem:$0x3F94] =	sst s1;
	(tag) =	ssettag s2;
	_ =	strace s9  }
0x27: {  	s1 =	sld [smem:$0x3FA4]  }
0x28: {  	s2 =	sld [smem:$0x3FA5]  }
0x29: {  	s4 =	sld [smem:$0x3FA7]  }
0x2a: {  	p0 =	seq.s32 s5, $0x0;
	s5 =	sld [smem:$0x3FA8]  }
0x2b: {  	s6 =	sld [smem:$0x3FA9]  }
0x2c: {  	s7 =	sld [smem:$0x3FAA]  }
0x2d: {  	s3 =	simm.s32 $0x108;
	s8 =	sld [smem:$0x3FAB]  }
0x2e: {  	s3 =	simm.s32 @!p0 $0x1082;
	s9 =	sld [smem:$0x3FAC]  }
0x2f: {  	lr =	sadd.s32 s0, s3;
	s0 =	sld [smem:$0x3FA3]  }
0x30: {  	s3 =	sld [smem:$0x3FA6]  }
0x31: {  	[smem:$0x3FAF] =	sst s10  }
0x32: {  	s10 =	sld [smem:$0x3FAD];
	_ =	sdelay $0x3  }
0x33: {  	p0 =	seq.s32 s10, $0x1;
	s10 =	sld [smem:$0x3FAF];
	_ =	sdelay $0x3  }
0x34: {  	[smem:$0x3FAF] =	sst s10  }
0x35: {  	s10 =	sld [smem:$0x3FAE];
	_ =	sdelay $0x3  }
0x36: {  	p1 =	seq.s32 s10, $0x1;
	s10 =	sld [smem:$0x3FAF];
	_ =	sdelay $0x3  }
0x37: {  	[smem:$0x3FAF] =	sst s10  }
0x38: {  	s10 =	sld [smem:$0x3FB0]  }
0x39: {  	_ = 	snop;
	(pc) =	sbr.ind lr, $3  }
0x3a: {  	_ = 	snop  }
0x3b: {  	_ = 	snop  }
0x3c: {  	p2 =	seq.s32 s10, $0x1;
	s10 =	sld [smem:$0x3FAF]  }
0x3d: {  	_ =	shalt  }
0x3e: {  	_ =	shalt  }
0x3f: {  	_ =	shalt  }
0x40: {  	_ =	shalt  }
0x41: {  	_ =	shalt  }
0x42: {  	_ =	shalt  }
0x43: {  	_ =	shalt  }
0x44: {  	_ =	shalt  }
0x45: {  	_ =	shalt  }
0x46: {  	_ =	shalt  }
0x47: {  	_ =	shalt  }
0x48: {  	_ =	shalt  }
0x49: {  	_ =	shalt  }
0x4a: {  	_ =	shalt  }
0x4b: {  	_ =	shalt  }
0x4c: {  	_ =	shalt  }
0x4d: {  	_ =	shalt  }
0x4e: {  	_ =	shalt  }
0x4f: {  	_ =	shalt  }
0x50: {  	_ =	shalt  }
0x51: {  	_ =	shalt  }
0x52: {  	_ =	shalt  }
0x53: {  	_ =	shalt  }
0x54: {  	_ =	shalt  }
0x55: {  	_ =	shalt  }
0x56: {  	_ =	shalt  }
0x57: {  	_ =	shalt  }
0x58: {  	_ =	shalt  }
0x59: {  	_ =	shalt  }
0x5a: {  	_ =	shalt  }
0x5b: {  	_ =	shalt  }
0x5c: {  	_ =	shalt  }
0x5d: {  	_ =	shalt  }
0x5e: {  	_ =	shalt  }
0x5f: {  	_ =	shalt  }
0x60: {  	_ =	shalt  }
0x61: {  	_ =	shalt  }
0x62: {  	_ =	shalt  }
0x63: {  	_ =	shalt  }
0x64: {  	_ =	shalt  }
0x65: {  	_ =	shalt  }
0x66: {  	_ =	shalt  }
0x67: {  	_ =	shalt  }
0x68: {  	_ =	shalt  }
0x69: {  	_ =	shalt  }
0x6a: {  	_ =	shalt  }
0x6b: {  	_ =	shalt  }
0x6c: {  	_ =	shalt  }
0x6d: {  	_ =	shalt  }
0x6e: {  	_ =	shalt  }
0x6f: {  	_ =	shalt  }
0x70: {  	_ =	shalt  }
0x71: {  	_ =	shalt  }
0x72: {  	_ =	shalt  }
0x73: {  	_ =	shalt  }
0x74: {  	_ =	shalt  }
0x75: {  	_ =	shalt  }
0x76: {  	_ =	shalt  }
0x77: {  	_ =	shalt  }
0x78: {  	_ =	shalt  }
0x79: {  	_ =	shalt  }
0x7a: {  	_ =	shalt  }
0x7b: {  	_ =	shalt  }
0x7c: {  	_ =	shalt  }
0x7d: {  	_ =	shalt  }
0x7e: {  	_ =	shalt  }
0x7f: {  	_ =	shalt  }
0x80: {  	_ =	shalt  }
0x81: {  	_ =	shalt  }
0x82: {  	_ =	shalt  }
0x83: {  	_ =	shalt  }
0x84: {  	_ =	shalt  }
0x85: {  	_ =	shalt  }
0x86: {  	_ =	shalt  }
0x87: {  	_ =	shalt  }
.Lfunc_end0:
.L_simem_size_0:
called_computation_lowered:
.L_overlay_start_0:
0x88: {  	s2 =	sld [smem:$0x3FD9]  }
0x89: {  	s3 =	sld [smem:$0x3FFE];
	_ =	sdelay $0x1  }
0x8a: {  	s1 =	srdreg.scid  }
0x8b: {  	s0 =	sand.u32 $0x1, s1  }
0x8c: {  	s17 =	sshll.u32 s0, $0xA;
	s2 =	sadd.s32 s3, s2  }
0x8d: {  	s2 =	sadd.s32 s2, s17  }
0x8e: {  	[smem:$0x3FBB] =	sst s2  }
0x8f: {  	_ = 	snop  }
0x90: {  	s2 =	sld [smem:$0x3FD0];
	(tm) =	ssettm $0x1  }
0x91: {  	s18 =	sld [smem:$0x3FFB];
	_ =	sdelay $0x3  }
0x92: {  	_ =	strace s18  }
0x93: {  	s3 =	sld [smem:$0x3FFC];
	_ =	sdelay $0x3  }
0x94: {  	_ =	strace s3  }
0x95: {  	s3 =	sld [smem:$0x3FFD];
	_ =	sdelay $0x3  }
0x96: {  	_ =	strace s3  }
0x97: {  	_ =	strace $0x8FFFFFFF  }
0x98: {  	s19 =	sld [smem:$0x3FDB];
	_ =	sdelay $0x1  }
0x99: {  	s4 =	simm.s32 $_scs_section_size  }
0x9a: {  	s5 =	simm.s32 $_size__tile_overlayer_lowered;
	s6 =	simm.s32 $_tile_overlayer_lowered  }
0x9b: {  	s22 =	simm.s32 $0x1BFF;
	s21 =	sshll.u32 s6, $0x1;
	s3 =	sadd.s32 s4, s19  }
0x9c: {  	s7 =	simm.s32 $0x0;
	s20 =	sshll.u32 s5, $0x1;
	s5 =	sadd.s32 s21, s3  }
0x9d: {  	[timem:s7], [sflag:s22] =	dma.local [hbm:s5], s20  }
0x9e: {  	_ =	swait.ge [sflag:s22], s20  }
0x9f: {  	s4 =	ssub.s32 $0x0, s20;
	[sflag:s22] =	ssyncset.done $0x0  }
0xa0: {  	[sflag:s22] =	ssyncadd.s32 s4;
	_ =	sdelay $0x1  }
0xa1: {  	s23 =	simm.s32 $0x1B8B  }
0xa2: {  	_ =	swait.ge [sflag:s23], $0x1  }
0xa3: {  	[sflag:s23] =	ssyncset.done $0x0  }
0xa4: {  	s25 =	simm.s32 $0x1B8E;
	s24 =	sld [smem:$0x3FFE];
	[sflag:s23] =	ssyncadd.s32 $0xFFFFFFFF  }
0xa5: {  	s26 =	simm.s32 $execute0_lowered;
	[smem:$0x3FD2] =	sst s25  }
0xa6: {  	s5 =	sshll.u32 s26, $0x1;
	_ =	strace $0x80000046;
	[dreg:$0x1] =	wrdreg $0xFFFFFFFF  }
0xa7: {  	s28 =	simm.s32 $_size_execute0_lowered;
	s3 =	sadd.s32 s3, s5;
	[dreg:$0x0] =	wrdreg $0x0  }
0xa8: {  	s5 =	sshll.u32 s28, $0x1;
	[dreg:$0x2] =	wrdreg s3  }
0xa9: {  	[dreg:$0x3] =	wrdreg s5  }
0xaa: {  	[dreg:$0x4] =	wrdreg $0xC0  }
0xab: {  	_ =	task [dreg:s7], $0x5FFFF  }
0xac: {  	[dreg:$0x1] =	wrdreg $0xFFFFFFFF  }
0xad: {  	[dreg:$0x0] =	wrdreg $0x60  }
0xae: {  	[dreg:$0x2] =	wrdreg s24  }
0xaf: {  	[dreg:$0x3] =	wrdreg s2  }
0xb0: {  	[dreg:$0x4] =	wrdreg $0x0  }
0xb1: {  	[dreg:$0x5] =	wrdreg $0x9  }
0xb2: {  	_ =	task.clear_ibuf [dreg:s7], $0x6FFFF;
	_ =	strace $0x90000046  }
0xb3: {  	s29 =	simm.s32 $0x9;
	_ =	strace $0x80000048  }
0xb4: {  	_ =	swait.ge [sflag:s29], $0x1  }
0xb5: {  	[sflag:s29] =	ssyncadd.s32 $0xFFFFFFFF  }
0xb6: {  	_ =	strace $0x90000048  }
0xb7: {  	_ =	sfence  }
0xb8: {  	s30 =	sld [smem:$0x0];
	_ =	sdelay $0x2  }
0xb9: {  	s31 =	sshll.u32 s1, $0xD;
	s1 =	sshrl.u32 s1, $0x2  }
0xba: {  	s3 =	sand.u32 $0x4000, s31;
	s1 =	sadd.s32 s1, s30  }
0xbb: {  	s0 =	sor.u32 s3, s0;
	s1 =	sshll.u32 s1, $0x11  }
0xbc: {  	s0 =	sor.u32 s1, s0  }
0xbd: {  	s0 =	sadd.s32 $0x8F2B, s0  }
0xbe: {  	[sflag:s0] =	ssyncadd.remote.s32 $0x1  }
0xbf: {  	_ =	sfence.sel $0xFFFF  }
0xc0: {  	[dreg:$0x0] =	wrdreg $0xFFFFFFFF;
	(pc) =	sbr.abs _section_cstart, $3  }
0xc1: {  	[dreg:$0x1] =	wrdreg $0xFFFFFFFF  }
0xc2: {  	_ =	task.clear_ibuf [dreg:s7], $0x2FFFF;
	_ =	strace $0x9FFFFFFF  }
0xc3: {  	(tm) =	ssettm $0x7FFFFFFF  }
tec
execute0_lowered:
.L_overlay_start_1:
0x0: {  	(tag) =	ssettag $0x1  }
0x1: {  	s6 =	rddreg [dreg:$0x0]  }
0x2: {  	s1 =	srdreg.scid;
	s2 =	rddreg [dreg:$0x1]  }
0x3: {  	s0 =	stileid.u32;
	s3 =	rddreg [dreg:$0x2];
	s4 =	simm.s32 $0x0  }
0x4: {  	s14 =	simm.s32 $0x80;
	s15 =	simm.s32 $0x0;
	s8 =	smul.u32 $0x280, s0  }
0x5: {  	s7 =	sand.u32 $0x1, s1;
	s29 =	sshll.u32 s0, $0x1;
	s30 =	smul.u32 $0x5000, s0  }
0x6: {  	[smem:$0x7FF] =	sst s4;
	s1 =	sor.u32 s7, s29;
	s9 =	smul.u32 $0x2800, s7  }
0x7: {  	s11 =	sshll.u32 s0, $0x6;
	s31 =	ssub.s32 $0x2, s7;
	s5 =	smul.u32 $0x500, s1  }
0x8: {  	s1 =	rddreg [dreg:$0x3];
	_ =	strace $0x80000047;
	s7 =	sshrl.u32 s31, $0x1  }
0x9: {  	s8 =	sadd.s32 s8, s9;
	s9 =	sshrl.u32 s30, $0x2;
	s12 =	ssub.s32 s31, s7  }
0xa: {  	s10 =	sadd.s32 s5, s6;
	s5 =	sadd.s32 $0xD000, s6;
	s8 =	sadd.s32 s8, s6  }
0xb: {  	s13 =	sadd.s32 s9, s3;
	s6 =	sor.u32 $0x1C01, s11;
	s9 =	smax.u32 s12, $0x1  }
0xc: {  	s11 =	simm.s32 $0x1;
	s12 =	simm.s32 $0x3C00;
	s7 =	sadd.s32 $0x3000, s10  }
0xd: {  	s8 =	sadd.s32 $0xD400, s8;
	s10 =	sshrl.u32 s13, $0x3;
	s13 =	simm.s32 $0x1400  }
.LBB2_1:
0xe: {  	[spmem:s10], [sflag:s6] =	dma.local [hbm:s5], $0x280  }
0xf: {  	_ =	swait.ge [sflag:s11], $0x280  }
0x10: {  	[sflag:s11] =	ssyncset.done $0x0  }
0x11: {  	[sflag:s11] =	ssyncadd.s32 $0xFFFFFD80  }
0x12: {  	[tilespmem:s12], [sflag:$0x1] =	stream.linear.gather [hbm4b:s2+s4], $0x400, $0x38;
	[tilespmem:$0x4000] =	vst v63  }
0x13: {  	_ =	swait.ge [sflag:s11], $0x400  }
0x14: {  	[sflag:s11] =	ssyncset.done $0x0  }
0x15: {  	[sflag:s11] =	ssyncadd.s32 $0xFFFFFC00  }
0x16: {  	[tilespmem:s13], [sflag:$0x1] =	stream.linear.gather [hbm4b:s7+s4], $0x2800, $0x38;
	[tilespmem:$0x4000] =	vst v63  }
0x17: {  	_ =	swait.ge [sflag:s11], $0x2800  }
0x18: {  	[sflag:s11] =	ssyncset.done $0x0  }
0x19: {  	[sflag:s11] =	ssyncadd.s32 $0xFFFFD800  }
0x1a: {  	s16 =	simm.s32 $0x1400;
	[bflag:$0x0] =	sbarrier.arrive $0xFFFF  }
0x1b: {  	[spmem:s3] =	stream.indirect.scatter.add.f32 [tilespmem:s12], [sflag:$0x1], $0x8, s16, s14, $0xb8;
	[tilespmem:$0x4000] =	vst v63  }
0x1c: {  	s16 =	simm.s32 $0x200;
	_ =	swait.ge [sflag:s11], $0x400  }
.LBB2_2:
0x1d: {  	s17 =	sshra.s32 s16, $0x2;
	[sflag:s11] =	ssyncset.done $0x0;
	p0 =	sne.s32 s16, $0x9E00  }
.Ltmp0:
0x1e: {  	s17 =	sadd.s32 $0x1400, s17;
	[sflag:s11] =	ssyncadd.s32 $0xFFFFFC00;
	(pc) =	sbr.rel @p0 .LBB2_2-.Ltmp0, $3  }
0x1f: {  	[spmem:s3] =	stream.indirect.scatter.add.f32 [tilespmem:s12], [sflag:$0x1], $0x8, s17, s14, $0xb8;
	[tilespmem:$0x4000] =	vst v63  }
0x20: {  	s16 =	sadd.s32 $0x200, s16;
	_ =	sdelay $0x1  }
0x21: {  	_ =	swait.ge [sflag:s11], $0x400  }
0x22: {  	[sflag:s11] =	ssyncset.done $0x0;
	s15 =	sadd.s32 $0x1, s15  }
0x23: {  	[sflag:s11] =	ssyncadd.s32 $0xFFFFFC00;
	p0 =	sne.s32 s15, s9  }
.Ltmp1:
0x24: {  	[bflag:$0x0] =	sbarrier.arrive $0xFFFF;
	(pc) =	sbr.rel @p0 .LBB2_1-.Ltmp1, $4  }
0x25: {  	[hbm:s8], [sflag:s6] =	dma.local [spmem:s10], $0x280  }
0x26: {  	_ =	swait.ge [sflag:s11], $0x280  }
0x27: {  	[sflag:s11] =	ssyncset.done $0x0  }
0x28: {  	[sflag:s11] =	ssyncadd.s32 $0xFFFFFD80  }
0x29: {  	_ =	sfence.sel $0x180000  }
0x2a: {  	[bflag:$0x0] =	sbarrier.arrive $0xFFFF  }
0x2b: {  	p0 =	sne.s32 s0, $0x0;
	_ =	strace $0x90000047  }
0x2c: {  	s0 =	sadd.s32 @!p0 $0x100000, s1;
	[bflag:$0x2] =	sbarrier.arrive $0xFFFF  }
0x2d: {  	[sflag:s0] =	ssyncadd.tile.s32 @!p0 $0x1;
	_ =	shalt  }
.Lfunc_end2:
_tile_overlayer_lowered:
.L_overlay_start_2:
0x2e: {  	(tag) =	ssettag $0x2  }
0x2f: {  	s0 =	rddreg [dreg:$0x0];
	s2 =	stileid.u32  }
0x30: {  	s1 =	rddreg [dreg:$0x1];
	p0 =	sne.s32 s2, $0x0  }
0x31: {  	s3 =	rddreg [dreg:$0x2];
	[bflag:$0x3] =	sbarrier.arrive $0xFFFF;
	s2 =	simm.s32 @!p0 $0x1C01  }
0x32: {  	[timem:s3], [sflag:s2] =	dma.local @!p0 [hbm:s0], s1  }
0x33: {  	s0 =	simm.s32 @!p0 $0x1  }
0x34: {  	_ =	swait.ge @!p0 [sflag:s0], s1  }
0x35: {  	s1 =	ssub.s32 @!p0 $0x0, s1;
	[sflag:s0] =	ssyncset.done @!p0 $0x0  }
0x36: {  	[sflag:s0] =	ssyncadd.s32 @!p0 s1  }
0x37: {  	[bflag:$0x3] =	sbarrier.arrive $0xFFFF  }
0x38: {  	_ =	shalt  }

// kernel: kernel.17.cloned.1.call-start
scs
__scs_entry_jumppad:
0x0: {  	(pc) =	sbr.rel $0x88, $3  }
0x1: {  	(tag) =	ssettag $0x0;
	lr =	simm.s32 $0x1  }
0x2: {  	[smem:$0x3F94] =	sst lr;
	_ =	strace $0xD0000000  }
0x3: {  	_ = 	snop  }
0x4: {  	_ = 	snop  }
0x5: {  	_ = 	snop  }
0x6: {  	_ = 	snop  }
0x7: {  	_ = 	snop  }
__scs_overlays_trampoline_lowered:
0x8: {  	[smem:$0x3FA3] =	sst s0  }
0x9: {  	[smem:$0x3FA4] =	sst s1  }
0xa: {  	[smem:$0x3FA5] =	sst s2  }
0xb: {  	[smem:$0x3FA6] =	sst s3  }
0xc: {  	[smem:$0x3FA7] =	sst s4  }
0xd: {  	[smem:$0x3FA8] =	sst s5  }
0xe: {  	[smem:$0x3FA9] =	sst s6  }
0xf: {  	[smem:$0x3FAA] =	sst s7  }
0x10: {  	[smem:$0x3FAB] =	sst s8  }
0x11: {  	[smem:$0x3FAC] =	sst s9;
	s0 =	simm.s32 @!p0 $0x0  }
0x12: {  	s1 =	sld [smem:$0x3F92];
	s0 =	simm.s32 @p0 $0x1  }
0x13: {  	[smem:$0x3FAD] =	sst s0;
	s0 =	simm.s32 @!p1 $0x0  }
0x14: {  	s2 =	sld [smem:$0x3F91];
	s0 =	simm.s32 @p1 $0x1  }
0x15: {  	[smem:$0x3FAE] =	sst s0;
	s0 =	simm.s32 @!p2 $0x0  }
0x16: {  	s3 =	sld [smem:$0x3FDB];
	s0 =	simm.s32 @p2 $0x1  }
0x17: {  	s4 =	simm.s32 $0x1BF5;
	[smem:$0x3FB0] =	sst s0  }
0x18: {  	s0 =	sld [smem:$0x3F93];
	_ =	swait.ge [sflag:s4], $0x0  }
0x19: {  	s7 =	sld [smem:$0x3F94]  }
0x1a: {  	s8 =	sadd.s32 $0xFFFFE003, lr  }
0x1b: {  	s9 =	sadd.s32 $0xFFFFFEF7, lr;
	s5 =	simm.s32 $0xFFFFFFFF;
	p2 =	slt.u32 s8, $0xFFFFF086  }
0x1c: {  	p1 =	slt.u32 s9, $0xF7A;
	s5 =	simm.s32 @!p2 $0x0  }
0x1d: {  	s5 =	simm.s32 @p1 $0x1;
	p0 =	seq.s32 s7, s2  }
0x1e: {  	s7 =	smul.u32 @!p0 $0xF7A, s2;
	p2 =	seq.s32 @!p0 s5, $0x0  }
0x1f: {  	s9 =	smul.u32 $0xF7A, s1;
	s8 =	simm.s32 @!p0 $0x1BF5;
	p2 =	por !p2, p0  }
0x20: {  	[sflag:s8] =	ssyncset.s32 @!p0 $0xFFFFF086;
	s6 =	sadd.s32 @!p0 s3, s7;
	s7 =	simm.s32 @!p0 $0x108  }
0x21: {  	s3 =	sadd.s32 s3, s9;
	s6 =	sadd.s32 @!p0 $0x88, s6;
	s7 =	simm.s32 @p2 $0x1082  }
0x22: {  	[simem:s7], [sflag:s8] =	dma.local @!p0 [hbm:s6], $0xF7A  }
0x23: {  	s9 =	sor.u32 $0xD0000000, s2;
	s6 =	simm.s32 $0x108;
	_ =	swait.ge @!p0 [sflag:s8], $0x0  }
0x24: {  	s3 =	sadd.s32 $0x88, s3;
	s6 =	simm.s32 @!p1 $0x1082;
	[sflag:s4] =	ssyncset.s32 $0xFFFFF086  }
0x25: {  	[simem:s6], [sflag:s4] =	dma.local [hbm:s3], $0xF7A  }
0x26: {  	[smem:$0x3F94] =	sst s1;
	(tag) =	ssettag s2;
	_ =	strace s9  }
0x27: {  	s1 =	sld [smem:$0x3FA4]  }
0x28: {  	s2 =	sld [smem:$0x3FA5]  }
0x29: {  	s4 =	sld [smem:$0x3FA7]  }
0x2a: {  	p0 =	seq.s32 s5, $0x0;
	s5 =	sld [smem:$0x3FA8]  }
0x2b: {  	s6 =	sld [smem:$0x3FA9]  }
0x2c: {  	s7 =	sld [smem:$0x3FAA]  }
0x2d: {  	s3 =	simm.s32 $0x108;
	s8 =	sld [smem:$0x3FAB]  }
0x2e: {  	s3 =	simm.s32 @!p0 $0x1082;
	s9 =	sld [smem:$0x3FAC]  }
0x2f: {  	lr =	sadd.s32 s0, s3;
	s0 =	sld [smem:$0x3FA3]  }
0x30: {  	s3 =	sld [smem:$0x3FA6]  }
0x31: {  	[smem:$0x3FAF] =	sst s10  }
0x32: {  	s10 =	sld [smem:$0x3FAD];
	_ =	sdelay $0x3  }
0x33: {  	p0 =	seq.s32 s10, $0x1;
	s10 =	sld [smem:$0x3FAF];
	_ =	sdelay $0x3  }
0x34: {  	[smem:$0x3FAF] =	sst s10  }
0x35: {  	s10 =	sld [smem:$0x3FAE];
	_ =	sdelay $0x3  }
0x36: {  	p1 =	seq.s32 s10, $0x1;
	s10 =	sld [smem:$0x3FAF];
	_ =	sdelay $0x3  }
0x37: {  	[smem:$0x3FAF] =	sst s10  }
0x38: {  	s10 =	sld [smem:$0x3FB0]  }
0x39: {  	_ = 	snop;
	(pc) =	sbr.ind lr, $3  }
0x3a: {  	_ = 	snop  }
0x3b: {  	_ = 	snop  }
0x3c: {  	p2 =	seq.s32 s10, $0x1;
	s10 =	sld [smem:$0x3FAF]  }
0x3d: {  	_ =	shalt  }
0x3e: {  	_ =	shalt  }
0x3f: {  	_ =	shalt  }
0x40: {  	_ =	shalt  }
0x41: {  	_ =	shalt  }
0x42: {  	_ =	shalt  }
0x43: {  	_ =	shalt  }
0x44: {  	_ =	shalt  }
0x45: {  	_ =	shalt  }
0x46: {  	_ =	shalt  }
0x47: {  	_ =	shalt  }
0x48: {  	_ =	shalt  }
0x49: {  	_ =	shalt  }
0x4a: {  	_ =	shalt  }
0x4b: {  	_ =	shalt  }
0x4c: {  	_ =	shalt  }
0x4d: {  	_ =	shalt  }
0x4e: {  	_ =	shalt  }
0x4f: {  	_ =	shalt  }
0x50: {  	_ =	shalt  }
0x51: {  	_ =	shalt  }
0x52: {  	_ =	shalt  }
0x53: {  	_ =	shalt  }
0x54: {  	_ =	shalt  }
0x55: {  	_ =	shalt  }
0x56: {  	_ =	shalt  }
0x57: {  	_ =	shalt  }
0x58: {  	_ =	shalt  }
0x59: {  	_ =	shalt  }
0x5a: {  	_ =	shalt  }
0x5b: {  	_ =	shalt  }
0x5c: {  	_ =	shalt  }
0x5d: {  	_ =	shalt  }
0x5e: {  	_ =	shalt  }
0x5f: {  	_ =	shalt  }
0x60: {  	_ =	shalt  }
0x61: {  	_ =	shalt  }
0x62: {  	_ =	shalt  }
0x63: {  	_ =	shalt  }
0x64: {  	_ =	shalt  }
0x65: {  	_ =	shalt  }
0x66: {  	_ =	shalt  }
0x67: {  	_ =	shalt  }
0x68: {  	_ =	shalt  }
0x69: {  	_ =	shalt  }
0x6a: {  	_ =	shalt  }
0x6b: {  	_ =	shalt  }
0x6c: {  	_ =	shalt  }
0x6d: {  	_ =	shalt  }
0x6e: {  	_ =	shalt  }
0x6f: {  	_ =	shalt  }
0x70: {  	_ =	shalt  }
0x71: {  	_ =	shalt  }
0x72: {  	_ =	shalt  }
0x73: {  	_ =	shalt  }
0x74: {  	_ =	shalt  }
0x75: {  	_ =	shalt  }
0x76: {  	_ =	shalt  }
0x77: {  	_ =	shalt  }
0x78: {  	_ =	shalt  }
0x79: {  	_ =	shalt  }
0x7a: {  	_ =	shalt  }
0x7b: {  	_ =	shalt  }
0x7c: {  	_ =	shalt  }
0x7d: {  	_ =	shalt  }
0x7e: {  	_ =	shalt  }
0x7f: {  	_ =	shalt  }
0x80: {  	_ =	shalt  }
0x81: {  	_ =	shalt  }
0x82: {  	_ =	shalt  }
0x83: {  	_ =	shalt  }
0x84: {  	_ =	shalt  }
0x85: {  	_ =	shalt  }
0x86: {  	_ =	shalt  }
0x87: {  	_ =	shalt  }
.Lfunc_end0:
.L_simem_size_0:
called_computation.1_lowered:
.L_overlay_start_0:
0x88: {  	s2 =	sld [smem:$0x3FD9]  }
0x89: {  	s3 =	sld [smem:$0x3FFE];
	_ =	sdelay $0x1  }
0x8a: {  	s1 =	srdreg.scid  }
0x8b: {  	s0 =	sand.u32 $0x1, s1  }
0x8c: {  	s16 =	sshll.u32 s0, $0xA;
	s2 =	sadd.s32 s3, s2  }
0x8d: {  	s2 =	sadd.s32 s2, s16  }
0x8e: {  	[smem:$0x3FBB] =	sst s2  }
0x8f: {  	_ = 	snop  }
0x90: {  	(tm) =	ssettm $0x1  }
0x91: {  	s17 =	sld [smem:$0x3FFB];
	_ =	sdelay $0x3  }
0x92: {  	_ =	strace s17  }
0x93: {  	s2 =	sld [smem:$0x3FFC];
	_ =	sdelay $0x3  }
0x94: {  	_ =	strace s2  }
0x95: {  	s2 =	sld [smem:$0x3FFD];
	_ =	sdelay $0x3  }
0x96: {  	_ =	strace s2  }
0x97: {  	_ =	strace $0x8FFFFFFF  }
0x98: {  	s18 =	sld [smem:$0x3FDB];
	_ =	sdelay $0x1  }
0x99: {  	s19 =	simm.s32 $_scs_section_size  }
0x9a: {  	s4 =	simm.s32 $_size__tile_overlayer_lowered;
	s5 =	simm.s32 $_tile_overlayer_lowered  }
0x9b: {  	s22 =	simm.s32 $0x1BFF;
	s21 =	sshll.u32 s5, $0x1;
	s2 =	sadd.s32 s19, s18  }
0x9c: {  	s6 =	simm.s32 $0x0;
	s20 =	sshll.u32 s4, $0x1;
	s4 =	sadd.s32 s21, s2  }
0x9d: {  	[timem:s6], [sflag:s22] =	dma.local [hbm:s4], s20  }
0x9e: {  	_ =	swait.ge [sflag:s22], s20  }
0x9f: {  	s3 =	ssub.s32 $0x0, s20;
	[sflag:s22] =	ssyncset.done $0x0  }
0xa0: {  	[sflag:s22] =	ssyncadd.s32 s3;
	_ =	sdelay $0x1  }
0xa1: {  	s23 =	simm.s32 $0x1B8B  }
0xa2: {  	_ =	swait.ge [sflag:s23], $0x1  }
0xa3: {  	[sflag:s23] =	ssyncset.done $0x0  }
0xa4: {  	s25 =	simm.s32 $0x1B8E;
	s24 =	sld [smem:$0x3FFE];
	[sflag:s23] =	ssyncadd.s32 $0xFFFFFFFF  }
0xa5: {  	s26 =	simm.s32 $execute0_lowered;
	[smem:$0x3FD2] =	sst s25  }
0xa6: {  	s4 =	sshll.u32 s26, $0x1;
	_ =	strace $0x80000049;
	[dreg:$0x1] =	wrdreg $0xFFFFFFFF  }
0xa7: {  	s28 =	simm.s32 $_size_execute0_lowered;
	s2 =	sadd.s32 s2, s4;
	[dreg:$0x0] =	wrdreg $0x0  }
0xa8: {  	s4 =	sshll.u32 s28, $0x1;
	[dreg:$0x2] =	wrdreg s2  }
0xa9: {  	[dreg:$0x3] =	wrdreg s4  }
0xaa: {  	[dreg:$0x4] =	wrdreg $0xC0  }
0xab: {  	_ =	task [dreg:s6], $0x5FFFF  }
0xac: {  	[dreg:$0x1] =	wrdreg $0xFFFFFFFF  }
0xad: {  	[dreg:$0x0] =	wrdreg $0x60  }
0xae: {  	[dreg:$0x2] =	wrdreg s24  }
0xaf: {  	[dreg:$0x3] =	wrdreg $0x0  }
0xb0: {  	[dreg:$0x4] =	wrdreg $0x150000  }
0xb1: {  	[dreg:$0x5] =	wrdreg $0x9  }
0xb2: {  	_ =	task.clear_ibuf [dreg:s6], $0x6FFFF;
	_ =	strace $0x90000049  }
0xb3: {  	s29 =	simm.s32 $0x9;
	_ =	strace $0x8000004B  }
0xb4: {  	_ =	swait.ge [sflag:s29], $0x1  }
0xb5: {  	[sflag:s29] =	ssyncadd.s32 $0xFFFFFFFF  }
0xb6: {  	_ =	strace $0x9000004B  }
0xb7: {  	_ =	sfence  }
0xb8: {  	s30 =	sld [smem:$0x0];
	_ =	sdelay $0x2  }
0xb9: {  	s31 =	sshll.u32 s1, $0xD;
	s1 =	sshrl.u32 s1, $0x2  }
0xba: {  	s3 =	sand.u32 $0x4000, s31;
	s1 =	sadd.s32 s1, s30  }
0xbb: {  	s0 =	sor.u32 s3, s0;
	s1 =	sshll.u32 s1, $0x11  }
0xbc: {  	s0 =	sor.u32 s1, s0  }
0xbd: {  	s0 =	sadd.s32 $0x8F2B, s0  }
0xbe: {  	[sflag:s0] =	ssyncadd.remote.s32 $0x1  }
0xbf: {  	_ =	sfence.sel $0xFFFF  }
0xc0: {  	[dreg:$0x0] =	wrdreg $0xFFFFFFFF;
	(pc) =	sbr.abs _section_cstart, $3  }
0xc1: {  	[dreg:$0x1] =	wrdreg $0xFFFFFFFF  }
0xc2: {  	_ =	task.clear_ibuf [dreg:s6], $0x2FFFF;
	_ =	strace $0x9FFFFFFF  }
0xc3: {  	(tm) =	ssettm $0x7FFFFFFF  }
tec
execute0_lowered:
.L_overlay_start_1:
0x0: {  	(tag) =	ssettag $0x1  }
0x1: {  	s6 =	rddreg [dreg:$0x0]  }
0x2: {  	s0 =	stileid.u32;
	s2 =	rddreg [dreg:$0x1]  }
0x3: {  	s1 =	srdreg.scid;
	s3 =	rddreg [dreg:$0x2];
	s4 =	simm.s32 $0x0  }
0x4: {  	s17 =	simm.s32 $0x4;
	s18 =	simm.s32 $0x1;
	s19 =	simm.s32 $0x2  }
0x5: {  	s20 =	simm.s32 $0x3;
	s21 =	simm.s32 $0x80;
	s23 =	simm.s32 $0xA080  }
0x6: {  	s24 =	simm.s32 $0x11000;
	s25 =	simm.s32 $0x5;
	s26 =	simm.s32 $0x7  }
0x7: {  	s28 =	simm.s32 $0x0;
	s7 =	sand.u32 $0x1, s1;
	s10 =	smul.u32 $0xA000, s0  }
0x8: {  	s30 =	sshll.u32 s0, $0x1;
	s8 =	smul.u32 $0x280, s0;
	[smem:$0x7FF] =	sst s4  }
0x9: {  	s1 =	sor.u32 s7, s30;
	s9 =	smul.u32 $0x2800, s7;
	_ =	strace $0x8000004A  }
0xa: {  	s7 =	ssub.s32 $0x2, s7;
	s5 =	smul.u32 $0x500, s1;
	s11 =	sshrl.u32 s10, $0x3  }
0xb: {  	s31 =	sshrl.u32 s7, $0x1;
	s15 =	sadd.s32 s10, s2;
	s16 =	sadd.s32 s10, s3  }
0xc: {  	s11 =	sadd.s32 s11, s6;
	s8 =	sadd.s32 s8, s9;
	s14 =	ssub.s32 s7, s31  }
0xd: {  	s16 =	sshrl.u32 s16, $0x3;
	s12 =	sadd.s32 s5, s6;
	s8 =	sshll.u32 s8, $0x3  }
0xe: {  	s5 =	sadd.s32 $0xD400, s6;
	s10 =	sadd.s32 $0x1C400, s11;
	s13 =	sadd.s32 s8, s6  }
0xf: {  	s6 =	sshll.u32 s0, $0x6;
	s8 =	sadd.s32 $0x12400, s12;
	s9 =	sadd.s32 $0x3000, s12  }
0x10: {  	s12 =	smax.u32 s14, $0x1;
	s14 =	simm.s32 $0xA000;
	s7 =	sor.u32 $0x1C01, s6  }
0x11: {  	s11 =	sadd.s32 $0x30400, s13;
	s13 =	sshrl.u32 s15, $0x3;
	s15 =	sor.u32 $0x1C04, s6  }
.LBB2_1:
0x12: {  	[spmem:s13], [sflag:s7] =	dma.local [hbm:s5], $0x1400  }
0x13: {  	[tilespmem:s14], [sflag:$0x2] =	stream.linear.gather [hbm4b:s8+s4], $0x2800, $0x38;
	[tilespmem:$0x1F000] =	vst v63  }
0x14: {  	s29 =	simm.s32 $0xC800  }
0x15: {  	[tilespmem:s29], [sflag:$0x3] =	stream.linear.gather [hbm4b:s9+s4], $0x2800, $0x38;
	[tilespmem:$0x1F000] =	vst v63  }
0x16: {  	[spmem:s16], [sflag:s15] =	dma.local [hbm:s10], $0x1400  }
0x17: {  	_ =	swait.ge [sflag:s17], $0x1400  }
0x18: {  	[sflag:s17] =	ssyncset.done $0x0  }
0x19: {  	[sflag:s17] =	ssyncadd.s32 $0xFFFFEC00  }
0x1a: {  	_ =	swait.ge [sflag:s18], $0x1400  }
0x1b: {  	[sflag:s18] =	ssyncset.done $0x0  }
0x1c: {  	[sflag:s18] =	ssyncadd.s32 $0xFFFFEC00  }
0x1d: {  	_ =	swait.ge [sflag:s19], $0x2800  }
0x1e: {  	[sflag:s19] =	ssyncset.done $0x0  }
0x1f: {  	[sflag:s19] =	ssyncadd.s32 $0xFFFFD800  }
0x20: {  	_ =	swait.ge [sflag:s20], $0x2800  }
0x21: {  	[sflag:s20] =	ssyncset.done $0x0  }
0x22: {  	[sflag:s20] =	ssyncadd.s32 $0xFFFFD800  }
0x23: {  	s0 =	simm.s32 $0xF000;
	[bflag:$0x0] =	sbarrier.arrive $0xFFFF  }
0x24: {  	[tilespmem:s0], [sflag:$0x1] =	stream.indirect.gather [spmem:s3], $0x40, s14, s21, $0xb8;
	[tilespmem:$0x1F000] =	vst v63  }
0x25: {  	s30 =	simm.s32 $0xA100;
	s31 =	simm.s32 $0x0  }
0x26: {  	[tilespmem:s24], [sflag:$0x2] =	stream.indirect.gather [spmem:s3], $0x40, s23, s21, $0xb8;
	[tilespmem:$0x1F000] =	vst v63  }
.LBB2_2:
0x27: {  	p0 =	seq.s32 s31, $0x0  }
0x28: {  	s1 =	sadd.s32 @!p0 $0xFFFFFFFF, s31  }
0x29: {  	s0 =	sand.u32 @!p0 $0xFF, s1  }
0x2a: {  	s0 =	smul.u32 @!p0 $0xAB, s0;
	_ =	sdelay $0x1  }
0x2b: {  	s0 =	sshrl.u32 @!p0 s0, $0x9  }
0x2c: {  	s0 =	smul.u32 @!p0 $0x3, s0;
	_ =	sdelay $0x1  }
0x2d: {  	s0 =	ssub.s32 @!p0 s1, s0  }
0x2e: {  	s0 =	sor.u32 @!p0 $0x4, s0  }
0x2f: {  	s0 =	sand.u32 @!p0 $0xFF, s0  }
0x30: {  	p1 =	sgt.u32 @!p0 s31, $0x4D;
	_ =	swait.ge @!p0 [sflag:s0], $0x2000  }
0x31: {  	p1 =	por p0, !p1;
	[sflag:s0] =	ssyncset.done @!p0 $0x0  }
0x32: {  	[sflag:s0] =	ssyncadd.s32 @!p0 $0xFFFFE000;
	s0 =	sadd.s32 @p1 $0x2, s31  }
0x33: {  	s1 =	smul.u32 @p1 $0xAB, s0;
	_ =	sdelay $0x1  }
0x34: {  	s1 =	sshrl.u32 @p1 s1, $0x9  }
0x35: {  	s1 =	sand.u32 @p1 $0x7F, s1  }
0x36: {  	s1 =	smul.u32 @p1 $0x3, s1;
	_ =	sdelay $0x1  }
0x37: {  	s0 =	ssub.s32 @p1 s0, s1  }
0x38: {  	s0 =	sand.u32 @p1 $0xFF, s0  }
0x39: {  	s1 =	sshll.u32 @p1 s0, $0xD  }
0x3a: {  	s22 =	smul.u32 $0xAB, s31;
	s0 =	sadd.s32 @p1 $0x1, s0;
	s1 =	sadd.s32 @p1 $0xF000, s1  }
0x3b: {  	[tilespmem:s1], [sflag:s0] =	stream.indirect.gather @p1 [spmem:s3], $0x40, s30, s21, $0xb8;
	[tilespmem:$0x1F000] =	vst v63  }
0x3c: {  	s0 =	sshrl.u32 s22, $0x9  }
0x3d: {  	s0 =	sand.u32 $0x7F, s0  }
0x3e: {  	s0 =	smul.u32 $0x3, s0;
	_ =	sdelay $0x1  }
0x3f: {  	s0 =	ssub.s32 s31, s0  }
0x40: {  	s31 =	sadd.s32 $0x1, s31;
	s0 =	sand.u32 $0xFF, s0  }
0x41: {  	p0 =	sne.s32 s31, $0x50;
	s1 =	sadd.s32 $0x1, s0  }
.Ltmp0:
0x42: {  	_ =	swait.ge [sflag:s1], $0x2000;
	(pc) =	sbr.rel @p0 .LBB2_2-.Ltmp0, $4  }
0x43: {  	s22 =	sshll.u32 s0, $0xD;
	[sflag:s1] =	ssyncset.done $0x0  }
0x44: {  	s0 =	sadd.s32 $0x4, s0;
	s22 =	sadd.s32 $0xF000, s22;
	[sflag:s1] =	ssyncadd.s32 $0xFFFFE000  }
0x45: {  	[spmem:s2] =	stream.indirect.scatter.add.f32 [tilespmem:s22], [sflag:s0], $0x40, s29, s21, $0xb8;
	[tilespmem:$0x1F000] =	vst v63  }
0x46: {  	s30 =	sadd.s32 $0x80, s30;
	s29 =	sadd.s32 $0x80, s29  }
0x47: {  	_ =	swait.ge [sflag:s25], $0x2000  }
0x48: {  	s28 =	sadd.s32 $0x1, s28;
	[sflag:s25] =	ssyncset.done $0x0  }
0x49: {  	p0 =	sne.s32 s28, s12;
	[sflag:s25] =	ssyncadd.s32 $0xFFFFE000  }
.Ltmp1:
0x4a: {  	s0 =	sor.u32 $0x1C07, s6;
	[bflag:$0x0] =	sbarrier.arrive $0xFFFF;
	(pc) =	sbr.rel @p0 .LBB2_1-.Ltmp1, $4  }
0x4b: {  	[hbm:s11], [sflag:s0] =	dma.local [spmem:s13], $0x1400  }
0x4c: {  	_ =	swait.ge [sflag:s26], $0x1400  }
0x4d: {  	[sflag:s26] =	ssyncset.done $0x0  }
0x4e: {  	[sflag:s26] =	ssyncadd.s32 $0xFFFFEC00  }
0x4f: {  	_ =	sfence.sel $0x180000  }
0x50: {  	[bflag:$0x0] =	sbarrier.arrive $0xFFFF  }
0x51: {  	_ =	strace $0x9000004A  }
0x52: {  	s0 =	stileid.u32;
	[bflag:$0x2] =	sbarrier.arrive $0xFFFF  }
0x53: {  	p0 =	sne.s32 s0, $0x0;
	s0 =	rddreg [dreg:$0x3]  }
0x54: {  	s0 =	sadd.s32 @!p0 $0x100000, s0  }
0x55: {  	[sflag:s0] =	ssyncadd.tile.s32 @!p0 $0x1;
	_ =	shalt  }
.Lfunc_end2:
_tile_overlayer_lowered:
.L_overlay_start_2:
0x56: {  	(tag) =	ssettag $0x2  }
0x57: {  	s0 =	rddreg [dreg:$0x0];
	s2 =	stileid.u32  }
0x58: {  	s1 =	rddreg [dreg:$0x1];
	p0 =	sne.s32 s2, $0x0  }
0x59: {  	s3 =	rddreg [dreg:$0x2];
	[bflag:$0x3] =	sbarrier.arrive $0xFFFF;
	s2 =	simm.s32 @!p0 $0x1C07  }
0x5a: {  	[timem:s3], [sflag:s2] =	dma.local @!p0 [hbm:s0], s1  }
0x5b: {  	s0 =	simm.s32 @!p0 $0x7  }
0x5c: {  	_ =	swait.ge @!p0 [sflag:s0], s1  }
0x5d: {  	s1 =	ssub.s32 @!p0 $0x0, s1;
	[sflag:s0] =	ssyncset.done @!p0 $0x0  }
0x5e: {  	[sflag:s0] =	ssyncadd.s32 @!p0 s1  }
0x5f: {  	[bflag:$0x3] =	sbarrier.arrive $0xFFFF  }
0x60: {  	_ =	shalt  }

// kernel: kernel.20.cloned.1.call-start
scs
__scs_entry_jumppad:
0x0: {  	(pc) =	sbr.rel $0x88, $3  }
0x1: {  	(tag) =	ssettag $0x0;
	lr =	simm.s32 $0x1  }
0x2: {  	[smem:$0x3F94] =	sst lr;
	_ =	strace $0xD0000000  }
0x3: {  	_ = 	snop  }
0x4: {  	_ = 	snop  }
0x5: {  	_ = 	snop  }
0x6: {  	_ = 	snop  }
0x7: {  	_ = 	snop  }
__scs_overlays_trampoline_lowered:
0x8: {  	[smem:$0x3FA3] =	sst s0  }
0x9: {  	[smem:$0x3FA4] =	sst s1  }
0xa: {  	[smem:$0x3FA5] =	sst s2  }
0xb: {  	[smem:$0x3FA6] =	sst s3  }
0xc: {  	[smem:$0x3FA7] =	sst s4  }
0xd: {  	[smem:$0x3FA8] =	sst s5  }
0xe: {  	[smem:$0x3FA9] =	sst s6  }
0xf: {  	[smem:$0x3FAA] =	sst s7  }
0x10: {  	[smem:$0x3FAB] =	sst s8  }
0x11: {  	[smem:$0x3FAC] =	sst s9;
	s0 =	simm.s32 @!p0 $0x0  }
0x12: {  	s1 =	sld [smem:$0x3F92];
	s0 =	simm.s32 @p0 $0x1  }
0x13: {  	[smem:$0x3FAD] =	sst s0;
	s0 =	simm.s32 @!p1 $0x0  }
0x14: {  	s2 =	sld [smem:$0x3F91];
	s0 =	simm.s32 @p1 $0x1  }
0x15: {  	[smem:$0x3FAE] =	sst s0;
	s0 =	simm.s32 @!p2 $0x0  }
0x16: {  	s3 =	sld [smem:$0x3FDB];
	s0 =	simm.s32 @p2 $0x1  }
0x17: {  	s4 =	simm.s32 $0x1BF5;
	[smem:$0x3FB0] =	sst s0  }
0x18: {  	s0 =	sld [smem:$0x3F93];
	_ =	swait.ge [sflag:s4], $0x0  }
0x19: {  	s7 =	sld [smem:$0x3F94]  }
0x1a: {  	s8 =	sadd.s32 $0xFFFFE003, lr  }
0x1b: {  	s9 =	sadd.s32 $0xFFFFFEF7, lr;
	s5 =	simm.s32 $0xFFFFFFFF;
	p2 =	slt.u32 s8, $0xFFFFF086  }
0x1c: {  	p1 =	slt.u32 s9, $0xF7A;
	s5 =	simm.s32 @!p2 $0x0  }
0x1d: {  	s5 =	simm.s32 @p1 $0x1;
	p0 =	seq.s32 s7, s2  }
0x1e: {  	s7 =	smul.u32 @!p0 $0xF7A, s2;
	p2 =	seq.s32 @!p0 s5, $0x0  }
0x1f: {  	s9 =	smul.u32 $0xF7A, s1;
	s8 =	simm.s32 @!p0 $0x1BF5;
	p2 =	por !p2, p0  }
0x20: {  	[sflag:s8] =	ssyncset.s32 @!p0 $0xFFFFF086;
	s6 =	sadd.s32 @!p0 s3, s7;
	s7 =	simm.s32 @!p0 $0x108  }
0x21: {  	s3 =	sadd.s32 s3, s9;
	s6 =	sadd.s32 @!p0 $0x88, s6;
	s7 =	simm.s32 @p2 $0x1082  }
0x22: {  	[simem:s7], [sflag:s8] =	dma.local @!p0 [hbm:s6], $0xF7A  }
0x23: {  	s9 =	sor.u32 $0xD0000000, s2;
	s6 =	simm.s32 $0x108;
	_ =	swait.ge @!p0 [sflag:s8], $0x0  }
0x24: {  	s3 =	sadd.s32 $0x88, s3;
	s6 =	simm.s32 @!p1 $0x1082;
	[sflag:s4] =	ssyncset.s32 $0xFFFFF086  }
0x25: {  	[simem:s6], [sflag:s4] =	dma.local [hbm:s3], $0xF7A  }
0x26: {  	[smem:$0x3F94] =	sst s1;
	(tag) =	ssettag s2;
	_ =	strace s9  }
0x27: {  	s1 =	sld [smem:$0x3FA4]  }
0x28: {  	s2 =	sld [smem:$0x3FA5]  }
0x29: {  	s4 =	sld [smem:$0x3FA7]  }
0x2a: {  	p0 =	seq.s32 s5, $0x0;
	s5 =	sld [smem:$0x3FA8]  }
0x2b: {  	s6 =	sld [smem:$0x3FA9]  }
0x2c: {  	s7 =	sld [smem:$0x3FAA]  }
0x2d: {  	s3 =	simm.s32 $0x108;
	s8 =	sld [smem:$0x3FAB]  }
0x2e: {  	s3 =	simm.s32 @!p0 $0x1082;
	s9 =	sld [smem:$0x3FAC]  }
0x2f: {  	lr =	sadd.s32 s0, s3;
	s0 =	sld [smem:$0x3FA3]  }
0x30: {  	s3 =	sld [smem:$0x3FA6]  }
0x31: {  	[smem:$0x3FAF] =	sst s10  }
0x32: {  	s10 =	sld [smem:$0x3FAD];
	_ =	sdelay $0x3  }
0x33: {  	p0 =	seq.s32 s10, $0x1;
	s10 =	sld [smem:$0x3FAF];
	_ =	sdelay $0x3  }
0x34: {  	[smem:$0x3FAF] =	sst s10  }
0x35: {  	s10 =	sld [smem:$0x3FAE];
	_ =	sdelay $0x3  }
0x36: {  	p1 =	seq.s32 s10, $0x1;
	s10 =	sld [smem:$0x3FAF];
	_ =	sdelay $0x3  }
0x37: {  	[smem:$0x3FAF] =	sst s10  }
0x38: {  	s10 =	sld [smem:$0x3FB0]  }
0x39: {  	_ = 	snop;
	(pc) =	sbr.ind lr, $3  }
0x3a: {  	_ = 	snop  }
0x3b: {  	_ = 	snop  }
0x3c: {  	p2 =	seq.s32 s10, $0x1;
	s10 =	sld [smem:$0x3FAF]  }
0x3d: {  	_ =	shalt  }
0x3e: {  	_ =	shalt  }
0x3f: {  	_ =	shalt  }
0x40: {  	_ =	shalt  }
0x41: {  	_ =	shalt  }
0x42: {  	_ =	shalt  }
0x43: {  	_ =	shalt  }
0x44: {  	_ =	shalt  }
0x45: {  	_ =	shalt  }
0x46: {  	_ =	shalt  }
0x47: {  	_ =	shalt  }
0x48: {  	_ =	shalt  }
0x49: {  	_ =	shalt  }
0x4a: {  	_ =	shalt  }
0x4b: {  	_ =	shalt  }
0x4c: {  	_ =	shalt  }
0x4d: {  	_ =	shalt  }
0x4e: {  	_ =	shalt  }
0x4f: {  	_ =	shalt  }
0x50: {  	_ =	shalt  }
0x51: {  	_ =	shalt  }
0x52: {  	_ =	shalt  }
0x53: {  	_ =	shalt  }
0x54: {  	_ =	shalt  }
0x55: {  	_ =	shalt  }
0x56: {  	_ =	shalt  }
0x57: {  	_ =	shalt  }
0x58: {  	_ =	shalt  }
0x59: {  	_ =	shalt  }
0x5a: {  	_ =	shalt  }
0x5b: {  	_ =	shalt  }
0x5c: {  	_ =	shalt  }
0x5d: {  	_ =	shalt  }
0x5e: {  	_ =	shalt  }
0x5f: {  	_ =	shalt  }
0x60: {  	_ =	shalt  }
0x61: {  	_ =	shalt  }
0x62: {  	_ =	shalt  }
0x63: {  	_ =	shalt  }
0x64: {  	_ =	shalt  }
0x65: {  	_ =	shalt  }
0x66: {  	_ =	shalt  }
0x67: {  	_ =	shalt  }
0x68: {  	_ =	shalt  }
0x69: {  	_ =	shalt  }
0x6a: {  	_ =	shalt  }
0x6b: {  	_ =	shalt  }
0x6c: {  	_ =	shalt  }
0x6d: {  	_ =	shalt  }
0x6e: {  	_ =	shalt  }
0x6f: {  	_ =	shalt  }
0x70: {  	_ =	shalt  }
0x71: {  	_ =	shalt  }
0x72: {  	_ =	shalt  }
0x73: {  	_ =	shalt  }
0x74: {  	_ =	shalt  }
0x75: {  	_ =	shalt  }
0x76: {  	_ =	shalt  }
0x77: {  	_ =	shalt  }
0x78: {  	_ =	shalt  }
0x79: {  	_ =	shalt  }
0x7a: {  	_ =	shalt  }
0x7b: {  	_ =	shalt  }
0x7c: {  	_ =	shalt  }
0x7d: {  	_ =	shalt  }
0x7e: {  	_ =	shalt  }
0x7f: {  	_ =	shalt  }
0x80: {  	_ =	shalt  }
0x81: {  	_ =	shalt  }
0x82: {  	_ =	shalt  }
0x83: {  	_ =	shalt  }
0x84: {  	_ =	shalt  }
0x85: {  	_ =	shalt  }
0x86: {  	_ =	shalt  }
0x87: {  	_ =	shalt  }
.Lfunc_end0:
.L_simem_size_0:
called_computation.2_lowered:
.L_overlay_start_0:
0x88: {  	s2 =	sld [smem:$0x3FD9]  }
0x89: {  	s3 =	sld [smem:$0x3FFE];
	_ =	sdelay $0x1  }
0x8a: {  	s1 =	srdreg.scid  }
0x8b: {  	s0 =	sand.u32 $0x1, s1  }
0x8c: {  	s16 =	sshll.u32 s0, $0xA;
	s2 =	sadd.s32 s3, s2  }
0x8d: {  	s2 =	sadd.s32 s2, s16  }
0x8e: {  	[smem:$0x3FBB] =	sst s2  }
0x8f: {  	_ = 	snop  }
0x90: {  	(tm) =	ssettm $0x1  }
0x91: {  	s17 =	sld [smem:$0x3FFB];
	_ =	sdelay $0x3  }
0x92: {  	_ =	strace s17  }
0x93: {  	s2 =	sld [smem:$0x3FFC];
	_ =	sdelay $0x3  }
0x94: {  	_ =	strace s2  }
0x95: {  	s2 =	sld [smem:$0x3FFD];
	_ =	sdelay $0x3  }
0x96: {  	_ =	strace s2  }
0x97: {  	_ =	strace $0x8FFFFFFF  }
0x98: {  	s18 =	sld [smem:$0x3FDB];
	_ =	sdelay $0x1  }
0x99: {  	s19 =	simm.s32 $_scs_section_size  }
0x9a: {  	s4 =	simm.s32 $_size__tile_overlayer_lowered;
	s5 =	simm.s32 $_tile_overlayer_lowered  }
0x9b: {  	s22 =	simm.s32 $0x1BFF;
	s21 =	sshll.u32 s5, $0x1;
	s2 =	sadd.s32 s19, s18  }
0x9c: {  	s6 =	simm.s32 $0x0;
	s20 =	sshll.u32 s4, $0x1;
	s4 =	sadd.s32 s21, s2  }
0x9d: {  	[timem:s6], [sflag:s22] =	dma.local [hbm:s4], s20  }
0x9e: {  	_ =	swait.ge [sflag:s22], s20  }
0x9f: {  	s3 =	ssub.s32 $0x0, s20;
	[sflag:s22] =	ssyncset.done $0x0  }
0xa0: {  	[sflag:s22] =	ssyncadd.s32 s3;
	_ =	sdelay $0x1  }
0xa1: {  	s23 =	simm.s32 $0x1B8B  }
0xa2: {  	_ =	swait.ge [sflag:s23], $0x1  }
0xa3: {  	[sflag:s23] =	ssyncset.done $0x0  }
0xa4: {  	s25 =	simm.s32 $0x1B8E;
	s24 =	sld [smem:$0x3FFE];
	[sflag:s23] =	ssyncadd.s32 $0xFFFFFFFF  }
0xa5: {  	s26 =	simm.s32 $execute0_lowered;
	[smem:$0x3FD2] =	sst s25  }
0xa6: {  	s4 =	sshll.u32 s26, $0x1;
	_ =	strace $0x8000004C;
	[dreg:$0x1] =	wrdreg $0xFFFFFFFF  }
0xa7: {  	s28 =	simm.s32 $_size_execute0_lowered;
	s2 =	sadd.s32 s2, s4;
	[dreg:$0x0] =	wrdreg $0x0  }
0xa8: {  	s4 =	sshll.u32 s28, $0x1;
	[dreg:$0x2] =	wrdreg s2  }
0xa9: {  	[dreg:$0x3] =	wrdreg s4  }
0xaa: {  	[dreg:$0x4] =	wrdreg $0xC0  }
0xab: {  	_ =	task [dreg:s6], $0x5FFFF  }
0xac: {  	[dreg:$0x1] =	wrdreg $0xFFFFFFFF  }
0xad: {  	[dreg:$0x0] =	wrdreg $0x60  }
0xae: {  	[dreg:$0x2] =	wrdreg s24  }
0xaf: {  	[dreg:$0x3] =	wrdreg $0x0  }
0xb0: {  	[dreg:$0x4] =	wrdreg $0x100000  }
0xb1: {  	[dreg:$0x5] =	wrdreg $0x9  }
0xb2: {  	_ =	task.clear_ibuf [dreg:s6], $0x6FFFF;
	_ =	strace $0x9000004C  }
0xb3: {  	s29 =	simm.s32 $0x9;
	_ =	strace $0x8000004E  }
0xb4: {  	_ =	swait.ge [sflag:s29], $0x1  }
0xb5: {  	[sflag:s29] =	ssyncadd.s32 $0xFFFFFFFF  }
0xb6: {  	_ =	strace $0x9000004E  }
0xb7: {  	_ =	sfence  }
0xb8: {  	s30 =	sld [smem:$0x0];
	_ =	sdelay $0x2  }
0xb9: {  	s31 =	sshll.u32 s1, $0xD;
	s1 =	sshrl.u32 s1, $0x2  }
0xba: {  	s3 =	sand.u32 $0x4000, s31;
	s1 =	sadd.s32 s1, s30  }
0xbb: {  	s0 =	sor.u32 s3, s0;
	s1 =	sshll.u32 s1, $0x11  }
0xbc: {  	s0 =	sor.u32 s1, s0  }
0xbd: {  	s0 =	sadd.s32 $0x8F2B, s0  }
0xbe: {  	[sflag:s0] =	ssyncadd.remote.s32 $0x1  }
0xbf: {  	_ =	sfence.sel $0xFFFF  }
0xc0: {  	[dreg:$0x0] =	wrdreg $0xFFFFFFFF;
	(pc) =	sbr.abs _section_cstart, $3  }
0xc1: {  	[dreg:$0x1] =	wrdreg $0xFFFFFFFF  }
0xc2: {  	_ =	task.clear_ibuf [dreg:s6], $0x2FFFF;
	_ =	strace $0x9FFFFFFF  }
0xc3: {  	(tm) =	ssettm $0x7FFFFFFF  }
tec
execute0_lowered:
.L_overlay_start_1:
0x0: {  	(tag) =	ssettag $0x1  }
0x1: {  	s6 =	rddreg [dreg:$0x0]  }
0x2: {  	s2 =	rddreg [dreg:$0x1]  }
0x3: {  	s3 =	rddreg [dreg:$0x2]  }
0x4: {  	s0 =	stileid.u32;
	s4 =	srdreg.scid;
	s17 =	simm.s32 $0x4  }
0x5: {  	s18 =	simm.s32 $0x1;
	s19 =	simm.s32 $0x2;
	s20 =	simm.s32 $0x3  }
0x6: {  	s21 =	simm.s32 $0x100;
	s22 =	simm.s32 $0xA000;
	s23 =	simm.s32 $0x5100  }
0x7: {  	s24 =	simm.s32 $0xC000;
	s25 =	simm.s32 $0x7;
	s26 =	simm.s32 $0x0  }
0x8: {  	s10 =	smul.u32 $0x5000, s0;
	s5 =	sand.u32 $0x1, s4;
	s7 =	sshll.u32 s0, $0x1  }
0x9: {  	s8 =	smul.u32 $0x280, s0;
	s4 =	simm.s32 $0x0;
	s7 =	sor.u32 s5, s7  }
0xa: {  	s9 =	smul.u32 $0x2800, s5;
	[smem:$0x7FF] =	sst s4;
	s30 =	ssub.s32 $0x2, s5  }
0xb: {  	s5 =	sadd.s32 $0xD400, s6;
	s11 =	sshrl.u32 s10, $0x3;
	s7 =	smul.u32 $0x500, s7  }
0xc: {  	_ =	strace $0x8000004D;
	s31 =	sshrl.u32 s30, $0x1;
	s14 =	sadd.s32 s10, s2  }
0xd: {  	s16 =	sadd.s32 s10, s3;
	s11 =	sadd.s32 s11, s6;
	s8 =	sadd.s32 s8, s9  }
0xe: {  	s13 =	ssub.s32 s30, s31;
	s16 =	sshrl.u32 s16, $0x3;
	s29 =	sshll.u32 s8, $0x2  }
0xf: {  	s28 =	sadd.s32 s7, s6;
	s10 =	sadd.s32 $0x1C400, s11;
	s12 =	sadd.s32 s29, s6  }
0x10: {  	s6 =	sshll.u32 s0, $0x6;
	s8 =	sadd.s32 $0x12400, s28;
	s9 =	sadd.s32 $0x3000, s28  }
0x11: {  	s7 =	sor.u32 $0x1C01, s6;
	s11 =	sadd.s32 $0x26400, s12;
	s12 =	smax.u32 s13, $0x1  }
0x12: {  	s13 =	sshrl.u32 s14, $0x3;
	s14 =	simm.s32 $0x5000;
	s15 =	sor.u32 $0x1C04, s6  }
.LBB2_1:
0x13: {  	[spmem:s13], [sflag:s7] =	dma.local [hbm:s5], $0xA00  }
0x14: {  	[tilespmem:s14], [sflag:$0x2] =	stream.linear.gather [hbm4b:s8+s4], $0x2800, $0x38;
	[tilespmem:$0x15000] =	vst v63  }
0x15: {  	s28 =	simm.s32 $0x7800  }
0x16: {  	[tilespmem:s28], [sflag:$0x3] =	stream.linear.gather [hbm4b:s9+s4], $0x2800, $0x38;
	[tilespmem:$0x15000] =	vst v63  }
0x17: {  	[spmem:s16], [sflag:s15] =	dma.local [hbm:s10], $0xA00  }
0x18: {  	_ =	swait.ge [sflag:s17], $0xA00  }
0x19: {  	[sflag:s17] =	ssyncset.done $0x0  }
0x1a: {  	[sflag:s17] =	ssyncadd.s32 $0xFFFFF600  }
0x1b: {  	_ =	swait.ge [sflag:s18], $0xA00  }
0x1c: {  	[sflag:s18] =	ssyncset.done $0x0  }
0x1d: {  	[sflag:s18] =	ssyncadd.s32 $0xFFFFF600  }
0x1e: {  	_ =	swait.ge [sflag:s19], $0x2800  }
0x1f: {  	[sflag:s19] =	ssyncset.done $0x0  }
0x20: {  	[sflag:s19] =	ssyncadd.s32 $0xFFFFD800  }
0x21: {  	_ =	swait.ge [sflag:s20], $0x2800  }
0x22: {  	[sflag:s20] =	ssyncset.done $0x0  }
0x23: {  	[sflag:s20] =	ssyncadd.s32 $0xFFFFD800  }
0x24: {  	[bflag:$0x0] =	sbarrier.arrive $0xFFFF  }
0x25: {  	[tilespmem:s22], [sflag:$0x1] =	stream.indirect.gather [spmem:s3], $0x20, s14, s21, $0xb8;
	[tilespmem:$0x15000] =	vst v63  }
0x26: {  	s29 =	simm.s32 $0x5200;
	s30 =	simm.s32 $0x0  }
0x27: {  	[tilespmem:s24], [sflag:$0x2] =	stream.indirect.gather [spmem:s3], $0x20, s23, s21, $0xb8;
	[tilespmem:$0x15000] =	vst v63  }
.LBB2_2:
0x28: {  	p0 =	seq.s32 s30, $0x0  }
0x29: {  	s31 =	sadd.s32 @!p0 $0xFFFFFFFF, s30  }
0x2a: {  	s0 =	sand.u32 @!p0 $0xFF, s31  }
0x2b: {  	s0 =	smul.u32 @!p0 $0xAB, s0;
	_ =	sdelay $0x1  }
0x2c: {  	s0 =	sshrl.u32 @!p0 s0, $0x9  }
0x2d: {  	s0 =	smul.u32 @!p0 $0x3, s0;
	_ =	sdelay $0x1  }
0x2e: {  	s0 =	ssub.s32 @!p0 s31, s0  }
0x2f: {  	s0 =	sor.u32 @!p0 $0x4, s0  }
0x30: {  	s0 =	sand.u32 @!p0 $0xFF, s0  }
0x31: {  	p1 =	sgt.u32 @!p0 s30, $0x25;
	_ =	swait.ge @!p0 [sflag:s0], $0x2000  }
0x32: {  	p1 =	por p0, !p1;
	[sflag:s0] =	ssyncset.done @!p0 $0x0  }
0x33: {  	[sflag:s0] =	ssyncadd.s32 @!p0 $0xFFFFE000;
	s0 =	sadd.s32 @p1 $0x2, s30  }
0x34: {  	s31 =	smul.u32 @p1 $0xAB, s0;
	_ =	sdelay $0x1  }
0x35: {  	s31 =	sshrl.u32 @p1 s31, $0x9  }
0x36: {  	s31 =	sand.u32 @p1 $0x7F, s31  }
0x37: {  	s31 =	smul.u32 @p1 $0x3, s31;
	_ =	sdelay $0x1  }
0x38: {  	s0 =	ssub.s32 @p1 s0, s31  }
0x39: {  	s0 =	sand.u32 @p1 $0xFF, s0  }
0x3a: {  	s31 =	sshll.u32 @p1 s0, $0xD  }
0x3b: {  	s0 =	sadd.s32 @p1 $0x1, s0;
	s31 =	sadd.s32 @p1 $0xA000, s31  }
0x3c: {  	[tilespmem:s31], [sflag:s0] =	stream.indirect.gather @p1 [spmem:s3], $0x20, s29, s21, $0xb8;
	[tilespmem:$0x15000] =	vst v63  }
0x3d: {  	s31 =	smul.u32 $0xAB, s30;
	_ =	sdelay $0x1  }
0x3e: {  	s0 =	sshrl.u32 s31, $0x9  }
0x3f: {  	s0 =	sand.u32 $0x7F, s0  }
0x40: {  	s0 =	smul.u32 $0x3, s0;
	_ =	sdelay $0x1  }
0x41: {  	s0 =	ssub.s32 s30, s0  }
0x42: {  	s30 =	sadd.s32 $0x1, s30;
	s0 =	sand.u32 $0xFF, s0  }
0x43: {  	p0 =	sne.s32 s30, $0x28;
	s31 =	sadd.s32 $0x1, s0  }
.Ltmp0:
0x44: {  	_ =	swait.ge [sflag:s31], $0x2000;
	(pc) =	sbr.rel @p0 .LBB2_2-.Ltmp0, $4  }
0x45: {  	s1 =	sshll.u32 s0, $0xD;
	[sflag:s31] =	ssyncset.done $0x0  }
0x46: {  	s0 =	sadd.s32 $0x4, s0;
	s1 =	sadd.s32 $0xA000, s1;
	[sflag:s31] =	ssyncadd.s32 $0xFFFFE000  }
0x47: {  	[spmem:s2] =	stream.indirect.scatter.add.f32 [tilespmem:s1], [sflag:s0], $0x20, s28, s21, $0xb8;
	[tilespmem:$0x15000] =	vst v63  }
0x48: {  	s29 =	sadd.s32 $0x100, s29;
	s28 =	sadd.s32 $0x100, s28  }
0x49: {  	_ =	swait.ge [sflag:s17], $0x2000  }
0x4a: {  	s26 =	sadd.s32 $0x1, s26;
	[sflag:s17] =	ssyncset.done $0x0  }
0x4b: {  	p0 =	sne.s32 s26, s12;
	[sflag:s17] =	ssyncadd.s32 $0xFFFFE000  }
.Ltmp1:
0x4c: {  	s0 =	sor.u32 $0x1C07, s6;
	[bflag:$0x0] =	sbarrier.arrive $0xFFFF;
	(pc) =	sbr.rel @p0 .LBB2_1-.Ltmp1, $4  }
0x4d: {  	[hbm:s11], [sflag:s0] =	dma.local [spmem:s13], $0xA00  }
0x4e: {  	_ =	swait.ge [sflag:s25], $0xA00  }
0x4f: {  	[sflag:s25] =	ssyncset.done $0x0  }
0x50: {  	[sflag:s25] =	ssyncadd.s32 $0xFFFFF600  }
0x51: {  	_ =	sfence.sel $0x180000  }
0x52: {  	[bflag:$0x0] =	sbarrier.arrive $0xFFFF  }
0x53: {  	_ =	strace $0x9000004D  }
0x54: {  	s0 =	stileid.u32;
	[bflag:$0x2] =	sbarrier.arrive $0xFFFF  }
0x55: {  	p0 =	sne.s32 s0, $0x0;
	s0 =	rddreg [dreg:$0x3]  }
0x56: {  	s0 =	sadd.s32 @!p0 $0x100000, s0  }
0x57: {  	[sflag:s0] =	ssyncadd.tile.s32 @!p0 $0x1;
	_ =	shalt  }
.Lfunc_end2:
_tile_overlayer_lowered:
.L_overlay_start_2:
0x58: {  	(tag) =	ssettag $0x2  }
0x59: {  	s0 =	rddreg [dreg:$0x0];
	s2 =	stileid.u32  }
0x5a: {  	s1 =	rddreg [dreg:$0x1];
	p0 =	sne.s32 s2, $0x0  }
0x5b: {  	s3 =	rddreg [dreg:$0x2];
	[bflag:$0x3] =	sbarrier.arrive $0xFFFF;
	s2 =	simm.s32 @!p0 $0x1C07  }
0x5c: {  	[timem:s3], [sflag:s2] =	dma.local @!p0 [hbm:s0], s1  }
0x5d: {  	s0 =	simm.s32 @!p0 $0x7  }
0x5e: {  	_ =	swait.ge @!p0 [sflag:s0], s1  }
0x5f: {  	s1 =	ssub.s32 @!p0 $0x0, s1;
	[sflag:s0] =	ssyncset.done @!p0 $0x0  }
0x60: {  	[sflag:s0] =	ssyncadd.s32 @!p0 s1  }
0x61: {  	[bflag:$0x3] =	sbarrier.arrive $0xFFFF  }
0x62: {  	_ =	shalt  }

// kernel: kernel.23.cloned.1.call-start
scs
__scs_entry_jumppad:
0x0: {  	(pc) =	sbr.rel $0x88, $3  }
0x1: {  	(tag) =	ssettag $0x0;
	lr =	simm.s32 $0x1  }
0x2: {  	[smem:$0x3F94] =	sst lr;
	_ =	strace $0xD0000000  }
0x3: {  	_ = 	snop  }
0x4: {  	_ = 	snop  }
0x5: {  	_ = 	snop  }
0x6: {  	_ = 	snop  }
0x7: {  	_ = 	snop  }
__scs_overlays_trampoline_lowered:
0x8: {  	[smem:$0x3FA3] =	sst s0  }
0x9: {  	[smem:$0x3FA4] =	sst s1  }
0xa: {  	[smem:$0x3FA5] =	sst s2  }
0xb: {  	[smem:$0x3FA6] =	sst s3  }
0xc: {  	[smem:$0x3FA7] =	sst s4  }
0xd: {  	[smem:$0x3FA8] =	sst s5  }
0xe: {  	[smem:$0x3FA9] =	sst s6  }
0xf: {  	[smem:$0x3FAA] =	sst s7  }
0x10: {  	[smem:$0x3FAB] =	sst s8  }
0x11: {  	[smem:$0x3FAC] =	sst s9;
	s0 =	simm.s32 @!p0 $0x0  }
0x12: {  	s1 =	sld [smem:$0x3F92];
	s0 =	simm.s32 @p0 $0x1  }
0x13: {  	[smem:$0x3FAD] =	sst s0;
	s0 =	simm.s32 @!p1 $0x0  }
0x14: {  	s2 =	sld [smem:$0x3F91];
	s0 =	simm.s32 @p1 $0x1  }
0x15: {  	[smem:$0x3FAE] =	sst s0;
	s0 =	simm.s32 @!p2 $0x0  }
0x16: {  	s3 =	sld [smem:$0x3FDB];
	s0 =	simm.s32 @p2 $0x1  }
0x17: {  	s4 =	simm.s32 $0x1BF5;
	[smem:$0x3FB0] =	sst s0  }
0x18: {  	s0 =	sld [smem:$0x3F93];
	_ =	swait.ge [sflag:s4], $0x0  }
0x19: {  	s7 =	sld [smem:$0x3F94]  }
0x1a: {  	s8 =	sadd.s32 $0xFFFFE003, lr  }
0x1b: {  	s9 =	sadd.s32 $0xFFFFFEF7, lr;
	s5 =	simm.s32 $0xFFFFFFFF;
	p2 =	slt.u32 s8, $0xFFFFF086  }
0x1c: {  	p1 =	slt.u32 s9, $0xF7A;
	s5 =	simm.s32 @!p2 $0x0  }
0x1d: {  	s5 =	simm.s32 @p1 $0x1;
	p0 =	seq.s32 s7, s2  }
0x1e: {  	s7 =	smul.u32 @!p0 $0xF7A, s2;
	p2 =	seq.s32 @!p0 s5, $0x0  }
0x1f: {  	s9 =	smul.u32 $0xF7A, s1;
	s8 =	simm.s32 @!p0 $0x1BF5;
	p2 =	por !p2, p0  }
0x20: {  	[sflag:s8] =	ssyncset.s32 @!p0 $0xFFFFF086;
	s6 =	sadd.s32 @!p0 s3, s7;
	s7 =	simm.s32 @!p0 $0x108  }
0x21: {  	s3 =	sadd.s32 s3, s9;
	s6 =	sadd.s32 @!p0 $0x88, s6;
	s7 =	simm.s32 @p2 $0x1082  }
0x22: {  	[simem:s7], [sflag:s8] =	dma.local @!p0 [hbm:s6], $0xF7A  }
0x23: {  	s9 =	sor.u32 $0xD0000000, s2;
	s6 =	simm.s32 $0x108;
	_ =	swait.ge @!p0 [sflag:s8], $0x0  }
0x24: {  	s3 =	sadd.s32 $0x88, s3;
	s6 =	simm.s32 @!p1 $0x1082;
	[sflag:s4] =	ssyncset.s32 $0xFFFFF086  }
0x25: {  	[simem:s6], [sflag:s4] =	dma.local [hbm:s3], $0xF7A  }
0x26: {  	[smem:$0x3F94] =	sst s1;
	(tag) =	ssettag s2;
	_ =	strace s9  }
0x27: {  	s1 =	sld [smem:$0x3FA4]  }
0x28: {  	s2 =	sld [smem:$0x3FA5]  }
0x29: {  	s4 =	sld [smem:$0x3FA7]  }
0x2a: {  	p0 =	seq.s32 s5, $0x0;
	s5 =	sld [smem:$0x3FA8]  }
0x2b: {  	s6 =	sld [smem:$0x3FA9]  }
0x2c: {  	s7 =	sld [smem:$0x3FAA]  }
0x2d: {  	s3 =	simm.s32 $0x108;
	s8 =	sld [smem:$0x3FAB]  }
0x2e: {  	s3 =	simm.s32 @!p0 $0x1082;
	s9 =	sld [smem:$0x3FAC]  }
0x2f: {  	lr =	sadd.s32 s0, s3;
	s0 =	sld [smem:$0x3FA3]  }
0x30: {  	s3 =	sld [smem:$0x3FA6]  }
0x31: {  	[smem:$0x3FAF] =	sst s10  }
0x32: {  	s10 =	sld [smem:$0x3FAD];
	_ =	sdelay $0x3  }
0x33: {  	p0 =	seq.s32 s10, $0x1;
	s10 =	sld [smem:$0x3FAF];
	_ =	sdelay $0x3  }
0x34: {  	[smem:$0x3FAF] =	sst s10  }
0x35: {  	s10 =	sld [smem:$0x3FAE];
	_ =	sdelay $0x3  }
0x36: {  	p1 =	seq.s32 s10, $0x1;
	s10 =	sld [smem:$0x3FAF];
	_ =	sdelay $0x3  }
0x37: {  	[smem:$0x3FAF] =	sst s10  }
0x38: {  	s10 =	sld [smem:$0x3FB0]  }
0x39: {  	_ = 	snop;
	(pc) =	sbr.ind lr, $3  }
0x3a: {  	_ = 	snop  }
0x3b: {  	_ = 	snop  }
0x3c: {  	p2 =	seq.s32 s10, $0x1;
	s10 =	sld [smem:$0x3FAF]  }
0x3d: {  	_ =	shalt  }
0x3e: {  	_ =	shalt  }
0x3f: {  	_ =	shalt  }
0x40: {  	_ =	shalt  }
0x41: {  	_ =	shalt  }
0x42: {  	_ =	shalt  }
0x43: {  	_ =	shalt  }
0x44: {  	_ =	shalt  }
0x45: {  	_ =	shalt  }
0x46: {  	_ =	shalt  }
0x47: {  	_ =	shalt  }
0x48: {  	_ =	shalt  }
0x49: {  	_ =	shalt  }
0x4a: {  	_ =	shalt  }
0x4b: {  	_ =	shalt  }
0x4c: {  	_ =	shalt  }
0x4d: {  	_ =	shalt  }
0x4e: {  	_ =	shalt  }
0x4f: {  	_ =	shalt  }
0x50: {  	_ =	shalt  }
0x51: {  	_ =	shalt  }
0x52: {  	_ =	shalt  }
0x53: {  	_ =	shalt  }
0x54: {  	_ =	shalt  }
0x55: {  	_ =	shalt  }
0x56: {  	_ =	shalt  }
0x57: {  	_ =	shalt  }
0x58: {  	_ =	shalt  }
0x59: {  	_ =	shalt  }
0x5a: {  	_ =	shalt  }
0x5b: {  	_ =	shalt  }
0x5c: {  	_ =	shalt  }
0x5d: {  	_ =	shalt  }
0x5e: {  	_ =	shalt  }
0x5f: {  	_ =	shalt  }
0x60: {  	_ =	shalt  }
0x61: {  	_ =	shalt  }
0x62: {  	_ =	shalt  }
0x63: {  	_ =	shalt  }
0x64: {  	_ =	shalt  }
0x65: {  	_ =	shalt  }
0x66: {  	_ =	shalt  }
0x67: {  	_ =	shalt  }
0x68: {  	_ =	shalt  }
0x69: {  	_ =	shalt  }
0x6a: {  	_ =	shalt  }
0x6b: {  	_ =	shalt  }
0x6c: {  	_ =	shalt  }
0x6d: {  	_ =	shalt  }
0x6e: {  	_ =	shalt  }
0x6f: {  	_ =	shalt  }
0x70: {  	_ =	shalt  }
0x71: {  	_ =	shalt  }
0x72: {  	_ =	shalt  }
0x73: {  	_ =	shalt  }
0x74: {  	_ =	shalt  }
0x75: {  	_ =	shalt  }
0x76: {  	_ =	shalt  }
0x77: {  	_ =	shalt  }
0x78: {  	_ =	shalt  }
0x79: {  	_ =	shalt  }
0x7a: {  	_ =	shalt  }
0x7b: {  	_ =	shalt  }
0x7c: {  	_ =	shalt  }
0x7d: {  	_ =	shalt  }
0x7e: {  	_ =	shalt  }
0x7f: {  	_ =	shalt  }
0x80: {  	_ =	shalt  }
0x81: {  	_ =	shalt  }
0x82: {  	_ =	shalt  }
0x83: {  	_ =	shalt  }
0x84: {  	_ =	shalt  }
0x85: {  	_ =	shalt  }
0x86: {  	_ =	shalt  }
0x87: {  	_ =	shalt  }
.Lfunc_end0:
.L_simem_size_0:
called_computation.3_lowered:
.L_overlay_start_0:
0x88: {  	s2 =	sld [smem:$0x3FD9]  }
0x89: {  	s3 =	sld [smem:$0x3FFE];
	_ =	sdelay $0x1  }
0x8a: {  	s1 =	srdreg.scid  }
0x8b: {  	s0 =	sand.u32 $0x1, s1  }
0x8c: {  	s16 =	sshll.u32 s0, $0xA;
	s2 =	sadd.s32 s3, s2  }
0x8d: {  	s2 =	sadd.s32 s2, s16  }
0x8e: {  	[smem:$0x3FBB] =	sst s2  }
0x8f: {  	_ = 	snop  }
0x90: {  	(tm) =	ssettm $0x1  }
0x91: {  	s17 =	sld [smem:$0x3FFB];
	_ =	sdelay $0x3  }
0x92: {  	_ =	strace s17  }
0x93: {  	s2 =	sld [smem:$0x3FFC];
	_ =	sdelay $0x3  }
0x94: {  	_ =	strace s2  }
0x95: {  	s2 =	sld [smem:$0x3FFD];
	_ =	sdelay $0x3  }
0x96: {  	_ =	strace s2  }
0x97: {  	_ =	strace $0x8FFFFFFF  }
0x98: {  	s18 =	sld [smem:$0x3FDB];
	_ =	sdelay $0x1  }
0x99: {  	s19 =	simm.s32 $_scs_section_size  }
0x9a: {  	s4 =	simm.s32 $_size__tile_overlayer_lowered;
	s5 =	simm.s32 $_tile_overlayer_lowered  }
0x9b: {  	s22 =	simm.s32 $0x1BFF;
	s21 =	sshll.u32 s5, $0x1;
	s2 =	sadd.s32 s19, s18  }
0x9c: {  	s6 =	simm.s32 $0x0;
	s20 =	sshll.u32 s4, $0x1;
	s4 =	sadd.s32 s21, s2  }
0x9d: {  	[timem:s6], [sflag:s22] =	dma.local [hbm:s4], s20  }
0x9e: {  	_ =	swait.ge [sflag:s22], s20  }
0x9f: {  	s3 =	ssub.s32 $0x0, s20;
	[sflag:s22] =	ssyncset.done $0x0  }
0xa0: {  	[sflag:s22] =	ssyncadd.s32 s3;
	_ =	sdelay $0x1  }
0xa1: {  	s23 =	simm.s32 $0x1B8B  }
0xa2: {  	_ =	swait.ge [sflag:s23], $0x1  }
0xa3: {  	[sflag:s23] =	ssyncset.done $0x0  }
0xa4: {  	s25 =	simm.s32 $0x1B8E;
	s24 =	sld [smem:$0x3FFE];
	[sflag:s23] =	ssyncadd.s32 $0xFFFFFFFF  }
0xa5: {  	s26 =	simm.s32 $execute0_lowered;
	[smem:$0x3FD2] =	sst s25  }
0xa6: {  	s4 =	sshll.u32 s26, $0x1;
	_ =	strace $0x8000004F;
	[dreg:$0x1] =	wrdreg $0xFFFFFFFF  }
0xa7: {  	s28 =	simm.s32 $_size_execute0_lowered;
	s2 =	sadd.s32 s2, s4;
	[dreg:$0x0] =	wrdreg $0x0  }
0xa8: {  	s4 =	sshll.u32 s28, $0x1;
	[dreg:$0x2] =	wrdreg s2  }
0xa9: {  	[dreg:$0x3] =	wrdreg s4  }
0xaa: {  	[dreg:$0x4] =	wrdreg $0xC0  }
0xab: {  	_ =	task [dreg:s6], $0x5FFFF  }
0xac: {  	[dreg:$0x1] =	wrdreg $0xFFFFFFFF  }
0xad: {  	[dreg:$0x0] =	wrdreg $0x60  }
0xae: {  	[dreg:$0x2] =	wrdreg s24  }
0xaf: {  	[dreg:$0x3] =	wrdreg $0x0  }
0xb0: {  	[dreg:$0x4] =	wrdreg $0xA8000  }
0xb1: {  	[dreg:$0x5] =	wrdreg $0x9  }
0xb2: {  	_ =	task.clear_ibuf [dreg:s6], $0x6FFFF;
	_ =	strace $0x9000004F  }
0xb3: {  	s29 =	simm.s32 $0x9;
	_ =	strace $0x80000051  }
0xb4: {  	_ =	swait.ge [sflag:s29], $0x1  }
0xb5: {  	[sflag:s29] =	ssyncadd.s32 $0xFFFFFFFF  }
0xb6: {  	_ =	strace $0x90000051  }
0xb7: {  	_ =	sfence  }
0xb8: {  	s30 =	sld [smem:$0x0];
	_ =	sdelay $0x2  }
0xb9: {  	s31 =	sshll.u32 s1, $0xD;
	s1 =	sshrl.u32 s1, $0x2  }
0xba: {  	s3 =	sand.u32 $0x4000, s31;
	s1 =	sadd.s32 s1, s30  }
0xbb: {  	s0 =	sor.u32 s3, s0;
	s1 =	sshll.u32 s1, $0x11  }
0xbc: {  	s0 =	sor.u32 s1, s0  }
0xbd: {  	s0 =	sadd.s32 $0x8F2B, s0  }
0xbe: {  	[sflag:s0] =	ssyncadd.remote.s32 $0x1  }
0xbf: {  	_ =	sfence.sel $0xFFFF  }
0xc0: {  	[dreg:$0x0] =	wrdreg $0xFFFFFFFF;
	(pc) =	sbr.abs _section_cstart, $3  }
0xc1: {  	[dreg:$0x1] =	wrdreg $0xFFFFFFFF  }
0xc2: {  	_ =	task.clear_ibuf [dreg:s6], $0x2FFFF;
	_ =	strace $0x9FFFFFFF  }
0xc3: {  	(tm) =	ssettm $0x7FFFFFFF  }
tec
execute0_lowered:
.L_overlay_start_1:
0x0: {  	(tag) =	ssettag $0x1  }
0x1: {  	s6 =	rddreg [dreg:$0x0]  }
0x2: {  	s2 =	rddreg [dreg:$0x1]  }
0x3: {  	s3 =	rddreg [dreg:$0x2]  }
0x4: {  	s0 =	stileid.u32;
	s4 =	srdreg.scid;
	s17 =	simm.s32 $0x4  }
0x5: {  	s18 =	simm.s32 $0x1;
	s19 =	simm.s32 $0x2;
	s20 =	simm.s32 $0x3  }
0x6: {  	s21 =	simm.s32 $0x100;
	s22 =	simm.s32 $0x7800;
	s23 =	simm.s32 $0x2900  }
0x7: {  	s24 =	simm.s32 $0x8800;
	s25 =	simm.s32 $0x7;
	s26 =	simm.s32 $0x0  }
0x8: {  	s10 =	smul.u32 $0x2800, s0;
	s5 =	sand.u32 $0x1, s4;
	s7 =	sshll.u32 s0, $0x1  }
0x9: {  	s8 =	smul.u32 $0x280, s0;
	s4 =	simm.s32 $0x0;
	s7 =	sor.u32 s5, s7  }
0xa: {  	s9 =	smul.u32 $0x2800, s5;
	[smem:$0x7FF] =	sst s4;
	s30 =	ssub.s32 $0x2, s5  }
0xb: {  	s5 =	sadd.s32 $0x1C400, s6;
	s11 =	sshrl.u32 s10, $0x3;
	s7 =	smul.u32 $0x500, s7  }
0xc: {  	_ =	strace $0x80000050;
	s31 =	sshrl.u32 s30, $0x1;
	s14 =	sadd.s32 s10, s2  }
0xd: {  	s16 =	sadd.s32 s10, s3;
	s11 =	sadd.s32 s11, s6;
	s8 =	sadd.s32 s8, s9  }
0xe: {  	s13 =	ssub.s32 s30, s31;
	s16 =	sshrl.u32 s16, $0x3;
	s29 =	sshll.u32 s8, $0x1  }
0xf: {  	s28 =	sadd.s32 s7, s6;
	s10 =	sadd.s32 $0xD400, s11;
	s12 =	sadd.s32 s29, s6  }
0x10: {  	s6 =	sshll.u32 s0, $0x6;
	s8 =	sadd.s32 $0x12400, s28;
	s9 =	sadd.s32 $0x3000, s28  }
0x11: {  	s7 =	sor.u32 $0x1C01, s6;
	s11 =	sadd.s32 $0x1CA00, s12;
	s12 =	smax.u32 s13, $0x1  }
0x12: {  	s13 =	sshrl.u32 s14, $0x3;
	s14 =	simm.s32 $0x2800;
	s15 =	sor.u32 $0x1C04, s6  }
.LBB2_1:
0x13: {  	[spmem:s13], [sflag:s7] =	dma.local [hbm:s5], $0x500  }
0x14: {  	[tilespmem:s14], [sflag:$0x2] =	stream.linear.gather [hbm4b:s8+s4], $0x2800, $0x38;
	[tilespmem:$0xD000] =	vst v63  }
0x15: {  	s28 =	simm.s32 $0x5000  }
0x16: {  	[tilespmem:s28], [sflag:$0x3] =	stream.linear.gather [hbm4b:s9+s4], $0x2800, $0x38;
	[tilespmem:$0xD000] =	vst v63  }
0x17: {  	[spmem:s16], [sflag:s15] =	dma.local [hbm:s10], $0x500  }
0x18: {  	_ =	swait.ge [sflag:s17], $0x500  }
0x19: {  	[sflag:s17] =	ssyncset.done $0x0  }
0x1a: {  	[sflag:s17] =	ssyncadd.s32 $0xFFFFFB00  }
0x1b: {  	_ =	swait.ge [sflag:s18], $0x500  }
0x1c: {  	[sflag:s18] =	ssyncset.done $0x0  }
0x1d: {  	[sflag:s18] =	ssyncadd.s32 $0xFFFFFB00  }
0x1e: {  	_ =	swait.ge [sflag:s19], $0x2800  }
0x1f: {  	[sflag:s19] =	ssyncset.done $0x0  }
0x20: {  	[sflag:s19] =	ssyncadd.s32 $0xFFFFD800  }
0x21: {  	_ =	swait.ge [sflag:s20], $0x2800  }
0x22: {  	[sflag:s20] =	ssyncset.done $0x0  }
0x23: {  	[sflag:s20] =	ssyncadd.s32 $0xFFFFD800  }
0x24: {  	[bflag:$0x0] =	sbarrier.arrive $0xFFFF  }
0x25: {  	[tilespmem:s22], [sflag:$0x1] =	stream.indirect.gather [spmem:s3], $0x10, s14, s21, $0xb8;
	[tilespmem:$0xD000] =	vst v63  }
0x26: {  	s29 =	simm.s32 $0x2A00;
	s30 =	simm.s32 $0x0  }
0x27: {  	[tilespmem:s24], [sflag:$0x2] =	stream.indirect.gather [spmem:s3], $0x10, s23, s21, $0xb8;
	[tilespmem:$0xD000] =	vst v63  }
.LBB2_2:
0x28: {  	p0 =	seq.s32 s30, $0x0  }
0x29: {  	s31 =	sadd.s32 @!p0 $0xFFFFFFFF, s30  }
0x2a: {  	s0 =	sand.u32 @!p0 $0xFF, s31  }
0x2b: {  	s0 =	smul.u32 @!p0 $0xAB, s0;
	_ =	sdelay $0x1  }
0x2c: {  	s0 =	sshrl.u32 @!p0 s0, $0x9  }
0x2d: {  	s0 =	smul.u32 @!p0 $0x3, s0;
	_ =	sdelay $0x1  }
0x2e: {  	s0 =	ssub.s32 @!p0 s31, s0  }
0x2f: {  	s0 =	sor.u32 @!p0 $0x4, s0  }
0x30: {  	s0 =	sand.u32 @!p0 $0xFF, s0  }
0x31: {  	p1 =	sgt.u32 @!p0 s30, $0x25;
	_ =	swait.ge @!p0 [sflag:s0], $0x1000  }
0x32: {  	p1 =	por p0, !p1;
	[sflag:s0] =	ssyncset.done @!p0 $0x0  }
0x33: {  	[sflag:s0] =	ssyncadd.s32 @!p0 $0xFFFFF000;
	s0 =	sadd.s32 @p1 $0x2, s30  }
0x34: {  	s31 =	smul.u32 @p1 $0xAB, s0;
	_ =	sdelay $0x1  }
0x35: {  	s31 =	sshrl.u32 @p1 s31, $0x9  }
0x36: {  	s31 =	sand.u32 @p1 $0x7F, s31  }
0x37: {  	s31 =	smul.u32 @p1 $0x3, s31;
	_ =	sdelay $0x1  }
0x38: {  	s0 =	ssub.s32 @p1 s0, s31  }
0x39: {  	s0 =	sand.u32 @p1 $0xFF, s0  }
0x3a: {  	s31 =	sshll.u32 @p1 s0, $0xC  }
0x3b: {  	s0 =	sadd.s32 @p1 $0x1, s0;
	s31 =	sadd.s32 @p1 $0x7800, s31  }
0x3c: {  	[tilespmem:s31], [sflag:s0] =	stream.indirect.gather @p1 [spmem:s3], $0x10, s29, s21, $0xb8;
	[tilespmem:$0xD000] =	vst v63  }
0x3d: {  	s31 =	smul.u32 $0xAB, s30;
	_ =	sdelay $0x1  }
0x3e: {  	s0 =	sshrl.u32 s31, $0x9  }
0x3f: {  	s0 =	sand.u32 $0x7F, s0  }
0x40: {  	s0 =	smul.u32 $0x3, s0;
	_ =	sdelay $0x1  }
0x41: {  	s0 =	ssub.s32 s30, s0  }
0x42: {  	s30 =	sadd.s32 $0x1, s30;
	s0 =	sand.u32 $0xFF, s0  }
0x43: {  	p0 =	sne.s32 s30, $0x28;
	s31 =	sadd.s32 $0x1, s0  }
.Ltmp0:
0x44: {  	_ =	swait.ge [sflag:s31], $0x1000;
	(pc) =	sbr.rel @p0 .LBB2_2-.Ltmp0, $4  }
0x45: {  	s1 =	sshll.u32 s0, $0xC;
	[sflag:s31] =	ssyncset.done $0x0  }
0x46: {  	s0 =	sadd.s32 $0x4, s0;
	s1 =	sadd.s32 $0x7800, s1;
	[sflag:s31] =	ssyncadd.s32 $0xFFFFF000  }
0x47: {  	[spmem:s2] =	stream.indirect.scatter.add.f32 [tilespmem:s1], [sflag:s0], $0x10, s28, s21, $0xb8;
	[tilespmem:$0xD000] =	vst v63  }
0x48: {  	s29 =	sadd.s32 $0x100, s29;
	s28 =	sadd.s32 $0x100, s28  }
0x49: {  	_ =	swait.ge [sflag:s17], $0x1000  }
0x4a: {  	s26 =	sadd.s32 $0x1, s26;
	[sflag:s17] =	ssyncset.done $0x0  }
0x4b: {  	p0 =	sne.s32 s26, s12;
	[sflag:s17] =	ssyncadd.s32 $0xFFFFF000  }
.Ltmp1:
0x4c: {  	s0 =	sor.u32 $0x1C07, s6;
	[bflag:$0x0] =	sbarrier.arrive $0xFFFF;
	(pc) =	sbr.rel @p0 .LBB2_1-.Ltmp1, $4  }
0x4d: {  	[hbm:s11], [sflag:s0] =	dma.local [spmem:s13], $0x500  }
0x4e: {  	_ =	swait.ge [sflag:s25], $0x500  }
0x4f: {  	[sflag:s25] =	ssyncset.done $0x0  }
0x50: {  	[sflag:s25] =	ssyncadd.s32 $0xFFFFFB00  }
0x51: {  	_ =	sfence.sel $0x180000  }
0x52: {  	[bflag:$0x0] =	sbarrier.arrive $0xFFFF  }
0x53: {  	_ =	strace $0x90000050  }
0x54: {  	s0 =	stileid.u32;
	[bflag:$0x2] =	sbarrier.arrive $0xFFFF  }
0x55: {  	p0 =	sne.s32 s0, $0x0;
	s0 =	rddreg [dreg:$0x3]  }
0x56: {  	s0 =	sadd.s32 @!p0 $0x100000, s0  }
0x57: {  	[sflag:s0] =	ssyncadd.tile.s32 @!p0 $0x1;
	_ =	shalt  }
.Lfunc_end2:
_tile_overlayer_lowered:
.L_overlay_start_2:
0x58: {  	(tag) =	ssettag $0x2  }
0x59: {  	s0 =	rddreg [dreg:$0x0];
	s2 =	stileid.u32  }
0x5a: {  	s1 =	rddreg [dreg:$0x1];
	p0 =	sne.s32 s2, $0x0  }
0x5b: {  	s3 =	rddreg [dreg:$0x2];
	[bflag:$0x3] =	sbarrier.arrive $0xFFFF;
	s2 =	simm.s32 @!p0 $0x1C07  }
0x5c: {  	[timem:s3], [sflag:s2] =	dma.local @!p0 [hbm:s0], s1  }
0x5d: {  	s0 =	simm.s32 @!p0 $0x7  }
0x5e: {  	_ =	swait.ge @!p0 [sflag:s0], s1  }
0x5f: {  	s1 =	ssub.s32 @!p0 $0x0, s1;
	[sflag:s0] =	ssyncset.done @!p0 $0x0  }
0x60: {  	[sflag:s0] =	ssyncadd.s32 @!p0 s1  }
0x61: {  	[bflag:$0x3] =	sbarrier.arrive $0xFFFF  }
0x62: {  	_ =	shalt  }

// kernel: kernel.26.cloned.1.call-start
scs
__scs_entry_jumppad:
0x0: {  	(pc) =	sbr.rel $0x88, $3  }
0x1: {  	(tag) =	ssettag $0x0;
	lr =	simm.s32 $0x1  }
0x2: {  	[smem:$0x3F94] =	sst lr;
	_ =	strace $0xD0000000  }
0x3: {  	_ = 	snop  }
0x4: {  	_ = 	snop  }
0x5: {  	_ = 	snop  }
0x6: {  	_ = 	snop  }
0x7: {  	_ = 	snop  }
__scs_overlays_trampoline_lowered:
0x8: {  	[smem:$0x3FA3] =	sst s0  }
0x9: {  	[smem:$0x3FA4] =	sst s1  }
0xa: {  	[smem:$0x3FA5] =	sst s2  }
0xb: {  	[smem:$0x3FA6] =	sst s3  }
0xc: {  	[smem:$0x3FA7] =	sst s4  }
0xd: {  	[smem:$0x3FA8] =	sst s5  }
0xe: {  	[smem:$0x3FA9] =	sst s6  }
0xf: {  	[smem:$0x3FAA] =	sst s7  }
0x10: {  	[smem:$0x3FAB] =	sst s8  }
0x11: {  	[smem:$0x3FAC] =	sst s9;
	s0 =	simm.s32 @!p0 $0x0  }
0x12: {  	s1 =	sld [smem:$0x3F92];
	s0 =	simm.s32 @p0 $0x1  }
0x13: {  	[smem:$0x3FAD] =	sst s0;
	s0 =	simm.s32 @!p1 $0x0  }
0x14: {  	s2 =	sld [smem:$0x3F91];
	s0 =	simm.s32 @p1 $0x1  }
0x15: {  	[smem:$0x3FAE] =	sst s0;
	s0 =	simm.s32 @!p2 $0x0  }
0x16: {  	s3 =	sld [smem:$0x3FDB];
	s0 =	simm.s32 @p2 $0x1  }
0x17: {  	s4 =	simm.s32 $0x1BF5;
	[smem:$0x3FB0] =	sst s0  }
0x18: {  	s0 =	sld [smem:$0x3F93];
	_ =	swait.ge [sflag:s4], $0x0  }
0x19: {  	s7 =	sld [smem:$0x3F94]  }
0x1a: {  	s8 =	sadd.s32 $0xFFFFE003, lr  }
0x1b: {  	s9 =	sadd.s32 $0xFFFFFEF7, lr;
	s5 =	simm.s32 $0xFFFFFFFF;
	p2 =	slt.u32 s8, $0xFFFFF086  }
0x1c: {  	p1 =	slt.u32 s9, $0xF7A;
	s5 =	simm.s32 @!p2 $0x0  }
0x1d: {  	s5 =	simm.s32 @p1 $0x1;
	p0 =	seq.s32 s7, s2  }
0x1e: {  	s7 =	smul.u32 @!p0 $0xF7A, s2;
	p2 =	seq.s32 @!p0 s5, $0x0  }
0x1f: {  	s9 =	smul.u32 $0xF7A, s1;
	s8 =	simm.s32 @!p0 $0x1BF5;
	p2 =	por !p2, p0  }
0x20: {  	[sflag:s8] =	ssyncset.s32 @!p0 $0xFFFFF086;
	s6 =	sadd.s32 @!p0 s3, s7;
	s7 =	simm.s32 @!p0 $0x108  }
0x21: {  	s3 =	sadd.s32 s3, s9;
	s6 =	sadd.s32 @!p0 $0x88, s6;
	s7 =	simm.s32 @p2 $0x1082  }
0x22: {  	[simem:s7], [sflag:s8] =	dma.local @!p0 [hbm:s6], $0xF7A  }
0x23: {  	s9 =	sor.u32 $0xD0000000, s2;
	s6 =	simm.s32 $0x108;
	_ =	swait.ge @!p0 [sflag:s8], $0x0  }
0x24: {  	s3 =	sadd.s32 $0x88, s3;
	s6 =	simm.s32 @!p1 $0x1082;
	[sflag:s4] =	ssyncset.s32 $0xFFFFF086  }
0x25: {  	[simem:s6], [sflag:s4] =	dma.local [hbm:s3], $0xF7A  }
0x26: {  	[smem:$0x3F94] =	sst s1;
	(tag) =	ssettag s2;
	_ =	strace s9  }
0x27: {  	s1 =	sld [smem:$0x3FA4]  }
0x28: {  	s2 =	sld [smem:$0x3FA5]  }
0x29: {  	s4 =	sld [smem:$0x3FA7]  }
0x2a: {  	p0 =	seq.s32 s5, $0x0;
	s5 =	sld [smem:$0x3FA8]  }
0x2b: {  	s6 =	sld [smem:$0x3FA9]  }
0x2c: {  	s7 =	sld [smem:$0x3FAA]  }
0x2d: {  	s3 =	simm.s32 $0x108;
	s8 =	sld [smem:$0x3FAB]  }
0x2e: {  	s3 =	simm.s32 @!p0 $0x1082;
	s9 =	sld [smem:$0x3FAC]  }
0x2f: {  	lr =	sadd.s32 s0, s3;
	s0 =	sld [smem:$0x3FA3]  }
0x30: {  	s3 =	sld [smem:$0x3FA6]  }
0x31: {  	[smem:$0x3FAF] =	sst s10  }
0x32: {  	s10 =	sld [smem:$0x3FAD];
	_ =	sdelay $0x3  }
0x33: {  	p0 =	seq.s32 s10, $0x1;
	s10 =	sld [smem:$0x3FAF];
	_ =	sdelay $0x3  }
0x34: {  	[smem:$0x3FAF] =	sst s10  }
0x35: {  	s10 =	sld [smem:$0x3FAE];
	_ =	sdelay $0x3  }
0x36: {  	p1 =	seq.s32 s10, $0x1;
	s10 =	sld [smem:$0x3FAF];
	_ =	sdelay $0x3  }
0x37: {  	[smem:$0x3FAF] =	sst s10  }
0x38: {  	s10 =	sld [smem:$0x3FB0]  }
0x39: {  	_ = 	snop;
	(pc) =	sbr.ind lr, $3  }
0x3a: {  	_ = 	snop  }
0x3b: {  	_ = 	snop  }
0x3c: {  	p2 =	seq.s32 s10, $0x1;
	s10 =	sld [smem:$0x3FAF]  }
0x3d: {  	_ =	shalt  }
0x3e: {  	_ =	shalt  }
0x3f: {  	_ =	shalt  }
0x40: {  	_ =	shalt  }
0x41: {  	_ =	shalt  }
0x42: {  	_ =	shalt  }
0x43: {  	_ =	shalt  }
0x44: {  	_ =	shalt  }
0x45: {  	_ =	shalt  }
0x46: {  	_ =	shalt  }
0x47: {  	_ =	shalt  }
0x48: {  	_ =	shalt  }
0x49: {  	_ =	shalt  }
0x4a: {  	_ =	shalt  }
0x4b: {  	_ =	shalt  }
0x4c: {  	_ =	shalt  }
0x4d: {  	_ =	shalt  }
0x4e: {  	_ =	shalt  }
0x4f: {  	_ =	shalt  }
0x50: {  	_ =	shalt  }
0x51: {  	_ =	shalt  }
0x52: {  	_ =	shalt  }
0x53: {  	_ =	shalt  }
0x54: {  	_ =	shalt  }
0x55: {  	_ =	shalt  }
0x56: {  	_ =	shalt  }
0x57: {  	_ =	shalt  }
0x58: {  	_ =	shalt  }
0x59: {  	_ =	shalt  }
0x5a: {  	_ =	shalt  }
0x5b: {  	_ =	shalt  }
0x5c: {  	_ =	shalt  }
0x5d: {  	_ =	shalt  }
0x5e: {  	_ =	shalt  }
0x5f: {  	_ =	shalt  }
0x60: {  	_ =	shalt  }
0x61: {  	_ =	shalt  }
0x62: {  	_ =	shalt  }
0x63: {  	_ =	shalt  }
0x64: {  	_ =	shalt  }
0x65: {  	_ =	shalt  }
0x66: {  	_ =	shalt  }
0x67: {  	_ =	shalt  }
0x68: {  	_ =	shalt  }
0x69: {  	_ =	shalt  }
0x6a: {  	_ =	shalt  }
0x6b: {  	_ =	shalt  }
0x6c: {  	_ =	shalt  }
0x6d: {  	_ =	shalt  }
0x6e: {  	_ =	shalt  }
0x6f: {  	_ =	shalt  }
0x70: {  	_ =	shalt  }
0x71: {  	_ =	shalt  }
0x72: {  	_ =	shalt  }
0x73: {  	_ =	shalt  }
0x74: {  	_ =	shalt  }
0x75: {  	_ =	shalt  }
0x76: {  	_ =	shalt  }
0x77: {  	_ =	shalt  }
0x78: {  	_ =	shalt  }
0x79: {  	_ =	shalt  }
0x7a: {  	_ =	shalt  }
0x7b: {  	_ =	shalt  }
0x7c: {  	_ =	shalt  }
0x7d: {  	_ =	shalt  }
0x7e: {  	_ =	shalt  }
0x7f: {  	_ =	shalt  }
0x80: {  	_ =	shalt  }
0x81: {  	_ =	shalt  }
0x82: {  	_ =	shalt  }
0x83: {  	_ =	shalt  }
0x84: {  	_ =	shalt  }
0x85: {  	_ =	shalt  }
0x86: {  	_ =	shalt  }
0x87: {  	_ =	shalt  }
.Lfunc_end0:
.L_simem_size_0:
called_computation.4_lowered:
.L_overlay_start_0:
0x88: {  	s2 =	sld [smem:$0x3FD9]  }
0x89: {  	s3 =	sld [smem:$0x3FFE];
	_ =	sdelay $0x1  }
0x8a: {  	s1 =	srdreg.scid  }
0x8b: {  	s0 =	sand.u32 $0x1, s1  }
0x8c: {  	s16 =	sshll.u32 s0, $0xA;
	s2 =	sadd.s32 s3, s2  }
0x8d: {  	s2 =	sadd.s32 s2, s16  }
0x8e: {  	[smem:$0x3FBB] =	sst s2  }
0x8f: {  	_ = 	snop  }
0x90: {  	(tm) =	ssettm $0x1  }
0x91: {  	s17 =	sld [smem:$0x3FFB];
	_ =	sdelay $0x3  }
0x92: {  	_ =	strace s17  }
0x93: {  	s2 =	sld [smem:$0x3FFC];
	_ =	sdelay $0x3  }
0x94: {  	_ =	strace s2  }
0x95: {  	s2 =	sld [smem:$0x3FFD];
	_ =	sdelay $0x3  }
0x96: {  	_ =	strace s2  }
0x97: {  	_ =	strace $0x8FFFFFFF  }
0x98: {  	s18 =	sld [smem:$0x3FDB];
	_ =	sdelay $0x1  }
0x99: {  	s19 =	simm.s32 $_scs_section_size  }
0x9a: {  	s4 =	simm.s32 $_size__tile_overlayer_lowered;
	s5 =	simm.s32 $_tile_overlayer_lowered  }
0x9b: {  	s22 =	simm.s32 $0x1BFF;
	s21 =	sshll.u32 s5, $0x1;
	s2 =	sadd.s32 s19, s18  }
0x9c: {  	s6 =	simm.s32 $0x0;
	s20 =	sshll.u32 s4, $0x1;
	s4 =	sadd.s32 s21, s2  }
0x9d: {  	[timem:s6], [sflag:s22] =	dma.local [hbm:s4], s20  }
0x9e: {  	_ =	swait.ge [sflag:s22], s20  }
0x9f: {  	s3 =	ssub.s32 $0x0, s20;
	[sflag:s22] =	ssyncset.done $0x0  }
0xa0: {  	[sflag:s22] =	ssyncadd.s32 s3;
	_ =	sdelay $0x1  }
0xa1: {  	s23 =	simm.s32 $0x1B8B  }
0xa2: {  	_ =	swait.ge [sflag:s23], $0x1  }
0xa3: {  	[sflag:s23] =	ssyncset.done $0x0  }
0xa4: {  	s25 =	simm.s32 $0x1B8E;
	s24 =	sld [smem:$0x3FFE];
	[sflag:s23] =	ssyncadd.s32 $0xFFFFFFFF  }
0xa5: {  	s26 =	simm.s32 $execute0_lowered;
	[smem:$0x3FD2] =	sst s25  }
0xa6: {  	s4 =	sshll.u32 s26, $0x1;
	_ =	strace $0x80000052;
	[dreg:$0x1] =	wrdreg $0xFFFFFFFF  }
0xa7: {  	s28 =	simm.s32 $_size_execute0_lowered;
	s2 =	sadd.s32 s2, s4;
	[dreg:$0x0] =	wrdreg $0x0  }
0xa8: {  	s4 =	sshll.u32 s28, $0x1;
	[dreg:$0x2] =	wrdreg s2  }
0xa9: {  	[dreg:$0x3] =	wrdreg s4  }
0xaa: {  	[dreg:$0x4] =	wrdreg $0xC0  }
0xab: {  	_ =	task [dreg:s6], $0x5FFFF  }
0xac: {  	[dreg:$0x1] =	wrdreg $0xFFFFFFFF  }
0xad: {  	[dreg:$0x0] =	wrdreg $0x60  }
0xae: {  	[dreg:$0x2] =	wrdreg s24  }
0xaf: {  	[dreg:$0x3] =	wrdreg $0x0  }
0xb0: {  	[dreg:$0x4] =	wrdreg $0x7C000  }
0xb1: {  	[dreg:$0x5] =	wrdreg $0x9  }
0xb2: {  	_ =	task.clear_ibuf [dreg:s6], $0x6FFFF;
	_ =	strace $0x90000052  }
0xb3: {  	s29 =	simm.s32 $0x9;
	_ =	strace $0x80000054  }
0xb4: {  	_ =	swait.ge [sflag:s29], $0x1  }
0xb5: {  	[sflag:s29] =	ssyncadd.s32 $0xFFFFFFFF  }
0xb6: {  	_ =	strace $0x90000054  }
0xb7: {  	_ =	sfence  }
0xb8: {  	s30 =	sld [smem:$0x0];
	_ =	sdelay $0x2  }
0xb9: {  	s31 =	sshll.u32 s1, $0xD;
	s1 =	sshrl.u32 s1, $0x2  }
0xba: {  	s3 =	sand.u32 $0x4000, s31;
	s1 =	sadd.s32 s1, s30  }
0xbb: {  	s0 =	sor.u32 s3, s0;
	s1 =	sshll.u32 s1, $0x11  }
0xbc: {  	s0 =	sor.u32 s1, s0  }
0xbd: {  	s0 =	sadd.s32 $0x8F2B, s0  }
0xbe: {  	[sflag:s0] =	ssyncadd.remote.s32 $0x1  }
0xbf: {  	_ =	sfence.sel $0xFFFF  }
0xc0: {  	[dreg:$0x0] =	wrdreg $0xFFFFFFFF;
	(pc) =	sbr.abs _section_cstart, $3  }
0xc1: {  	[dreg:$0x1] =	wrdreg $0xFFFFFFFF  }
0xc2: {  	_ =	task.clear_ibuf [dreg:s6], $0x2FFFF;
	_ =	strace $0x9FFFFFFF  }
0xc3: {  	(tm) =	ssettm $0x7FFFFFFF  }
tec
execute0_lowered:
.L_overlay_start_1:
0x0: {  	(tag) =	ssettag $0x1  }
0x1: {  	s6 =	rddreg [dreg:$0x0]  }
0x2: {  	s0 =	stileid.u32;
	s2 =	rddreg [dreg:$0x1]  }
0x3: {  	s1 =	srdreg.scid;
	s3 =	rddreg [dreg:$0x2]  }
0x4: {  	s4 =	simm.s32 $0x0;
	s17 =	simm.s32 $0x4;
	s18 =	simm.s32 $0x1  }
0x5: {  	s19 =	simm.s32 $0x2;
	s20 =	simm.s32 $0x3;
	s21 =	simm.s32 $0x100  }
0x6: {  	s22 =	simm.s32 $0x6400;
	s23 =	simm.s32 $0x1500;
	s24 =	simm.s32 $0x6C00  }
0x7: {  	s25 =	simm.s32 $0x7;
	s5 =	sand.u32 $0x1, s1;
	s10 =	smul.u32 $0x1400, s0  }
0x8: {  	s26 =	sshll.u32 s0, $0x1;
	s8 =	smul.u32 $0x280, s0;
	[smem:$0x7FF] =	sst s4  }
0x9: {  	s1 =	sor.u32 s5, s26;
	s11 =	smul.u32 $0x2800, s5;
	_ =	strace $0x80000053  }
0xa: {  	s30 =	ssub.s32 $0x2, s5;
	s5 =	sadd.s32 $0xD000, s6;
	s26 =	simm.s32 $0x0  }
0xb: {  	s7 =	smul.u32 $0x500, s1;
	s9 =	sshrl.u32 s10, $0x3;
	s31 =	sshrl.u32 s30, $0x1  }
0xc: {  	s14 =	sadd.s32 s10, s2;
	s16 =	sadd.s32 s10, s3;
	s12 =	sadd.s32 s9, s6  }
0xd: {  	s29 =	sadd.s32 s8, s11;
	s13 =	ssub.s32 s30, s31;
	s16 =	sshrl.u32 s16, $0x3  }
0xe: {  	s28 =	sadd.s32 s7, s6;
	s11 =	sadd.s32 s29, s6;
	s6 =	sshll.u32 s0, $0x6  }
0xf: {  	s10 =	sadd.s32 $0xD400, s12;
	s12 =	smax.u32 s13, $0x1;
	s13 =	sshrl.u32 s14, $0x3  }
0x10: {  	s14 =	simm.s32 $0x1400;
	s7 =	sor.u32 $0x1C01, s6;
	s8 =	sadd.s32 $0x12400, s28  }
0x11: {  	s9 =	sadd.s32 $0x3000, s28;
	s11 =	sadd.s32 $0x1C400, s11;
	s15 =	sor.u32 $0x1C04, s6  }
.LBB2_1:
0x12: {  	[spmem:s13], [sflag:s7] =	dma.local [hbm:s5], $0x280  }
0x13: {  	[tilespmem:s14], [sflag:$0x2] =	stream.linear.gather [hbm4b:s8+s4], $0x2800, $0x38;
	[tilespmem:$0x9000] =	vst v63  }
0x14: {  	s28 =	simm.s32 $0x3C00  }
0x15: {  	[tilespmem:s28], [sflag:$0x3] =	stream.linear.gather [hbm4b:s9+s4], $0x2800, $0x38;
	[tilespmem:$0x9000] =	vst v63  }
0x16: {  	[spmem:s16], [sflag:s15] =	dma.local [hbm:s10], $0x280  }
0x17: {  	_ =	swait.ge [sflag:s17], $0x280  }
0x18: {  	[sflag:s17] =	ssyncset.done $0x0  }
0x19: {  	[sflag:s17] =	ssyncadd.s32 $0xFFFFFD80  }
0x1a: {  	_ =	swait.ge [sflag:s18], $0x280  }
0x1b: {  	[sflag:s18] =	ssyncset.done $0x0  }
0x1c: {  	[sflag:s18] =	ssyncadd.s32 $0xFFFFFD80  }
0x1d: {  	_ =	swait.ge [sflag:s19], $0x2800  }
0x1e: {  	[sflag:s19] =	ssyncset.done $0x0  }
0x1f: {  	[sflag:s19] =	ssyncadd.s32 $0xFFFFD800  }
0x20: {  	_ =	swait.ge [sflag:s20], $0x2800  }
0x21: {  	[sflag:s20] =	ssyncset.done $0x0  }
0x22: {  	[sflag:s20] =	ssyncadd.s32 $0xFFFFD800  }
0x23: {  	[bflag:$0x0] =	sbarrier.arrive $0xFFFF  }
0x24: {  	[tilespmem:s22], [sflag:$0x1] =	stream.indirect.gather [spmem:s3], $0x8, s14, s21, $0xb8;
	[tilespmem:$0x9000] =	vst v63  }
0x25: {  	s29 =	simm.s32 $0x1600;
	s30 =	simm.s32 $0x0  }
0x26: {  	[tilespmem:s24], [sflag:$0x2] =	stream.indirect.gather [spmem:s3], $0x8, s23, s21, $0xb8;
	[tilespmem:$0x9000] =	vst v63  }
.LBB2_2:
0x27: {  	p0 =	seq.s32 s30, $0x0  }
0x28: {  	s31 =	sadd.s32 @!p0 $0xFFFFFFFF, s30  }
0x29: {  	s1 =	sand.u32 @!p0 $0xFF, s31  }
0x2a: {  	s1 =	smul.u32 @!p0 $0xAB, s1;
	_ =	sdelay $0x1  }
0x2b: {  	s1 =	sshrl.u32 @!p0 s1, $0x9  }
0x2c: {  	s1 =	smul.u32 @!p0 $0x3, s1;
	_ =	sdelay $0x1  }
0x2d: {  	s1 =	ssub.s32 @!p0 s31, s1  }
0x2e: {  	s1 =	sor.u32 @!p0 $0x4, s1  }
0x2f: {  	s1 =	sand.u32 @!p0 $0xFF, s1  }
0x30: {  	p1 =	sgt.u32 @!p0 s30, $0x25;
	_ =	swait.ge @!p0 [sflag:s1], $0x800  }
0x31: {  	p1 =	por p0, !p1;
	[sflag:s1] =	ssyncset.done @!p0 $0x0  }
0x32: {  	[sflag:s1] =	ssyncadd.s32 @!p0 $0xFFFFF800;
	s1 =	sadd.s32 @p1 $0x2, s30  }
0x33: {  	s31 =	smul.u32 @p1 $0xAB, s1;
	_ =	sdelay $0x1  }
0x34: {  	s31 =	sshrl.u32 @p1 s31, $0x9  }
0x35: {  	s31 =	sand.u32 @p1 $0x7F, s31  }
0x36: {  	s31 =	smul.u32 @p1 $0x3, s31;
	_ =	sdelay $0x1  }
0x37: {  	s1 =	ssub.s32 @p1 s1, s31  }
0x38: {  	s1 =	sand.u32 @p1 $0xFF, s1  }
0x39: {  	s31 =	sshll.u32 @p1 s1, $0xB  }
0x3a: {  	s1 =	sadd.s32 @p1 $0x1, s1;
	s31 =	sor.u32 @p1 $0x6400, s31  }
0x3b: {  	[tilespmem:s31], [sflag:s1] =	stream.indirect.gather @p1 [spmem:s3], $0x8, s29, s21, $0xb8;
	[tilespmem:$0x9000] =	vst v63  }
0x3c: {  	s31 =	smul.u32 $0xAB, s30;
	_ =	sdelay $0x1  }
0x3d: {  	s1 =	sshrl.u32 s31, $0x9  }
0x3e: {  	s1 =	sand.u32 $0x7F, s1  }
0x3f: {  	s1 =	smul.u32 $0x3, s1;
	_ =	sdelay $0x1  }
0x40: {  	s1 =	ssub.s32 s30, s1  }
0x41: {  	s30 =	sadd.s32 $0x1, s30;
	s1 =	sand.u32 $0xFF, s1  }
0x42: {  	p0 =	sne.s32 s30, $0x28;
	s31 =	sadd.s32 $0x1, s1  }
.Ltmp0:
0x43: {  	_ =	swait.ge [sflag:s31], $0x800;
	(pc) =	sbr.rel @p0 .LBB2_2-.Ltmp0, $4  }
0x44: {  	s0 =	sshll.u32 s1, $0xB;
	[sflag:s31] =	ssyncset.done $0x0  }
0x45: {  	s1 =	sadd.s32 $0x4, s1;
	s0 =	sadd.s32 $0x6400, s0;
	[sflag:s31] =	ssyncadd.s32 $0xFFFFF800  }
0x46: {  	[spmem:s2] =	stream.indirect.scatter.add.f32 [tilespmem:s0], [sflag:s1], $0x8, s28, s21, $0xb8;
	[tilespmem:$0x9000] =	vst v63  }
0x47: {  	s29 =	sadd.s32 $0x100, s29;
	s28 =	sadd.s32 $0x100, s28  }
0x48: {  	_ =	swait.ge [sflag:s17], $0x800  }
0x49: {  	s26 =	sadd.s32 $0x1, s26;
	[sflag:s17] =	ssyncset.done $0x0  }
0x4a: {  	p0 =	sne.s32 s26, s12;
	[sflag:s17] =	ssyncadd.s32 $0xFFFFF800  }
.Ltmp1:
0x4b: {  	s0 =	sor.u32 $0x1C07, s6;
	[bflag:$0x0] =	sbarrier.arrive $0xFFFF;
	(pc) =	sbr.rel @p0 .LBB2_1-.Ltmp1, $4  }
0x4c: {  	[hbm:s11], [sflag:s0] =	dma.local [spmem:s13], $0x280  }
0x4d: {  	_ =	swait.ge [sflag:s25], $0x280  }
0x4e: {  	[sflag:s25] =	ssyncset.done $0x0  }
0x4f: {  	[sflag:s25] =	ssyncadd.s32 $0xFFFFFD80  }
0x50: {  	_ =	sfence.sel $0x180000  }
0x51: {  	[bflag:$0x0] =	sbarrier.arrive $0xFFFF  }
0x52: {  	_ =	strace $0x90000053  }
0x53: {  	s0 =	stileid.u32;
	[bflag:$0x2] =	sbarrier.arrive $0xFFFF  }
0x54: {  	p0 =	sne.s32 s0, $0x0;
	s0 =	rddreg [dreg:$0x3]  }
0x55: {  	s0 =	sadd.s32 @!p0 $0x100000, s0  }
0x56: {  	[sflag:s0] =	ssyncadd.tile.s32 @!p0 $0x1;
	_ =	shalt  }
.Lfunc_end2:
_tile_overlayer_lowered:
.L_overlay_start_2:
0x57: {  	(tag) =	ssettag $0x2  }
0x58: {  	s0 =	rddreg [dreg:$0x0];
	s2 =	stileid.u32  }
0x59: {  	s1 =	rddreg [dreg:$0x1];
	p0 =	sne.s32 s2, $0x0  }
0x5a: {  	s3 =	rddreg [dreg:$0x2];
	[bflag:$0x3] =	sbarrier.arrive $0xFFFF;
	s2 =	simm.s32 @!p0 $0x1C07  }
0x5b: {  	[timem:s3], [sflag:s2] =	dma.local @!p0 [hbm:s0], s1  }
0x5c: {  	s0 =	simm.s32 @!p0 $0x7  }
0x5d: {  	_ =	swait.ge @!p0 [sflag:s0], s1  }
0x5e: {  	s1 =	ssub.s32 @!p0 $0x0, s1;
	[sflag:s0] =	ssyncset.done @!p0 $0x0  }
0x5f: {  	[sflag:s0] =	ssyncadd.s32 @!p0 s1  }
0x60: {  	[bflag:$0x3] =	sbarrier.arrive $0xFFFF  }
0x61: {  	_ =	shalt  }

// kernel: kernel.29.cloned.1.call-start
scs
__scs_entry_jumppad:
0x0: {  	(pc) =	sbr.rel $0x88, $3  }
0x1: {  	(tag) =	ssettag $0x0;
	lr =	simm.s32 $0x1  }
0x2: {  	[smem:$0x3F94] =	sst lr;
	_ =	strace $0xD0000000  }
0x3: {  	_ = 	snop  }
0x4: {  	_ = 	snop  }
0x5: {  	_ = 	snop  }
0x6: {  	_ = 	snop  }
0x7: {  	_ = 	snop  }
__scs_overlays_trampoline_lowered:
0x8: {  	[smem:$0x3FA3] =	sst s0  }
0x9: {  	[smem:$0x3FA4] =	sst s1  }
0xa: {  	[smem:$0x3FA5] =	sst s2  }
0xb: {  	[smem:$0x3FA6] =	sst s3  }
0xc: {  	[smem:$0x3FA7] =	sst s4  }
0xd: {  	[smem:$0x3FA8] =	sst s5  }
0xe: {  	[smem:$0x3FA9] =	sst s6  }
0xf: {  	[smem:$0x3FAA] =	sst s7  }
0x10: {  	[smem:$0x3FAB] =	sst s8  }
0x11: {  	[smem:$0x3FAC] =	sst s9;
	s0 =	simm.s32 @!p0 $0x0  }
0x12: {  	s1 =	sld [smem:$0x3F92];
	s0 =	simm.s32 @p0 $0x1  }
0x13: {  	[smem:$0x3FAD] =	sst s0;
	s0 =	simm.s32 @!p1 $0x0  }
0x14: {  	s2 =	sld [smem:$0x3F91];
	s0 =	simm.s32 @p1 $0x1  }
0x15: {  	[smem:$0x3FAE] =	sst s0;
	s0 =	simm.s32 @!p2 $0x0  }
0x16: {  	s3 =	sld [smem:$0x3FDB];
	s0 =	simm.s32 @p2 $0x1  }
0x17: {  	s4 =	simm.s32 $0x1BF5;
	[smem:$0x3FB0] =	sst s0  }
0x18: {  	s0 =	sld [smem:$0x3F93];
	_ =	swait.ge [sflag:s4], $0x0  }
0x19: {  	s7 =	sld [smem:$0x3F94]  }
0x1a: {  	s8 =	sadd.s32 $0xFFFFE003, lr  }
0x1b: {  	s9 =	sadd.s32 $0xFFFFFEF7, lr;
	s5 =	simm.s32 $0xFFFFFFFF;
	p2 =	slt.u32 s8, $0xFFFFF086  }
0x1c: {  	p1 =	slt.u32 s9, $0xF7A;
	s5 =	simm.s32 @!p2 $0x0  }
0x1d: {  	s5 =	simm.s32 @p1 $0x1;
	p0 =	seq.s32 s7, s2  }
0x1e: {  	s7 =	smul.u32 @!p0 $0xF7A, s2;
	p2 =	seq.s32 @!p0 s5, $0x0  }
0x1f: {  	s9 =	smul.u32 $0xF7A, s1;
	s8 =	simm.s32 @!p0 $0x1BF5;
	p2 =	por !p2, p0  }
0x20: {  	[sflag:s8] =	ssyncset.s32 @!p0 $0xFFFFF086;
	s6 =	sadd.s32 @!p0 s3, s7;
	s7 =	simm.s32 @!p0 $0x108  }
0x21: {  	s3 =	sadd.s32 s3, s9;
	s6 =	sadd.s32 @!p0 $0x88, s6;
	s7 =	simm.s32 @p2 $0x1082  }
0x22: {  	[simem:s7], [sflag:s8] =	dma.local @!p0 [hbm:s6], $0xF7A  }
0x23: {  	s9 =	sor.u32 $0xD0000000, s2;
	s6 =	simm.s32 $0x108;
	_ =	swait.ge @!p0 [sflag:s8], $0x0  }
0x24: {  	s3 =	sadd.s32 $0x88, s3;
	s6 =	simm.s32 @!p1 $0x1082;
	[sflag:s4] =	ssyncset.s32 $0xFFFFF086  }
0x25: {  	[simem:s6], [sflag:s4] =	dma.local [hbm:s3], $0xF7A  }
0x26: {  	[smem:$0x3F94] =	sst s1;
	(tag) =	ssettag s2;
	_ =	strace s9  }
0x27: {  	s1 =	sld [smem:$0x3FA4]  }
0x28: {  	s2 =	sld [smem:$0x3FA5]  }
0x29: {  	s4 =	sld [smem:$0x3FA7]  }
0x2a: {  	p0 =	seq.s32 s5, $0x0;
	s5 =	sld [smem:$0x3FA8]  }
0x2b: {  	s6 =	sld [smem:$0x3FA9]  }
0x2c: {  	s7 =	sld [smem:$0x3FAA]  }
0x2d: {  	s3 =	simm.s32 $0x108;
	s8 =	sld [smem:$0x3FAB]  }
0x2e: {  	s3 =	simm.s32 @!p0 $0x1082;
	s9 =	sld [smem:$0x3FAC]  }
0x2f: {  	lr =	sadd.s32 s0, s3;
	s0 =	sld [smem:$0x3FA3]  }
0x30: {  	s3 =	sld [smem:$0x3FA6]  }
0x31: {  	[smem:$0x3FAF] =	sst s10  }
0x32: {  	s10 =	sld [smem:$0x3FAD];
	_ =	sdelay $0x3  }
0x33: {  	p0 =	seq.s32 s10, $0x1;
	s10 =	sld [smem:$0x3FAF];
	_ =	sdelay $0x3  }
0x34: {  	[smem:$0x3FAF] =	sst s10  }
0x35: {  	s10 =	sld [smem:$0x3FAE];
	_ =	sdelay $0x3  }
0x36: {  	p1 =	seq.s32 s10, $0x1;
	s10 =	sld [smem:$0x3FAF];
	_ =	sdelay $0x3  }
0x37: {  	[smem:$0x3FAF] =	sst s10  }
0x38: {  	s10 =	sld [smem:$0x3FB0]  }
0x39: {  	_ = 	snop;
	(pc) =	sbr.ind lr, $3  }
0x3a: {  	_ = 	snop  }
0x3b: {  	_ = 	snop  }
0x3c: {  	p2 =	seq.s32 s10, $0x1;
	s10 =	sld [smem:$0x3FAF]  }
0x3d: {  	_ =	shalt  }
0x3e: {  	_ =	shalt  }
0x3f: {  	_ =	shalt  }
0x40: {  	_ =	shalt  }
0x41: {  	_ =	shalt  }
0x42: {  	_ =	shalt  }
0x43: {  	_ =	shalt  }
0x44: {  	_ =	shalt  }
0x45: {  	_ =	shalt  }
0x46: {  	_ =	shalt  }
0x47: {  	_ =	shalt  }
0x48: {  	_ =	shalt  }
0x49: {  	_ =	shalt  }
0x4a: {  	_ =	shalt  }
0x4b: {  	_ =	shalt  }
0x4c: {  	_ =	shalt  }
0x4d: {  	_ =	shalt  }
0x4e: {  	_ =	shalt  }
0x4f: {  	_ =	shalt  }
0x50: {  	_ =	shalt  }
0x51: {  	_ =	shalt  }
0x52: {  	_ =	shalt  }
0x53: {  	_ =	shalt  }
0x54: {  	_ =	shalt  }
0x55: {  	_ =	shalt  }
0x56: {  	_ =	shalt  }
0x57: {  	_ =	shalt  }
0x58: {  	_ =	shalt  }
0x59: {  	_ =	shalt  }
0x5a: {  	_ =	shalt  }
0x5b: {  	_ =	shalt  }
0x5c: {  	_ =	shalt  }
0x5d: {  	_ =	shalt  }
0x5e: {  	_ =	shalt  }
0x5f: {  	_ =	shalt  }
0x60: {  	_ =	shalt  }
0x61: {  	_ =	shalt  }
0x62: {  	_ =	shalt  }
0x63: {  	_ =	shalt  }
0x64: {  	_ =	shalt  }
0x65: {  	_ =	shalt  }
0x66: {  	_ =	shalt  }
0x67: {  	_ =	shalt  }
0x68: {  	_ =	shalt  }
0x69: {  	_ =	shalt  }
0x6a: {  	_ =	shalt  }
0x6b: {  	_ =	shalt  }
0x6c: {  	_ =	shalt  }
0x6d: {  	_ =	shalt  }
0x6e: {  	_ =	shalt  }
0x6f: {  	_ =	shalt  }
0x70: {  	_ =	shalt  }
0x71: {  	_ =	shalt  }
0x72: {  	_ =	shalt  }
0x73: {  	_ =	shalt  }
0x74: {  	_ =	shalt  }
0x75: {  	_ =	shalt  }
0x76: {  	_ =	shalt  }
0x77: {  	_ =	shalt  }
0x78: {  	_ =	shalt  }
0x79: {  	_ =	shalt  }
0x7a: {  	_ =	shalt  }
0x7b: {  	_ =	shalt  }
0x7c: {  	_ =	shalt  }
0x7d: {  	_ =	shalt  }
0x7e: {  	_ =	shalt  }
0x7f: {  	_ =	shalt  }
0x80: {  	_ =	shalt  }
0x81: {  	_ =	shalt  }
0x82: {  	_ =	shalt  }
0x83: {  	_ =	shalt  }
0x84: {  	_ =	shalt  }
0x85: {  	_ =	shalt  }
0x86: {  	_ =	shalt  }
0x87: {  	_ =	shalt  }
.Lfunc_end0:
.L_simem_size_0:
called_computation.5_lowered:
.L_overlay_start_0:
0x88: {  	s2 =	sld [smem:$0x3FD9]  }
0x89: {  	s3 =	sld [smem:$0x3FFE];
	_ =	sdelay $0x1  }
0x8a: {  	s1 =	srdreg.scid  }
0x8b: {  	s0 =	sand.u32 $0x1, s1  }
0x8c: {  	s16 =	sshll.u32 s0, $0xA;
	s2 =	sadd.s32 s3, s2  }
0x8d: {  	s2 =	sadd.s32 s2, s16  }
0x8e: {  	[smem:$0x3FBB] =	sst s2  }
0x8f: {  	_ = 	snop  }
0x90: {  	(tm) =	ssettm $0x1  }
0x91: {  	s17 =	sld [smem:$0x3FFB];
	_ =	sdelay $0x3  }
0x92: {  	_ =	strace s17  }
0x93: {  	s2 =	sld [smem:$0x3FFC];
	_ =	sdelay $0x3  }
0x94: {  	_ =	strace s2  }
0x95: {  	s2 =	sld [smem:$0x3FFD];
	_ =	sdelay $0x3  }
0x96: {  	_ =	strace s2  }
0x97: {  	_ =	strace $0x8FFFFFFF  }
0x98: {  	s18 =	sld [smem:$0x3FDB];
	_ =	sdelay $0x1  }
0x99: {  	s19 =	simm.s32 $_scs_section_size  }
0x9a: {  	s4 =	simm.s32 $_size__tile_overlayer_lowered;
	s5 =	simm.s32 $_tile_overlayer_lowered  }
0x9b: {  	s22 =	simm.s32 $0x1BFF;
	s21 =	sshll.u32 s5, $0x1;
	s2 =	sadd.s32 s19, s18  }
0x9c: {  	s6 =	simm.s32 $0x0;
	s20 =	sshll.u32 s4, $0x1;
	s4 =	sadd.s32 s21, s2  }
0x9d: {  	[timem:s6], [sflag:s22] =	dma.local [hbm:s4], s20  }
0x9e: {  	_ =	swait.ge [sflag:s22], s20  }
0x9f: {  	s3 =	ssub.s32 $0x0, s20;
	[sflag:s22] =	ssyncset.done $0x0  }
0xa0: {  	[sflag:s22] =	ssyncadd.s32 s3;
	_ =	sdelay $0x1  }
0xa1: {  	s23 =	simm.s32 $0x1B8B  }
0xa2: {  	_ =	swait.ge [sflag:s23], $0x1  }
0xa3: {  	[sflag:s23] =	ssyncset.done $0x0  }
0xa4: {  	s25 =	simm.s32 $0x1B8E;
	s24 =	sld [smem:$0x3FFE];
	[sflag:s23] =	ssyncadd.s32 $0xFFFFFFFF  }
0xa5: {  	s26 =	simm.s32 $execute0_lowered;
	[smem:$0x3FD2] =	sst s25  }
0xa6: {  	s4 =	sshll.u32 s26, $0x1;
	_ =	strace $0x80000055;
	[dreg:$0x1] =	wrdreg $0xFFFFFFFF  }
0xa7: {  	s28 =	simm.s32 $_size_execute0_lowered;
	s2 =	sadd.s32 s2, s4;
	[dreg:$0x0] =	wrdreg $0x0  }
0xa8: {  	s4 =	sshll.u32 s28, $0x1;
	[dreg:$0x2] =	wrdreg s2  }
0xa9: {  	[dreg:$0x3] =	wrdreg s4  }
0xaa: {  	[dreg:$0x4] =	wrdreg $0xC0  }
0xab: {  	_ =	task [dreg:s6], $0x5FFFF  }
0xac: {  	[dreg:$0x1] =	wrdreg $0xFFFFFFFF  }
0xad: {  	[dreg:$0x0] =	wrdreg $0x60  }
0xae: {  	[dreg:$0x2] =	wrdreg s24  }
0xaf: {  	[dreg:$0x3] =	wrdreg $0x0  }
0xb0: {  	[dreg:$0x4] =	wrdreg $0x7C000  }
0xb1: {  	[dreg:$0x5] =	wrdreg $0x9  }
0xb2: {  	_ =	task.clear_ibuf [dreg:s6], $0x6FFFF;
	_ =	strace $0x90000055  }
0xb3: {  	s29 =	simm.s32 $0x9;
	_ =	strace $0x80000057  }
0xb4: {  	_ =	swait.ge [sflag:s29], $0x1  }
0xb5: {  	[sflag:s29] =	ssyncadd.s32 $0xFFFFFFFF  }
0xb6: {  	_ =	strace $0x90000057  }
0xb7: {  	_ =	sfence  }
0xb8: {  	s30 =	sld [smem:$0x0];
	_ =	sdelay $0x2  }
0xb9: {  	s31 =	sshll.u32 s1, $0xD;
	s1 =	sshrl.u32 s1, $0x2  }
0xba: {  	s3 =	sand.u32 $0x4000, s31;
	s1 =	sadd.s32 s1, s30  }
0xbb: {  	s0 =	sor.u32 s3, s0;
	s1 =	sshll.u32 s1, $0x11  }
0xbc: {  	s0 =	sor.u32 s1, s0  }
0xbd: {  	s0 =	sadd.s32 $0x8F2B, s0  }
0xbe: {  	[sflag:s0] =	ssyncadd.remote.s32 $0x1  }
0xbf: {  	_ =	sfence.sel $0xFFFF  }
0xc0: {  	[dreg:$0x0] =	wrdreg $0xFFFFFFFF;
	(pc) =	sbr.abs _section_cstart, $3  }
0xc1: {  	[dreg:$0x1] =	wrdreg $0xFFFFFFFF  }
0xc2: {  	_ =	task.clear_ibuf [dreg:s6], $0x2FFFF;
	_ =	strace $0x9FFFFFFF  }
0xc3: {  	(tm) =	ssettm $0x7FFFFFFF  }
tec
execute0_lowered:
.L_overlay_start_1:
0x0: {  	(tag) =	ssettag $0x1  }
0x1: {  	s6 =	rddreg [dreg:$0x0]  }
0x2: {  	s0 =	stileid.u32;
	s2 =	rddreg [dreg:$0x1]  }
0x3: {  	s1 =	srdreg.scid;
	s3 =	rddreg [dreg:$0x2]  }
0x4: {  	s4 =	simm.s32 $0x0;
	s17 =	simm.s32 $0x4;
	s18 =	simm.s32 $0x1  }
0x5: {  	s19 =	simm.s32 $0x2;
	s20 =	simm.s32 $0x3;
	s21 =	simm.s32 $0x100  }
0x6: {  	s22 =	simm.s32 $0x6400;
	s23 =	simm.s32 $0x1500;
	s24 =	simm.s32 $0x6C00  }
0x7: {  	s25 =	simm.s32 $0x7;
	s5 =	sand.u32 $0x1, s1;
	s10 =	smul.u32 $0x1400, s0  }
0x8: {  	s26 =	sshll.u32 s0, $0x1;
	s8 =	smul.u32 $0x280, s0;
	[smem:$0x7FF] =	sst s4  }
0x9: {  	s1 =	sor.u32 s5, s26;
	s11 =	smul.u32 $0x2800, s5;
	_ =	strace $0x80000056  }
0xa: {  	s30 =	ssub.s32 $0x2, s5;
	s5 =	sadd.s32 $0xD000, s6;
	s26 =	simm.s32 $0x0  }
0xb: {  	s7 =	smul.u32 $0x500, s1;
	s9 =	sshrl.u32 s10, $0x3;
	s31 =	sshrl.u32 s30, $0x1  }
0xc: {  	s14 =	sadd.s32 s10, s2;
	s16 =	sadd.s32 s10, s3;
	s12 =	sadd.s32 s9, s6  }
0xd: {  	s29 =	sadd.s32 s8, s11;
	s13 =	ssub.s32 s30, s31;
	s16 =	sshrl.u32 s16, $0x3  }
0xe: {  	s28 =	sadd.s32 s7, s6;
	s11 =	sadd.s32 s29, s6;
	s6 =	sshll.u32 s0, $0x6  }
0xf: {  	s10 =	sadd.s32 $0xD400, s12;
	s12 =	smax.u32 s13, $0x1;
	s13 =	sshrl.u32 s14, $0x3  }
0x10: {  	s14 =	simm.s32 $0x1400;
	s7 =	sor.u32 $0x1C01, s6;
	s8 =	sadd.s32 $0x12400, s28  }
0x11: {  	s9 =	sadd.s32 $0x3000, s28;
	s11 =	sadd.s32 $0x1C400, s11;
	s15 =	sor.u32 $0x1C04, s6  }
.LBB2_1:
0x12: {  	[spmem:s13], [sflag:s7] =	dma.local [hbm:s5], $0x280  }
0x13: {  	[tilespmem:s14], [sflag:$0x2] =	stream.linear.gather [hbm4b:s8+s4], $0x2800, $0x38;
	[tilespmem:$0x9000] =	vst v63  }
0x14: {  	s28 =	simm.s32 $0x3C00  }
0x15: {  	[tilespmem:s28], [sflag:$0x3] =	stream.linear.gather [hbm4b:s9+s4], $0x2800, $0x38;
	[tilespmem:$0x9000] =	vst v63  }
0x16: {  	[spmem:s16], [sflag:s15] =	dma.local [hbm:s10], $0x280  }
0x17: {  	_ =	swait.ge [sflag:s17], $0x280  }
0x18: {  	[sflag:s17] =	ssyncset.done $0x0  }
0x19: {  	[sflag:s17] =	ssyncadd.s32 $0xFFFFFD80  }
0x1a: {  	_ =	swait.ge [sflag:s18], $0x280  }
0x1b: {  	[sflag:s18] =	ssyncset.done $0x0  }
0x1c: {  	[sflag:s18] =	ssyncadd.s32 $0xFFFFFD80  }
0x1d: {  	_ =	swait.ge [sflag:s19], $0x2800  }
0x1e: {  	[sflag:s19] =	ssyncset.done $0x0  }
0x1f: {  	[sflag:s19] =	ssyncadd.s32 $0xFFFFD800  }
0x20: {  	_ =	swait.ge [sflag:s20], $0x2800  }
0x21: {  	[sflag:s20] =	ssyncset.done $0x0  }
0x22: {  	[sflag:s20] =	ssyncadd.s32 $0xFFFFD800  }
0x23: {  	[bflag:$0x0] =	sbarrier.arrive $0xFFFF  }
0x24: {  	[tilespmem:s22], [sflag:$0x1] =	stream.indirect.gather [spmem:s3], $0x8, s14, s21, $0xb8;
	[tilespmem:$0x9000] =	vst v63  }
0x25: {  	s29 =	simm.s32 $0x1600;
	s30 =	simm.s32 $0x0  }
0x26: {  	[tilespmem:s24], [sflag:$0x2] =	stream.indirect.gather [spmem:s3], $0x8, s23, s21, $0xb8;
	[tilespmem:$0x9000] =	vst v63  }
.LBB2_2:
0x27: {  	p0 =	seq.s32 s30, $0x0  }
0x28: {  	s31 =	sadd.s32 @!p0 $0xFFFFFFFF, s30  }
0x29: {  	s1 =	sand.u32 @!p0 $0xFF, s31  }
0x2a: {  	s1 =	smul.u32 @!p0 $0xAB, s1;
	_ =	sdelay $0x1  }
0x2b: {  	s1 =	sshrl.u32 @!p0 s1, $0x9  }
0x2c: {  	s1 =	smul.u32 @!p0 $0x3, s1;
	_ =	sdelay $0x1  }
0x2d: {  	s1 =	ssub.s32 @!p0 s31, s1  }
0x2e: {  	s1 =	sor.u32 @!p0 $0x4, s1  }
0x2f: {  	s1 =	sand.u32 @!p0 $0xFF, s1  }
0x30: {  	p1 =	sgt.u32 @!p0 s30, $0x25;
	_ =	swait.ge @!p0 [sflag:s1], $0x800  }
0x31: {  	p1 =	por p0, !p1;
	[sflag:s1] =	ssyncset.done @!p0 $0x0  }
0x32: {  	[sflag:s1] =	ssyncadd.s32 @!p0 $0xFFFFF800;
	s1 =	sadd.s32 @p1 $0x2, s30  }
0x33: {  	s31 =	smul.u32 @p1 $0xAB, s1;
	_ =	sdelay $0x1  }
0x34: {  	s31 =	sshrl.u32 @p1 s31, $0x9  }
0x35: {  	s31 =	sand.u32 @p1 $0x7F, s31  }
0x36: {  	s31 =	smul.u32 @p1 $0x3, s31;
	_ =	sdelay $0x1  }
0x37: {  	s1 =	ssub.s32 @p1 s1, s31  }
0x38: {  	s1 =	sand.u32 @p1 $0xFF, s1  }
0x39: {  	s31 =	sshll.u32 @p1 s1, $0xB  }
0x3a: {  	s1 =	sadd.s32 @p1 $0x1, s1;
	s31 =	sor.u32 @p1 $0x6400, s31  }
0x3b: {  	[tilespmem:s31], [sflag:s1] =	stream.indirect.gather @p1 [spmem:s3], $0x8, s29, s21, $0xb8;
	[tilespmem:$0x9000] =	vst v63  }
0x3c: {  	s31 =	smul.u32 $0xAB, s30;
	_ =	sdelay $0x1  }
0x3d: {  	s1 =	sshrl.u32 s31, $0x9  }
0x3e: {  	s1 =	sand.u32 $0x7F, s1  }
0x3f: {  	s1 =	smul.u32 $0x3, s1;
	_ =	sdelay $0x1  }
0x40: {  	s1 =	ssub.s32 s30, s1  }
0x41: {  	s30 =	sadd.s32 $0x1, s30;
	s1 =	sand.u32 $0xFF, s1  }
0x42: {  	p0 =	sne.s32 s30, $0x28;
	s31 =	sadd.s32 $0x1, s1  }
.Ltmp0:
0x43: {  	_ =	swait.ge [sflag:s31], $0x800;
	(pc) =	sbr.rel @p0 .LBB2_2-.Ltmp0, $4  }
0x44: {  	s0 =	sshll.u32 s1, $0xB;
	[sflag:s31] =	ssyncset.done $0x0  }
0x45: {  	s1 =	sadd.s32 $0x4, s1;
	s0 =	sadd.s32 $0x6400, s0;
	[sflag:s31] =	ssyncadd.s32 $0xFFFFF800  }
0x46: {  	[spmem:s2] =	stream.indirect.scatter.add.f32 [tilespmem:s0], [sflag:s1], $0x8, s28, s21, $0xb8;
	[tilespmem:$0x9000] =	vst v63  }
0x47: {  	s29 =	sadd.s32 $0x100, s29;
	s28 =	sadd.s32 $0x100, s28  }
0x48: {  	_ =	swait.ge [sflag:s17], $0x800  }
0x49: {  	s26 =	sadd.s32 $0x1, s26;
	[sflag:s17] =	ssyncset.done $0x0  }
0x4a: {  	p0 =	sne.s32 s26, s12;
	[sflag:s17] =	ssyncadd.s32 $0xFFFFF800  }
.Ltmp1:
0x4b: {  	s0 =	sor.u32 $0x1C07, s6;
	[bflag:$0x0] =	sbarrier.arrive $0xFFFF;
	(pc) =	sbr.rel @p0 .LBB2_1-.Ltmp1, $4  }
0x4c: {  	[hbm:s11], [sflag:s0] =	dma.local [spmem:s13], $0x280  }
0x4d: {  	_ =	swait.ge [sflag:s25], $0x280  }
0x4e: {  	[sflag:s25] =	ssyncset.done $0x0  }
0x4f: {  	[sflag:s25] =	ssyncadd.s32 $0xFFFFFD80  }
0x50: {  	_ =	sfence.sel $0x180000  }
0x51: {  	[bflag:$0x0] =	sbarrier.arrive $0xFFFF  }
0x52: {  	_ =	strace $0x90000056  }
0x53: {  	s0 =	stileid.u32;
	[bflag:$0x2] =	sbarrier.arrive $0xFFFF  }
0x54: {  	p0 =	sne.s32 s0, $0x0;
	s0 =	rddreg [dreg:$0x3]  }
0x55: {  	s0 =	sadd.s32 @!p0 $0x100000, s0  }
0x56: {  	[sflag:s0] =	ssyncadd.tile.s32 @!p0 $0x1;
	_ =	shalt  }
.Lfunc_end2:
_tile_overlayer_lowered:
.L_overlay_start_2:
0x57: {  	(tag) =	ssettag $0x2  }
0x58: {  	s0 =	rddreg [dreg:$0x0];
	s2 =	stileid.u32  }
0x59: {  	s1 =	rddreg [dreg:$0x1];
	p0 =	sne.s32 s2, $0x0  }
0x5a: {  	s3 =	rddreg [dreg:$0x2];
	[bflag:$0x3] =	sbarrier.arrive $0xFFFF;
	s2 =	simm.s32 @!p0 $0x1C07  }
0x5b: {  	[timem:s3], [sflag:s2] =	dma.local @!p0 [hbm:s0], s1  }
0x5c: {  	s0 =	simm.s32 @!p0 $0x7  }
0x5d: {  	_ =	swait.ge @!p0 [sflag:s0], s1  }
0x5e: {  	s1 =	ssub.s32 @!p0 $0x0, s1;
	[sflag:s0] =	ssyncset.done @!p0 $0x0  }
0x5f: {  	[sflag:s0] =	ssyncadd.s32 @!p0 s1  }
0x60: {  	[bflag:$0x3] =	sbarrier.arrive $0xFFFF  }
0x61: {  	_ =	shalt  }

</sc_bundles>
